<compile_context>
chip_gen: v7x
topology: tpu7x:2x2x1
jax: 0.10.2.dev20260603
libtpu: 0.0.44.dev20260713+nightly
codegen_flags: <defaults>
</compile_context>

<pallas_src>
import functools

import jax
import jax.numpy as jnp
from jax import lax
from jax.experimental import pallas as pl
from jax.experimental.pallas import tpu as pltpu
from jax.experimental.pallas import tpu_sc as plsc

N = 10000
E = 320000
D = 128
DE = 16
NC = 2
NS = 16
NW = NC * NS
EPW = E // NW
CH = 40
NCHUNK = EPW // CH
SBLK = 400
NSB = EPW // SBLK
KSB = SBLK // CH
KPAIR = KSB // 2
NR = N // 16
F32 = jnp.float32


_GBLK = 4000


def _g_body(ea_ref, we_ref, g_ref, s_ref):
    i = pl.program_id(0)
    g = jnp.dot(ea_ref[...], we_ref[...], preferred_element_type=F32)
    g_ref[...] = g

    @pl.when(i == 0)
    def _():
        s_ref[...] = jnp.zeros_like(s_ref)

    s_ref[...] += jnp.sum(g.reshape(-1, 8, D), axis=0)


def _edge_feats(ea, we):
    return pl.pallas_call(
        _g_body,
        grid=(E // _GBLK,),
        in_specs=[
            pl.BlockSpec((_GBLK, DE), lambda i: (i, 0)),
            pl.BlockSpec((DE, D), lambda i: (0, 0)),
        ],
        out_specs=[
            pl.BlockSpec((_GBLK, D), lambda i: (i, 0)),
            pl.BlockSpec((8, D), lambda i: (0, 0)),
        ],
        out_shape=[
            jax.ShapeDtypeStruct((E, D), F32),
            jax.ShapeDtypeStruct((8, D), F32),
        ],
    )(ea, we)


_RBLK = 2048
_NGRID = (N + _RBLK - 1) // _RBLK


def _prep_body(x_ref, wl_ref, bl_ref, wr_ref, br_ref, xl_ref, xr_ref):
    x = x_ref[...]
    xl_ref[...] = jnp.dot(x, wl_ref[...], preferred_element_type=F32) + bl_ref[...]
    xr_ref[...] = jnp.dot(x, wr_ref[...], preferred_element_type=F32) + br_ref[...]


def _prep(x, wl, bl, wr, br):
    return pl.pallas_call(
        _prep_body,
        grid=(_NGRID,),
        in_specs=[
            pl.BlockSpec((_RBLK, D), lambda i: (i, 0)),
            pl.BlockSpec((D, D), lambda i: (0, 0)),
            pl.BlockSpec((1, D), lambda i: (0, 0)),
            pl.BlockSpec((D, D), lambda i: (0, 0)),
            pl.BlockSpec((1, D), lambda i: (0, 0)),
        ],
        out_specs=[
            pl.BlockSpec((_RBLK, D), lambda i: (i, 0)),
            pl.BlockSpec((_RBLK, D), lambda i: (i, 0)),
        ],
        out_shape=[
            jax.ShapeDtypeStruct((N, D), F32),
            jax.ShapeDtypeStruct((N, D), F32),
        ],
    )(x, wl, bl, wr, br)


def _combine_block(accs_ref, den_ref, xl_ref, xr_ref, gsum_ref, att_ref, b_ref):
    acc = accs_ref[0] + accs_ref[1]
    xl = xl_ref[...]
    xr = xr_ref[...]
    den_e = lax.dot_general(
        den_ref[...], jnp.ones((NW, 1), F32),
        (((0,), (0,)), ((), ())), preferred_element_type=F32,
    )
    mean_g = jnp.sum(gsum_ref[...], axis=0, keepdims=True) * (1.0 / E)
    e = xl + xr + mean_g
    e = jnp.maximum(e, 0.2 * e)
    logit = jnp.sum(e * att_ref[...], axis=1, keepdims=True)
    w = jnp.exp(logit)
    den = den_e + w + 1e-16
    num = acc + w * xl
    return jnp.maximum(num / den + b_ref[...], 0.0)


def _combine_body(accs_ref, den_ref, xl_ref, xr_ref, gsum_ref, att_ref, b_ref,
                  out_ref):
    out_ref[...] = _combine_block(accs_ref, den_ref, xl_ref, xr_ref, gsum_ref,
                                  att_ref, b_ref)


def _combine_prep_body(accs_ref, den_ref, xl_ref, xr_ref, gsum_ref, att_ref,
                       b_ref, wl_ref, bl_ref, wr_ref, br_ref, xl2_ref, xr2_ref):
    x = _combine_block(accs_ref, den_ref, xl_ref, xr_ref, gsum_ref, att_ref,
                       b_ref)
    xl2_ref[...] = jnp.dot(x, wl_ref[...], preferred_element_type=F32) + bl_ref[...]
    xr2_ref[...] = jnp.dot(x, wr_ref[...], preferred_element_type=F32) + br_ref[...]


def _mk_combine_specs():
    return [
        pl.BlockSpec((2, _RBLK, D), lambda i: (0, i, 0)),
        pl.BlockSpec((NW, _RBLK), lambda i: (0, i)),
        pl.BlockSpec((_RBLK, D), lambda i: (i, 0)),
        pl.BlockSpec((_RBLK, D), lambda i: (i, 0)),
        pl.BlockSpec((8, D), lambda i: (0, 0)),
        pl.BlockSpec((1, D), lambda i: (0, 0)),
        pl.BlockSpec((1, D), lambda i: (0, 0)),
    ]


def _combine(accs, den, xl, xr, gsum, att, b):
    return pl.pallas_call(
        _combine_body,
        grid=(_NGRID,),
        in_specs=_mk_combine_specs(),
        out_specs=pl.BlockSpec((_RBLK, D), lambda i: (i, 0)),
        out_shape=jax.ShapeDtypeStruct((N, D), F32),
    )(accs, den, xl, xr, gsum, att, b)


def _combine_prep(accs, den, xl, xr, gsum, att, b, wl, bl, wr, br):
    return pl.pallas_call(
        _combine_prep_body,
        grid=(_NGRID,),
        in_specs=_mk_combine_specs() + [
            pl.BlockSpec((D, D), lambda i: (0, 0)),
            pl.BlockSpec((1, D), lambda i: (0, 0)),
            pl.BlockSpec((D, D), lambda i: (0, 0)),
            pl.BlockSpec((1, D), lambda i: (0, 0)),
        ],
        out_specs=[
            pl.BlockSpec((_RBLK, D), lambda i: (i, 0)),
            pl.BlockSpec((_RBLK, D), lambda i: (i, 0)),
        ],
        out_shape=[
            jax.ShapeDtypeStruct((N, D), F32),
            jax.ShapeDtypeStruct((N, D), F32),
        ],
    )(accs, den, xl, xr, gsum, att, b, wl, bl, wr, br)


_SC_MESH = plsc.VectorSubcoreMesh(core_axis_name="c", subcore_axis_name="s")


@functools.partial(
    pl.kernel,
    out_type=(
        jax.ShapeDtypeStruct((NC, N, D), F32),
        jax.ShapeDtypeStruct((NW * N,), F32),
    ),
    mesh=_SC_MESH,
    compiler_params=pltpu.CompilerParams(needs_layout_passes=False),
    scratch_types=[
        pltpu.VMEM((KSB + 1, CH), jnp.int32),
        pltpu.VMEM((KSB + 1, CH), jnp.int32),
        pltpu.VMEM((CH, D), F32),
        pltpu.VMEM((CH, D), F32),
        pltpu.VMEM((CH, D), F32),
        pltpu.VMEM((CH, D), F32),
        pltpu.VMEM((CH, D), F32),
        pltpu.VMEM((CH, D), F32),
        pltpu.VMEM((768,), F32),
        pltpu.VMEM((N,), F32),
        pltpu.VMEM((D,), F32),
        pltpu.VMEM_SHARED((N, D), F32),
        pltpu.SemaphoreType.DMA,
        pltpu.SemaphoreType.DMA,
        pltpu.SemaphoreType.DMA,
        pltpu.SemaphoreType.DMA,
        pltpu.SemaphoreType.DMA,
        pltpu.SemaphoreType.DMA,
        pltpu.SemaphoreType.DMA,
        pltpu.SemaphoreType.DMA,
        pltpu.SemaphoreType.DMA,
    ],
)
def _edge_kernel(xl_hbm, xr_hbm, g_hbm, src2_hbm, dst2_hbm, att_hbm,
                 acc_out, den_out,
                 sidx_v, didx_v,
                 xl0, xl1, xr0, xr1, g0, g1, w_v, den_v, att_v,
                 acc_sh, semxl0, semxl1, semxr0, semxr1, semg0, semg1,
                 sems0, sems1, semi):
    c = lax.axis_index("c")
    s = lax.axis_index("s")
    wid = s * NC + c
    ebase = wid * EPW
    rbase = wid * NCHUNK

    zero16 = jnp.zeros((16,), F32)
    xl = (xl0, xl1)
    xr = (xr0, xr1)
    g = (g0, g1)
    semxl = (semxl0, semxl1)
    semxr = (semxr0, semxr1)
    semg = (semg0, semg1)
    sems = (sems0, sems1)

    def _zden(i, _):
        den_v[pl.ds(i * 16, 16)] = zero16
        return 0

    lax.fori_loop(0, NR, _zden, 0)

    def _zrow(i, _):
        for k in range(D // 16):
            xl0[i, pl.ds(k * 16, 16)] = zero16
        return 0

    lax.fori_loop(0, CH, _zrow, 0)

    nz = N // CH
    ntrips = (nz - s + NS - 1) // NS

    def _zchunk(jj, _):
        j = s + jj * NS
        pltpu.sync_copy(xl0, acc_sh.at[pl.ds(j * CH, CH)])
        return 0

    lax.fori_loop(0, ntrips, _zchunk, 0)

    pltpu.sync_copy(att_hbm, att_v)
    att_c = [att_v[pl.ds(k * 16, 16)] for k in range(D // 16)]
    lane = lax.iota(jnp.int32, 16)
    tail_mask = lane < 8

    plsc.subcore_barrier()

    def _stage_idx(sb):
        widx = wid * NSB + sb
        pltpu.sync_copy(src2_hbm.at[widx], sidx_v.at[pl.ds(0, KSB)])
        pltpu.sync_copy(dst2_hbm.at[widx], didx_v.at[pl.ds(0, KSB)])

    def _issue_gathers(sb, q, b):
        base = ebase + sb * SBLK + q * CH
        pltpu.async_copy(xl_hbm.at[sidx_v.at[q]], xl[b], semxl[b])
        pltpu.async_copy(xr_hbm.at[didx_v.at[q]], xr[b], semxr[b])
        pltpu.async_copy(g_hbm.at[pl.ds(base, CH)], g[b], semg[b])

    def _wait_gathers(sb, q, b):
        base = ebase + sb * SBLK + q * CH
        pltpu.make_async_copy(xl_hbm.at[sidx_v.at[q]], xl[b], semxl[b]).wait()
        pltpu.make_async_copy(xr_hbm.at[didx_v.at[q]], xr[b], semxr[b]).wait()
        pltpu.make_async_copy(g_hbm.at[pl.ds(base, CH)], g[b], semg[b]).wait()

    def _compute(q, b):
        @plsc.parallel_loop(0, CH, unroll=4)
        def _(i):
            xlc = [xl[b][i, pl.ds(k * 16, 16)] for k in range(D // 16)]
            acc = zero16
            for k in range(D // 16):
                v = xlc[k] + xr[b][i, pl.ds(k * 16, 16)] + g[b][i, pl.ds(k * 16, 16)]
                v = jnp.maximum(v, 0.2 * v)
                acc = acc + v * att_c[k]
            logit = jnp.sum(acc)
            w = jnp.exp(jnp.full((16,), logit, F32))
            for k in range(D // 16):
                xl[b][i, pl.ds(k * 16, 16)] = xlc[k] * w
            w_v[pl.ds(i * 16, 16)] = w

        qv = jnp.full((16,), q, jnp.int32)
        for kq in range(3):
            mask = None if kq < 2 else tail_mask
            didx = plsc.load_gather(didx_v, [qv, kq * 16 + lane], mask=mask)
            wv = plsc.load_gather(w_v, [(kq * 16 + lane) * 16], mask=mask)
            plsc.addupdate_scatter(den_v, [didx], wv, mask=mask)

        pltpu.async_copy(xl[b], acc_sh.at[didx_v.at[q]], sems[b], add=True)

    def _wait_scatter(b):
        pltpu.make_async_copy(xl[b], acc_sh.at[didx_v.at[0]], sems[b]).wait()

    def sb_body(sb, _):
        def pair_body(t, _):
            q0 = 2 * t
            _wait_gathers(sb, q0, 0)

            @pl.when(t > 0)
            def _():
                _wait_scatter(1)

            _issue_gathers(sb, q0 + 1, 1)
            _compute(q0, 0)

            _wait_gathers(sb, q0 + 1, 1)

            @pl.when(t < KPAIR - 1)
            def _():
                _wait_scatter(0)
                _issue_gathers(sb, q0 + 2, 0)

            _compute(q0 + 1, 1)
            return 0

        lax.fori_loop(0, KPAIR, pair_body, 0)

        @pl.when(sb + 1 < NSB)
        def _():
            _wait_scatter(0)
            _wait_scatter(1)
            _stage_idx(sb + 1)
            _issue_gathers(sb + 1, 0, 0)

        return 0

    _stage_idx(0)
    _issue_gathers(0, 0, 0)
    lax.fori_loop(0, NSB, sb_body, 0)

    _wait_scatter(0)
    _wait_scatter(1)

    pltpu.sync_copy(den_v, den_out.at[pl.ds(wid * N, N)])

    plsc.subcore_barrier()

    def _wchunk(jj, _):
        j = s + jj * NS
        pltpu.sync_copy(acc_sh.at[pl.ds(j * CH, CH)],
                        acc_out.at[c, pl.ds(j * CH, CH)])
        return 0

    lax.fori_loop(0, ntrips, _wchunk, 0)


def kernel(node_fts, edge_index, edge_attr, Wl1, bl1, Wr1, br1, We1, att1, b1,
           Wl2, bl2, Wr2, br2, We2, att2, b2):
    src = edge_index[0]
    dst = edge_index[1]
    bl1r = bl1.reshape(1, D)
    br1r = br1.reshape(1, D)
    bl2r = bl2.reshape(1, D)
    br2r = br2.reshape(1, D)
    att1r = att1.reshape(1, D)
    att2r = att2.reshape(1, D)
    b1r = b1.reshape(1, D)
    b2r = b2.reshape(1, D)

    g1, gsum1 = _edge_feats(edge_attr, We1)
    g2, gsum2 = _edge_feats(edge_attr, We2)

    src2 = src.reshape(NW * NSB, KSB, CH)
    dst2 = dst.reshape(NW * NSB, KSB, CH)

    xl1, xr1 = _prep(node_fts, Wl1, bl1r, Wr1, br1r)
    accs1, den1 = _edge_kernel(xl1, xr1, g1, src2, dst2, att1)
    xl2, xr2 = _combine_prep(accs1, den1.reshape(NW, N), xl1, xr1, gsum1,
                             att1r, b1r, Wl2, bl2r, Wr2, br2r)
    accs2, den2 = _edge_kernel(xl2, xr2, g2, src2, dst2, att2)
    return _combine(accs2, den2.reshape(NW, N), xl2, xr2, gsum2, att2r, b2r)

# --- scband reference (transcript-rebuilt; emitter-appended) ---
"""Pipeline reference for scband-gat-53472342835253 (READ-ONLY COPY).

The authoritative reference and input builder live on the scoring server;
editing this copy changes nothing except your own understanding.
"""

import jax, jax.numpy as jnp
import numpy as np

N_NODES = 10000
N_EDGES = 320000
D_IN = 128
D_HID = 128
D_EDGE = 16


def _glorot(key, shape):
    s = (6.0 / (shape[0] + shape[-1])) ** 0.5
    return jax.random.uniform(key, shape, jnp.float32, -s, s)


def setup_inputs(seed: int = 0) -> dict:
    key = jax.random.key(seed)
    ks = jax.random.split(key, 16)
    inp = {}
    inp["node_fts"] = jax.random.normal(ks[0], (N_NODES, D_IN), jnp.float32)
    inp["edge_index"] = jax.random.randint(ks[1], (2, N_EDGES), 0, N_NODES).astype(jnp.int32)
    inp["edge_attr"] = jax.random.normal(ks[2], (N_EDGES, D_EDGE), jnp.float32)
    # GATv2Conv layer 1 params (heads=1, concat=True, share_weights=False)
    inp["Wl1"] = _glorot(ks[3], (D_IN, D_HID))
    inp["bl1"] = jnp.zeros((D_HID,), jnp.float32)
    inp["Wr1"] = _glorot(ks[4], (D_IN, D_HID))
    inp["br1"] = jnp.zeros((D_HID,), jnp.float32)
    inp["We1"] = _glorot(ks[5], (D_EDGE, D_HID))
    inp["att1"] = _glorot(ks[6], (D_HID,))
    inp["b1"] = jnp.zeros((D_HID,), jnp.float32)
    # GATv2Conv layer 2 params
    inp["Wl2"] = _glorot(ks[7], (D_HID, D_HID))
    inp["bl2"] = jnp.zeros((D_HID,), jnp.float32)
    inp["Wr2"] = _glorot(ks[8], (D_HID, D_HID))
    inp["br2"] = jnp.zeros((D_HID,), jnp.float32)
    inp["We2"] = _glorot(ks[9], (D_EDGE, D_HID))
    inp["att2"] = _glorot(ks[10], (D_HID,))
    inp["b2"] = jnp.zeros((D_HID,), jnp.float32)
    return inp


def _gatv2_layer(x, src, dst, ea, Wl, bl, Wr, br, We, att, b):
    # Faithful GATv2Conv (heads=1): add self loops (edge_attr fill='mean'),
    # e = leaky_relu(x_j Wl + x_i Wr + ea We), alpha = segment softmax over dst,
    # out = scatter_add(alpha * x_j Wl) + bias
    N = x.shape[0]
    loop = jnp.arange(N, dtype=src.dtype)
    src_f = jnp.concatenate([src, loop])
    dst_f = jnp.concatenate([dst, loop])
    loop_attr = jnp.broadcast_to(jnp.mean(ea, axis=0, keepdims=True), (N, ea.shape[1]))
    ea_f = jnp.concatenate([ea, loop_attr], axis=0)
    xl = x @ Wl + bl
    xr = x @ Wr + br
    e = xl[src_f] + xr[dst_f] + ea_f @ We
    e = jax.nn.leaky_relu(e, negative_slope=0.2)
    logits = jnp.sum(e * att, axis=-1)
    seg_max = jax.ops.segment_max(logits, dst_f, num_segments=N)
    unnorm = jnp.exp(logits - seg_max[dst_f])
    denom = jax.ops.segment_sum(unnorm, dst_f, num_segments=N)
    alpha = unnorm / (denom[dst_f] + 1e-16)
    out = jax.ops.segment_sum(alpha[:, None] * xl[src_f], dst_f, num_segments=N)
    return out + b


def reference(node_fts, edge_index, edge_attr, Wl1, bl1, Wr1, br1, We1, att1, b1, Wl2, bl2, Wr2, br2, We2, att2, b2):
    src = edge_index[0]
    dst = edge_index[1]
    x = _gatv2_layer(node_fts, src, dst, edge_attr, Wl1, bl1, Wr1, br1, We1, att1, b1)
    x = jax.nn.relu(x)
    x = _gatv2_layer(x, src, dst, edge_attr, Wl2, bl2, Wr2, br2, We2, att2, b2)
    x = jax.nn.relu(x)
    return x

if __name__ == "__main__":
    import jax
    _d = setup_inputs()
    print(jax.jit(kernel)(*tuple(_d.values())))

</pallas_src>

<mosaic_0001>
#map = affine_map<(d0, d1) -> (0, 0)>
#map1 = affine_map<(d0, d1) -> (0, 0, 0)>
#map2 = affine_map<(d0, d1) -> (0)>
module attributes {stable_mosaic.version = 14 : i64} {
  func.func @_edge_kernel(%arg0: i32, %arg1: i32, %arg2: memref<10000x128xf32, #tpu.memory_space<hbm>>, %arg3: memref<10000x128xf32, #tpu.memory_space<hbm>>, %arg4: memref<320000x128xf32, #tpu.memory_space<hbm>>, %arg5: memref<800x10x40xi32, #tpu.memory_space<hbm>>, %arg6: memref<800x10x40xi32, #tpu.memory_space<hbm>>, %arg7: memref<128xf32, #tpu.memory_space<hbm>>, %arg8: memref<2x10000x128xf32, #tpu.memory_space<hbm>>, %arg9: memref<320000xf32, #tpu.memory_space<hbm>>, %arg10: memref<11x40xi32, #tpu.memory_space<vmem>>, %arg11: memref<11x40xi32, #tpu.memory_space<vmem>>, %arg12: memref<40x128xf32, #tpu.memory_space<vmem>>, %arg13: memref<40x128xf32, #tpu.memory_space<vmem>>, %arg14: memref<40x128xf32, #tpu.memory_space<vmem>>, %arg15: memref<40x128xf32, #tpu.memory_space<vmem>>, %arg16: memref<40x128xf32, #tpu.memory_space<vmem>>, %arg17: memref<40x128xf32, #tpu.memory_space<vmem>>, %arg18: memref<768xf32, #tpu.memory_space<vmem>>, %arg19: memref<10000xf32, #tpu.memory_space<vmem>>, %arg20: memref<128xf32, #tpu.memory_space<vmem>>, %arg21: memref<10000x128xf32, #tpu.memory_space<vmem_shared>>, %arg22: memref<!tpu.dma_semaphore, #tpu.memory_space<semaphore_mem>>, %arg23: memref<!tpu.dma_semaphore, #tpu.memory_space<semaphore_mem>>, %arg24: memref<!tpu.dma_semaphore, #tpu.memory_space<semaphore_mem>>, %arg25: memref<!tpu.dma_semaphore, #tpu.memory_space<semaphore_mem>>, %arg26: memref<!tpu.dma_semaphore, #tpu.memory_space<semaphore_mem>>, %arg27: memref<!tpu.dma_semaphore, #tpu.memory_space<semaphore_mem>>, %arg28: memref<!tpu.dma_semaphore, #tpu.memory_space<semaphore_mem>>, %arg29: memref<!tpu.dma_semaphore, #tpu.memory_space<semaphore_mem>>, %arg30: memref<!tpu.dma_semaphore, #tpu.memory_space<semaphore_mem>>) attributes {dimension_semantics = [#tpu.dimension_semantics<core_parallel>, #tpu.dimension_semantics<subcore_parallel>], iteration_bounds = array<i64: 2, 16>, scalar_prefetch = 0 : i64, scratch_operands = 21 : i64, tpu.core_type = #tpu.core_type<sc_vector_subcore>, window_params = [{transform_indices = #map}, {transform_indices = #map}, {transform_indices = #map}, {transform_indices = #map1}, {transform_indices = #map1}, {transform_indices = #map2}, {transform_indices = #map1}, {transform_indices = #map2}]} {
    %mul3A = arith.constant 2 : i32
    %mul3A_0 = arith.muli %arg1, %mul3A : i32
    %add3A = arith.addi %mul3A_0, %arg0 : i32
    %mul3A_1 = arith.constant 10000 : i32
    %mul3A_2 = arith.muli %add3A, %mul3A_1 : i32
    %mul3A_3 = arith.constant 250 : i32
    %mul3A_4 = arith.muli %add3A, %mul3A_3 : i32
    %broadcast_in_dim3A = arith.constant 0.000000e+00 : f32
    %broadcast_in_dim3A_5 = vector.broadcast %broadcast_in_dim3A : f32 to vector<16xf32>
    %scan3A = arith.constant 0 : i32
    %scan3A_6 = arith.constant 0 : i32
    %scan3A_7 = arith.constant 625 : i32
    %scan3A_8 = arith.addi %scan3A_6, %scan3A_7 : i32
    %scan3A_9 = arith.constant 1 : i32
    %scan3A_10 = scf.for %scan3A_129 = %scan3A_6 to %scan3A_8 step %scan3A_9 iter_args(%scan3A_130 = %scan3A) -> (i32)  : i32 {
      %mul3A_131 = arith.constant 16 : i32
      %mul3A_132 = arith.muli %scan3A_129, %mul3A_131 : i32
      %swap3A = arith.index_cast %mul3A_132 : i32 to index
      %swap3A_133 = tpu.vector_load %arg19[%swap3A] {strides = array<i32>} : memref<10000xf32, #tpu.memory_space<vmem>>, vector<16xf32>,
      tpu.vector_store %arg19[%swap3A], %broadcast_in_dim3A_5 {strides = array<i32>} : memref<10000xf32, #tpu.memory_space<vmem>>, vector<16xf32>,
      %scan3A_134 = arith.constant 0 : i32
      scf.yield %scan3A_134 : i32
    }
    %scan3A_11 = arith.constant 625 : i32
    %scan3A_12 = arith.constant 0 : i32
    %scan3A_13 = arith.constant 0 : i32
    %scan3A_14 = arith.constant 40 : i32
    %scan3A_15 = arith.addi %scan3A_13, %scan3A_14 : i32
    %scan3A_16 = arith.constant 1 : i32
    %scan3A_17 = scf.for %scan3A_129 = %scan3A_13 to %scan3A_15 step %scan3A_16 iter_args(%scan3A_130 = %scan3A_12) -> (i32)  : i32 {
      %swap3A = arith.index_cast %scan3A_129 : i32 to index
      %swap3A_131 = arith.constant 0 : index
      %swap3A_132 = tpu.vector_load %arg12[%swap3A, %swap3A_131] {strides = array<i32>} : memref<40x128xf32, #tpu.memory_space<vmem>>, vector<16xf32>,
      tpu.vector_store %arg12[%swap3A, %swap3A_131], %broadcast_in_dim3A_5 {strides = array<i32>} : memref<40x128xf32, #tpu.memory_space<vmem>>, vector<16xf32>,
      %swap3A_133 = arith.index_cast %scan3A_129 : i32 to index
      %swap3A_134 = arith.constant 16 : index
      %swap3A_135 = tpu.vector_load %arg12[%swap3A_133, %swap3A_134] {strides = array<i32>} : memref<40x128xf32, #tpu.memory_space<vmem>>, vector<16xf32>,
      tpu.vector_store %arg12[%swap3A_133, %swap3A_134], %broadcast_in_dim3A_5 {strides = array<i32>} : memref<40x128xf32, #tpu.memory_space<vmem>>, vector<16xf32>,
      %swap3A_136 = arith.index_cast %scan3A_129 : i32 to index
      %swap3A_137 = arith.constant 32 : index
      %swap3A_138 = tpu.vector_load %arg12[%swap3A_136, %swap3A_137] {strides = array<i32>} : memref<40x128xf32, #tpu.memory_space<vmem>>, vector<16xf32>,
      tpu.vector_store %arg12[%swap3A_136, %swap3A_137], %broadcast_in_dim3A_5 {strides = array<i32>} : memref<40x128xf32, #tpu.memory_space<vmem>>, vector<16xf32>,
      %swap3A_139 = arith.index_cast %scan3A_129 : i32 to index
      %swap3A_140 = arith.constant 48 : index
      %swap3A_141 = tpu.vector_load %arg12[%swap3A_139, %swap3A_140] {strides = array<i32>} : memref<40x128xf32, #tpu.memory_space<vmem>>, vector<16xf32>,
      tpu.vector_store %arg12[%swap3A_139, %swap3A_140], %broadcast_in_dim3A_5 {strides = array<i32>} : memref<40x128xf32, #tpu.memory_space<vmem>>, vector<16xf32>,
      %swap3A_142 = arith.index_cast %scan3A_129 : i32 to index
      %swap3A_143 = arith.constant 64 : index
      %swap3A_144 = tpu.vector_load %arg12[%swap3A_142, %swap3A_143] {strides = array<i32>} : memref<40x128xf32, #tpu.memory_space<vmem>>, vector<16xf32>,
      tpu.vector_store %arg12[%swap3A_142, %swap3A_143], %broadcast_in_dim3A_5 {strides = array<i32>} : memref<40x128xf32, #tpu.memory_space<vmem>>, vector<16xf32>,
      %swap3A_145 = arith.index_cast %scan3A_129 : i32 to index
      %swap3A_146 = arith.constant 80 : index
      %swap3A_147 = tpu.vector_load %arg12[%swap3A_145, %swap3A_146] {strides = array<i32>} : memref<40x128xf32, #tpu.memory_space<vmem>>, vector<16xf32>,
      tpu.vector_store %arg12[%swap3A_145, %swap3A_146], %broadcast_in_dim3A_5 {strides = array<i32>} : memref<40x128xf32, #tpu.memory_space<vmem>>, vector<16xf32>,
      %swap3A_148 = arith.index_cast %scan3A_129 : i32 to index
      %swap3A_149 = arith.constant 96 : index
      %swap3A_150 = tpu.vector_load %arg12[%swap3A_148, %swap3A_149] {strides = array<i32>} : memref<40x128xf32, #tpu.memory_space<vmem>>, vector<16xf32>,
      tpu.vector_store %arg12[%swap3A_148, %swap3A_149], %broadcast_in_dim3A_5 {strides = array<i32>} : memref<40x128xf32, #tpu.memory_space<vmem>>, vector<16xf32>,
      %swap3A_151 = arith.index_cast %scan3A_129 : i32 to index
      %swap3A_152 = arith.constant 112 : index
      %swap3A_153 = tpu.vector_load %arg12[%swap3A_151, %swap3A_152] {strides = array<i32>} : memref<40x128xf32, #tpu.memory_space<vmem>>, vector<16xf32>,
      tpu.vector_store %arg12[%swap3A_151, %swap3A_152], %broadcast_in_dim3A_5 {strides = array<i32>} : memref<40x128xf32, #tpu.memory_space<vmem>>, vector<16xf32>,
      %scan3A_154 = arith.constant 0 : i32
      scf.yield %scan3A_154 : i32
    }
    %scan3A_18 = arith.constant 40 : i32
    %sub3A = arith.constant 250 : i32
    %sub3A_19 = arith.subi %sub3A, %arg1 : i32
    %add3A_20 = arith.constant 16 : i32
    %add3A_21 = arith.addi %sub3A_19, %add3A_20 : i32
    %sub3A_22 = arith.constant 1 : i32
    %sub3A_23 = arith.subi %add3A_21, %sub3A_22 : i32
    %jit3A = arith.constant 16 : i32
    %div3A = arith.divsi %sub3A_23, %jit3A : i32
    %sign3A = arith.constant 0 : i32
    %sign3A_24 = arith.cmpi sgt, %sub3A_23, %sign3A : i32
    %sign3A_25 = arith.extui %sign3A_24 : i1 to i32
    %sign3A_26 = arith.constant 0 : i32
    %sign3A_27 = arith.cmpi slt, %sub3A_23, %sign3A_26 : i32
    %sign3A_28 = arith.extui %sign3A_27 : i1 to i32
    %sign3A_29 = arith.subi %sign3A_25, %sign3A_28 : i32
    %sign3A_30 = arith.constant 0 : i32
    %sign3A_31 = arith.cmpi sgt, %jit3A, %sign3A_30 : i32
    %sign3A_32 = arith.extui %sign3A_31 : i1 to i32
    %sign3A_33 = arith.constant 0 : i32
    %sign3A_34 = arith.cmpi slt, %jit3A, %sign3A_33 : i32
    %sign3A_35 = arith.extui %sign3A_34 : i1 to i32
    %sign3A_36 = arith.subi %sign3A_32, %sign3A_35 : i32
    %ne3A = arith.cmpi ne, %sign3A_29, %sign3A_36 : i32
    %rem3A = arith.remsi %sub3A_23, %jit3A : i32
    %ne3A_37 = arith.constant 0 : i32
    %ne3A_38 = arith.cmpi ne, %rem3A, %ne3A_37 : i32
    %and3A = arith.andi %ne3A, %ne3A_38 : i1
    %sub3A_39 = arith.constant 1 : i32
    %sub3A_40 = arith.subi %div3A, %sub3A_39 : i32
    %select_n3A = arith.select %and3A, %sub3A_40, %div3A : i32
    %while3A = arith.constant 0 : i32
    %while3A_41 = arith.constant 0 : i32
    %while3A_42 = arith.subi %select_n3A, %while3A : i32
    %while3A_43 = arith.addi %while3A, %while3A_42 : i32
    %while3A_44 = arith.constant 1 : i32
    %while3A_45 = arith.divsi %while3A_42, %while3A_44 : i32
    %while3A_46 = arith.muli %while3A_45, %while3A_44 : i32
    %while3A_47 = arith.addi %while3A, %while3A_46 : i32
    %while3A_48 = arith.constant 1 : i32
    %while3A_49 = scf.for %while3A_129 = %while3A to %while3A_47 step %while3A_48 iter_args(%while3A_130 = %while3A_41) -> (i32)  : i32 {
      %mul3A_131 = arith.constant 16 : i32
      %mul3A_132 = arith.muli %while3A_129, %mul3A_131 : i32
      %add3A_133 = arith.addi %arg1, %mul3A_132 : i32
      %mul3A_134 = arith.constant 40 : i32
      %mul3A_135 = arith.muli %add3A_133, %mul3A_134 : i32
      "tpu.region"() ({
        %run_scoped3A = tpu.sem_alloc : memref<!tpu.dma_semaphore, #tpu.memory_space<semaphore_mem>>
        %dma_start3A_137 = arith.constant 0 : i32
        %dma_start3A_138 = tpu.memref_slice %arg21[%mul3A_135, %dma_start3A_137] : memref<10000x128xf32, #tpu.memory_space<vmem_shared>> -> memref<40x128xf32, #tpu.memory_space<vmem_shared>>
        %dma_start3A_139 = arith.constant 0 : i32
        %dma_start3A_140 = tpu.memref_slice %arg21[%mul3A_135, %dma_start3A_139] : memref<10000x128xf32, #tpu.memory_space<vmem_shared>> -> memref<40x128xf32, #tpu.memory_space<vmem_shared>>
        tpu.enqueue_dma source(%arg12 : memref<40x128xf32, #tpu.memory_space<vmem>>) target(%dma_start3A_140 : memref<40x128xf32, #tpu.memory_space<vmem_shared>>) target_semaphore(%run_scoped3A : memref<!tpu.dma_semaphore, #tpu.memory_space<semaphore_mem>>)
        %dma_wait3A_141 = arith.constant 0 : i32
        %dma_wait3A_142 = tpu.memref_slice %arg21[%mul3A_135, %dma_wait3A_141] : memref<10000x128xf32, #tpu.memory_space<vmem_shared>> -> memref<40x128xf32, #tpu.memory_space<vmem_shared>>
        %dma_wait3A_143 = arith.constant 0 : i32
        %dma_wait3A_144 = tpu.memref_slice %arg21[%mul3A_135, %dma_wait3A_143] : memref<10000x128xf32, #tpu.memory_space<vmem_shared>> -> memref<40x128xf32, #tpu.memory_space<vmem_shared>>
        tpu.wait_dma2 semaphore(%run_scoped3A : memref<!tpu.dma_semaphore, #tpu.memory_space<semaphore_mem>>) src(%arg12 : memref<40x128xf32, #tpu.memory_space<vmem>>) dst(%dma_wait3A_144 : memref<40x128xf32, #tpu.memory_space<vmem_shared>>)
        tpu.yield
      }) : () -> ()
      %while3A_136 = arith.constant 0 : i32
      scf.yield %while3A_136 : i32
    }
    %while3A_50 = arith.constant 1 : i32
    %while3A_51 = scf.for %while3A_129 = %while3A_47 to %while3A_43 step %while3A_50 iter_args(%while3A_130 = %while3A_49) -> (i32)  : i32 {
      %mul3A_131 = arith.constant 16 : i32
      %mul3A_132 = arith.muli %while3A_129, %mul3A_131 : i32
      %add3A_133 = arith.addi %arg1, %mul3A_132 : i32
      %mul3A_134 = arith.constant 40 : i32
      %mul3A_135 = arith.muli %add3A_133, %mul3A_134 : i32
      "tpu.region"() ({
        %run_scoped3A = tpu.sem_alloc : memref<!tpu.dma_semaphore, #tpu.memory_space<semaphore_mem>>
        %dma_start3A_137 = arith.constant 0 : i32
        %dma_start3A_138 = tpu.memref_slice %arg21[%mul3A_135, %dma_start3A_137] : memref<10000x128xf32, #tpu.memory_space<vmem_shared>> -> memref<40x128xf32, #tpu.memory_space<vmem_shared>>
        %dma_start3A_139 = arith.constant 0 : i32
        %dma_start3A_140 = tpu.memref_slice %arg21[%mul3A_135, %dma_start3A_139] : memref<10000x128xf32, #tpu.memory_space<vmem_shared>> -> memref<40x128xf32, #tpu.memory_space<vmem_shared>>
        tpu.enqueue_dma source(%arg12 : memref<40x128xf32, #tpu.memory_space<vmem>>) target(%dma_start3A_140 : memref<40x128xf32, #tpu.memory_space<vmem_shared>>) target_semaphore(%run_scoped3A : memref<!tpu.dma_semaphore, #tpu.memory_space<semaphore_mem>>)
        %dma_wait3A_141 = arith.constant 0 : i32
        %dma_wait3A_142 = tpu.memref_slice %arg21[%mul3A_135, %dma_wait3A_141] : memref<10000x128xf32, #tpu.memory_space<vmem_shared>> -> memref<40x128xf32, #tpu.memory_space<vmem_shared>>
        %dma_wait3A_143 = arith.constant 0 : i32
        %dma_wait3A_144 = tpu.memref_slice %arg21[%mul3A_135, %dma_wait3A_143] : memref<10000x128xf32, #tpu.memory_space<vmem_shared>> -> memref<40x128xf32, #tpu.memory_space<vmem_shared>>
        tpu.wait_dma2 semaphore(%run_scoped3A : memref<!tpu.dma_semaphore, #tpu.memory_space<semaphore_mem>>) src(%arg12 : memref<40x128xf32, #tpu.memory_space<vmem>>) dst(%dma_wait3A_144 : memref<40x128xf32, #tpu.memory_space<vmem_shared>>)
        tpu.yield
      }) : () -> ()
      %while3A_136 = arith.constant 0 : i32
      scf.yield %while3A_136 : i32
    }
    "tpu.region"() ({
      %run_scoped3A = tpu.sem_alloc : memref<!tpu.dma_semaphore, #tpu.memory_space<semaphore_mem>>
      tpu.enqueue_dma source(%arg7 : memref<128xf32, #tpu.memory_space<hbm>>) target(%arg20 : memref<128xf32, #tpu.memory_space<vmem>>) target_semaphore(%run_scoped3A : memref<!tpu.dma_semaphore, #tpu.memory_space<semaphore_mem>>)
      tpu.wait_dma2 semaphore(%run_scoped3A : memref<!tpu.dma_semaphore, #tpu.memory_space<semaphore_mem>>) src(%arg7 : memref<128xf32, #tpu.memory_space<hbm>>) dst(%arg20 : memref<128xf32, #tpu.memory_space<vmem>>)
      tpu.yield
    }) : () -> ()
    %get3A = arith.constant 0 : index
    %get3A_52 = tpu.vector_load %arg20[%get3A] {strides = array<i32>} : memref<128xf32, #tpu.memory_space<vmem>>, vector<16xf32>,
    %get3A_53 = arith.constant 16 : index
    %get3A_54 = tpu.vector_load %arg20[%get3A_53] {strides = array<i32>} : memref<128xf32, #tpu.memory_space<vmem>>, vector<16xf32>,
    %get3A_55 = arith.constant 32 : index
    %get3A_56 = tpu.vector_load %arg20[%get3A_55] {strides = array<i32>} : memref<128xf32, #tpu.memory_space<vmem>>, vector<16xf32>,
    %get3A_57 = arith.constant 48 : index
    %get3A_58 = tpu.vector_load %arg20[%get3A_57] {strides = array<i32>} : memref<128xf32, #tpu.memory_space<vmem>>, vector<16xf32>,
    %get3A_59 = arith.constant 64 : index
    %get3A_60 = tpu.vector_load %arg20[%get3A_59] {strides = array<i32>} : memref<128xf32, #tpu.memory_space<vmem>>, vector<16xf32>,
    %get3A_61 = arith.constant 80 : index
    %get3A_62 = tpu.vector_load %arg20[%get3A_61] {strides = array<i32>} : memref<128xf32, #tpu.memory_space<vmem>>, vector<16xf32>,
    %get3A_63 = arith.constant 96 : index
    %get3A_64 = tpu.vector_load %arg20[%get3A_63] {strides = array<i32>} : memref<128xf32, #tpu.memory_space<vmem>>, vector<16xf32>,
    %get3A_65 = arith.constant 112 : index
    %get3A_66 = tpu.vector_load %arg20[%get3A_65] {strides = array<i32>} : memref<128xf32, #tpu.memory_space<vmem>>, vector<16xf32>,
    %iota3A = tpu.iota {dimensions = array<i32: 0>} : vector<16xi32>
    %lt3A = arith.constant 8 : i32
    %lt3A_67 = vector.broadcast %lt3A : i32 to vector<16xi32>
    %lt3A_68 = arith.cmpi slt, %iota3A, %lt3A_67 : vector<16xi32>
    %barrier3A = arith.constant 0 : index
    tpu.barrier barrier_id(%barrier3A)
    %mul3A_69 = arith.constant 25 : i32
    %mul3A_70 = arith.muli %add3A, %mul3A_69 : i32
    %add3A_71 = arith.constant 0 : i32
    %add3A_72 = arith.addi %mul3A_70, %add3A_71 : i32
    "tpu.region"() ({
      %run_scoped3A = tpu.sem_alloc : memref<!tpu.dma_semaphore, #tpu.memory_space<semaphore_mem>>
      %dma_start3A_129 = arith.constant 0 : i32
      %dma_start3A_130 = arith.constant 0 : i32
      %dma_start3A_131 = tpu.memref_slice %arg10[%dma_start3A_129, %dma_start3A_130] : memref<11x40xi32, #tpu.memory_space<vmem>> -> memref<10x40xi32, #tpu.memory_space<vmem>>
      %dma_start3A_132 = arith.constant 0 : i32
      %dma_start3A_133 = arith.constant 0 : i32
      %dma_start3A_134 = tpu.memref_slice %arg5[%add3A_72, %dma_start3A_132, %dma_start3A_133] : memref<800x10x40xi32, #tpu.memory_space<hbm>> -> memref<1x10x40xi32, #tpu.memory_space<hbm>>
      %dma_start3A_135 = tpu.memref_squeeze %dma_start3A_134 : memref<1x10x40xi32, #tpu.memory_space<hbm>> -> memref<10x40xi32, #tpu.memory_space<hbm>>
      %dma_start3A_136 = arith.constant 0 : i32
      %dma_start3A_137 = arith.constant 0 : i32
      %dma_start3A_138 = tpu.memref_slice %arg10[%dma_start3A_136, %dma_start3A_137] : memref<11x40xi32, #tpu.memory_space<vmem>> -> memref<10x40xi32, #tpu.memory_space<vmem>>
      %dma_start3A_139 = arith.constant 0 : i32
      %dma_start3A_140 = arith.constant 0 : i32
      %dma_start3A_141 = tpu.memref_slice %arg5[%add3A_72, %dma_start3A_139, %dma_start3A_140] : memref<800x10x40xi32, #tpu.memory_space<hbm>> -> memref<1x10x40xi32, #tpu.memory_space<hbm>>
      %dma_start3A_142 = tpu.memref_squeeze %dma_start3A_141 : memref<1x10x40xi32, #tpu.memory_space<hbm>> -> memref<10x40xi32, #tpu.memory_space<hbm>>
      tpu.enqueue_dma source(%dma_start3A_142 : memref<10x40xi32, #tpu.memory_space<hbm>>) target(%dma_start3A_138 : memref<10x40xi32, #tpu.memory_space<vmem>>) target_semaphore(%run_scoped3A : memref<!tpu.dma_semaphore, #tpu.memory_space<semaphore_mem>>)
      %dma_wait3A_143 = arith.constant 0 : i32
      %dma_wait3A_144 = arith.constant 0 : i32
      %dma_wait3A_145 = tpu.memref_slice %arg10[%dma_wait3A_143, %dma_wait3A_144] : memref<11x40xi32, #tpu.memory_space<vmem>> -> memref<10x40xi32, #tpu.memory_space<vmem>>
      %dma_wait3A_146 = arith.constant 0 : i32
      %dma_wait3A_147 = arith.constant 0 : i32
      %dma_wait3A_148 = tpu.memref_slice %arg5[%add3A_72, %dma_wait3A_146, %dma_wait3A_147] : memref<800x10x40xi32, #tpu.memory_space<hbm>> -> memref<1x10x40xi32, #tpu.memory_space<hbm>>
      %dma_wait3A_149 = tpu.memref_squeeze %dma_wait3A_148 : memref<1x10x40xi32, #tpu.memory_space<hbm>> -> memref<10x40xi32, #tpu.memory_space<hbm>>
      %dma_wait3A_150 = arith.constant 0 : i32
      %dma_wait3A_151 = arith.constant 0 : i32
      %dma_wait3A_152 = tpu.memref_slice %arg10[%dma_wait3A_150, %dma_wait3A_151] : memref<11x40xi32, #tpu.memory_space<vmem>> -> memref<10x40xi32, #tpu.memory_space<vmem>>
      %dma_wait3A_153 = arith.constant 0 : i32
      %dma_wait3A_154 = arith.constant 0 : i32
      %dma_wait3A_155 = tpu.memref_slice %arg5[%add3A_72, %dma_wait3A_153, %dma_wait3A_154] : memref<800x10x40xi32, #tpu.memory_space<hbm>> -> memref<1x10x40xi32, #tpu.memory_space<hbm>>
      %dma_wait3A_156 = tpu.memref_squeeze %dma_wait3A_155 : memref<1x10x40xi32, #tpu.memory_space<hbm>> -> memref<10x40xi32, #tpu.memory_space<hbm>>
      tpu.wait_dma2 semaphore(%run_scoped3A : memref<!tpu.dma_semaphore, #tpu.memory_space<semaphore_mem>>) src(%dma_wait3A_156 : memref<10x40xi32, #tpu.memory_space<hbm>>) dst(%dma_wait3A_152 : memref<10x40xi32, #tpu.memory_space<vmem>>)
      tpu.yield
    }) : () -> ()
    "tpu.region"() ({
      %run_scoped3A = tpu.sem_alloc : memref<!tpu.dma_semaphore, #tpu.memory_space<semaphore_mem>>
      %dma_start3A_129 = arith.constant 0 : i32
      %dma_start3A_130 = arith.constant 0 : i32
      %dma_start3A_131 = tpu.memref_slice %arg11[%dma_start3A_129, %dma_start3A_130] : memref<11x40xi32, #tpu.memory_space<vmem>> -> memref<10x40xi32, #tpu.memory_space<vmem>>
      %dma_start3A_132 = arith.constant 0 : i32
      %dma_start3A_133 = arith.constant 0 : i32
      %dma_start3A_134 = tpu.memref_slice %arg6[%add3A_72, %dma_start3A_132, %dma_start3A_133] : memref<800x10x40xi32, #tpu.memory_space<hbm>> -> memref<1x10x40xi32, #tpu.memory_space<hbm>>
      %dma_start3A_135 = tpu.memref_squeeze %dma_start3A_134 : memref<1x10x40xi32, #tpu.memory_space<hbm>> -> memref<10x40xi32, #tpu.memory_space<hbm>>
      %dma_start3A_136 = arith.constant 0 : i32
      %dma_start3A_137 = arith.constant 0 : i32
      %dma_start3A_138 = tpu.memref_slice %arg11[%dma_start3A_136, %dma_start3A_137] : memref<11x40xi32, #tpu.memory_space<vmem>> -> memref<10x40xi32, #tpu.memory_space<vmem>>
      %dma_start3A_139 = arith.constant 0 : i32
      %dma_start3A_140 = arith.constant 0 : i32
      %dma_start3A_141 = tpu.memref_slice %arg6[%add3A_72, %dma_start3A_139, %dma_start3A_140] : memref<800x10x40xi32, #tpu.memory_space<hbm>> -> memref<1x10x40xi32, #tpu.memory_space<hbm>>
      %dma_start3A_142 = tpu.memref_squeeze %dma_start3A_141 : memref<1x10x40xi32, #tpu.memory_space<hbm>> -> memref<10x40xi32, #tpu.memory_space<hbm>>
      tpu.enqueue_dma source(%dma_start3A_142 : memref<10x40xi32, #tpu.memory_space<hbm>>) target(%dma_start3A_138 : memref<10x40xi32, #tpu.memory_space<vmem>>) target_semaphore(%run_scoped3A : memref<!tpu.dma_semaphore, #tpu.memory_space<semaphore_mem>>)
      %dma_wait3A_143 = arith.constant 0 : i32
      %dma_wait3A_144 = arith.constant 0 : i32
      %dma_wait3A_145 = tpu.memref_slice %arg11[%dma_wait3A_143, %dma_wait3A_144] : memref<11x40xi32, #tpu.memory_space<vmem>> -> memref<10x40xi32, #tpu.memory_space<vmem>>
      %dma_wait3A_146 = arith.constant 0 : i32
      %dma_wait3A_147 = arith.constant 0 : i32
      %dma_wait3A_148 = tpu.memref_slice %arg6[%add3A_72, %dma_wait3A_146, %dma_wait3A_147] : memref<800x10x40xi32, #tpu.memory_space<hbm>> -> memref<1x10x40xi32, #tpu.memory_space<hbm>>
      %dma_wait3A_149 = tpu.memref_squeeze %dma_wait3A_148 : memref<1x10x40xi32, #tpu.memory_space<hbm>> -> memref<10x40xi32, #tpu.memory_space<hbm>>
      %dma_wait3A_150 = arith.constant 0 : i32
      %dma_wait3A_151 = arith.constant 0 : i32
      %dma_wait3A_152 = tpu.memref_slice %arg11[%dma_wait3A_150, %dma_wait3A_151] : memref<11x40xi32, #tpu.memory_space<vmem>> -> memref<10x40xi32, #tpu.memory_space<vmem>>
      %dma_wait3A_153 = arith.constant 0 : i32
      %dma_wait3A_154 = arith.constant 0 : i32
      %dma_wait3A_155 = tpu.memref_slice %arg6[%add3A_72, %dma_wait3A_153, %dma_wait3A_154] : memref<800x10x40xi32, #tpu.memory_space<hbm>> -> memref<1x10x40xi32, #tpu.memory_space<hbm>>
      %dma_wait3A_156 = tpu.memref_squeeze %dma_wait3A_155 : memref<1x10x40xi32, #tpu.memory_space<hbm>> -> memref<10x40xi32, #tpu.memory_space<hbm>>
      tpu.wait_dma2 semaphore(%run_scoped3A : memref<!tpu.dma_semaphore, #tpu.memory_space<semaphore_mem>>) src(%dma_wait3A_156 : memref<10x40xi32, #tpu.memory_space<hbm>>) dst(%dma_wait3A_152 : memref<10x40xi32, #tpu.memory_space<vmem>>)
      tpu.yield
    }) : () -> ()
    %add3A_73 = arith.constant 0 : i32
    %add3A_74 = arith.addi %mul3A_2, %add3A_73 : i32
    %add3A_75 = arith.constant 0 : i32
    %add3A_76 = arith.addi %add3A_74, %add3A_75 : i32
    %dma_start3A = arith.constant 0 : i32
    %dma_start3A_77 = arith.constant 0 : i32
    %dma_start3A_78 = tpu.memref_slice %arg10[%dma_start3A, %dma_start3A_77] : memref<11x40xi32, #tpu.memory_space<vmem>> -> memref<1x40xi32, #tpu.memory_space<vmem>>
    %dma_start3A_79 = tpu.memref_squeeze %dma_start3A_78 : memref<1x40xi32, #tpu.memory_space<vmem>> -> memref<40xi32, #tpu.memory_space<vmem>>
    %dma_start3A_80 = arith.constant 0 : i32
    %dma_start3A_81 = arith.constant 0 : i32
    %dma_start3A_82 = tpu.memref_slice %arg2[%dma_start3A_80, %dma_start3A_81] : memref<10000x128xf32, #tpu.memory_space<hbm>> -> memref<10000x128xf32, #tpu.memory_space<hbm>>
    tpu.enqueue_indirect_dma source(%dma_start3A_82 : memref<10000x128xf32, #tpu.memory_space<hbm>>) target(%arg12 : memref<40x128xf32, #tpu.memory_space<vmem>>) offsets(%dma_start3A_79 : memref<40xi32, #tpu.memory_space<vmem>>) semaphore(%arg22 : memref<!tpu.dma_semaphore, #tpu.memory_space<semaphore_mem>>)
    %dma_start3A_83 = arith.constant 0 : i32
    %dma_start3A_84 = arith.constant 0 : i32
    %dma_start3A_85 = tpu.memref_slice %arg11[%dma_start3A_83, %dma_start3A_84] : memref<11x40xi32, #tpu.memory_space<vmem>> -> memref<1x40xi32, #tpu.memory_space<vmem>>
    %dma_start3A_86 = tpu.memref_squeeze %dma_start3A_85 : memref<1x40xi32, #tpu.memory_space<vmem>> -> memref<40xi32, #tpu.memory_space<vmem>>
    %dma_start3A_87 = arith.constant 0 : i32
    %dma_start3A_88 = arith.constant 0 : i32
    %dma_start3A_89 = tpu.memref_slice %arg3[%dma_start3A_87, %dma_start3A_88] : memref<10000x128xf32, #tpu.memory_space<hbm>> -> memref<10000x128xf32, #tpu.memory_space<hbm>>
    tpu.enqueue_indirect_dma source(%dma_start3A_89 : memref<10000x128xf32, #tpu.memory_space<hbm>>) target(%arg14 : memref<40x128xf32, #tpu.memory_space<vmem>>) offsets(%dma_start3A_86 : memref<40xi32, #tpu.memory_space<vmem>>) semaphore(%arg24 : memref<!tpu.dma_semaphore, #tpu.memory_space<semaphore_mem>>)
    %dma_start3A_90 = arith.constant 0 : i32
    %dma_start3A_91 = tpu.memref_slice %arg4[%add3A_76, %dma_start3A_90] : memref<320000x128xf32, #tpu.memory_space<hbm>> -> memref<40x128xf32, #tpu.memory_space<hbm>>
    %dma_start3A_92 = arith.constant 0 : i32
    %dma_start3A_93 = tpu.memref_slice %arg4[%add3A_76, %dma_start3A_92] : memref<320000x128xf32, #tpu.memory_space<hbm>> -> memref<40x128xf32, #tpu.memory_space<hbm>>
    tpu.enqueue_dma source(%dma_start3A_93 : memref<40x128xf32, #tpu.memory_space<hbm>>) target(%arg16 : memref<40x128xf32, #tpu.memory_space<vmem>>) target_semaphore(%arg26 : memref<!tpu.dma_semaphore, #tpu.memory_space<semaphore_mem>>)
    %scan3A_94 = arith.constant 0 : i32
    %scan3A_95 = arith.constant 0 : i32
    %scan3A_96 = arith.constant 25 : i32
    %scan3A_97 = arith.addi %scan3A_95, %scan3A_96 : i32
    %scan3A_98 = arith.constant 1 : i32
    %scan3A_99 = scf.for %scan3A_129 = %scan3A_95 to %scan3A_97 step %scan3A_98 iter_args(%scan3A_130 = %scan3A_94) -> (i32)  : i32 {
      %scan3A_131 = arith.constant 0 : i32
      %scan3A_132 = arith.constant 0 : i32
      %scan3A_133 = arith.constant 5 : i32
      %scan3A_134 = arith.addi %scan3A_132, %scan3A_133 : i32
      %scan3A_135 = arith.constant 1 : i32
      %scan3A_136 = scf.for %scan3A_144 = %scan3A_132 to %scan3A_134 step %scan3A_135 iter_args(%scan3A_145 = %scan3A_131) -> (i32)  : i32 {
        %mul3A_146 = arith.constant 2 : i32
        %mul3A_147 = arith.muli %mul3A_146, %scan3A_144 : i32
        %mul3A_148 = arith.constant 400 : i32
        %mul3A_149 = arith.muli %scan3A_129, %mul3A_148 : i32
        %add3A_150 = arith.addi %mul3A_2, %mul3A_149 : i32
        %mul3A_151 = arith.constant 40 : i32
        %mul3A_152 = arith.muli %mul3A_147, %mul3A_151 : i32
        %add3A_153 = arith.addi %add3A_150, %mul3A_152 : i32
        %dma_wait3A_154 = arith.constant 0 : i32
        %dma_wait3A_155 = tpu.memref_slice %arg10[%mul3A_147, %dma_wait3A_154] : memref<11x40xi32, #tpu.memory_space<vmem>> -> memref<1x40xi32, #tpu.memory_space<vmem>>
        %dma_wait3A_156 = tpu.memref_squeeze %dma_wait3A_155 : memref<1x40xi32, #tpu.memory_space<vmem>> -> memref<40xi32, #tpu.memory_space<vmem>>
        %dma_wait3A_157 = arith.constant 0 : i32
        %dma_wait3A_158 = arith.constant 0 : i32
        %dma_wait3A_159 = tpu.memref_slice %arg2[%dma_wait3A_157, %dma_wait3A_158] : memref<10000x128xf32, #tpu.memory_space<hbm>> -> memref<10000x128xf32, #tpu.memory_space<hbm>>
        tpu.wait_indirect_dma semaphore(%arg22 : memref<!tpu.dma_semaphore, #tpu.memory_space<semaphore_mem>>) src(%dma_wait3A_159 : memref<10000x128xf32, #tpu.memory_space<hbm>>) dst(%arg12 : memref<40x128xf32, #tpu.memory_space<vmem>>)
        %dma_wait3A_160 = arith.constant 0 : i32
        %dma_wait3A_161 = tpu.memref_slice %arg11[%mul3A_147, %dma_wait3A_160] : memref<11x40xi32, #tpu.memory_space<vmem>> -> memref<1x40xi32, #tpu.memory_space<vmem>>
        %dma_wait3A_162 = tpu.memref_squeeze %dma_wait3A_161 : memref<1x40xi32, #tpu.memory_space<vmem>> -> memref<40xi32, #tpu.memory_space<vmem>>
        %dma_wait3A_163 = arith.constant 0 : i32
        %dma_wait3A_164 = arith.constant 0 : i32
        %dma_wait3A_165 = tpu.memref_slice %arg3[%dma_wait3A_163, %dma_wait3A_164] : memref<10000x128xf32, #tpu.memory_space<hbm>> -> memref<10000x128xf32, #tpu.memory_space<hbm>>
        tpu.wait_indirect_dma semaphore(%arg24 : memref<!tpu.dma_semaphore, #tpu.memory_space<semaphore_mem>>) src(%dma_wait3A_165 : memref<10000x128xf32, #tpu.memory_space<hbm>>) dst(%arg14 : memref<40x128xf32, #tpu.memory_space<vmem>>)
        %dma_wait3A_166 = arith.constant 0 : i32
        %dma_wait3A_167 = tpu.memref_slice %arg4[%add3A_153, %dma_wait3A_166] : memref<320000x128xf32, #tpu.memory_space<hbm>> -> memref<40x128xf32, #tpu.memory_space<hbm>>
        %dma_wait3A_168 = arith.constant 0 : i32
        %dma_wait3A_169 = tpu.memref_slice %arg4[%add3A_153, %dma_wait3A_168] : memref<320000x128xf32, #tpu.memory_space<hbm>> -> memref<40x128xf32, #tpu.memory_space<hbm>>
        tpu.wait_dma2 semaphore(%arg26 : memref<!tpu.dma_semaphore, #tpu.memory_space<semaphore_mem>>) src(%dma_wait3A_169 : memref<40x128xf32, #tpu.memory_space<hbm>>) dst(%arg16 : memref<40x128xf32, #tpu.memory_space<vmem>>)
        %gt3A = arith.constant 0 : i32
        %gt3A_170 = arith.cmpi sgt, %scan3A_144, %gt3A : i32
        %convert_element_type3A_171 = arith.extui %gt3A_170 : i1 to i32
        %cond3A_172 = arith.constant 0 : i32
        %cond3A_173 = arith.cmpi ne, %convert_element_type3A_171, %cond3A_172 : i32
        scf.if %cond3A_173 {
          %dma_wait3A_314 = arith.constant 0 : i32
          %dma_wait3A_315 = arith.constant 0 : i32
          %dma_wait3A_316 = tpu.memref_slice %arg11[%dma_wait3A_314, %dma_wait3A_315] : memref<11x40xi32, #tpu.memory_space<vmem>> -> memref<1x40xi32, #tpu.memory_space<vmem>>
          %dma_wait3A_317 = tpu.memref_squeeze %dma_wait3A_316 : memref<1x40xi32, #tpu.memory_space<vmem>> -> memref<40xi32, #tpu.memory_space<vmem>>
          %dma_wait3A_318 = arith.constant 0 : i32
          %dma_wait3A_319 = arith.constant 0 : i32
          %dma_wait3A_320 = tpu.memref_slice %arg21[%dma_wait3A_318, %dma_wait3A_319] : memref<10000x128xf32, #tpu.memory_space<vmem_shared>> -> memref<10000x128xf32, #tpu.memory_space<vmem_shared>>
          tpu.wait_indirect_dma semaphore(%arg29 : memref<!tpu.dma_semaphore, #tpu.memory_space<semaphore_mem>>) src(%arg13 : memref<40x128xf32, #tpu.memory_space<vmem>>) dst(%dma_wait3A_320 : memref<10000x128xf32, #tpu.memory_space<vmem_shared>>)
        } else {
        }
        %add3A_174 = arith.constant 1 : i32
        %add3A_175 = arith.addi %mul3A_147, %add3A_174 : i32
        %mul3A_176 = arith.constant 400 : i32
        %mul3A_177 = arith.muli %scan3A_129, %mul3A_176 : i32
        %add3A_178 = arith.addi %mul3A_2, %mul3A_177 : i32
        %mul3A_179 = arith.constant 40 : i32
        %mul3A_180 = arith.muli %add3A_175, %mul3A_179 : i32
        %add3A_181 = arith.addi %add3A_178, %mul3A_180 : i32
        %dma_start3A_182 = arith.constant 0 : i32
        %dma_start3A_183 = tpu.memref_slice %arg10[%add3A_175, %dma_start3A_182] : memref<11x40xi32, #tpu.memory_space<vmem>> -> memref<1x40xi32, #tpu.memory_space<vmem>>
        %dma_start3A_184 = tpu.memref_squeeze %dma_start3A_183 : memref<1x40xi32, #tpu.memory_space<vmem>> -> memref<40xi32, #tpu.memory_space<vmem>>
        %dma_start3A_185 = arith.constant 0 : i32
        %dma_start3A_186 = arith.constant 0 : i32
        %dma_start3A_187 = tpu.memref_slice %arg2[%dma_start3A_185, %dma_start3A_186] : memref<10000x128xf32, #tpu.memory_space<hbm>> -> memref<10000x128xf32, #tpu.memory_space<hbm>>
        tpu.enqueue_indirect_dma source(%dma_start3A_187 : memref<10000x128xf32, #tpu.memory_space<hbm>>) target(%arg13 : memref<40x128xf32, #tpu.memory_space<vmem>>) offsets(%dma_start3A_184 : memref<40xi32, #tpu.memory_space<vmem>>) semaphore(%arg23 : memref<!tpu.dma_semaphore, #tpu.memory_space<semaphore_mem>>)
        %dma_start3A_188 = arith.constant 0 : i32
        %dma_start3A_189 = tpu.memref_slice %arg11[%add3A_175, %dma_start3A_188] : memref<11x40xi32, #tpu.memory_space<vmem>> -> memref<1x40xi32, #tpu.memory_space<vmem>>
        %dma_start3A_190 = tpu.memref_squeeze %dma_start3A_189 : memref<1x40xi32, #tpu.memory_space<vmem>> -> memref<40xi32, #tpu.memory_space<vmem>>
        %dma_start3A_191 = arith.constant 0 : i32
        %dma_start3A_192 = arith.constant 0 : i32
        %dma_start3A_193 = tpu.memref_slice %arg3[%dma_start3A_191, %dma_start3A_192] : memref<10000x128xf32, #tpu.memory_space<hbm>> -> memref<10000x128xf32, #tpu.memory_space<hbm>>
        tpu.enqueue_indirect_dma source(%dma_start3A_193 : memref<10000x128xf32, #tpu.memory_space<hbm>>) target(%arg15 : memref<40x128xf32, #tpu.memory_space<vmem>>) offsets(%dma_start3A_190 : memref<40xi32, #tpu.memory_space<vmem>>) semaphore(%arg25 : memref<!tpu.dma_semaphore, #tpu.memory_space<semaphore_mem>>)
        %dma_start3A_194 = arith.constant 0 : i32
        %dma_start3A_195 = tpu.memref_slice %arg4[%add3A_181, %dma_start3A_194] : memref<320000x128xf32, #tpu.memory_space<hbm>> -> memref<40x128xf32, #tpu.memory_space<hbm>>
        %dma_start3A_196 = arith.constant 0 : i32
        %dma_start3A_197 = tpu.memref_slice %arg4[%add3A_181, %dma_start3A_196] : memref<320000x128xf32, #tpu.memory_space<hbm>> -> memref<40x128xf32, #tpu.memory_space<hbm>>
        tpu.enqueue_dma source(%dma_start3A_197 : memref<40x128xf32, #tpu.memory_space<hbm>>) target(%arg17 : memref<40x128xf32, #tpu.memory_space<vmem>>) target_semaphore(%arg27 : memref<!tpu.dma_semaphore, #tpu.memory_space<semaphore_mem>>)
        %parallel_loop3A = arith.constant 0 : i32
        %parallel_loop3A_198 = arith.constant 40 : i32
        %parallel_loop3A_199 = arith.constant 1 : i32
        scf.for %parallel_loop3A_314 = %parallel_loop3A to %parallel_loop3A_198 step %parallel_loop3A_199  : i32 {
          %parallel_loop3A_315 = arith.index_cast %parallel_loop3A_314 : i32 to index
          %parallel_loop3A_316 = arith.constant 0 : index
          %parallel_loop3A_317 = tpu.vector_load %arg12[%parallel_loop3A_315, %parallel_loop3A_316] {strides = array<i32>} : memref<40x128xf32, #tpu.memory_space<vmem>>, vector<16xf32>,
          %parallel_loop3A_318 = arith.index_cast %parallel_loop3A_314 : i32 to index
          %parallel_loop3A_319 = arith.constant 16 : index
          %parallel_loop3A_320 = tpu.vector_load %arg12[%parallel_loop3A_318, %parallel_loop3A_319] {strides = array<i32>} : memref<40x128xf32, #tpu.memory_space<vmem>>, vector<16xf32>,
          %parallel_loop3A_321 = arith.index_cast %parallel_loop3A_314 : i32 to index
          %parallel_loop3A_322 = arith.constant 32 : index
          %parallel_loop3A_323 = tpu.vector_load %arg12[%parallel_loop3A_321, %parallel_loop3A_322] {strides = array<i32>} : memref<40x128xf32, #tpu.memory_space<vmem>>, vector<16xf32>,
          %parallel_loop3A_324 = arith.index_cast %parallel_loop3A_314 : i32 to index
          %parallel_loop3A_325 = arith.constant 48 : index
          %parallel_loop3A_326 = tpu.vector_load %arg12[%parallel_loop3A_324, %parallel_loop3A_325] {strides = array<i32>} : memref<40x128xf32, #tpu.memory_space<vmem>>, vector<16xf32>,
          %parallel_loop3A_327 = arith.index_cast %parallel_loop3A_314 : i32 to index
          %parallel_loop3A_328 = arith.constant 64 : index
          %parallel_loop3A_329 = tpu.vector_load %arg12[%parallel_loop3A_327, %parallel_loop3A_328] {strides = array<i32>} : memref<40x128xf32, #tpu.memory_space<vmem>>, vector<16xf32>,
          %parallel_loop3A_330 = arith.index_cast %parallel_loop3A_314 : i32 to index
          %parallel_loop3A_331 = arith.constant 80 : index
          %parallel_loop3A_332 = tpu.vector_load %arg12[%parallel_loop3A_330, %parallel_loop3A_331] {strides = array<i32>} : memref<40x128xf32, #tpu.memory_space<vmem>>, vector<16xf32>,
          %parallel_loop3A_333 = arith.index_cast %parallel_loop3A_314 : i32 to index
          %parallel_loop3A_334 = arith.constant 96 : index
          %parallel_loop3A_335 = tpu.vector_load %arg12[%parallel_loop3A_333, %parallel_loop3A_334] {strides = array<i32>} : memref<40x128xf32, #tpu.memory_space<vmem>>, vector<16xf32>,
          %parallel_loop3A_336 = arith.index_cast %parallel_loop3A_314 : i32 to index
          %parallel_loop3A_337 = arith.constant 112 : index
          %parallel_loop3A_338 = tpu.vector_load %arg12[%parallel_loop3A_336, %parallel_loop3A_337] {strides = array<i32>} : memref<40x128xf32, #tpu.memory_space<vmem>>, vector<16xf32>,
          %parallel_loop3A_339 = arith.index_cast %parallel_loop3A_314 : i32 to index
          %parallel_loop3A_340 = arith.constant 0 : index
          %parallel_loop3A_341 = tpu.vector_load %arg14[%parallel_loop3A_339, %parallel_loop3A_340] {strides = array<i32>} : memref<40x128xf32, #tpu.memory_space<vmem>>, vector<16xf32>,
          %parallel_loop3A_342 = arith.addf %parallel_loop3A_317, %parallel_loop3A_341 : vector<16xf32>
          %parallel_loop3A_343 = arith.index_cast %parallel_loop3A_314 : i32 to index
          %parallel_loop3A_344 = arith.constant 0 : index
          %parallel_loop3A_345 = tpu.vector_load %arg16[%parallel_loop3A_343, %parallel_loop3A_344] {strides = array<i32>} : memref<40x128xf32, #tpu.memory_space<vmem>>, vector<16xf32>,
          %parallel_loop3A_346 = arith.addf %parallel_loop3A_342, %parallel_loop3A_345 : vector<16xf32>
          %parallel_loop3A_347 = arith.constant 2.000000e-01 : f32
          %parallel_loop3A_348 = vector.broadcast %parallel_loop3A_347 : f32 to vector<16xf32>
          %parallel_loop3A_349 = arith.mulf %parallel_loop3A_348, %parallel_loop3A_346 : vector<16xf32>
          %parallel_loop3A_350 = arith.maximumf %parallel_loop3A_346, %parallel_loop3A_349 : vector<16xf32>
          %parallel_loop3A_351 = arith.mulf %parallel_loop3A_350, %get3A_52 : vector<16xf32>
          %parallel_loop3A_352 = arith.addf %broadcast_in_dim3A_5, %parallel_loop3A_351 : vector<16xf32>
          %parallel_loop3A_353 = arith.index_cast %parallel_loop3A_314 : i32 to index
          %parallel_loop3A_354 = arith.constant 16 : index
          %parallel_loop3A_355 = tpu.vector_load %arg14[%parallel_loop3A_353, %parallel_loop3A_354] {strides = array<i32>} : memref<40x128xf32, #tpu.memory_space<vmem>>, vector<16xf32>,
          %parallel_loop3A_356 = arith.addf %parallel_loop3A_320, %parallel_loop3A_355 : vector<16xf32>
          %parallel_loop3A_357 = arith.index_cast %parallel_loop3A_314 : i32 to index
          %parallel_loop3A_358 = arith.constant 16 : index
          %parallel_loop3A_359 = tpu.vector_load %arg16[%parallel_loop3A_357, %parallel_loop3A_358] {strides = array<i32>} : memref<40x128xf32, #tpu.memory_space<vmem>>, vector<16xf32>,
          %parallel_loop3A_360 = arith.addf %parallel_loop3A_356, %parallel_loop3A_359 : vector<16xf32>
          %parallel_loop3A_361 = arith.constant 2.000000e-01 : f32
          %parallel_loop3A_362 = vector.broadcast %parallel_loop3A_361 : f32 to vector<16xf32>
          %parallel_loop3A_363 = arith.mulf %parallel_loop3A_362, %parallel_loop3A_360 : vector<16xf32>
          %parallel_loop3A_364 = arith.maximumf %parallel_loop3A_360, %parallel_loop3A_363 : vector<16xf32>
          %parallel_loop3A_365 = arith.mulf %parallel_loop3A_364, %get3A_54 : vector<16xf32>
          %parallel_loop3A_366 = arith.addf %parallel_loop3A_352, %parallel_loop3A_365 : vector<16xf32>
          %parallel_loop3A_367 = arith.index_cast %parallel_loop3A_314 : i32 to index
          %parallel_loop3A_368 = arith.constant 32 : index
          %parallel_loop3A_369 = tpu.vector_load %arg14[%parallel_loop3A_367, %parallel_loop3A_368] {strides = array<i32>} : memref<40x128xf32, #tpu.memory_space<vmem>>, vector<16xf32>,
          %parallel_loop3A_370 = arith.addf %parallel_loop3A_323, %parallel_loop3A_369 : vector<16xf32>
          %parallel_loop3A_371 = arith.index_cast %parallel_loop3A_314 : i32 to index
          %parallel_loop3A_372 = arith.constant 32 : index
          %parallel_loop3A_373 = tpu.vector_load %arg16[%parallel_loop3A_371, %parallel_loop3A_372] {strides = array<i32>} : memref<40x128xf32, #tpu.memory_space<vmem>>, vector<16xf32>,
          %parallel_loop3A_374 = arith.addf %parallel_loop3A_370, %parallel_loop3A_373 : vector<16xf32>
          %parallel_loop3A_375 = arith.constant 2.000000e-01 : f32
          %parallel_loop3A_376 = vector.broadcast %parallel_loop3A_375 : f32 to vector<16xf32>
          %parallel_loop3A_377 = arith.mulf %parallel_loop3A_376, %parallel_loop3A_374 : vector<16xf32>
          %parallel_loop3A_378 = arith.maximumf %parallel_loop3A_374, %parallel_loop3A_377 : vector<16xf32>
          %parallel_loop3A_379 = arith.mulf %parallel_loop3A_378, %get3A_56 : vector<16xf32>
          %parallel_loop3A_380 = arith.addf %parallel_loop3A_366, %parallel_loop3A_379 : vector<16xf32>
          %parallel_loop3A_381 = arith.index_cast %parallel_loop3A_314 : i32 to index
          %parallel_loop3A_382 = arith.constant 48 : index
          %parallel_loop3A_383 = tpu.vector_load %arg14[%parallel_loop3A_381, %parallel_loop3A_382] {strides = array<i32>} : memref<40x128xf32, #tpu.memory_space<vmem>>, vector<16xf32>,
          %parallel_loop3A_384 = arith.addf %parallel_loop3A_326, %parallel_loop3A_383 : vector<16xf32>
          %parallel_loop3A_385 = arith.index_cast %parallel_loop3A_314 : i32 to index
          %parallel_loop3A_386 = arith.constant 48 : index
          %parallel_loop3A_387 = tpu.vector_load %arg16[%parallel_loop3A_385, %parallel_loop3A_386] {strides = array<i32>} : memref<40x128xf32, #tpu.memory_space<vmem>>, vector<16xf32>,
          %parallel_loop3A_388 = arith.addf %parallel_loop3A_384, %parallel_loop3A_387 : vector<16xf32>
          %parallel_loop3A_389 = arith.constant 2.000000e-01 : f32
          %parallel_loop3A_390 = vector.broadcast %parallel_loop3A_389 : f32 to vector<16xf32>
          %parallel_loop3A_391 = arith.mulf %parallel_loop3A_390, %parallel_loop3A_388 : vector<16xf32>
          %parallel_loop3A_392 = arith.maximumf %parallel_loop3A_388, %parallel_loop3A_391 : vector<16xf32>
          %parallel_loop3A_393 = arith.mulf %parallel_loop3A_392, %get3A_58 : vector<16xf32>
          %parallel_loop3A_394 = arith.addf %parallel_loop3A_380, %parallel_loop3A_393 : vector<16xf32>
          %parallel_loop3A_395 = arith.index_cast %parallel_loop3A_314 : i32 to index
          %parallel_loop3A_396 = arith.constant 64 : index
          %parallel_loop3A_397 = tpu.vector_load %arg14[%parallel_loop3A_395, %parallel_loop3A_396] {strides = array<i32>} : memref<40x128xf32, #tpu.memory_space<vmem>>, vector<16xf32>,
          %parallel_loop3A_398 = arith.addf %parallel_loop3A_329, %parallel_loop3A_397 : vector<16xf32>
          %parallel_loop3A_399 = arith.index_cast %parallel_loop3A_314 : i32 to index
          %parallel_loop3A_400 = arith.constant 64 : index
          %parallel_loop3A_401 = tpu.vector_load %arg16[%parallel_loop3A_399, %parallel_loop3A_400] {strides = array<i32>} : memref<40x128xf32, #tpu.memory_space<vmem>>, vector<16xf32>,
          %parallel_loop3A_402 = arith.addf %parallel_loop3A_398, %parallel_loop3A_401 : vector<16xf32>
          %parallel_loop3A_403 = arith.constant 2.000000e-01 : f32
          %parallel_loop3A_404 = vector.broadcast %parallel_loop3A_403 : f32 to vector<16xf32>
          %parallel_loop3A_405 = arith.mulf %parallel_loop3A_404, %parallel_loop3A_402 : vector<16xf32>
          %parallel_loop3A_406 = arith.maximumf %parallel_loop3A_402, %parallel_loop3A_405 : vector<16xf32>
          %parallel_loop3A_407 = arith.mulf %parallel_loop3A_406, %get3A_60 : vector<16xf32>
          %parallel_loop3A_408 = arith.addf %parallel_loop3A_394, %parallel_loop3A_407 : vector<16xf32>
          %parallel_loop3A_409 = arith.index_cast %parallel_loop3A_314 : i32 to index
          %parallel_loop3A_410 = arith.constant 80 : index
          %parallel_loop3A_411 = tpu.vector_load %arg14[%parallel_loop3A_409, %parallel_loop3A_410] {strides = array<i32>} : memref<40x128xf32, #tpu.memory_space<vmem>>, vector<16xf32>,
          %parallel_loop3A_412 = arith.addf %parallel_loop3A_332, %parallel_loop3A_411 : vector<16xf32>
          %parallel_loop3A_413 = arith.index_cast %parallel_loop3A_314 : i32 to index
          %parallel_loop3A_414 = arith.constant 80 : index
          %parallel_loop3A_415 = tpu.vector_load %arg16[%parallel_loop3A_413, %parallel_loop3A_414] {strides = array<i32>} : memref<40x128xf32, #tpu.memory_space<vmem>>, vector<16xf32>,
          %parallel_loop3A_416 = arith.addf %parallel_loop3A_412, %parallel_loop3A_415 : vector<16xf32>
          %parallel_loop3A_417 = arith.constant 2.000000e-01 : f32
          %parallel_loop3A_418 = vector.broadcast %parallel_loop3A_417 : f32 to vector<16xf32>
          %parallel_loop3A_419 = arith.mulf %parallel_loop3A_418, %parallel_loop3A_416 : vector<16xf32>
          %parallel_loop3A_420 = arith.maximumf %parallel_loop3A_416, %parallel_loop3A_419 : vector<16xf32>
          %parallel_loop3A_421 = arith.mulf %parallel_loop3A_420, %get3A_62 : vector<16xf32>
          %parallel_loop3A_422 = arith.addf %parallel_loop3A_408, %parallel_loop3A_421 : vector<16xf32>
          %parallel_loop3A_423 = arith.index_cast %parallel_loop3A_314 : i32 to index
          %parallel_loop3A_424 = arith.constant 96 : index
          %parallel_loop3A_425 = tpu.vector_load %arg14[%parallel_loop3A_423, %parallel_loop3A_424] {strides = array<i32>} : memref<40x128xf32, #tpu.memory_space<vmem>>, vector<16xf32>,
          %parallel_loop3A_426 = arith.addf %parallel_loop3A_335, %parallel_loop3A_425 : vector<16xf32>
          %parallel_loop3A_427 = arith.index_cast %parallel_loop3A_314 : i32 to index
          %parallel_loop3A_428 = arith.constant 96 : index
          %parallel_loop3A_429 = tpu.vector_load %arg16[%parallel_loop3A_427, %parallel_loop3A_428] {strides = array<i32>} : memref<40x128xf32, #tpu.memory_space<vmem>>, vector<16xf32>,
          %parallel_loop3A_430 = arith.addf %parallel_loop3A_426, %parallel_loop3A_429 : vector<16xf32>
          %parallel_loop3A_431 = arith.constant 2.000000e-01 : f32
          %parallel_loop3A_432 = vector.broadcast %parallel_loop3A_431 : f32 to vector<16xf32>
          %parallel_loop3A_433 = arith.mulf %parallel_loop3A_432, %parallel_loop3A_430 : vector<16xf32>
          %parallel_loop3A_434 = arith.maximumf %parallel_loop3A_430, %parallel_loop3A_433 : vector<16xf32>
          %parallel_loop3A_435 = arith.mulf %parallel_loop3A_434, %get3A_64 : vector<16xf32>
          %parallel_loop3A_436 = arith.addf %parallel_loop3A_422, %parallel_loop3A_435 : vector<16xf32>
          %parallel_loop3A_437 = arith.index_cast %parallel_loop3A_314 : i32 to index
          %parallel_loop3A_438 = arith.constant 112 : index
          %parallel_loop3A_439 = tpu.vector_load %arg14[%parallel_loop3A_437, %parallel_loop3A_438] {strides = array<i32>} : memref<40x128xf32, #tpu.memory_space<vmem>>, vector<16xf32>,
          %parallel_loop3A_440 = arith.addf %parallel_loop3A_338, %parallel_loop3A_439 : vector<16xf32>
          %parallel_loop3A_441 = arith.index_cast %parallel_loop3A_314 : i32 to index
          %parallel_loop3A_442 = arith.constant 112 : index
          %parallel_loop3A_443 = tpu.vector_load %arg16[%parallel_loop3A_441, %parallel_loop3A_442] {strides = array<i32>} : memref<40x128xf32, #tpu.memory_space<vmem>>, vector<16xf32>,
          %parallel_loop3A_444 = arith.addf %parallel_loop3A_440, %parallel_loop3A_443 : vector<16xf32>
          %parallel_loop3A_445 = arith.constant 2.000000e-01 : f32
          %parallel_loop3A_446 = vector.broadcast %parallel_loop3A_445 : f32 to vector<16xf32>
          %parallel_loop3A_447 = arith.mulf %parallel_loop3A_446, %parallel_loop3A_444 : vector<16xf32>
          %parallel_loop3A_448 = arith.maximumf %parallel_loop3A_444, %parallel_loop3A_447 : vector<16xf32>
          %parallel_loop3A_449 = arith.mulf %parallel_loop3A_448, %get3A_66 : vector<16xf32>
          %parallel_loop3A_450 = arith.addf %parallel_loop3A_436, %parallel_loop3A_449 : vector<16xf32>
          %parallel_loop3A_451 = arith.constant true
          %parallel_loop3A_452 = vector.broadcast %parallel_loop3A_451 : i1 to vector<16xi1>
          %parallel_loop3A_453 = tpu.scan <sum>, %parallel_loop3A_450 masked %parallel_loop3A_452 : vector<16xf32>, vector<16xi1> -> vector<16xf32>
          %parallel_loop3A_454 = vector.extract %parallel_loop3A_453[15] : f32 from vector<16xf32>
          %parallel_loop3A_455 = vector.broadcast %parallel_loop3A_454 : f32 to vector<16xf32>
          %parallel_loop3A_456 = math.exp %parallel_loop3A_455 : vector<16xf32>
          %parallel_loop3A_457 = arith.mulf %parallel_loop3A_317, %parallel_loop3A_456 : vector<16xf32>
          %parallel_loop3A_458 = arith.index_cast %parallel_loop3A_314 : i32 to index
          %parallel_loop3A_459 = arith.constant 0 : index
          %parallel_loop3A_460 = tpu.vector_load %arg12[%parallel_loop3A_458, %parallel_loop3A_459] {strides = array<i32>} : memref<40x128xf32, #tpu.memory_space<vmem>>, vector<16xf32>,
          tpu.vector_store %arg12[%parallel_loop3A_458, %parallel_loop3A_459], %parallel_loop3A_457 {strides = array<i32>} : memref<40x128xf32, #tpu.memory_space<vmem>>, vector<16xf32>,
          %parallel_loop3A_461 = arith.mulf %parallel_loop3A_320, %parallel_loop3A_456 : vector<16xf32>
          %parallel_loop3A_462 = arith.index_cast %parallel_loop3A_314 : i32 to index
          %parallel_loop3A_463 = arith.constant 16 : index
          %parallel_loop3A_464 = tpu.vector_load %arg12[%parallel_loop3A_462, %parallel_loop3A_463] {strides = array<i32>} : memref<40x128xf32, #tpu.memory_space<vmem>>, vector<16xf32>,
          tpu.vector_store %arg12[%parallel_loop3A_462, %parallel_loop3A_463], %parallel_loop3A_461 {strides = array<i32>} : memref<40x128xf32, #tpu.memory_space<vmem>>, vector<16xf32>,
          %parallel_loop3A_465 = arith.mulf %parallel_loop3A_323, %parallel_loop3A_456 : vector<16xf32>
          %parallel_loop3A_466 = arith.index_cast %parallel_loop3A_314 : i32 to index
          %parallel_loop3A_467 = arith.constant 32 : index
          %parallel_loop3A_468 = tpu.vector_load %arg12[%parallel_loop3A_466, %parallel_loop3A_467] {strides = array<i32>} : memref<40x128xf32, #tpu.memory_space<vmem>>, vector<16xf32>,
          tpu.vector_store %arg12[%parallel_loop3A_466, %parallel_loop3A_467], %parallel_loop3A_465 {strides = array<i32>} : memref<40x128xf32, #tpu.memory_space<vmem>>, vector<16xf32>,
          %parallel_loop3A_469 = arith.mulf %parallel_loop3A_326, %parallel_loop3A_456 : vector<16xf32>
          %parallel_loop3A_470 = arith.index_cast %parallel_loop3A_314 : i32 to index
          %parallel_loop3A_471 = arith.constant 48 : index
          %parallel_loop3A_472 = tpu.vector_load %arg12[%parallel_loop3A_470, %parallel_loop3A_471] {strides = array<i32>} : memref<40x128xf32, #tpu.memory_space<vmem>>, vector<16xf32>,
          tpu.vector_store %arg12[%parallel_loop3A_470, %parallel_loop3A_471], %parallel_loop3A_469 {strides = array<i32>} : memref<40x128xf32, #tpu.memory_space<vmem>>, vector<16xf32>,
          %parallel_loop3A_473 = arith.mulf %parallel_loop3A_329, %parallel_loop3A_456 : vector<16xf32>
          %parallel_loop3A_474 = arith.index_cast %parallel_loop3A_314 : i32 to index
          %parallel_loop3A_475 = arith.constant 64 : index
          %parallel_loop3A_476 = tpu.vector_load %arg12[%parallel_loop3A_474, %parallel_loop3A_475] {strides = array<i32>} : memref<40x128xf32, #tpu.memory_space<vmem>>, vector<16xf32>,
          tpu.vector_store %arg12[%parallel_loop3A_474, %parallel_loop3A_475], %parallel_loop3A_473 {strides = array<i32>} : memref<40x128xf32, #tpu.memory_space<vmem>>, vector<16xf32>,
          %parallel_loop3A_477 = arith.mulf %parallel_loop3A_332, %parallel_loop3A_456 : vector<16xf32>
          %parallel_loop3A_478 = arith.index_cast %parallel_loop3A_314 : i32 to index
          %parallel_loop3A_479 = arith.constant 80 : index
          %parallel_loop3A_480 = tpu.vector_load %arg12[%parallel_loop3A_478, %parallel_loop3A_479] {strides = array<i32>} : memref<40x128xf32, #tpu.memory_space<vmem>>, vector<16xf32>,
          tpu.vector_store %arg12[%parallel_loop3A_478, %parallel_loop3A_479], %parallel_loop3A_477 {strides = array<i32>} : memref<40x128xf32, #tpu.memory_space<vmem>>, vector<16xf32>,
          %parallel_loop3A_481 = arith.mulf %parallel_loop3A_335, %parallel_loop3A_456 : vector<16xf32>
          %parallel_loop3A_482 = arith.index_cast %parallel_loop3A_314 : i32 to index
          %parallel_loop3A_483 = arith.constant 96 : index
          %parallel_loop3A_484 = tpu.vector_load %arg12[%parallel_loop3A_482, %parallel_loop3A_483] {strides = array<i32>} : memref<40x128xf32, #tpu.memory_space<vmem>>, vector<16xf32>,
          tpu.vector_store %arg12[%parallel_loop3A_482, %parallel_loop3A_483], %parallel_loop3A_481 {strides = array<i32>} : memref<40x128xf32, #tpu.memory_space<vmem>>, vector<16xf32>,
          %parallel_loop3A_485 = arith.mulf %parallel_loop3A_338, %parallel_loop3A_456 : vector<16xf32>
          %parallel_loop3A_486 = arith.index_cast %parallel_loop3A_314 : i32 to index
          %parallel_loop3A_487 = arith.constant 112 : index
          %parallel_loop3A_488 = tpu.vector_load %arg12[%parallel_loop3A_486, %parallel_loop3A_487] {strides = array<i32>} : memref<40x128xf32, #tpu.memory_space<vmem>>, vector<16xf32>,
          tpu.vector_store %arg12[%parallel_loop3A_486, %parallel_loop3A_487], %parallel_loop3A_485 {strides = array<i32>} : memref<40x128xf32, #tpu.memory_space<vmem>>, vector<16xf32>,
          %parallel_loop3A_489 = arith.constant 16 : i32
          %parallel_loop3A_490 = arith.muli %parallel_loop3A_314, %parallel_loop3A_489 : i32
          %parallel_loop3A_491 = arith.index_cast %parallel_loop3A_490 : i32 to index
          %parallel_loop3A_492 = tpu.vector_load %arg18[%parallel_loop3A_491] {strides = array<i32>} : memref<768xf32, #tpu.memory_space<vmem>>, vector<16xf32>,
          tpu.vector_store %arg18[%parallel_loop3A_491], %parallel_loop3A_456 {strides = array<i32>} : memref<768xf32, #tpu.memory_space<vmem>>, vector<16xf32>,
        } {sc.loop_unroll_factor = 4 : i64, sc.parallel_access}
        %broadcast_in_dim3A_200 = vector.broadcast %mul3A_147 : i32 to vector<16xi32>
        %add3A_201 = arith.constant 0 : i32
        %add3A_202 = vector.broadcast %add3A_201 : i32 to vector<16xi32>
        %add3A_203 = arith.addi %add3A_202, %iota3A : vector<16xi32>
        %gather3A = tpu.vector_load_idx %arg11[%broadcast_in_dim3A_200, %add3A_203] : memref<11x40xi32, #tpu.memory_space<vmem>>[vector<16xi32>, vector<16xi32>], vector<16xi32>,
        %add3A_204 = arith.constant 0 : i32
        %add3A_205 = vector.broadcast %add3A_204 : i32 to vector<16xi32>
        %add3A_206 = arith.addi %add3A_205, %iota3A : vector<16xi32>
        %mul3A_207 = arith.constant 16 : i32
        %mul3A_208 = vector.broadcast %mul3A_207 : i32 to vector<16xi32>
        %mul3A_209 = arith.muli %add3A_206, %mul3A_208 : vector<16xi32>
        %gather3A_210 = tpu.vector_load_idx %arg18[%mul3A_209] : memref<768xf32, #tpu.memory_space<vmem>>[vector<16xi32>], vector<16xf32>,
        tpu.vector_store_idx %arg19[%gather3A], %gather3A_210 {add = true} : memref<10000xf32, #tpu.memory_space<vmem>>[vector<16xi32>], vector<16xf32>,
        %add3A_211 = arith.constant 16 : i32
        %add3A_212 = vector.broadcast %add3A_211 : i32 to vector<16xi32>
        %add3A_213 = arith.addi %add3A_212, %iota3A : vector<16xi32>
        %gather3A_214 = tpu.vector_load_idx %arg11[%broadcast_in_dim3A_200, %add3A_213] : memref<11x40xi32, #tpu.memory_space<vmem>>[vector<16xi32>, vector<16xi32>], vector<16xi32>,
        %add3A_215 = arith.constant 16 : i32
        %add3A_216 = vector.broadcast %add3A_215 : i32 to vector<16xi32>
        %add3A_217 = arith.addi %add3A_216, %iota3A : vector<16xi32>
        %mul3A_218 = arith.constant 16 : i32
        %mul3A_219 = vector.broadcast %mul3A_218 : i32 to vector<16xi32>
        %mul3A_220 = arith.muli %add3A_217, %mul3A_219 : vector<16xi32>
        %gather3A_221 = tpu.vector_load_idx %arg18[%mul3A_220] : memref<768xf32, #tpu.memory_space<vmem>>[vector<16xi32>], vector<16xf32>,
        tpu.vector_store_idx %arg19[%gather3A_214], %gather3A_221 {add = true} : memref<10000xf32, #tpu.memory_space<vmem>>[vector<16xi32>], vector<16xf32>,
        %add3A_222 = arith.constant 32 : i32
        %add3A_223 = vector.broadcast %add3A_222 : i32 to vector<16xi32>
        %add3A_224 = arith.addi %add3A_223, %iota3A : vector<16xi32>
        %gather3A_225 = tpu.vector_load_idx %arg11[%broadcast_in_dim3A_200, %add3A_224] masked %lt3A_68 : memref<11x40xi32, #tpu.memory_space<vmem>>[vector<16xi32>, vector<16xi32>], vector<16xi32>, vector<16xi1>
        %add3A_226 = arith.constant 32 : i32
        %add3A_227 = vector.broadcast %add3A_226 : i32 to vector<16xi32>
        %add3A_228 = arith.addi %add3A_227, %iota3A : vector<16xi32>
        %mul3A_229 = arith.constant 16 : i32
        %mul3A_230 = vector.broadcast %mul3A_229 : i32 to vector<16xi32>
        %mul3A_231 = arith.muli %add3A_228, %mul3A_230 : vector<16xi32>
        %gather3A_232 = tpu.vector_load_idx %arg18[%mul3A_231] masked %lt3A_68 : memref<768xf32, #tpu.memory_space<vmem>>[vector<16xi32>], vector<16xf32>, vector<16xi1>
        tpu.vector_store_idx %arg19[%gather3A_225], %gather3A_232 masked %lt3A_68 {add = true} : memref<10000xf32, #tpu.memory_space<vmem>>[vector<16xi32>], vector<16xf32>, vector<16xi1>
        %dma_start3A_233 = arith.constant 0 : i32
        %dma_start3A_234 = tpu.memref_slice %arg11[%mul3A_147, %dma_start3A_233] : memref<11x40xi32, #tpu.memory_space<vmem>> -> memref<1x40xi32, #tpu.memory_space<vmem>>
        %dma_start3A_235 = tpu.memref_squeeze %dma_start3A_234 : memref<1x40xi32, #tpu.memory_space<vmem>> -> memref<40xi32, #tpu.memory_space<vmem>>
        %dma_start3A_236 = arith.constant 0 : i32
        %dma_start3A_237 = arith.constant 0 : i32
        %dma_start3A_238 = tpu.memref_slice %arg21[%dma_start3A_236, %dma_start3A_237] : memref<10000x128xf32, #tpu.memory_space<vmem_shared>> -> memref<10000x128xf32, #tpu.memory_space<vmem_shared>>
        tpu.enqueue_indirect_dma source(%arg12 : memref<40x128xf32, #tpu.memory_space<vmem>>) target(%dma_start3A_238 : memref<10000x128xf32, #tpu.memory_space<vmem_shared>>) offsets(%dma_start3A_235 : memref<40xi32, #tpu.memory_space<vmem>>) semaphore(%arg28 : memref<!tpu.dma_semaphore, #tpu.memory_space<semaphore_mem>>) {add = true}
        %add3A_239 = arith.constant 1 : i32
        %add3A_240 = arith.addi %mul3A_147, %add3A_239 : i32
        %mul3A_241 = arith.constant 400 : i32
        %mul3A_242 = arith.muli %scan3A_129, %mul3A_241 : i32
        %add3A_243 = arith.addi %mul3A_2, %mul3A_242 : i32
        %mul3A_244 = arith.constant 40 : i32
        %mul3A_245 = arith.muli %add3A_240, %mul3A_244 : i32
        %add3A_246 = arith.addi %add3A_243, %mul3A_245 : i32
        %dma_wait3A_247 = arith.constant 0 : i32
        %dma_wait3A_248 = tpu.memref_slice %arg10[%add3A_240, %dma_wait3A_247] : memref<11x40xi32, #tpu.memory_space<vmem>> -> memref<1x40xi32, #tpu.memory_space<vmem>>
        %dma_wait3A_249 = tpu.memref_squeeze %dma_wait3A_248 : memref<1x40xi32, #tpu.memory_space<vmem>> -> memref<40xi32, #tpu.memory_space<vmem>>
        %dma_wait3A_250 = arith.constant 0 : i32
        %dma_wait3A_251 = arith.constant 0 : i32
        %dma_wait3A_252 = tpu.memref_slice %arg2[%dma_wait3A_250, %dma_wait3A_251] : memref<10000x128xf32, #tpu.memory_space<hbm>> -> memref<10000x128xf32, #tpu.memory_space<hbm>>
        tpu.wait_indirect_dma semaphore(%arg23 : memref<!tpu.dma_semaphore, #tpu.memory_space<semaphore_mem>>) src(%dma_wait3A_252 : memref<10000x128xf32, #tpu.memory_space<hbm>>) dst(%arg13 : memref<40x128xf32, #tpu.memory_space<vmem>>)
        %dma_wait3A_253 = arith.constant 0 : i32
        %dma_wait3A_254 = tpu.memref_slice %arg11[%add3A_240, %dma_wait3A_253] : memref<11x40xi32, #tpu.memory_space<vmem>> -> memref<1x40xi32, #tpu.memory_space<vmem>>
        %dma_wait3A_255 = tpu.memref_squeeze %dma_wait3A_254 : memref<1x40xi32, #tpu.memory_space<vmem>> -> memref<40xi32, #tpu.memory_space<vmem>>
        %dma_wait3A_256 = arith.constant 0 : i32
        %dma_wait3A_257 = arith.constant 0 : i32
        %dma_wait3A_258 = tpu.memref_slice %arg3[%dma_wait3A_256, %dma_wait3A_257] : memref<10000x128xf32, #tpu.memory_space<hbm>> -> memref<10000x128xf32, #tpu.memory_space<hbm>>
        tpu.wait_indirect_dma semaphore(%arg25 : memref<!tpu.dma_semaphore, #tpu.memory_space<semaphore_mem>>) src(%dma_wait3A_258 : memref<10000x128xf32, #tpu.memory_space<hbm>>) dst(%arg15 : memref<40x128xf32, #tpu.memory_space<vmem>>)
        %dma_wait3A_259 = arith.constant 0 : i32
        %dma_wait3A_260 = tpu.memref_slice %arg4[%add3A_246, %dma_wait3A_259] : memref<320000x128xf32, #tpu.memory_space<hbm>> -> memref<40x128xf32, #tpu.memory_space<hbm>>
        %dma_wait3A_261 = arith.constant 0 : i32
        %dma_wait3A_262 = tpu.memref_slice %arg4[%add3A_246, %dma_wait3A_261] : memref<320000x128xf32, #tpu.memory_space<hbm>> -> memref<40x128xf32, #tpu.memory_space<hbm>>
        tpu.wait_dma2 semaphore(%arg27 : memref<!tpu.dma_semaphore, #tpu.memory_space<semaphore_mem>>) src(%dma_wait3A_262 : memref<40x128xf32, #tpu.memory_space<hbm>>) dst(%arg17 : memref<40x128xf32, #tpu.memory_space<vmem>>)
        %lt3A_263 = arith.constant 4 : i32
        %lt3A_264 = arith.cmpi slt, %scan3A_144, %lt3A_263 : i32
        %convert_element_type3A_265 = arith.extui %lt3A_264 : i1 to i32
        %cond3A_266 = arith.constant 0 : i32
        %cond3A_267 = arith.cmpi ne, %convert_element_type3A_265, %cond3A_266 : i32
        scf.if %cond3A_267 {
          %dma_wait3A_314 = arith.constant 0 : i32
          %dma_wait3A_315 = arith.constant 0 : i32
          %dma_wait3A_316 = tpu.memref_slice %arg11[%dma_wait3A_314, %dma_wait3A_315] : memref<11x40xi32, #tpu.memory_space<vmem>> -> memref<1x40xi32, #tpu.memory_space<vmem>>
          %dma_wait3A_317 = tpu.memref_squeeze %dma_wait3A_316 : memref<1x40xi32, #tpu.memory_space<vmem>> -> memref<40xi32, #tpu.memory_space<vmem>>
          %dma_wait3A_318 = arith.constant 0 : i32
          %dma_wait3A_319 = arith.constant 0 : i32
          %dma_wait3A_320 = tpu.memref_slice %arg21[%dma_wait3A_318, %dma_wait3A_319] : memref<10000x128xf32, #tpu.memory_space<vmem_shared>> -> memref<10000x128xf32, #tpu.memory_space<vmem_shared>>
          tpu.wait_indirect_dma semaphore(%arg28 : memref<!tpu.dma_semaphore, #tpu.memory_space<semaphore_mem>>) src(%arg12 : memref<40x128xf32, #tpu.memory_space<vmem>>) dst(%dma_wait3A_320 : memref<10000x128xf32, #tpu.memory_space<vmem_shared>>)
          %add3A_321 = arith.constant 2 : i32
          %add3A_322 = arith.addi %mul3A_147, %add3A_321 : i32
          %mul3A_323 = arith.constant 400 : i32
          %mul3A_324 = arith.muli %scan3A_129, %mul3A_323 : i32
          %add3A_325 = arith.addi %mul3A_2, %mul3A_324 : i32
          %mul3A_326 = arith.constant 40 : i32
          %mul3A_327 = arith.muli %add3A_322, %mul3A_326 : i32
          %add3A_328 = arith.addi %add3A_325, %mul3A_327 : i32
          %dma_start3A_329 = arith.constant 0 : i32
          %dma_start3A_330 = tpu.memref_slice %arg10[%add3A_322, %dma_start3A_329] : memref<11x40xi32, #tpu.memory_space<vmem>> -> memref<1x40xi32, #tpu.memory_space<vmem>>
          %dma_start3A_331 = tpu.memref_squeeze %dma_start3A_330 : memref<1x40xi32, #tpu.memory_space<vmem>> -> memref<40xi32, #tpu.memory_space<vmem>>
          %dma_start3A_332 = arith.constant 0 : i32
          %dma_start3A_333 = arith.constant 0 : i32
          %dma_start3A_334 = tpu.memref_slice %arg2[%dma_start3A_332, %dma_start3A_333] : memref<10000x128xf32, #tpu.memory_space<hbm>> -> memref<10000x128xf32, #tpu.memory_space<hbm>>
          tpu.enqueue_indirect_dma source(%dma_start3A_334 : memref<10000x128xf32, #tpu.memory_space<hbm>>) target(%arg12 : memref<40x128xf32, #tpu.memory_space<vmem>>) offsets(%dma_start3A_331 : memref<40xi32, #tpu.memory_space<vmem>>) semaphore(%arg22 : memref<!tpu.dma_semaphore, #tpu.memory_space<semaphore_mem>>)
          %dma_start3A_335 = arith.constant 0 : i32
          %dma_start3A_336 = tpu.memref_slice %arg11[%add3A_322, %dma_start3A_335] : memref<11x40xi32, #tpu.memory_space<vmem>> -> memref<1x40xi32, #tpu.memory_space<vmem>>
          %dma_start3A_337 = tpu.memref_squeeze %dma_start3A_336 : memref<1x40xi32, #tpu.memory_space<vmem>> -> memref<40xi32, #tpu.memory_space<vmem>>
          %dma_start3A_338 = arith.constant 0 : i32
          %dma_start3A_339 = arith.constant 0 : i32
          %dma_start3A_340 = tpu.memref_slice %arg3[%dma_start3A_338, %dma_start3A_339] : memref<10000x128xf32, #tpu.memory_space<hbm>> -> memref<10000x128xf32, #tpu.memory_space<hbm>>
          tpu.enqueue_indirect_dma source(%dma_start3A_340 : memref<10000x128xf32, #tpu.memory_space<hbm>>) target(%arg14 : memref<40x128xf32, #tpu.memory_space<vmem>>) offsets(%dma_start3A_337 : memref<40xi32, #tpu.memory_space<vmem>>) semaphore(%arg24 : memref<!tpu.dma_semaphore, #tpu.memory_space<semaphore_mem>>)
          %dma_start3A_341 = arith.constant 0 : i32
          %dma_start3A_342 = tpu.memref_slice %arg4[%add3A_328, %dma_start3A_341] : memref<320000x128xf32, #tpu.memory_space<hbm>> -> memref<40x128xf32, #tpu.memory_space<hbm>>
          %dma_start3A_343 = arith.constant 0 : i32
          %dma_start3A_344 = tpu.memref_slice %arg4[%add3A_328, %dma_start3A_343] : memref<320000x128xf32, #tpu.memory_space<hbm>> -> memref<40x128xf32, #tpu.memory_space<hbm>>
          tpu.enqueue_dma source(%dma_start3A_344 : memref<40x128xf32, #tpu.memory_space<hbm>>) target(%arg16 : memref<40x128xf32, #tpu.memory_space<vmem>>) target_semaphore(%arg26 : memref<!tpu.dma_semaphore, #tpu.memory_space<semaphore_mem>>)
        } else {
        }
        %add3A_268 = arith.constant 1 : i32
        %add3A_269 = arith.addi %mul3A_147, %add3A_268 : i32
        %parallel_loop3A_270 = arith.constant 0 : i32
        %parallel_loop3A_271 = arith.constant 40 : i32
        %parallel_loop3A_272 = arith.constant 1 : i32
        scf.for %parallel_loop3A_314 = %parallel_loop3A_270 to %parallel_loop3A_271 step %parallel_loop3A_272  : i32 {
          %parallel_loop3A_315 = arith.index_cast %parallel_loop3A_314 : i32 to index
          %parallel_loop3A_316 = arith.constant 0 : index
          %parallel_loop3A_317 = tpu.vector_load %arg13[%parallel_loop3A_315, %parallel_loop3A_316] {strides = array<i32>} : memref<40x128xf32, #tpu.memory_space<vmem>>, vector<16xf32>,
          %parallel_loop3A_318 = arith.index_cast %parallel_loop3A_314 : i32 to index
          %parallel_loop3A_319 = arith.constant 16 : index
          %parallel_loop3A_320 = tpu.vector_load %arg13[%parallel_loop3A_318, %parallel_loop3A_319] {strides = array<i32>} : memref<40x128xf32, #tpu.memory_space<vmem>>, vector<16xf32>,
          %parallel_loop3A_321 = arith.index_cast %parallel_loop3A_314 : i32 to index
          %parallel_loop3A_322 = arith.constant 32 : index
          %parallel_loop3A_323 = tpu.vector_load %arg13[%parallel_loop3A_321, %parallel_loop3A_322] {strides = array<i32>} : memref<40x128xf32, #tpu.memory_space<vmem>>, vector<16xf32>,
          %parallel_loop3A_324 = arith.index_cast %parallel_loop3A_314 : i32 to index
          %parallel_loop3A_325 = arith.constant 48 : index
          %parallel_loop3A_326 = tpu.vector_load %arg13[%parallel_loop3A_324, %parallel_loop3A_325] {strides = array<i32>} : memref<40x128xf32, #tpu.memory_space<vmem>>, vector<16xf32>,
          %parallel_loop3A_327 = arith.index_cast %parallel_loop3A_314 : i32 to index
          %parallel_loop3A_328 = arith.constant 64 : index
          %parallel_loop3A_329 = tpu.vector_load %arg13[%parallel_loop3A_327, %parallel_loop3A_328] {strides = array<i32>} : memref<40x128xf32, #tpu.memory_space<vmem>>, vector<16xf32>,
          %parallel_loop3A_330 = arith.index_cast %parallel_loop3A_314 : i32 to index
          %parallel_loop3A_331 = arith.constant 80 : index
          %parallel_loop3A_332 = tpu.vector_load %arg13[%parallel_loop3A_330, %parallel_loop3A_331] {strides = array<i32>} : memref<40x128xf32, #tpu.memory_space<vmem>>, vector<16xf32>,
          %parallel_loop3A_333 = arith.index_cast %parallel_loop3A_314 : i32 to index
          %parallel_loop3A_334 = arith.constant 96 : index
          %parallel_loop3A_335 = tpu.vector_load %arg13[%parallel_loop3A_333, %parallel_loop3A_334] {strides = array<i32>} : memref<40x128xf32, #tpu.memory_space<vmem>>, vector<16xf32>,
          %parallel_loop3A_336 = arith.index_cast %parallel_loop3A_314 : i32 to index
          %parallel_loop3A_337 = arith.constant 112 : index
          %parallel_loop3A_338 = tpu.vector_load %arg13[%parallel_loop3A_336, %parallel_loop3A_337] {strides = array<i32>} : memref<40x128xf32, #tpu.memory_space<vmem>>, vector<16xf32>,
          %parallel_loop3A_339 = arith.index_cast %parallel_loop3A_314 : i32 to index
          %parallel_loop3A_340 = arith.constant 0 : index
          %parallel_loop3A_341 = tpu.vector_load %arg15[%parallel_loop3A_339, %parallel_loop3A_340] {strides = array<i32>} : memref<40x128xf32, #tpu.memory_space<vmem>>, vector<16xf32>,
          %parallel_loop3A_342 = arith.addf %parallel_loop3A_317, %parallel_loop3A_341 : vector<16xf32>
          %parallel_loop3A_343 = arith.index_cast %parallel_loop3A_314 : i32 to index
          %parallel_loop3A_344 = arith.constant 0 : index
          %parallel_loop3A_345 = tpu.vector_load %arg17[%parallel_loop3A_343, %parallel_loop3A_344] {strides = array<i32>} : memref<40x128xf32, #tpu.memory_space<vmem>>, vector<16xf32>,
          %parallel_loop3A_346 = arith.addf %parallel_loop3A_342, %parallel_loop3A_345 : vector<16xf32>
          %parallel_loop3A_347 = arith.constant 2.000000e-01 : f32
          %parallel_loop3A_348 = vector.broadcast %parallel_loop3A_347 : f32 to vector<16xf32>
          %parallel_loop3A_349 = arith.mulf %parallel_loop3A_348, %parallel_loop3A_346 : vector<16xf32>
          %parallel_loop3A_350 = arith.maximumf %parallel_loop3A_346, %parallel_loop3A_349 : vector<16xf32>
          %parallel_loop3A_351 = arith.mulf %parallel_loop3A_350, %get3A_52 : vector<16xf32>
          %parallel_loop3A_352 = arith.addf %broadcast_in_dim3A_5, %parallel_loop3A_351 : vector<16xf32>
          %parallel_loop3A_353 = arith.index_cast %parallel_loop3A_314 : i32 to index
          %parallel_loop3A_354 = arith.constant 16 : index
          %parallel_loop3A_355 = tpu.vector_load %arg15[%parallel_loop3A_353, %parallel_loop3A_354] {strides = array<i32>} : memref<40x128xf32, #tpu.memory_space<vmem>>, vector<16xf32>,
          %parallel_loop3A_356 = arith.addf %parallel_loop3A_320, %parallel_loop3A_355 : vector<16xf32>
          %parallel_loop3A_357 = arith.index_cast %parallel_loop3A_314 : i32 to index
          %parallel_loop3A_358 = arith.constant 16 : index
          %parallel_loop3A_359 = tpu.vector_load %arg17[%parallel_loop3A_357, %parallel_loop3A_358] {strides = array<i32>} : memref<40x128xf32, #tpu.memory_space<vmem>>, vector<16xf32>,
          %parallel_loop3A_360 = arith.addf %parallel_loop3A_356, %parallel_loop3A_359 : vector<16xf32>
          %parallel_loop3A_361 = arith.constant 2.000000e-01 : f32
          %parallel_loop3A_362 = vector.broadcast %parallel_loop3A_361 : f32 to vector<16xf32>
          %parallel_loop3A_363 = arith.mulf %parallel_loop3A_362, %parallel_loop3A_360 : vector<16xf32>
          %parallel_loop3A_364 = arith.maximumf %parallel_loop3A_360, %parallel_loop3A_363 : vector<16xf32>
          %parallel_loop3A_365 = arith.mulf %parallel_loop3A_364, %get3A_54 : vector<16xf32>
          %parallel_loop3A_366 = arith.addf %parallel_loop3A_352, %parallel_loop3A_365 : vector<16xf32>
          %parallel_loop3A_367 = arith.index_cast %parallel_loop3A_314 : i32 to index
          %parallel_loop3A_368 = arith.constant 32 : index
          %parallel_loop3A_369 = tpu.vector_load %arg15[%parallel_loop3A_367, %parallel_loop3A_368] {strides = array<i32>} : memref<40x128xf32, #tpu.memory_space<vmem>>, vector<16xf32>,
          %parallel_loop3A_370 = arith.addf %parallel_loop3A_323, %parallel_loop3A_369 : vector<16xf32>
          %parallel_loop3A_371 = arith.index_cast %parallel_loop3A_314 : i32 to index
          %parallel_loop3A_372 = arith.constant 32 : index
          %parallel_loop3A_373 = tpu.vector_load %arg17[%parallel_loop3A_371, %parallel_loop3A_372] {strides = array<i32>} : memref<40x128xf32, #tpu.memory_space<vmem>>, vector<16xf32>,
          %parallel_loop3A_374 = arith.addf %parallel_loop3A_370, %parallel_loop3A_373 : vector<16xf32>
          %parallel_loop3A_375 = arith.constant 2.000000e-01 : f32
          %parallel_loop3A_376 = vector.broadcast %parallel_loop3A_375 : f32 to vector<16xf32>
          %parallel_loop3A_377 = arith.mulf %parallel_loop3A_376, %parallel_loop3A_374 : vector<16xf32>
          %parallel_loop3A_378 = arith.maximumf %parallel_loop3A_374, %parallel_loop3A_377 : vector<16xf32>
          %parallel_loop3A_379 = arith.mulf %parallel_loop3A_378, %get3A_56 : vector<16xf32>
          %parallel_loop3A_380 = arith.addf %parallel_loop3A_366, %parallel_loop3A_379 : vector<16xf32>
          %parallel_loop3A_381 = arith.index_cast %parallel_loop3A_314 : i32 to index
          %parallel_loop3A_382 = arith.constant 48 : index
          %parallel_loop3A_383 = tpu.vector_load %arg15[%parallel_loop3A_381, %parallel_loop3A_382] {strides = array<i32>} : memref<40x128xf32, #tpu.memory_space<vmem>>, vector<16xf32>,
          %parallel_loop3A_384 = arith.addf %parallel_loop3A_326, %parallel_loop3A_383 : vector<16xf32>
          %parallel_loop3A_385 = arith.index_cast %parallel_loop3A_314 : i32 to index
          %parallel_loop3A_386 = arith.constant 48 : index
          %parallel_loop3A_387 = tpu.vector_load %arg17[%parallel_loop3A_385, %parallel_loop3A_386] {strides = array<i32>} : memref<40x128xf32, #tpu.memory_space<vmem>>, vector<16xf32>,
          %parallel_loop3A_388 = arith.addf %parallel_loop3A_384, %parallel_loop3A_387 : vector<16xf32>
          %parallel_loop3A_389 = arith.constant 2.000000e-01 : f32
          %parallel_loop3A_390 = vector.broadcast %parallel_loop3A_389 : f32 to vector<16xf32>
          %parallel_loop3A_391 = arith.mulf %parallel_loop3A_390, %parallel_loop3A_388 : vector<16xf32>
          %parallel_loop3A_392 = arith.maximumf %parallel_loop3A_388, %parallel_loop3A_391 : vector<16xf32>
          %parallel_loop3A_393 = arith.mulf %parallel_loop3A_392, %get3A_58 : vector<16xf32>
          %parallel_loop3A_394 = arith.addf %parallel_loop3A_380, %parallel_loop3A_393 : vector<16xf32>
          %parallel_loop3A_395 = arith.index_cast %parallel_loop3A_314 : i32 to index
          %parallel_loop3A_396 = arith.constant 64 : index
          %parallel_loop3A_397 = tpu.vector_load %arg15[%parallel_loop3A_395, %parallel_loop3A_396] {strides = array<i32>} : memref<40x128xf32, #tpu.memory_space<vmem>>, vector<16xf32>,
          %parallel_loop3A_398 = arith.addf %parallel_loop3A_329, %parallel_loop3A_397 : vector<16xf32>
          %parallel_loop3A_399 = arith.index_cast %parallel_loop3A_314 : i32 to index
          %parallel_loop3A_400 = arith.constant 64 : index
          %parallel_loop3A_401 = tpu.vector_load %arg17[%parallel_loop3A_399, %parallel_loop3A_400] {strides = array<i32>} : memref<40x128xf32, #tpu.memory_space<vmem>>, vector<16xf32>,
          %parallel_loop3A_402 = arith.addf %parallel_loop3A_398, %parallel_loop3A_401 : vector<16xf32>
          %parallel_loop3A_403 = arith.constant 2.000000e-01 : f32
          %parallel_loop3A_404 = vector.broadcast %parallel_loop3A_403 : f32 to vector<16xf32>
          %parallel_loop3A_405 = arith.mulf %parallel_loop3A_404, %parallel_loop3A_402 : vector<16xf32>
          %parallel_loop3A_406 = arith.maximumf %parallel_loop3A_402, %parallel_loop3A_405 : vector<16xf32>
          %parallel_loop3A_407 = arith.mulf %parallel_loop3A_406, %get3A_60 : vector<16xf32>
          %parallel_loop3A_408 = arith.addf %parallel_loop3A_394, %parallel_loop3A_407 : vector<16xf32>
          %parallel_loop3A_409 = arith.index_cast %parallel_loop3A_314 : i32 to index
          %parallel_loop3A_410 = arith.constant 80 : index
          %parallel_loop3A_411 = tpu.vector_load %arg15[%parallel_loop3A_409, %parallel_loop3A_410] {strides = array<i32>} : memref<40x128xf32, #tpu.memory_space<vmem>>, vector<16xf32>,
          %parallel_loop3A_412 = arith.addf %parallel_loop3A_332, %parallel_loop3A_411 : vector<16xf32>
          %parallel_loop3A_413 = arith.index_cast %parallel_loop3A_314 : i32 to index
          %parallel_loop3A_414 = arith.constant 80 : index
          %parallel_loop3A_415 = tpu.vector_load %arg17[%parallel_loop3A_413, %parallel_loop3A_414] {strides = array<i32>} : memref<40x128xf32, #tpu.memory_space<vmem>>, vector<16xf32>,
          %parallel_loop3A_416 = arith.addf %parallel_loop3A_412, %parallel_loop3A_415 : vector<16xf32>
          %parallel_loop3A_417 = arith.constant 2.000000e-01 : f32
          %parallel_loop3A_418 = vector.broadcast %parallel_loop3A_417 : f32 to vector<16xf32>
          %parallel_loop3A_419 = arith.mulf %parallel_loop3A_418, %parallel_loop3A_416 : vector<16xf32>
          %parallel_loop3A_420 = arith.maximumf %parallel_loop3A_416, %parallel_loop3A_419 : vector<16xf32>
          %parallel_loop3A_421 = arith.mulf %parallel_loop3A_420, %get3A_62 : vector<16xf32>
          %parallel_loop3A_422 = arith.addf %parallel_loop3A_408, %parallel_loop3A_421 : vector<16xf32>
          %parallel_loop3A_423 = arith.index_cast %parallel_loop3A_314 : i32 to index
          %parallel_loop3A_424 = arith.constant 96 : index
          %parallel_loop3A_425 = tpu.vector_load %arg15[%parallel_loop3A_423, %parallel_loop3A_424] {strides = array<i32>} : memref<40x128xf32, #tpu.memory_space<vmem>>, vector<16xf32>,
          %parallel_loop3A_426 = arith.addf %parallel_loop3A_335, %parallel_loop3A_425 : vector<16xf32>
          %parallel_loop3A_427 = arith.index_cast %parallel_loop3A_314 : i32 to index
          %parallel_loop3A_428 = arith.constant 96 : index
          %parallel_loop3A_429 = tpu.vector_load %arg17[%parallel_loop3A_427, %parallel_loop3A_428] {strides = array<i32>} : memref<40x128xf32, #tpu.memory_space<vmem>>, vector<16xf32>,
          %parallel_loop3A_430 = arith.addf %parallel_loop3A_426, %parallel_loop3A_429 : vector<16xf32>
          %parallel_loop3A_431 = arith.constant 2.000000e-01 : f32
          %parallel_loop3A_432 = vector.broadcast %parallel_loop3A_431 : f32 to vector<16xf32>
          %parallel_loop3A_433 = arith.mulf %parallel_loop3A_432, %parallel_loop3A_430 : vector<16xf32>
          %parallel_loop3A_434 = arith.maximumf %parallel_loop3A_430, %parallel_loop3A_433 : vector<16xf32>
          %parallel_loop3A_435 = arith.mulf %parallel_loop3A_434, %get3A_64 : vector<16xf32>
          %parallel_loop3A_436 = arith.addf %parallel_loop3A_422, %parallel_loop3A_435 : vector<16xf32>
          %parallel_loop3A_437 = arith.index_cast %parallel_loop3A_314 : i32 to index
          %parallel_loop3A_438 = arith.constant 112 : index
          %parallel_loop3A_439 = tpu.vector_load %arg15[%parallel_loop3A_437, %parallel_loop3A_438] {strides = array<i32>} : memref<40x128xf32, #tpu.memory_space<vmem>>, vector<16xf32>,
          %parallel_loop3A_440 = arith.addf %parallel_loop3A_338, %parallel_loop3A_439 : vector<16xf32>
          %parallel_loop3A_441 = arith.index_cast %parallel_loop3A_314 : i32 to index
          %parallel_loop3A_442 = arith.constant 112 : index
          %parallel_loop3A_443 = tpu.vector_load %arg17[%parallel_loop3A_441, %parallel_loop3A_442] {strides = array<i32>} : memref<40x128xf32, #tpu.memory_space<vmem>>, vector<16xf32>,
          %parallel_loop3A_444 = arith.addf %parallel_loop3A_440, %parallel_loop3A_443 : vector<16xf32>
          %parallel_loop3A_445 = arith.constant 2.000000e-01 : f32
          %parallel_loop3A_446 = vector.broadcast %parallel_loop3A_445 : f32 to vector<16xf32>
          %parallel_loop3A_447 = arith.mulf %parallel_loop3A_446, %parallel_loop3A_444 : vector<16xf32>
          %parallel_loop3A_448 = arith.maximumf %parallel_loop3A_444, %parallel_loop3A_447 : vector<16xf32>
          %parallel_loop3A_449 = arith.mulf %parallel_loop3A_448, %get3A_66 : vector<16xf32>
          %parallel_loop3A_450 = arith.addf %parallel_loop3A_436, %parallel_loop3A_449 : vector<16xf32>
          %parallel_loop3A_451 = arith.constant true
          %parallel_loop3A_452 = vector.broadcast %parallel_loop3A_451 : i1 to vector<16xi1>
          %parallel_loop3A_453 = tpu.scan <sum>, %parallel_loop3A_450 masked %parallel_loop3A_452 : vector<16xf32>, vector<16xi1> -> vector<16xf32>
          %parallel_loop3A_454 = vector.extract %parallel_loop3A_453[15] : f32 from vector<16xf32>
          %parallel_loop3A_455 = vector.broadcast %parallel_loop3A_454 : f32 to vector<16xf32>
          %parallel_loop3A_456 = math.exp %parallel_loop3A_455 : vector<16xf32>
          %parallel_loop3A_457 = arith.mulf %parallel_loop3A_317, %parallel_loop3A_456 : vector<16xf32>
          %parallel_loop3A_458 = arith.index_cast %parallel_loop3A_314 : i32 to index
          %parallel_loop3A_459 = arith.constant 0 : index
          %parallel_loop3A_460 = tpu.vector_load %arg13[%parallel_loop3A_458, %parallel_loop3A_459] {strides = array<i32>} : memref<40x128xf32, #tpu.memory_space<vmem>>, vector<16xf32>,
          tpu.vector_store %arg13[%parallel_loop3A_458, %parallel_loop3A_459], %parallel_loop3A_457 {strides = array<i32>} : memref<40x128xf32, #tpu.memory_space<vmem>>, vector<16xf32>,
          %parallel_loop3A_461 = arith.mulf %parallel_loop3A_320, %parallel_loop3A_456 : vector<16xf32>
          %parallel_loop3A_462 = arith.index_cast %parallel_loop3A_314 : i32 to index
          %parallel_loop3A_463 = arith.constant 16 : index
          %parallel_loop3A_464 = tpu.vector_load %arg13[%parallel_loop3A_462, %parallel_loop3A_463] {strides = array<i32>} : memref<40x128xf32, #tpu.memory_space<vmem>>, vector<16xf32>,
          tpu.vector_store %arg13[%parallel_loop3A_462, %parallel_loop3A_463], %parallel_loop3A_461 {strides = array<i32>} : memref<40x128xf32, #tpu.memory_space<vmem>>, vector<16xf32>,
          %parallel_loop3A_465 = arith.mulf %parallel_loop3A_323, %parallel_loop3A_456 : vector<16xf32>
          %parallel_loop3A_466 = arith.index_cast %parallel_loop3A_314 : i32 to index
          %parallel_loop3A_467 = arith.constant 32 : index
          %parallel_loop3A_468 = tpu.vector_load %arg13[%parallel_loop3A_466, %parallel_loop3A_467] {strides = array<i32>} : memref<40x128xf32, #tpu.memory_space<vmem>>, vector<16xf32>,
          tpu.vector_store %arg13[%parallel_loop3A_466, %parallel_loop3A_467], %parallel_loop3A_465 {strides = array<i32>} : memref<40x128xf32, #tpu.memory_space<vmem>>, vector<16xf32>,
          %parallel_loop3A_469 = arith.mulf %parallel_loop3A_326, %parallel_loop3A_456 : vector<16xf32>
          %parallel_loop3A_470 = arith.index_cast %parallel_loop3A_314 : i32 to index
          %parallel_loop3A_471 = arith.constant 48 : index
          %parallel_loop3A_472 = tpu.vector_load %arg13[%parallel_loop3A_470, %parallel_loop3A_471] {strides = array<i32>} : memref<40x128xf32, #tpu.memory_space<vmem>>, vector<16xf32>,
          tpu.vector_store %arg13[%parallel_loop3A_470, %parallel_loop3A_471], %parallel_loop3A_469 {strides = array<i32>} : memref<40x128xf32, #tpu.memory_space<vmem>>, vector<16xf32>,
          %parallel_loop3A_473 = arith.mulf %parallel_loop3A_329, %parallel_loop3A_456 : vector<16xf32>
          %parallel_loop3A_474 = arith.index_cast %parallel_loop3A_314 : i32 to index
          %parallel_loop3A_475 = arith.constant 64 : index
          %parallel_loop3A_476 = tpu.vector_load %arg13[%parallel_loop3A_474, %parallel_loop3A_475] {strides = array<i32>} : memref<40x128xf32, #tpu.memory_space<vmem>>, vector<16xf32>,
          tpu.vector_store %arg13[%parallel_loop3A_474, %parallel_loop3A_475], %parallel_loop3A_473 {strides = array<i32>} : memref<40x128xf32, #tpu.memory_space<vmem>>, vector<16xf32>,
          %parallel_loop3A_477 = arith.mulf %parallel_loop3A_332, %parallel_loop3A_456 : vector<16xf32>
          %parallel_loop3A_478 = arith.index_cast %parallel_loop3A_314 : i32 to index
          %parallel_loop3A_479 = arith.constant 80 : index
          %parallel_loop3A_480 = tpu.vector_load %arg13[%parallel_loop3A_478, %parallel_loop3A_479] {strides = array<i32>} : memref<40x128xf32, #tpu.memory_space<vmem>>, vector<16xf32>,
          tpu.vector_store %arg13[%parallel_loop3A_478, %parallel_loop3A_479], %parallel_loop3A_477 {strides = array<i32>} : memref<40x128xf32, #tpu.memory_space<vmem>>, vector<16xf32>,
          %parallel_loop3A_481 = arith.mulf %parallel_loop3A_335, %parallel_loop3A_456 : vector<16xf32>
          %parallel_loop3A_482 = arith.index_cast %parallel_loop3A_314 : i32 to index
          %parallel_loop3A_483 = arith.constant 96 : index
          %parallel_loop3A_484 = tpu.vector_load %arg13[%parallel_loop3A_482, %parallel_loop3A_483] {strides = array<i32>} : memref<40x128xf32, #tpu.memory_space<vmem>>, vector<16xf32>,
          tpu.vector_store %arg13[%parallel_loop3A_482, %parallel_loop3A_483], %parallel_loop3A_481 {strides = array<i32>} : memref<40x128xf32, #tpu.memory_space<vmem>>, vector<16xf32>,
          %parallel_loop3A_485 = arith.mulf %parallel_loop3A_338, %parallel_loop3A_456 : vector<16xf32>
          %parallel_loop3A_486 = arith.index_cast %parallel_loop3A_314 : i32 to index
          %parallel_loop3A_487 = arith.constant 112 : index
          %parallel_loop3A_488 = tpu.vector_load %arg13[%parallel_loop3A_486, %parallel_loop3A_487] {strides = array<i32>} : memref<40x128xf32, #tpu.memory_space<vmem>>, vector<16xf32>,
          tpu.vector_store %arg13[%parallel_loop3A_486, %parallel_loop3A_487], %parallel_loop3A_485 {strides = array<i32>} : memref<40x128xf32, #tpu.memory_space<vmem>>, vector<16xf32>,
          %parallel_loop3A_489 = arith.constant 16 : i32
          %parallel_loop3A_490 = arith.muli %parallel_loop3A_314, %parallel_loop3A_489 : i32
          %parallel_loop3A_491 = arith.index_cast %parallel_loop3A_490 : i32 to index
          %parallel_loop3A_492 = tpu.vector_load %arg18[%parallel_loop3A_491] {strides = array<i32>} : memref<768xf32, #tpu.memory_space<vmem>>, vector<16xf32>,
          tpu.vector_store %arg18[%parallel_loop3A_491], %parallel_loop3A_456 {strides = array<i32>} : memref<768xf32, #tpu.memory_space<vmem>>, vector<16xf32>,
        } {sc.loop_unroll_factor = 4 : i64, sc.parallel_access}
        %broadcast_in_dim3A_273 = vector.broadcast %add3A_269 : i32 to vector<16xi32>
        %add3A_274 = arith.constant 0 : i32
        %add3A_275 = vector.broadcast %add3A_274 : i32 to vector<16xi32>
        %add3A_276 = arith.addi %add3A_275, %iota3A : vector<16xi32>
        %gather3A_277 = tpu.vector_load_idx %arg11[%broadcast_in_dim3A_273, %add3A_276] : memref<11x40xi32, #tpu.memory_space<vmem>>[vector<16xi32>, vector<16xi32>], vector<16xi32>,
        %add3A_278 = arith.constant 0 : i32
        %add3A_279 = vector.broadcast %add3A_278 : i32 to vector<16xi32>
        %add3A_280 = arith.addi %add3A_279, %iota3A : vector<16xi32>
        %mul3A_281 = arith.constant 16 : i32
        %mul3A_282 = vector.broadcast %mul3A_281 : i32 to vector<16xi32>
        %mul3A_283 = arith.muli %add3A_280, %mul3A_282 : vector<16xi32>
        %gather3A_284 = tpu.vector_load_idx %arg18[%mul3A_283] : memref<768xf32, #tpu.memory_space<vmem>>[vector<16xi32>], vector<16xf32>,
        tpu.vector_store_idx %arg19[%gather3A_277], %gather3A_284 {add = true} : memref<10000xf32, #tpu.memory_space<vmem>>[vector<16xi32>], vector<16xf32>,
        %add3A_285 = arith.constant 16 : i32
        %add3A_286 = vector.broadcast %add3A_285 : i32 to vector<16xi32>
        %add3A_287 = arith.addi %add3A_286, %iota3A : vector<16xi32>
        %gather3A_288 = tpu.vector_load_idx %arg11[%broadcast_in_dim3A_273, %add3A_287] : memref<11x40xi32, #tpu.memory_space<vmem>>[vector<16xi32>, vector<16xi32>], vector<16xi32>,
        %add3A_289 = arith.constant 16 : i32
        %add3A_290 = vector.broadcast %add3A_289 : i32 to vector<16xi32>
        %add3A_291 = arith.addi %add3A_290, %iota3A : vector<16xi32>
        %mul3A_292 = arith.constant 16 : i32
        %mul3A_293 = vector.broadcast %mul3A_292 : i32 to vector<16xi32>
        %mul3A_294 = arith.muli %add3A_291, %mul3A_293 : vector<16xi32>
        %gather3A_295 = tpu.vector_load_idx %arg18[%mul3A_294] : memref<768xf32, #tpu.memory_space<vmem>>[vector<16xi32>], vector<16xf32>,
        tpu.vector_store_idx %arg19[%gather3A_288], %gather3A_295 {add = true} : memref<10000xf32, #tpu.memory_space<vmem>>[vector<16xi32>], vector<16xf32>,
        %add3A_296 = arith.constant 32 : i32
        %add3A_297 = vector.broadcast %add3A_296 : i32 to vector<16xi32>
        %add3A_298 = arith.addi %add3A_297, %iota3A : vector<16xi32>
        %gather3A_299 = tpu.vector_load_idx %arg11[%broadcast_in_dim3A_273, %add3A_298] masked %lt3A_68 : memref<11x40xi32, #tpu.memory_space<vmem>>[vector<16xi32>, vector<16xi32>], vector<16xi32>, vector<16xi1>
        %add3A_300 = arith.constant 32 : i32
        %add3A_301 = vector.broadcast %add3A_300 : i32 to vector<16xi32>
        %add3A_302 = arith.addi %add3A_301, %iota3A : vector<16xi32>
        %mul3A_303 = arith.constant 16 : i32
        %mul3A_304 = vector.broadcast %mul3A_303 : i32 to vector<16xi32>
        %mul3A_305 = arith.muli %add3A_302, %mul3A_304 : vector<16xi32>
        %gather3A_306 = tpu.vector_load_idx %arg18[%mul3A_305] masked %lt3A_68 : memref<768xf32, #tpu.memory_space<vmem>>[vector<16xi32>], vector<16xf32>, vector<16xi1>
        tpu.vector_store_idx %arg19[%gather3A_299], %gather3A_306 masked %lt3A_68 {add = true} : memref<10000xf32, #tpu.memory_space<vmem>>[vector<16xi32>], vector<16xf32>, vector<16xi1>
        %dma_start3A_307 = arith.constant 0 : i32
        %dma_start3A_308 = tpu.memref_slice %arg11[%add3A_269, %dma_start3A_307] : memref<11x40xi32, #tpu.memory_space<vmem>> -> memref<1x40xi32, #tpu.memory_space<vmem>>
        %dma_start3A_309 = tpu.memref_squeeze %dma_start3A_308 : memref<1x40xi32, #tpu.memory_space<vmem>> -> memref<40xi32, #tpu.memory_space<vmem>>
        %dma_start3A_310 = arith.constant 0 : i32
        %dma_start3A_311 = arith.constant 0 : i32
        %dma_start3A_312 = tpu.memref_slice %arg21[%dma_start3A_310, %dma_start3A_311] : memref<10000x128xf32, #tpu.memory_space<vmem_shared>> -> memref<10000x128xf32, #tpu.memory_space<vmem_shared>>
        tpu.enqueue_indirect_dma source(%arg13 : memref<40x128xf32, #tpu.memory_space<vmem>>) target(%dma_start3A_312 : memref<10000x128xf32, #tpu.memory_space<vmem_shared>>) offsets(%dma_start3A_309 : memref<40xi32, #tpu.memory_space<vmem>>) semaphore(%arg29 : memref<!tpu.dma_semaphore, #tpu.memory_space<semaphore_mem>>) {add = true}
        %scan3A_313 = arith.constant 0 : i32
        scf.yield %scan3A_313 : i32
      }
      %scan3A_137 = arith.constant 5 : i32
      %add3A_138 = arith.constant 1 : i32
      %add3A_139 = arith.addi %scan3A_129, %add3A_138 : i32
      %lt3A_140 = arith.constant 25 : i32
      %lt3A_141 = arith.cmpi slt, %add3A_139, %lt3A_140 : i32
      %convert_element_type3A = arith.extui %lt3A_141 : i1 to i32
      %cond3A = arith.constant 0 : i32
      %cond3A_142 = arith.cmpi ne, %convert_element_type3A, %cond3A : i32
      scf.if %cond3A_142 {
        %dma_wait3A_144 = arith.constant 0 : i32
        %dma_wait3A_145 = arith.constant 0 : i32
        %dma_wait3A_146 = tpu.memref_slice %arg11[%dma_wait3A_144, %dma_wait3A_145] : memref<11x40xi32, #tpu.memory_space<vmem>> -> memref<1x40xi32, #tpu.memory_space<vmem>>
        %dma_wait3A_147 = tpu.memref_squeeze %dma_wait3A_146 : memref<1x40xi32, #tpu.memory_space<vmem>> -> memref<40xi32, #tpu.memory_space<vmem>>
        %dma_wait3A_148 = arith.constant 0 : i32
        %dma_wait3A_149 = arith.constant 0 : i32
        %dma_wait3A_150 = tpu.memref_slice %arg21[%dma_wait3A_148, %dma_wait3A_149] : memref<10000x128xf32, #tpu.memory_space<vmem_shared>> -> memref<10000x128xf32, #tpu.memory_space<vmem_shared>>
        tpu.wait_indirect_dma semaphore(%arg28 : memref<!tpu.dma_semaphore, #tpu.memory_space<semaphore_mem>>) src(%arg12 : memref<40x128xf32, #tpu.memory_space<vmem>>) dst(%dma_wait3A_150 : memref<10000x128xf32, #tpu.memory_space<vmem_shared>>)
        %dma_wait3A_151 = arith.constant 0 : i32
        %dma_wait3A_152 = arith.constant 0 : i32
        %dma_wait3A_153 = tpu.memref_slice %arg11[%dma_wait3A_151, %dma_wait3A_152] : memref<11x40xi32, #tpu.memory_space<vmem>> -> memref<1x40xi32, #tpu.memory_space<vmem>>
        %dma_wait3A_154 = tpu.memref_squeeze %dma_wait3A_153 : memref<1x40xi32, #tpu.memory_space<vmem>> -> memref<40xi32, #tpu.memory_space<vmem>>
        %dma_wait3A_155 = arith.constant 0 : i32
        %dma_wait3A_156 = arith.constant 0 : i32
        %dma_wait3A_157 = tpu.memref_slice %arg21[%dma_wait3A_155, %dma_wait3A_156] : memref<10000x128xf32, #tpu.memory_space<vmem_shared>> -> memref<10000x128xf32, #tpu.memory_space<vmem_shared>>
        tpu.wait_indirect_dma semaphore(%arg29 : memref<!tpu.dma_semaphore, #tpu.memory_space<semaphore_mem>>) src(%arg13 : memref<40x128xf32, #tpu.memory_space<vmem>>) dst(%dma_wait3A_157 : memref<10000x128xf32, #tpu.memory_space<vmem_shared>>)
        %add3A_158 = arith.constant 1 : i32
        %add3A_159 = arith.addi %scan3A_129, %add3A_158 : i32
        %mul3A_160 = arith.constant 25 : i32
        %mul3A_161 = arith.muli %add3A, %mul3A_160 : i32
        %add3A_162 = arith.addi %mul3A_161, %add3A_159 : i32
        "tpu.region"() ({
          %run_scoped3A = tpu.sem_alloc : memref<!tpu.dma_semaphore, #tpu.memory_space<semaphore_mem>>
          %dma_start3A_188 = arith.constant 0 : i32
          %dma_start3A_189 = arith.constant 0 : i32
          %dma_start3A_190 = tpu.memref_slice %arg10[%dma_start3A_188, %dma_start3A_189] : memref<11x40xi32, #tpu.memory_space<vmem>> -> memref<10x40xi32, #tpu.memory_space<vmem>>
          %dma_start3A_191 = arith.constant 0 : i32
          %dma_start3A_192 = arith.constant 0 : i32
          %dma_start3A_193 = tpu.memref_slice %arg5[%add3A_162, %dma_start3A_191, %dma_start3A_192] : memref<800x10x40xi32, #tpu.memory_space<hbm>> -> memref<1x10x40xi32, #tpu.memory_space<hbm>>
          %dma_start3A_194 = tpu.memref_squeeze %dma_start3A_193 : memref<1x10x40xi32, #tpu.memory_space<hbm>> -> memref<10x40xi32, #tpu.memory_space<hbm>>
          %dma_start3A_195 = arith.constant 0 : i32
          %dma_start3A_196 = arith.constant 0 : i32
          %dma_start3A_197 = tpu.memref_slice %arg10[%dma_start3A_195, %dma_start3A_196] : memref<11x40xi32, #tpu.memory_space<vmem>> -> memref<10x40xi32, #tpu.memory_space<vmem>>
          %dma_start3A_198 = arith.constant 0 : i32
          %dma_start3A_199 = arith.constant 0 : i32
          %dma_start3A_200 = tpu.memref_slice %arg5[%add3A_162, %dma_start3A_198, %dma_start3A_199] : memref<800x10x40xi32, #tpu.memory_space<hbm>> -> memref<1x10x40xi32, #tpu.memory_space<hbm>>
          %dma_start3A_201 = tpu.memref_squeeze %dma_start3A_200 : memref<1x10x40xi32, #tpu.memory_space<hbm>> -> memref<10x40xi32, #tpu.memory_space<hbm>>
          tpu.enqueue_dma source(%dma_start3A_201 : memref<10x40xi32, #tpu.memory_space<hbm>>) target(%dma_start3A_197 : memref<10x40xi32, #tpu.memory_space<vmem>>) target_semaphore(%run_scoped3A : memref<!tpu.dma_semaphore, #tpu.memory_space<semaphore_mem>>)
          %dma_wait3A_202 = arith.constant 0 : i32
          %dma_wait3A_203 = arith.constant 0 : i32
          %dma_wait3A_204 = tpu.memref_slice %arg10[%dma_wait3A_202, %dma_wait3A_203] : memref<11x40xi32, #tpu.memory_space<vmem>> -> memref<10x40xi32, #tpu.memory_space<vmem>>
          %dma_wait3A_205 = arith.constant 0 : i32
          %dma_wait3A_206 = arith.constant 0 : i32
          %dma_wait3A_207 = tpu.memref_slice %arg5[%add3A_162, %dma_wait3A_205, %dma_wait3A_206] : memref<800x10x40xi32, #tpu.memory_space<hbm>> -> memref<1x10x40xi32, #tpu.memory_space<hbm>>
          %dma_wait3A_208 = tpu.memref_squeeze %dma_wait3A_207 : memref<1x10x40xi32, #tpu.memory_space<hbm>> -> memref<10x40xi32, #tpu.memory_space<hbm>>
          %dma_wait3A_209 = arith.constant 0 : i32
          %dma_wait3A_210 = arith.constant 0 : i32
          %dma_wait3A_211 = tpu.memref_slice %arg10[%dma_wait3A_209, %dma_wait3A_210] : memref<11x40xi32, #tpu.memory_space<vmem>> -> memref<10x40xi32, #tpu.memory_space<vmem>>
          %dma_wait3A_212 = arith.constant 0 : i32
          %dma_wait3A_213 = arith.constant 0 : i32
          %dma_wait3A_214 = tpu.memref_slice %arg5[%add3A_162, %dma_wait3A_212, %dma_wait3A_213] : memref<800x10x40xi32, #tpu.memory_space<hbm>> -> memref<1x10x40xi32, #tpu.memory_space<hbm>>
          %dma_wait3A_215 = tpu.memref_squeeze %dma_wait3A_214 : memref<1x10x40xi32, #tpu.memory_space<hbm>> -> memref<10x40xi32, #tpu.memory_space<hbm>>
          tpu.wait_dma2 semaphore(%run_scoped3A : memref<!tpu.dma_semaphore, #tpu.memory_space<semaphore_mem>>) src(%dma_wait3A_215 : memref<10x40xi32, #tpu.memory_space<hbm>>) dst(%dma_wait3A_211 : memref<10x40xi32, #tpu.memory_space<vmem>>)
          tpu.yield
        }) : () -> ()
        "tpu.region"() ({
          %run_scoped3A = tpu.sem_alloc : memref<!tpu.dma_semaphore, #tpu.memory_space<semaphore_mem>>
          %dma_start3A_188 = arith.constant 0 : i32
          %dma_start3A_189 = arith.constant 0 : i32
          %dma_start3A_190 = tpu.memref_slice %arg11[%dma_start3A_188, %dma_start3A_189] : memref<11x40xi32, #tpu.memory_space<vmem>> -> memref<10x40xi32, #tpu.memory_space<vmem>>
          %dma_start3A_191 = arith.constant 0 : i32
          %dma_start3A_192 = arith.constant 0 : i32
          %dma_start3A_193 = tpu.memref_slice %arg6[%add3A_162, %dma_start3A_191, %dma_start3A_192] : memref<800x10x40xi32, #tpu.memory_space<hbm>> -> memref<1x10x40xi32, #tpu.memory_space<hbm>>
          %dma_start3A_194 = tpu.memref_squeeze %dma_start3A_193 : memref<1x10x40xi32, #tpu.memory_space<hbm>> -> memref<10x40xi32, #tpu.memory_space<hbm>>
          %dma_start3A_195 = arith.constant 0 : i32
          %dma_start3A_196 = arith.constant 0 : i32
          %dma_start3A_197 = tpu.memref_slice %arg11[%dma_start3A_195, %dma_start3A_196] : memref<11x40xi32, #tpu.memory_space<vmem>> -> memref<10x40xi32, #tpu.memory_space<vmem>>
          %dma_start3A_198 = arith.constant 0 : i32
          %dma_start3A_199 = arith.constant 0 : i32
          %dma_start3A_200 = tpu.memref_slice %arg6[%add3A_162, %dma_start3A_198, %dma_start3A_199] : memref<800x10x40xi32, #tpu.memory_space<hbm>> -> memref<1x10x40xi32, #tpu.memory_space<hbm>>
          %dma_start3A_201 = tpu.memref_squeeze %dma_start3A_200 : memref<1x10x40xi32, #tpu.memory_space<hbm>> -> memref<10x40xi32, #tpu.memory_space<hbm>>
          tpu.enqueue_dma source(%dma_start3A_201 : memref<10x40xi32, #tpu.memory_space<hbm>>) target(%dma_start3A_197 : memref<10x40xi32, #tpu.memory_space<vmem>>) target_semaphore(%run_scoped3A : memref<!tpu.dma_semaphore, #tpu.memory_space<semaphore_mem>>)
          %dma_wait3A_202 = arith.constant 0 : i32
          %dma_wait3A_203 = arith.constant 0 : i32
          %dma_wait3A_204 = tpu.memref_slice %arg11[%dma_wait3A_202, %dma_wait3A_203] : memref<11x40xi32, #tpu.memory_space<vmem>> -> memref<10x40xi32, #tpu.memory_space<vmem>>
          %dma_wait3A_205 = arith.constant 0 : i32
          %dma_wait3A_206 = arith.constant 0 : i32
          %dma_wait3A_207 = tpu.memref_slice %arg6[%add3A_162, %dma_wait3A_205, %dma_wait3A_206] : memref<800x10x40xi32, #tpu.memory_space<hbm>> -> memref<1x10x40xi32, #tpu.memory_space<hbm>>
          %dma_wait3A_208 = tpu.memref_squeeze %dma_wait3A_207 : memref<1x10x40xi32, #tpu.memory_space<hbm>> -> memref<10x40xi32, #tpu.memory_space<hbm>>
          %dma_wait3A_209 = arith.constant 0 : i32
          %dma_wait3A_210 = arith.constant 0 : i32
          %dma_wait3A_211 = tpu.memref_slice %arg11[%dma_wait3A_209, %dma_wait3A_210] : memref<11x40xi32, #tpu.memory_space<vmem>> -> memref<10x40xi32, #tpu.memory_space<vmem>>
          %dma_wait3A_212 = arith.constant 0 : i32
          %dma_wait3A_213 = arith.constant 0 : i32
          %dma_wait3A_214 = tpu.memref_slice %arg6[%add3A_162, %dma_wait3A_212, %dma_wait3A_213] : memref<800x10x40xi32, #tpu.memory_space<hbm>> -> memref<1x10x40xi32, #tpu.memory_space<hbm>>
          %dma_wait3A_215 = tpu.memref_squeeze %dma_wait3A_214 : memref<1x10x40xi32, #tpu.memory_space<hbm>> -> memref<10x40xi32, #tpu.memory_space<hbm>>
          tpu.wait_dma2 semaphore(%run_scoped3A : memref<!tpu.dma_semaphore, #tpu.memory_space<semaphore_mem>>) src(%dma_wait3A_215 : memref<10x40xi32, #tpu.memory_space<hbm>>) dst(%dma_wait3A_211 : memref<10x40xi32, #tpu.memory_space<vmem>>)
          tpu.yield
        }) : () -> ()
        %add3A_163 = arith.constant 1 : i32
        %add3A_164 = arith.addi %scan3A_129, %add3A_163 : i32
        %mul3A_165 = arith.constant 400 : i32
        %mul3A_166 = arith.muli %add3A_164, %mul3A_165 : i32
        %add3A_167 = arith.addi %mul3A_2, %mul3A_166 : i32
        %add3A_168 = arith.constant 0 : i32
        %add3A_169 = arith.addi %add3A_167, %add3A_168 : i32
        %dma_start3A_170 = arith.constant 0 : i32
        %dma_start3A_171 = arith.constant 0 : i32
        %dma_start3A_172 = tpu.memref_slice %arg10[%dma_start3A_170, %dma_start3A_171] : memref<11x40xi32, #tpu.memory_space<vmem>> -> memref<1x40xi32, #tpu.memory_space<vmem>>
        %dma_start3A_173 = tpu.memref_squeeze %dma_start3A_172 : memref<1x40xi32, #tpu.memory_space<vmem>> -> memref<40xi32, #tpu.memory_space<vmem>>
        %dma_start3A_174 = arith.constant 0 : i32
        %dma_start3A_175 = arith.constant 0 : i32
        %dma_start3A_176 = tpu.memref_slice %arg2[%dma_start3A_174, %dma_start3A_175] : memref<10000x128xf32, #tpu.memory_space<hbm>> -> memref<10000x128xf32, #tpu.memory_space<hbm>>
        tpu.enqueue_indirect_dma source(%dma_start3A_176 : memref<10000x128xf32, #tpu.memory_space<hbm>>) target(%arg12 : memref<40x128xf32, #tpu.memory_space<vmem>>) offsets(%dma_start3A_173 : memref<40xi32, #tpu.memory_space<vmem>>) semaphore(%arg22 : memref<!tpu.dma_semaphore, #tpu.memory_space<semaphore_mem>>)
        %dma_start3A_177 = arith.constant 0 : i32
        %dma_start3A_178 = arith.constant 0 : i32
        %dma_start3A_179 = tpu.memref_slice %arg11[%dma_start3A_177, %dma_start3A_178] : memref<11x40xi32, #tpu.memory_space<vmem>> -> memref<1x40xi32, #tpu.memory_space<vmem>>
        %dma_start3A_180 = tpu.memref_squeeze %dma_start3A_179 : memref<1x40xi32, #tpu.memory_space<vmem>> -> memref<40xi32, #tpu.memory_space<vmem>>
        %dma_start3A_181 = arith.constant 0 : i32
        %dma_start3A_182 = arith.constant 0 : i32
        %dma_start3A_183 = tpu.memref_slice %arg3[%dma_start3A_181, %dma_start3A_182] : memref<10000x128xf32, #tpu.memory_space<hbm>> -> memref<10000x128xf32, #tpu.memory_space<hbm>>
        tpu.enqueue_indirect_dma source(%dma_start3A_183 : memref<10000x128xf32, #tpu.memory_space<hbm>>) target(%arg14 : memref<40x128xf32, #tpu.memory_space<vmem>>) offsets(%dma_start3A_180 : memref<40xi32, #tpu.memory_space<vmem>>) semaphore(%arg24 : memref<!tpu.dma_semaphore, #tpu.memory_space<semaphore_mem>>)
        %dma_start3A_184 = arith.constant 0 : i32
        %dma_start3A_185 = tpu.memref_slice %arg4[%add3A_169, %dma_start3A_184] : memref<320000x128xf32, #tpu.memory_space<hbm>> -> memref<40x128xf32, #tpu.memory_space<hbm>>
        %dma_start3A_186 = arith.constant 0 : i32
        %dma_start3A_187 = tpu.memref_slice %arg4[%add3A_169, %dma_start3A_186] : memref<320000x128xf32, #tpu.memory_space<hbm>> -> memref<40x128xf32, #tpu.memory_space<hbm>>
        tpu.enqueue_dma source(%dma_start3A_187 : memref<40x128xf32, #tpu.memory_space<hbm>>) target(%arg16 : memref<40x128xf32, #tpu.memory_space<vmem>>) target_semaphore(%arg26 : memref<!tpu.dma_semaphore, #tpu.memory_space<semaphore_mem>>)
      } else {
      }
      %scan3A_143 = arith.constant 0 : i32
      scf.yield %scan3A_143 : i32
    }
    %scan3A_100 = arith.constant 25 : i32
    %dma_wait3A = arith.constant 0 : i32
    %dma_wait3A_101 = arith.constant 0 : i32
    %dma_wait3A_102 = tpu.memref_slice %arg11[%dma_wait3A, %dma_wait3A_101] : memref<11x40xi32, #tpu.memory_space<vmem>> -> memref<1x40xi32, #tpu.memory_space<vmem>>
    %dma_wait3A_103 = tpu.memref_squeeze %dma_wait3A_102 : memref<1x40xi32, #tpu.memory_space<vmem>> -> memref<40xi32, #tpu.memory_space<vmem>>
    %dma_wait3A_104 = arith.constant 0 : i32
    %dma_wait3A_105 = arith.constant 0 : i32
    %dma_wait3A_106 = tpu.memref_slice %arg21[%dma_wait3A_104, %dma_wait3A_105] : memref<10000x128xf32, #tpu.memory_space<vmem_shared>> -> memref<10000x128xf32, #tpu.memory_space<vmem_shared>>
    tpu.wait_indirect_dma semaphore(%arg28 : memref<!tpu.dma_semaphore, #tpu.memory_space<semaphore_mem>>) src(%arg12 : memref<40x128xf32, #tpu.memory_space<vmem>>) dst(%dma_wait3A_106 : memref<10000x128xf32, #tpu.memory_space<vmem_shared>>)
    %dma_wait3A_107 = arith.constant 0 : i32
    %dma_wait3A_108 = arith.constant 0 : i32
    %dma_wait3A_109 = tpu.memref_slice %arg11[%dma_wait3A_107, %dma_wait3A_108] : memref<11x40xi32, #tpu.memory_space<vmem>> -> memref<1x40xi32, #tpu.memory_space<vmem>>
    %dma_wait3A_110 = tpu.memref_squeeze %dma_wait3A_109 : memref<1x40xi32, #tpu.memory_space<vmem>> -> memref<40xi32, #tpu.memory_space<vmem>>
    %dma_wait3A_111 = arith.constant 0 : i32
    %dma_wait3A_112 = arith.constant 0 : i32
    %dma_wait3A_113 = tpu.memref_slice %arg21[%dma_wait3A_111, %dma_wait3A_112] : memref<10000x128xf32, #tpu.memory_space<vmem_shared>> -> memref<10000x128xf32, #tpu.memory_space<vmem_shared>>
    tpu.wait_indirect_dma semaphore(%arg29 : memref<!tpu.dma_semaphore, #tpu.memory_space<semaphore_mem>>) src(%arg13 : memref<40x128xf32, #tpu.memory_space<vmem>>) dst(%dma_wait3A_113 : memref<10000x128xf32, #tpu.memory_space<vmem_shared>>)
    %mul3A_114 = arith.constant 10000 : i32
    %mul3A_115 = arith.muli %add3A, %mul3A_114 : i32
    "tpu.region"() ({
      %run_scoped3A = tpu.sem_alloc : memref<!tpu.dma_semaphore, #tpu.memory_space<semaphore_mem>>
      %dma_start3A_129 = tpu.memref_slice %arg9[%mul3A_115] : memref<320000xf32, #tpu.memory_space<hbm>> -> memref<10000xf32, #tpu.memory_space<hbm>>
      %dma_start3A_130 = tpu.memref_slice %arg9[%mul3A_115] : memref<320000xf32, #tpu.memory_space<hbm>> -> memref<10000xf32, #tpu.memory_space<hbm>>
      tpu.enqueue_dma source(%arg19 : memref<10000xf32, #tpu.memory_space<vmem>>) target(%dma_start3A_130 : memref<10000xf32, #tpu.memory_space<hbm>>) target_semaphore(%run_scoped3A : memref<!tpu.dma_semaphore, #tpu.memory_space<semaphore_mem>>)
      %dma_wait3A_131 = tpu.memref_slice %arg9[%mul3A_115] : memref<320000xf32, #tpu.memory_space<hbm>> -> memref<10000xf32, #tpu.memory_space<hbm>>
      %dma_wait3A_132 = tpu.memref_slice %arg9[%mul3A_115] : memref<320000xf32, #tpu.memory_space<hbm>> -> memref<10000xf32, #tpu.memory_space<hbm>>
      tpu.wait_dma2 semaphore(%run_scoped3A : memref<!tpu.dma_semaphore, #tpu.memory_space<semaphore_mem>>) src(%arg19 : memref<10000xf32, #tpu.memory_space<vmem>>) dst(%dma_wait3A_132 : memref<10000xf32, #tpu.memory_space<hbm>>)
      tpu.yield
    }) : () -> ()
    %barrier3A_116 = arith.constant 0 : index
    tpu.barrier barrier_id(%barrier3A_116)
    %while3A_117 = arith.constant 0 : i32
    %while3A_118 = arith.constant 0 : i32
    %while3A_119 = arith.subi %select_n3A, %while3A_117 : i32
    %while3A_120 = arith.addi %while3A_117, %while3A_119 : i32
    %while3A_121 = arith.constant 1 : i32
    %while3A_122 = arith.divsi %while3A_119, %while3A_121 : i32
    %while3A_123 = arith.muli %while3A_122, %while3A_121 : i32
    %while3A_124 = arith.addi %while3A_117, %while3A_123 : i32
    %while3A_125 = arith.constant 1 : i32
    %while3A_126 = scf.for %while3A_129 = %while3A_117 to %while3A_124 step %while3A_125 iter_args(%while3A_130 = %while3A_118) -> (i32)  : i32 {
      %mul3A_131 = arith.constant 16 : i32
      %mul3A_132 = arith.muli %while3A_129, %mul3A_131 : i32
      %add3A_133 = arith.addi %arg1, %mul3A_132 : i32
      %mul3A_134 = arith.constant 40 : i32
      %mul3A_135 = arith.muli %add3A_133, %mul3A_134 : i32
      %mul3A_136 = arith.constant 40 : i32
      %mul3A_137 = arith.muli %add3A_133, %mul3A_136 : i32
      "tpu.region"() ({
        %run_scoped3A = tpu.sem_alloc : memref<!tpu.dma_semaphore, #tpu.memory_space<semaphore_mem>>
        %dma_start3A_139 = arith.constant 0 : i32
        %dma_start3A_140 = tpu.memref_slice %arg8[%arg0, %mul3A_137, %dma_start3A_139] : memref<2x10000x128xf32, #tpu.memory_space<hbm>> -> memref<1x40x128xf32, #tpu.memory_space<hbm>>
        %dma_start3A_141 = tpu.memref_squeeze %dma_start3A_140 : memref<1x40x128xf32, #tpu.memory_space<hbm>> -> memref<40x128xf32, #tpu.memory_space<hbm>>
        %dma_start3A_142 = arith.constant 0 : i32
        %dma_start3A_143 = tpu.memref_slice %arg21[%mul3A_135, %dma_start3A_142] : memref<10000x128xf32, #tpu.memory_space<vmem_shared>> -> memref<40x128xf32, #tpu.memory_space<vmem_shared>>
        tpu.enqueue_dma source(%dma_start3A_143 : memref<40x128xf32, #tpu.memory_space<vmem_shared>>) target(%dma_start3A_141 : memref<40x128xf32, #tpu.memory_space<hbm>>) target_semaphore(%run_scoped3A : memref<!tpu.dma_semaphore, #tpu.memory_space<semaphore_mem>>)
        %dma_wait3A_144 = arith.constant 0 : i32
        %dma_wait3A_145 = tpu.memref_slice %arg8[%arg0, %mul3A_137, %dma_wait3A_144] : memref<2x10000x128xf32, #tpu.memory_space<hbm>> -> memref<1x40x128xf32, #tpu.memory_space<hbm>>
        %dma_wait3A_146 = tpu.memref_squeeze %dma_wait3A_145 : memref<1x40x128xf32, #tpu.memory_space<hbm>> -> memref<40x128xf32, #tpu.memory_space<hbm>>
        %dma_wait3A_147 = arith.constant 0 : i32
        %dma_wait3A_148 = tpu.memref_slice %arg21[%mul3A_135, %dma_wait3A_147] : memref<10000x128xf32, #tpu.memory_space<vmem_shared>> -> memref<40x128xf32, #tpu.memory_space<vmem_shared>>
        tpu.wait_dma2 semaphore(%run_scoped3A : memref<!tpu.dma_semaphore, #tpu.memory_space<semaphore_mem>>) src(%dma_wait3A_148 : memref<40x128xf32, #tpu.memory_space<vmem_shared>>) dst(%dma_wait3A_146 : memref<40x128xf32, #tpu.memory_space<hbm>>)
        tpu.yield
      }) : () -> ()
      %while3A_138 = arith.constant 0 : i32
      scf.yield %while3A_138 : i32
    }
    %while3A_127 = arith.constant 1 : i32
    %while3A_128 = scf.for %while3A_129 = %while3A_124 to %while3A_120 step %while3A_127 iter_args(%while3A_130 = %while3A_126) -> (i32)  : i32 {
      %mul3A_131 = arith.constant 16 : i32
      %mul3A_132 = arith.muli %while3A_129, %mul3A_131 : i32
      %add3A_133 = arith.addi %arg1, %mul3A_132 : i32
      %mul3A_134 = arith.constant 40 : i32
      %mul3A_135 = arith.muli %add3A_133, %mul3A_134 : i32
      %mul3A_136 = arith.constant 40 : i32
      %mul3A_137 = arith.muli %add3A_133, %mul3A_136 : i32
      "tpu.region"() ({
        %run_scoped3A = tpu.sem_alloc : memref<!tpu.dma_semaphore, #tpu.memory_space<semaphore_mem>>
        %dma_start3A_139 = arith.constant 0 : i32
        %dma_start3A_140 = tpu.memref_slice %arg8[%arg0, %mul3A_137, %dma_start3A_139] : memref<2x10000x128xf32, #tpu.memory_space<hbm>> -> memref<1x40x128xf32, #tpu.memory_space<hbm>>
        %dma_start3A_141 = tpu.memref_squeeze %dma_start3A_140 : memref<1x40x128xf32, #tpu.memory_space<hbm>> -> memref<40x128xf32, #tpu.memory_space<hbm>>
        %dma_start3A_142 = arith.constant 0 : i32
        %dma_start3A_143 = tpu.memref_slice %arg21[%mul3A_135, %dma_start3A_142] : memref<10000x128xf32, #tpu.memory_space<vmem_shared>> -> memref<40x128xf32, #tpu.memory_space<vmem_shared>>
        tpu.enqueue_dma source(%dma_start3A_143 : memref<40x128xf32, #tpu.memory_space<vmem_shared>>) target(%dma_start3A_141 : memref<40x128xf32, #tpu.memory_space<hbm>>) target_semaphore(%run_scoped3A : memref<!tpu.dma_semaphore, #tpu.memory_space<semaphore_mem>>)
        %dma_wait3A_144 = arith.constant 0 : i32
        %dma_wait3A_145 = tpu.memref_slice %arg8[%arg0, %mul3A_137, %dma_wait3A_144] : memref<2x10000x128xf32, #tpu.memory_space<hbm>> -> memref<1x40x128xf32, #tpu.memory_space<hbm>>
        %dma_wait3A_146 = tpu.memref_squeeze %dma_wait3A_145 : memref<1x40x128xf32, #tpu.memory_space<hbm>> -> memref<40x128xf32, #tpu.memory_space<hbm>>
        %dma_wait3A_147 = arith.constant 0 : i32
        %dma_wait3A_148 = tpu.memref_slice %arg21[%mul3A_135, %dma_wait3A_147] : memref<10000x128xf32, #tpu.memory_space<vmem_shared>> -> memref<40x128xf32, #tpu.memory_space<vmem_shared>>
        tpu.wait_dma2 semaphore(%run_scoped3A : memref<!tpu.dma_semaphore, #tpu.memory_space<semaphore_mem>>) src(%dma_wait3A_148 : memref<40x128xf32, #tpu.memory_space<vmem_shared>>) dst(%dma_wait3A_146 : memref<40x128xf32, #tpu.memory_space<hbm>>)
        tpu.yield
      }) : () -> ()
      %while3A_138 = arith.constant 0 : i32
      scf.yield %while3A_138 : i32
    }
    return
  }
}

#map = affine_map<(d0, d1) -> (0, 0)>
#map1 = affine_map<(d0, d1) -> (0, 0, 0)>
#map2 = affine_map<(d0, d1) -> (0)>
module attributes {stable_mosaic.version = 14 : i64} {
  func.func @_edge_kernel(%arg0: i32, %arg1: i32, %arg2: memref<10000x128xf32, #tpu.memory_space<hbm>>, %arg3: memref<10000x128xf32, #tpu.memory_space<hbm>>, %arg4: memref<320000x128xf32, #tpu.memory_space<hbm>>, %arg5: memref<800x10x40xi32, #tpu.memory_space<hbm>>, %arg6: memref<800x10x40xi32, #tpu.memory_space<hbm>>, %arg7: memref<128xf32, #tpu.memory_space<hbm>>, %arg8: memref<2x10000x128xf32, #tpu.memory_space<hbm>>, %arg9: memref<320000xf32, #tpu.memory_space<hbm>>, %arg10: memref<11x40xi32, #tpu.memory_space<vmem>>, %arg11: memref<11x40xi32, #tpu.memory_space<vmem>>, %arg12: memref<40x128xf32, #tpu.memory_space<vmem>>, %arg13: memref<40x128xf32, #tpu.memory_space<vmem>>, %arg14: memref<40x128xf32, #tpu.memory_space<vmem>>, %arg15: memref<40x128xf32, #tpu.memory_space<vmem>>, %arg16: memref<40x128xf32, #tpu.memory_space<vmem>>, %arg17: memref<40x128xf32, #tpu.memory_space<vmem>>, %arg18: memref<768xf32, #tpu.memory_space<vmem>>, %arg19: memref<10000xf32, #tpu.memory_space<vmem>>, %arg20: memref<128xf32, #tpu.memory_space<vmem>>, %arg21: memref<10000x128xf32, #tpu.memory_space<vmem_shared>>, %arg22: memref<!tpu.dma_semaphore, #tpu.memory_space<semaphore_mem>>, %arg23: memref<!tpu.dma_semaphore, #tpu.memory_space<semaphore_mem>>, %arg24: memref<!tpu.dma_semaphore, #tpu.memory_space<semaphore_mem>>, %arg25: memref<!tpu.dma_semaphore, #tpu.memory_space<semaphore_mem>>, %arg26: memref<!tpu.dma_semaphore, #tpu.memory_space<semaphore_mem>>, %arg27: memref<!tpu.dma_semaphore, #tpu.memory_space<semaphore_mem>>, %arg28: memref<!tpu.dma_semaphore, #tpu.memory_space<semaphore_mem>>, %arg29: memref<!tpu.dma_semaphore, #tpu.memory_space<semaphore_mem>>, %arg30: memref<!tpu.dma_semaphore, #tpu.memory_space<semaphore_mem>>) attributes {dimension_semantics = [#tpu.dimension_semantics<core_parallel>, #tpu.dimension_semantics<subcore_parallel>], iteration_bounds = array<i64: 2, 16>, scalar_prefetch = 0 : i64, scratch_operands = 21 : i64, tpu.core_type = #tpu.core_type<sc_vector_subcore>, window_params = [{transform_indices = #map}, {transform_indices = #map}, {transform_indices = #map}, {transform_indices = #map1}, {transform_indices = #map1}, {transform_indices = #map2}, {transform_indices = #map1}, {transform_indices = #map2}]} {
    %mul3A = arith.constant 2 : i32
    %mul3A_0 = arith.muli %arg1, %mul3A : i32
    %add3A = arith.addi %mul3A_0, %arg0 : i32
    %mul3A_1 = arith.constant 10000 : i32
    %mul3A_2 = arith.muli %add3A, %mul3A_1 : i32
    %mul3A_3 = arith.constant 250 : i32
    %mul3A_4 = arith.muli %add3A, %mul3A_3 : i32
    %broadcast_in_dim3A = arith.constant 0.000000e+00 : f32
    %broadcast_in_dim3A_5 = vector.broadcast %broadcast_in_dim3A : f32 to vector<16xf32>
    %scan3A = arith.constant 0 : i32
    %scan3A_6 = arith.constant 0 : i32
    %scan3A_7 = arith.constant 625 : i32
    %scan3A_8 = arith.addi %scan3A_6, %scan3A_7 : i32
    %scan3A_9 = arith.constant 1 : i32
    %scan3A_10 = scf.for %scan3A_129 = %scan3A_6 to %scan3A_8 step %scan3A_9 iter_args(%scan3A_130 = %scan3A) -> (i32)  : i32 {
      %mul3A_131 = arith.constant 16 : i32
      %mul3A_132 = arith.muli %scan3A_129, %mul3A_131 : i32
      %swap3A = arith.index_cast %mul3A_132 : i32 to index
      %swap3A_133 = tpu.vector_load %arg19[%swap3A] {strides = array<i32>} : memref<10000xf32, #tpu.memory_space<vmem>>, vector<16xf32>,
      tpu.vector_store %arg19[%swap3A], %broadcast_in_dim3A_5 {strides = array<i32>} : memref<10000xf32, #tpu.memory_space<vmem>>, vector<16xf32>,
      %scan3A_134 = arith.constant 0 : i32
      scf.yield %scan3A_134 : i32
    }
    %scan3A_11 = arith.constant 625 : i32
    %scan3A_12 = arith.constant 0 : i32
    %scan3A_13 = arith.constant 0 : i32
    %scan3A_14 = arith.constant 40 : i32
    %scan3A_15 = arith.addi %scan3A_13, %scan3A_14 : i32
    %scan3A_16 = arith.constant 1 : i32
    %scan3A_17 = scf.for %scan3A_129 = %scan3A_13 to %scan3A_15 step %scan3A_16 iter_args(%scan3A_130 = %scan3A_12) -> (i32)  : i32 {
      %swap3A = arith.index_cast %scan3A_129 : i32 to index
      %swap3A_131 = arith.constant 0 : index
      %swap3A_132 = tpu.vector_load %arg12[%swap3A, %swap3A_131] {strides = array<i32>} : memref<40x128xf32, #tpu.memory_space<vmem>>, vector<16xf32>,
      tpu.vector_store %arg12[%swap3A, %swap3A_131], %broadcast_in_dim3A_5 {strides = array<i32>} : memref<40x128xf32, #tpu.memory_space<vmem>>, vector<16xf32>,
      %swap3A_133 = arith.index_cast %scan3A_129 : i32 to index
      %swap3A_134 = arith.constant 16 : index
      %swap3A_135 = tpu.vector_load %arg12[%swap3A_133, %swap3A_134] {strides = array<i32>} : memref<40x128xf32, #tpu.memory_space<vmem>>, vector<16xf32>,
      tpu.vector_store %arg12[%swap3A_133, %swap3A_134], %broadcast_in_dim3A_5 {strides = array<i32>} : memref<40x128xf32, #tpu.memory_space<vmem>>, vector<16xf32>,
      %swap3A_136 = arith.index_cast %scan3A_129 : i32 to index
      %swap3A_137 = arith.constant 32 : index
      %swap3A_138 = tpu.vector_load %arg12[%swap3A_136, %swap3A_137] {strides = array<i32>} : memref<40x128xf32, #tpu.memory_space<vmem>>, vector<16xf32>,
      tpu.vector_store %arg12[%swap3A_136, %swap3A_137], %broadcast_in_dim3A_5 {strides = array<i32>} : memref<40x128xf32, #tpu.memory_space<vmem>>, vector<16xf32>,
      %swap3A_139 = arith.index_cast %scan3A_129 : i32 to index
      %swap3A_140 = arith.constant 48 : index
      %swap3A_141 = tpu.vector_load %arg12[%swap3A_139, %swap3A_140] {strides = array<i32>} : memref<40x128xf32, #tpu.memory_space<vmem>>, vector<16xf32>,
      tpu.vector_store %arg12[%swap3A_139, %swap3A_140], %broadcast_in_dim3A_5 {strides = array<i32>} : memref<40x128xf32, #tpu.memory_space<vmem>>, vector<16xf32>,
      %swap3A_142 = arith.index_cast %scan3A_129 : i32 to index
      %swap3A_143 = arith.constant 64 : index
      %swap3A_144 = tpu.vector_load %arg12[%swap3A_142, %swap3A_143] {strides = array<i32>} : memref<40x128xf32, #tpu.memory_space<vmem>>, vector<16xf32>,
      tpu.vector_store %arg12[%swap3A_142, %swap3A_143], %broadcast_in_dim3A_5 {strides = array<i32>} : memref<40x128xf32, #tpu.memory_space<vmem>>, vector<16xf32>,
      %swap3A_145 = arith.index_cast %scan3A_129 : i32 to index
      %swap3A_146 = arith.constant 80 : index
      %swap3A_147 = tpu.vector_load %arg12[%swap3A_145, %swap3A_146] {strides = array<i32>} : memref<40x128xf32, #tpu.memory_space<vmem>>, vector<16xf32>,
      tpu.vector_store %arg12[%swap3A_145, %swap3A_146], %broadcast_in_dim3A_5 {strides = array<i32>} : memref<40x128xf32, #tpu.memory_space<vmem>>, vector<16xf32>,
      %swap3A_148 = arith.index_cast %scan3A_129 : i32 to index
      %swap3A_149 = arith.constant 96 : index
      %swap3A_150 = tpu.vector_load %arg12[%swap3A_148, %swap3A_149] {strides = array<i32>} : memref<40x128xf32, #tpu.memory_space<vmem>>, vector<16xf32>,
      tpu.vector_store %arg12[%swap3A_148, %swap3A_149], %broadcast_in_dim3A_5 {strides = array<i32>} : memref<40x128xf32, #tpu.memory_space<vmem>>, vector<16xf32>,
      %swap3A_151 = arith.index_cast %scan3A_129 : i32 to index
      %swap3A_152 = arith.constant 112 : index
      %swap3A_153 = tpu.vector_load %arg12[%swap3A_151, %swap3A_152] {strides = array<i32>} : memref<40x128xf32, #tpu.memory_space<vmem>>, vector<16xf32>,
      tpu.vector_store %arg12[%swap3A_151, %swap3A_152], %broadcast_in_dim3A_5 {strides = array<i32>} : memref<40x128xf32, #tpu.memory_space<vmem>>, vector<16xf32>,
      %scan3A_154 = arith.constant 0 : i32
      scf.yield %scan3A_154 : i32
    }
    %scan3A_18 = arith.constant 40 : i32
    %sub3A = arith.constant 250 : i32
    %sub3A_19 = arith.subi %sub3A, %arg1 : i32
    %add3A_20 = arith.constant 16 : i32
    %add3A_21 = arith.addi %sub3A_19, %add3A_20 : i32
    %sub3A_22 = arith.constant 1 : i32
    %sub3A_23 = arith.subi %add3A_21, %sub3A_22 : i32
    %jit3A = arith.constant 16 : i32
    %div3A = arith.divsi %sub3A_23, %jit3A : i32
    %sign3A = arith.constant 0 : i32
    %sign3A_24 = arith.cmpi sgt, %sub3A_23, %sign3A : i32
    %sign3A_25 = arith.extui %sign3A_24 : i1 to i32
    %sign3A_26 = arith.constant 0 : i32
    %sign3A_27 = arith.cmpi slt, %sub3A_23, %sign3A_26 : i32
    %sign3A_28 = arith.extui %sign3A_27 : i1 to i32
    %sign3A_29 = arith.subi %sign3A_25, %sign3A_28 : i32
    %sign3A_30 = arith.constant 0 : i32
    %sign3A_31 = arith.cmpi sgt, %jit3A, %sign3A_30 : i32
    %sign3A_32 = arith.extui %sign3A_31 : i1 to i32
    %sign3A_33 = arith.constant 0 : i32
    %sign3A_34 = arith.cmpi slt, %jit3A, %sign3A_33 : i32
    %sign3A_35 = arith.extui %sign3A_34 : i1 to i32
    %sign3A_36 = arith.subi %sign3A_32, %sign3A_35 : i32
    %ne3A = arith.cmpi ne, %sign3A_29, %sign3A_36 : i32
    %rem3A = arith.remsi %sub3A_23, %jit3A : i32
    %ne3A_37 = arith.constant 0 : i32
    %ne3A_38 = arith.cmpi ne, %rem3A, %ne3A_37 : i32
    %and3A = arith.andi %ne3A, %ne3A_38 : i1
    %sub3A_39 = arith.constant 1 : i32
    %sub3A_40 = arith.subi %div3A, %sub3A_39 : i32
    %select_n3A = arith.select %and3A, %sub3A_40, %div3A : i32
    %while3A = arith.constant 0 : i32
    %while3A_41 = arith.constant 0 : i32
    %while3A_42 = arith.subi %select_n3A, %while3A : i32
    %while3A_43 = arith.addi %while3A, %while3A_42 : i32
    %while3A_44 = arith.constant 1 : i32
    %while3A_45 = arith.divsi %while3A_42, %while3A_44 : i32
    %while3A_46 = arith.muli %while3A_45, %while3A_44 : i32
    %while3A_47 = arith.addi %while3A, %while3A_46 : i32
    %while3A_48 = arith.constant 1 : i32
    %while3A_49 = scf.for %while3A_129 = %while3A to %while3A_47 step %while3A_48 iter_args(%while3A_130 = %while3A_41) -> (i32)  : i32 {
      %mul3A_131 = arith.constant 16 : i32
      %mul3A_132 = arith.muli %while3A_129, %mul3A_131 : i32
      %add3A_133 = arith.addi %arg1, %mul3A_132 : i32
      %mul3A_134 = arith.constant 40 : i32
      %mul3A_135 = arith.muli %add3A_133, %mul3A_134 : i32
      "tpu.region"() ({
        %run_scoped3A = tpu.sem_alloc : memref<!tpu.dma_semaphore, #tpu.memory_space<semaphore_mem>>
        %dma_start3A_137 = arith.constant 0 : i32
        %dma_start3A_138 = tpu.memref_slice %arg21[%mul3A_135, %dma_start3A_137] : memref<10000x128xf32, #tpu.memory_space<vmem_shared>> -> memref<40x128xf32, #tpu.memory_space<vmem_shared>>
        %dma_start3A_139 = arith.constant 0 : i32
        %dma_start3A_140 = tpu.memref_slice %arg21[%mul3A_135, %dma_start3A_139] : memref<10000x128xf32, #tpu.memory_space<vmem_shared>> -> memref<40x128xf32, #tpu.memory_space<vmem_shared>>
        tpu.enqueue_dma source(%arg12 : memref<40x128xf32, #tpu.memory_space<vmem>>) target(%dma_start3A_140 : memref<40x128xf32, #tpu.memory_space<vmem_shared>>) target_semaphore(%run_scoped3A : memref<!tpu.dma_semaphore, #tpu.memory_space<semaphore_mem>>)
        %dma_wait3A_141 = arith.constant 0 : i32
        %dma_wait3A_142 = tpu.memref_slice %arg21[%mul3A_135, %dma_wait3A_141] : memref<10000x128xf32, #tpu.memory_space<vmem_shared>> -> memref<40x128xf32, #tpu.memory_space<vmem_shared>>
        %dma_wait3A_143 = arith.constant 0 : i32
        %dma_wait3A_144 = tpu.memref_slice %arg21[%mul3A_135, %dma_wait3A_143] : memref<10000x128xf32, #tpu.memory_space<vmem_shared>> -> memref<40x128xf32, #tpu.memory_space<vmem_shared>>
        tpu.wait_dma2 semaphore(%run_scoped3A : memref<!tpu.dma_semaphore, #tpu.memory_space<semaphore_mem>>) src(%arg12 : memref<40x128xf32, #tpu.memory_space<vmem>>) dst(%dma_wait3A_144 : memref<40x128xf32, #tpu.memory_space<vmem_shared>>)
        tpu.yield
      }) : () -> ()
      %while3A_136 = arith.constant 0 : i32
      scf.yield %while3A_136 : i32
    }
    %while3A_50 = arith.constant 1 : i32
    %while3A_51 = scf.for %while3A_129 = %while3A_47 to %while3A_43 step %while3A_50 iter_args(%while3A_130 = %while3A_49) -> (i32)  : i32 {
      %mul3A_131 = arith.constant 16 : i32
      %mul3A_132 = arith.muli %while3A_129, %mul3A_131 : i32
      %add3A_133 = arith.addi %arg1, %mul3A_132 : i32
      %mul3A_134 = arith.constant 40 : i32
      %mul3A_135 = arith.muli %add3A_133, %mul3A_134 : i32
      "tpu.region"() ({
        %run_scoped3A = tpu.sem_alloc : memref<!tpu.dma_semaphore, #tpu.memory_space<semaphore_mem>>
        %dma_start3A_137 = arith.constant 0 : i32
        %dma_start3A_138 = tpu.memref_slice %arg21[%mul3A_135, %dma_start3A_137] : memref<10000x128xf32, #tpu.memory_space<vmem_shared>> -> memref<40x128xf32, #tpu.memory_space<vmem_shared>>
        %dma_start3A_139 = arith.constant 0 : i32
        %dma_start3A_140 = tpu.memref_slice %arg21[%mul3A_135, %dma_start3A_139] : memref<10000x128xf32, #tpu.memory_space<vmem_shared>> -> memref<40x128xf32, #tpu.memory_space<vmem_shared>>
        tpu.enqueue_dma source(%arg12 : memref<40x128xf32, #tpu.memory_space<vmem>>) target(%dma_start3A_140 : memref<40x128xf32, #tpu.memory_space<vmem_shared>>) target_semaphore(%run_scoped3A : memref<!tpu.dma_semaphore, #tpu.memory_space<semaphore_mem>>)
        %dma_wait3A_141 = arith.constant 0 : i32
        %dma_wait3A_142 = tpu.memref_slice %arg21[%mul3A_135, %dma_wait3A_141] : memref<10000x128xf32, #tpu.memory_space<vmem_shared>> -> memref<40x128xf32, #tpu.memory_space<vmem_shared>>
        %dma_wait3A_143 = arith.constant 0 : i32
        %dma_wait3A_144 = tpu.memref_slice %arg21[%mul3A_135, %dma_wait3A_143] : memref<10000x128xf32, #tpu.memory_space<vmem_shared>> -> memref<40x128xf32, #tpu.memory_space<vmem_shared>>
        tpu.wait_dma2 semaphore(%run_scoped3A : memref<!tpu.dma_semaphore, #tpu.memory_space<semaphore_mem>>) src(%arg12 : memref<40x128xf32, #tpu.memory_space<vmem>>) dst(%dma_wait3A_144 : memref<40x128xf32, #tpu.memory_space<vmem_shared>>)
        tpu.yield
      }) : () -> ()
      %while3A_136 = arith.constant 0 : i32
      scf.yield %while3A_136 : i32
    }
    "tpu.region"() ({
      %run_scoped3A = tpu.sem_alloc : memref<!tpu.dma_semaphore, #tpu.memory_space<semaphore_mem>>
      tpu.enqueue_dma source(%arg7 : memref<128xf32, #tpu.memory_space<hbm>>) target(%arg20 : memref<128xf32, #tpu.memory_space<vmem>>) target_semaphore(%run_scoped3A : memref<!tpu.dma_semaphore, #tpu.memory_space<semaphore_mem>>)
      tpu.wait_dma2 semaphore(%run_scoped3A : memref<!tpu.dma_semaphore, #tpu.memory_space<semaphore_mem>>) src(%arg7 : memref<128xf32, #tpu.memory_space<hbm>>) dst(%arg20 : memref<128xf32, #tpu.memory_space<vmem>>)
      tpu.yield
    }) : () -> ()
    %get3A = arith.constant 0 : index
    %get3A_52 = tpu.vector_load %arg20[%get3A] {strides = array<i32>} : memref<128xf32, #tpu.memory_space<vmem>>, vector<16xf32>,
    %get3A_53 = arith.constant 16 : index
    %get3A_54 = tpu.vector_load %arg20[%get3A_53] {strides = array<i32>} : memref<128xf32, #tpu.memory_space<vmem>>, vector<16xf32>,
    %get3A_55 = arith.constant 32 : index
    %get3A_56 = tpu.vector_load %arg20[%get3A_55] {strides = array<i32>} : memref<128xf32, #tpu.memory_space<vmem>>, vector<16xf32>,
    %get3A_57 = arith.constant 48 : index
    %get3A_58 = tpu.vector_load %arg20[%get3A_57] {strides = array<i32>} : memref<128xf32, #tpu.memory_space<vmem>>, vector<16xf32>,
    %get3A_59 = arith.constant 64 : index
    %get3A_60 = tpu.vector_load %arg20[%get3A_59] {strides = array<i32>} : memref<128xf32, #tpu.memory_space<vmem>>, vector<16xf32>,
    %get3A_61 = arith.constant 80 : index
    %get3A_62 = tpu.vector_load %arg20[%get3A_61] {strides = array<i32>} : memref<128xf32, #tpu.memory_space<vmem>>, vector<16xf32>,
    %get3A_63 = arith.constant 96 : index
    %get3A_64 = tpu.vector_load %arg20[%get3A_63] {strides = array<i32>} : memref<128xf32, #tpu.memory_space<vmem>>, vector<16xf32>,
    %get3A_65 = arith.constant 112 : index
    %get3A_66 = tpu.vector_load %arg20[%get3A_65] {strides = array<i32>} : memref<128xf32, #tpu.memory_space<vmem>>, vector<16xf32>,
    %iota3A = tpu.iota {dimensions = array<i32: 0>} : vector<16xi32>
    %lt3A = arith.constant 8 : i32
    %lt3A_67 = vector.broadcast %lt3A : i32 to vector<16xi32>
    %lt3A_68 = arith.cmpi slt, %iota3A, %lt3A_67 : vector<16xi32>
    %barrier3A = arith.constant 0 : index
    tpu.barrier barrier_id(%barrier3A)
    %mul3A_69 = arith.constant 25 : i32
    %mul3A_70 = arith.muli %add3A, %mul3A_69 : i32
    %add3A_71 = arith.constant 0 : i32
    %add3A_72 = arith.addi %mul3A_70, %add3A_71 : i32
    "tpu.region"() ({
      %run_scoped3A = tpu.sem_alloc : memref<!tpu.dma_semaphore, #tpu.memory_space<semaphore_mem>>
      %dma_start3A_129 = arith.constant 0 : i32
      %dma_start3A_130 = arith.constant 0 : i32
      %dma_start3A_131 = tpu.memref_slice %arg10[%dma_start3A_129, %dma_start3A_130] : memref<11x40xi32, #tpu.memory_space<vmem>> -> memref<10x40xi32, #tpu.memory_space<vmem>>
      %dma_start3A_132 = arith.constant 0 : i32
      %dma_start3A_133 = arith.constant 0 : i32
      %dma_start3A_134 = tpu.memref_slice %arg5[%add3A_72, %dma_start3A_132, %dma_start3A_133] : memref<800x10x40xi32, #tpu.memory_space<hbm>> -> memref<1x10x40xi32, #tpu.memory_space<hbm>>
      %dma_start3A_135 = tpu.memref_squeeze %dma_start3A_134 : memref<1x10x40xi32, #tpu.memory_space<hbm>> -> memref<10x40xi32, #tpu.memory_space<hbm>>
      %dma_start3A_136 = arith.constant 0 : i32
      %dma_start3A_137 = arith.constant 0 : i32
      %dma_start3A_138 = tpu.memref_slice %arg10[%dma_start3A_136, %dma_start3A_137] : memref<11x40xi32, #tpu.memory_space<vmem>> -> memref<10x40xi32, #tpu.memory_space<vmem>>
      %dma_start3A_139 = arith.constant 0 : i32
      %dma_start3A_140 = arith.constant 0 : i32
      %dma_start3A_141 = tpu.memref_slice %arg5[%add3A_72, %dma_start3A_139, %dma_start3A_140] : memref<800x10x40xi32, #tpu.memory_space<hbm>> -> memref<1x10x40xi32, #tpu.memory_space<hbm>>
      %dma_start3A_142 = tpu.memref_squeeze %dma_start3A_141 : memref<1x10x40xi32, #tpu.memory_space<hbm>> -> memref<10x40xi32, #tpu.memory_space<hbm>>
      tpu.enqueue_dma source(%dma_start3A_142 : memref<10x40xi32, #tpu.memory_space<hbm>>) target(%dma_start3A_138 : memref<10x40xi32, #tpu.memory_space<vmem>>) target_semaphore(%run_scoped3A : memref<!tpu.dma_semaphore, #tpu.memory_space<semaphore_mem>>)
      %dma_wait3A_143 = arith.constant 0 : i32
      %dma_wait3A_144 = arith.constant 0 : i32
      %dma_wait3A_145 = tpu.memref_slice %arg10[%dma_wait3A_143, %dma_wait3A_144] : memref<11x40xi32, #tpu.memory_space<vmem>> -> memref<10x40xi32, #tpu.memory_space<vmem>>
      %dma_wait3A_146 = arith.constant 0 : i32
      %dma_wait3A_147 = arith.constant 0 : i32
      %dma_wait3A_148 = tpu.memref_slice %arg5[%add3A_72, %dma_wait3A_146, %dma_wait3A_147] : memref<800x10x40xi32, #tpu.memory_space<hbm>> -> memref<1x10x40xi32, #tpu.memory_space<hbm>>
      %dma_wait3A_149 = tpu.memref_squeeze %dma_wait3A_148 : memref<1x10x40xi32, #tpu.memory_space<hbm>> -> memref<10x40xi32, #tpu.memory_space<hbm>>
      %dma_wait3A_150 = arith.constant 0 : i32
      %dma_wait3A_151 = arith.constant 0 : i32
      %dma_wait3A_152 = tpu.memref_slice %arg10[%dma_wait3A_150, %dma_wait3A_151] : memref<11x40xi32, #tpu.memory_space<vmem>> -> memref<10x40xi32, #tpu.memory_space<vmem>>
      %dma_wait3A_153 = arith.constant 0 : i32
      %dma_wait3A_154 = arith.constant 0 : i32
      %dma_wait3A_155 = tpu.memref_slice %arg5[%add3A_72, %dma_wait3A_153, %dma_wait3A_154] : memref<800x10x40xi32, #tpu.memory_space<hbm>> -> memref<1x10x40xi32, #tpu.memory_space<hbm>>
      %dma_wait3A_156 = tpu.memref_squeeze %dma_wait3A_155 : memref<1x10x40xi32, #tpu.memory_space<hbm>> -> memref<10x40xi32, #tpu.memory_space<hbm>>
      tpu.wait_dma2 semaphore(%run_scoped3A : memref<!tpu.dma_semaphore, #tpu.memory_space<semaphore_mem>>) src(%dma_wait3A_156 : memref<10x40xi32, #tpu.memory_space<hbm>>) dst(%dma_wait3A_152 : memref<10x40xi32, #tpu.memory_space<vmem>>)
      tpu.yield
    }) : () -> ()
    "tpu.region"() ({
      %run_scoped3A = tpu.sem_alloc : memref<!tpu.dma_semaphore, #tpu.memory_space<semaphore_mem>>
      %dma_start3A_129 = arith.constant 0 : i32
      %dma_start3A_130 = arith.constant 0 : i32
      %dma_start3A_131 = tpu.memref_slice %arg11[%dma_start3A_129, %dma_start3A_130] : memref<11x40xi32, #tpu.memory_space<vmem>> -> memref<10x40xi32, #tpu.memory_space<vmem>>
      %dma_start3A_132 = arith.constant 0 : i32
      %dma_start3A_133 = arith.constant 0 : i32
      %dma_start3A_134 = tpu.memref_slice %arg6[%add3A_72, %dma_start3A_132, %dma_start3A_133] : memref<800x10x40xi32, #tpu.memory_space<hbm>> -> memref<1x10x40xi32, #tpu.memory_space<hbm>>
      %dma_start3A_135 = tpu.memref_squeeze %dma_start3A_134 : memref<1x10x40xi32, #tpu.memory_space<hbm>> -> memref<10x40xi32, #tpu.memory_space<hbm>>
      %dma_start3A_136 = arith.constant 0 : i32
      %dma_start3A_137 = arith.constant 0 : i32
      %dma_start3A_138 = tpu.memref_slice %arg11[%dma_start3A_136, %dma_start3A_137] : memref<11x40xi32, #tpu.memory_space<vmem>> -> memref<10x40xi32, #tpu.memory_space<vmem>>
      %dma_start3A_139 = arith.constant 0 : i32
      %dma_start3A_140 = arith.constant 0 : i32
      %dma_start3A_141 = tpu.memref_slice %arg6[%add3A_72, %dma_start3A_139, %dma_start3A_140] : memref<800x10x40xi32, #tpu.memory_space<hbm>> -> memref<1x10x40xi32, #tpu.memory_space<hbm>>
      %dma_start3A_142 = tpu.memref_squeeze %dma_start3A_141 : memref<1x10x40xi32, #tpu.memory_space<hbm>> -> memref<10x40xi32, #tpu.memory_space<hbm>>
      tpu.enqueue_dma source(%dma_start3A_142 : memref<10x40xi32, #tpu.memory_space<hbm>>) target(%dma_start3A_138 : memref<10x40xi32, #tpu.memory_space<vmem>>) target_semaphore(%run_scoped3A : memref<!tpu.dma_semaphore, #tpu.memory_space<semaphore_mem>>)
      %dma_wait3A_143 = arith.constant 0 : i32
      %dma_wait3A_144 = arith.constant 0 : i32
      %dma_wait3A_145 = tpu.memref_slice %arg11[%dma_wait3A_143, %dma_wait3A_144] : memref<11x40xi32, #tpu.memory_space<vmem>> -> memref<10x40xi32, #tpu.memory_space<vmem>>
      %dma_wait3A_146 = arith.constant 0 : i32
      %dma_wait3A_147 = arith.constant 0 : i32
      %dma_wait3A_148 = tpu.memref_slice %arg6[%add3A_72, %dma_wait3A_146, %dma_wait3A_147] : memref<800x10x40xi32, #tpu.memory_space<hbm>> -> memref<1x10x40xi32, #tpu.memory_space<hbm>>
      %dma_wait3A_149 = tpu.memref_squeeze %dma_wait3A_148 : memref<1x10x40xi32, #tpu.memory_space<hbm>> -> memref<10x40xi32, #tpu.memory_space<hbm>>
      %dma_wait3A_150 = arith.constant 0 : i32
      %dma_wait3A_151 = arith.constant 0 : i32
      %dma_wait3A_152 = tpu.memref_slice %arg11[%dma_wait3A_150, %dma_wait3A_151] : memref<11x40xi32, #tpu.memory_space<vmem>> -> memref<10x40xi32, #tpu.memory_space<vmem>>
      %dma_wait3A_153 = arith.constant 0 : i32
      %dma_wait3A_154 = arith.constant 0 : i32
      %dma_wait3A_155 = tpu.memref_slice %arg6[%add3A_72, %dma_wait3A_153, %dma_wait3A_154] : memref<800x10x40xi32, #tpu.memory_space<hbm>> -> memref<1x10x40xi32, #tpu.memory_space<hbm>>
      %dma_wait3A_156 = tpu.memref_squeeze %dma_wait3A_155 : memref<1x10x40xi32, #tpu.memory_space<hbm>> -> memref<10x40xi32, #tpu.memory_space<hbm>>
      tpu.wait_dma2 semaphore(%run_scoped3A : memref<!tpu.dma_semaphore, #tpu.memory_space<semaphore_mem>>) src(%dma_wait3A_156 : memref<10x40xi32, #tpu.memory_space<hbm>>) dst(%dma_wait3A_152 : memref<10x40xi32, #tpu.memory_space<vmem>>)
      tpu.yield
    }) : () -> ()
    %add3A_73 = arith.constant 0 : i32
    %add3A_74 = arith.addi %mul3A_2, %add3A_73 : i32
    %add3A_75 = arith.constant 0 : i32
    %add3A_76 = arith.addi %add3A_74, %add3A_75 : i32
    %dma_start3A = arith.constant 0 : i32
    %dma_start3A_77 = arith.constant 0 : i32
    %dma_start3A_78 = tpu.memref_slice %arg10[%dma_start3A, %dma_start3A_77] : memref<11x40xi32, #tpu.memory_space<vmem>> -> memref<1x40xi32, #tpu.memory_space<vmem>>
    %dma_start3A_79 = tpu.memref_squeeze %dma_start3A_78 : memref<1x40xi32, #tpu.memory_space<vmem>> -> memref<40xi32, #tpu.memory_space<vmem>>
    %dma_start3A_80 = arith.constant 0 : i32
    %dma_start3A_81 = arith.constant 0 : i32
    %dma_start3A_82 = tpu.memref_slice %arg2[%dma_start3A_80, %dma_start3A_81] : memref<10000x128xf32, #tpu.memory_space<hbm>> -> memref<10000x128xf32, #tpu.memory_space<hbm>>
    tpu.enqueue_indirect_dma source(%dma_start3A_82 : memref<10000x128xf32, #tpu.memory_space<hbm>>) target(%arg12 : memref<40x128xf32, #tpu.memory_space<vmem>>) offsets(%dma_start3A_79 : memref<40xi32, #tpu.memory_space<vmem>>) semaphore(%arg22 : memref<!tpu.dma_semaphore, #tpu.memory_space<semaphore_mem>>)
    %dma_start3A_83 = arith.constant 0 : i32
    %dma_start3A_84 = arith.constant 0 : i32
    %dma_start3A_85 = tpu.memref_slice %arg11[%dma_start3A_83, %dma_start3A_84] : memref<11x40xi32, #tpu.memory_space<vmem>> -> memref<1x40xi32, #tpu.memory_space<vmem>>
    %dma_start3A_86 = tpu.memref_squeeze %dma_start3A_85 : memref<1x40xi32, #tpu.memory_space<vmem>> -> memref<40xi32, #tpu.memory_space<vmem>>
    %dma_start3A_87 = arith.constant 0 : i32
    %dma_start3A_88 = arith.constant 0 : i32
    %dma_start3A_89 = tpu.memref_slice %arg3[%dma_start3A_87, %dma_start3A_88] : memref<10000x128xf32, #tpu.memory_space<hbm>> -> memref<10000x128xf32, #tpu.memory_space<hbm>>
    tpu.enqueue_indirect_dma source(%dma_start3A_89 : memref<10000x128xf32, #tpu.memory_space<hbm>>) target(%arg14 : memref<40x128xf32, #tpu.memory_space<vmem>>) offsets(%dma_start3A_86 : memref<40xi32, #tpu.memory_space<vmem>>) semaphore(%arg24 : memref<!tpu.dma_semaphore, #tpu.memory_space<semaphore_mem>>)
    %dma_start3A_90 = arith.constant 0 : i32
    %dma_start3A_91 = tpu.memref_slice %arg4[%add3A_76, %dma_start3A_90] : memref<320000x128xf32, #tpu.memory_space<hbm>> -> memref<40x128xf32, #tpu.memory_space<hbm>>
    %dma_start3A_92 = arith.constant 0 : i32
    %dma_start3A_93 = tpu.memref_slice %arg4[%add3A_76, %dma_start3A_92] : memref<320000x128xf32, #tpu.memory_space<hbm>> -> memref<40x128xf32, #tpu.memory_space<hbm>>
    tpu.enqueue_dma source(%dma_start3A_93 : memref<40x128xf32, #tpu.memory_space<hbm>>) target(%arg16 : memref<40x128xf32, #tpu.memory_space<vmem>>) target_semaphore(%arg26 : memref<!tpu.dma_semaphore, #tpu.memory_space<semaphore_mem>>)
    %scan3A_94 = arith.constant 0 : i32
    %scan3A_95 = arith.constant 0 : i32
    %scan3A_96 = arith.constant 25 : i32
    %scan3A_97 = arith.addi %scan3A_95, %scan3A_96 : i32
    %scan3A_98 = arith.constant 1 : i32
    %scan3A_99 = scf.for %scan3A_129 = %scan3A_95 to %scan3A_97 step %scan3A_98 iter_args(%scan3A_130 = %scan3A_94) -> (i32)  : i32 {
      %scan3A_131 = arith.constant 0 : i32
      %scan3A_132 = arith.constant 0 : i32
      %scan3A_133 = arith.constant 5 : i32
      %scan3A_134 = arith.addi %scan3A_132, %scan3A_133 : i32
      %scan3A_135 = arith.constant 1 : i32
      %scan3A_136 = scf.for %scan3A_144 = %scan3A_132 to %scan3A_134 step %scan3A_135 iter_args(%scan3A_145 = %scan3A_131) -> (i32)  : i32 {
        %mul3A_146 = arith.constant 2 : i32
        %mul3A_147 = arith.muli %mul3A_146, %scan3A_144 : i32
        %mul3A_148 = arith.constant 400 : i32
        %mul3A_149 = arith.muli %scan3A_129, %mul3A_148 : i32
        %add3A_150 = arith.addi %mul3A_2, %mul3A_149 : i32
        %mul3A_151 = arith.constant 40 : i32
        %mul3A_152 = arith.muli %mul3A_147, %mul3A_151 : i32
        %add3A_153 = arith.addi %add3A_150, %mul3A_152 : i32
        %dma_wait3A_154 = arith.constant 0 : i32
        %dma_wait3A_155 = tpu.memref_slice %arg10[%mul3A_147, %dma_wait3A_154] : memref<11x40xi32, #tpu.memory_space<vmem>> -> memref<1x40xi32, #tpu.memory_space<vmem>>
        %dma_wait3A_156 = tpu.memref_squeeze %dma_wait3A_155 : memref<1x40xi32, #tpu.memory_space<vmem>> -> memref<40xi32, #tpu.memory_space<vmem>>
        %dma_wait3A_157 = arith.constant 0 : i32
        %dma_wait3A_158 = arith.constant 0 : i32
        %dma_wait3A_159 = tpu.memref_slice %arg2[%dma_wait3A_157, %dma_wait3A_158] : memref<10000x128xf32, #tpu.memory_space<hbm>> -> memref<10000x128xf32, #tpu.memory_space<hbm>>
        tpu.wait_indirect_dma semaphore(%arg22 : memref<!tpu.dma_semaphore, #tpu.memory_space<semaphore_mem>>) src(%dma_wait3A_159 : memref<10000x128xf32, #tpu.memory_space<hbm>>) dst(%arg12 : memref<40x128xf32, #tpu.memory_space<vmem>>)
        %dma_wait3A_160 = arith.constant 0 : i32
        %dma_wait3A_161 = tpu.memref_slice %arg11[%mul3A_147, %dma_wait3A_160] : memref<11x40xi32, #tpu.memory_space<vmem>> -> memref<1x40xi32, #tpu.memory_space<vmem>>
        %dma_wait3A_162 = tpu.memref_squeeze %dma_wait3A_161 : memref<1x40xi32, #tpu.memory_space<vmem>> -> memref<40xi32, #tpu.memory_space<vmem>>
        %dma_wait3A_163 = arith.constant 0 : i32
        %dma_wait3A_164 = arith.constant 0 : i32
        %dma_wait3A_165 = tpu.memref_slice %arg3[%dma_wait3A_163, %dma_wait3A_164] : memref<10000x128xf32, #tpu.memory_space<hbm>> -> memref<10000x128xf32, #tpu.memory_space<hbm>>
        tpu.wait_indirect_dma semaphore(%arg24 : memref<!tpu.dma_semaphore, #tpu.memory_space<semaphore_mem>>) src(%dma_wait3A_165 : memref<10000x128xf32, #tpu.memory_space<hbm>>) dst(%arg14 : memref<40x128xf32, #tpu.memory_space<vmem>>)
        %dma_wait3A_166 = arith.constant 0 : i32
        %dma_wait3A_167 = tpu.memref_slice %arg4[%add3A_153, %dma_wait3A_166] : memref<320000x128xf32, #tpu.memory_space<hbm>> -> memref<40x128xf32, #tpu.memory_space<hbm>>
        %dma_wait3A_168 = arith.constant 0 : i32
        %dma_wait3A_169 = tpu.memref_slice %arg4[%add3A_153, %dma_wait3A_168] : memref<320000x128xf32, #tpu.memory_space<hbm>> -> memref<40x128xf32, #tpu.memory_space<hbm>>
        tpu.wait_dma2 semaphore(%arg26 : memref<!tpu.dma_semaphore, #tpu.memory_space<semaphore_mem>>) src(%dma_wait3A_169 : memref<40x128xf32, #tpu.memory_space<hbm>>) dst(%arg16 : memref<40x128xf32, #tpu.memory_space<vmem>>)
        %gt3A = arith.constant 0 : i32
        %gt3A_170 = arith.cmpi sgt, %scan3A_144, %gt3A : i32
        %convert_element_type3A_171 = arith.extui %gt3A_170 : i1 to i32
        %cond3A_172 = arith.constant 0 : i32
        %cond3A_173 = arith.cmpi ne, %convert_element_type3A_171, %cond3A_172 : i32
        scf.if %cond3A_173 {
          %dma_wait3A_314 = arith.constant 0 : i32
          %dma_wait3A_315 = arith.constant 0 : i32
          %dma_wait3A_316 = tpu.memref_slice %arg11[%dma_wait3A_314, %dma_wait3A_315] : memref<11x40xi32, #tpu.memory_space<vmem>> -> memref<1x40xi32, #tpu.memory_space<vmem>>
          %dma_wait3A_317 = tpu.memref_squeeze %dma_wait3A_316 : memref<1x40xi32, #tpu.memory_space<vmem>> -> memref<40xi32, #tpu.memory_space<vmem>>
          %dma_wait3A_318 = arith.constant 0 : i32
          %dma_wait3A_319 = arith.constant 0 : i32
          %dma_wait3A_320 = tpu.memref_slice %arg21[%dma_wait3A_318, %dma_wait3A_319] : memref<10000x128xf32, #tpu.memory_space<vmem_shared>> -> memref<10000x128xf32, #tpu.memory_space<vmem_shared>>
          tpu.wait_indirect_dma semaphore(%arg29 : memref<!tpu.dma_semaphore, #tpu.memory_space<semaphore_mem>>) src(%arg13 : memref<40x128xf32, #tpu.memory_space<vmem>>) dst(%dma_wait3A_320 : memref<10000x128xf32, #tpu.memory_space<vmem_shared>>)
        } else {
        }
        %add3A_174 = arith.constant 1 : i32
        %add3A_175 = arith.addi %mul3A_147, %add3A_174 : i32
        %mul3A_176 = arith.constant 400 : i32
        %mul3A_177 = arith.muli %scan3A_129, %mul3A_176 : i32
        %add3A_178 = arith.addi %mul3A_2, %mul3A_177 : i32
        %mul3A_179 = arith.constant 40 : i32
        %mul3A_180 = arith.muli %add3A_175, %mul3A_179 : i32
        %add3A_181 = arith.addi %add3A_178, %mul3A_180 : i32
        %dma_start3A_182 = arith.constant 0 : i32
        %dma_start3A_183 = tpu.memref_slice %arg10[%add3A_175, %dma_start3A_182] : memref<11x40xi32, #tpu.memory_space<vmem>> -> memref<1x40xi32, #tpu.memory_space<vmem>>
        %dma_start3A_184 = tpu.memref_squeeze %dma_start3A_183 : memref<1x40xi32, #tpu.memory_space<vmem>> -> memref<40xi32, #tpu.memory_space<vmem>>
        %dma_start3A_185 = arith.constant 0 : i32
        %dma_start3A_186 = arith.constant 0 : i32
        %dma_start3A_187 = tpu.memref_slice %arg2[%dma_start3A_185, %dma_start3A_186] : memref<10000x128xf32, #tpu.memory_space<hbm>> -> memref<10000x128xf32, #tpu.memory_space<hbm>>
        tpu.enqueue_indirect_dma source(%dma_start3A_187 : memref<10000x128xf32, #tpu.memory_space<hbm>>) target(%arg13 : memref<40x128xf32, #tpu.memory_space<vmem>>) offsets(%dma_start3A_184 : memref<40xi32, #tpu.memory_space<vmem>>) semaphore(%arg23 : memref<!tpu.dma_semaphore, #tpu.memory_space<semaphore_mem>>)
        %dma_start3A_188 = arith.constant 0 : i32
        %dma_start3A_189 = tpu.memref_slice %arg11[%add3A_175, %dma_start3A_188] : memref<11x40xi32, #tpu.memory_space<vmem>> -> memref<1x40xi32, #tpu.memory_space<vmem>>
        %dma_start3A_190 = tpu.memref_squeeze %dma_start3A_189 : memref<1x40xi32, #tpu.memory_space<vmem>> -> memref<40xi32, #tpu.memory_space<vmem>>
        %dma_start3A_191 = arith.constant 0 : i32
        %dma_start3A_192 = arith.constant 0 : i32
        %dma_start3A_193 = tpu.memref_slice %arg3[%dma_start3A_191, %dma_start3A_192] : memref<10000x128xf32, #tpu.memory_space<hbm>> -> memref<10000x128xf32, #tpu.memory_space<hbm>>
        tpu.enqueue_indirect_dma source(%dma_start3A_193 : memref<10000x128xf32, #tpu.memory_space<hbm>>) target(%arg15 : memref<40x128xf32, #tpu.memory_space<vmem>>) offsets(%dma_start3A_190 : memref<40xi32, #tpu.memory_space<vmem>>) semaphore(%arg25 : memref<!tpu.dma_semaphore, #tpu.memory_space<semaphore_mem>>)
        %dma_start3A_194 = arith.constant 0 : i32
        %dma_start3A_195 = tpu.memref_slice %arg4[%add3A_181, %dma_start3A_194] : memref<320000x128xf32, #tpu.memory_space<hbm>> -> memref<40x128xf32, #tpu.memory_space<hbm>>
        %dma_start3A_196 = arith.constant 0 : i32
        %dma_start3A_197 = tpu.memref_slice %arg4[%add3A_181, %dma_start3A_196] : memref<320000x128xf32, #tpu.memory_space<hbm>> -> memref<40x128xf32, #tpu.memory_space<hbm>>
        tpu.enqueue_dma source(%dma_start3A_197 : memref<40x128xf32, #tpu.memory_space<hbm>>) target(%arg17 : memref<40x128xf32, #tpu.memory_space<vmem>>) target_semaphore(%arg27 : memref<!tpu.dma_semaphore, #tpu.memory_space<semaphore_mem>>)
        %parallel_loop3A = arith.constant 0 : i32
        %parallel_loop3A_198 = arith.constant 40 : i32
        %parallel_loop3A_199 = arith.constant 1 : i32
        scf.for %parallel_loop3A_314 = %parallel_loop3A to %parallel_loop3A_198 step %parallel_loop3A_199  : i32 {
          %parallel_loop3A_315 = arith.index_cast %parallel_loop3A_314 : i32 to index
          %parallel_loop3A_316 = arith.constant 0 : index
          %parallel_loop3A_317 = tpu.vector_load %arg12[%parallel_loop3A_315, %parallel_loop3A_316] {strides = array<i32>} : memref<40x128xf32, #tpu.memory_space<vmem>>, vector<16xf32>,
          %parallel_loop3A_318 = arith.index_cast %parallel_loop3A_314 : i32 to index
          %parallel_loop3A_319 = arith.constant 16 : index
          %parallel_loop3A_320 = tpu.vector_load %arg12[%parallel_loop3A_318, %parallel_loop3A_319] {strides = array<i32>} : memref<40x128xf32, #tpu.memory_space<vmem>>, vector<16xf32>,
          %parallel_loop3A_321 = arith.index_cast %parallel_loop3A_314 : i32 to index
          %parallel_loop3A_322 = arith.constant 32 : index
          %parallel_loop3A_323 = tpu.vector_load %arg12[%parallel_loop3A_321, %parallel_loop3A_322] {strides = array<i32>} : memref<40x128xf32, #tpu.memory_space<vmem>>, vector<16xf32>,
          %parallel_loop3A_324 = arith.index_cast %parallel_loop3A_314 : i32 to index
          %parallel_loop3A_325 = arith.constant 48 : index
          %parallel_loop3A_326 = tpu.vector_load %arg12[%parallel_loop3A_324, %parallel_loop3A_325] {strides = array<i32>} : memref<40x128xf32, #tpu.memory_space<vmem>>, vector<16xf32>,
          %parallel_loop3A_327 = arith.index_cast %parallel_loop3A_314 : i32 to index
          %parallel_loop3A_328 = arith.constant 64 : index
          %parallel_loop3A_329 = tpu.vector_load %arg12[%parallel_loop3A_327, %parallel_loop3A_328] {strides = array<i32>} : memref<40x128xf32, #tpu.memory_space<vmem>>, vector<16xf32>,
          %parallel_loop3A_330 = arith.index_cast %parallel_loop3A_314 : i32 to index
          %parallel_loop3A_331 = arith.constant 80 : index
          %parallel_loop3A_332 = tpu.vector_load %arg12[%parallel_loop3A_330, %parallel_loop3A_331] {strides = array<i32>} : memref<40x128xf32, #tpu.memory_space<vmem>>, vector<16xf32>,
          %parallel_loop3A_333 = arith.index_cast %parallel_loop3A_314 : i32 to index
          %parallel_loop3A_334 = arith.constant 96 : index
          %parallel_loop3A_335 = tpu.vector_load %arg12[%parallel_loop3A_333, %parallel_loop3A_334] {strides = array<i32>} : memref<40x128xf32, #tpu.memory_space<vmem>>, vector<16xf32>,
          %parallel_loop3A_336 = arith.index_cast %parallel_loop3A_314 : i32 to index
          %parallel_loop3A_337 = arith.constant 112 : index
          %parallel_loop3A_338 = tpu.vector_load %arg12[%parallel_loop3A_336, %parallel_loop3A_337] {strides = array<i32>} : memref<40x128xf32, #tpu.memory_space<vmem>>, vector<16xf32>,
          %parallel_loop3A_339 = arith.index_cast %parallel_loop3A_314 : i32 to index
          %parallel_loop3A_340 = arith.constant 0 : index
          %parallel_loop3A_341 = tpu.vector_load %arg14[%parallel_loop3A_339, %parallel_loop3A_340] {strides = array<i32>} : memref<40x128xf32, #tpu.memory_space<vmem>>, vector<16xf32>,
          %parallel_loop3A_342 = arith.addf %parallel_loop3A_317, %parallel_loop3A_341 : vector<16xf32>
          %parallel_loop3A_343 = arith.index_cast %parallel_loop3A_314 : i32 to index
          %parallel_loop3A_344 = arith.constant 0 : index
          %parallel_loop3A_345 = tpu.vector_load %arg16[%parallel_loop3A_343, %parallel_loop3A_344] {strides = array<i32>} : memref<40x128xf32, #tpu.memory_space<vmem>>, vector<16xf32>,
          %parallel_loop3A_346 = arith.addf %parallel_loop3A_342, %parallel_loop3A_345 : vector<16xf32>
          %parallel_loop3A_347 = arith.constant 2.000000e-01 : f32
          %parallel_loop3A_348 = vector.broadcast %parallel_loop3A_347 : f32 to vector<16xf32>
          %parallel_loop3A_349 = arith.mulf %parallel_loop3A_348, %parallel_loop3A_346 : vector<16xf32>
          %parallel_loop3A_350 = arith.maximumf %parallel_loop3A_346, %parallel_loop3A_349 : vector<16xf32>
          %parallel_loop3A_351 = arith.mulf %parallel_loop3A_350, %get3A_52 : vector<16xf32>
          %parallel_loop3A_352 = arith.addf %broadcast_in_dim3A_5, %parallel_loop3A_351 : vector<16xf32>
          %parallel_loop3A_353 = arith.index_cast %parallel_loop3A_314 : i32 to index
          %parallel_loop3A_354 = arith.constant 16 : index
          %parallel_loop3A_355 = tpu.vector_load %arg14[%parallel_loop3A_353, %parallel_loop3A_354] {strides = array<i32>} : memref<40x128xf32, #tpu.memory_space<vmem>>, vector<16xf32>,
          %parallel_loop3A_356 = arith.addf %parallel_loop3A_320, %parallel_loop3A_355 : vector<16xf32>
          %parallel_loop3A_357 = arith.index_cast %parallel_loop3A_314 : i32 to index
          %parallel_loop3A_358 = arith.constant 16 : index
          %parallel_loop3A_359 = tpu.vector_load %arg16[%parallel_loop3A_357, %parallel_loop3A_358] {strides = array<i32>} : memref<40x128xf32, #tpu.memory_space<vmem>>, vector<16xf32>,
          %parallel_loop3A_360 = arith.addf %parallel_loop3A_356, %parallel_loop3A_359 : vector<16xf32>
          %parallel_loop3A_361 = arith.constant 2.000000e-01 : f32
          %parallel_loop3A_362 = vector.broadcast %parallel_loop3A_361 : f32 to vector<16xf32>
          %parallel_loop3A_363 = arith.mulf %parallel_loop3A_362, %parallel_loop3A_360 : vector<16xf32>
          %parallel_loop3A_364 = arith.maximumf %parallel_loop3A_360, %parallel_loop3A_363 : vector<16xf32>
          %parallel_loop3A_365 = arith.mulf %parallel_loop3A_364, %get3A_54 : vector<16xf32>
          %parallel_loop3A_366 = arith.addf %parallel_loop3A_352, %parallel_loop3A_365 : vector<16xf32>
          %parallel_loop3A_367 = arith.index_cast %parallel_loop3A_314 : i32 to index
          %parallel_loop3A_368 = arith.constant 32 : index
          %parallel_loop3A_369 = tpu.vector_load %arg14[%parallel_loop3A_367, %parallel_loop3A_368] {strides = array<i32>} : memref<40x128xf32, #tpu.memory_space<vmem>>, vector<16xf32>,
          %parallel_loop3A_370 = arith.addf %parallel_loop3A_323, %parallel_loop3A_369 : vector<16xf32>
          %parallel_loop3A_371 = arith.index_cast %parallel_loop3A_314 : i32 to index
          %parallel_loop3A_372 = arith.constant 32 : index
          %parallel_loop3A_373 = tpu.vector_load %arg16[%parallel_loop3A_371, %parallel_loop3A_372] {strides = array<i32>} : memref<40x128xf32, #tpu.memory_space<vmem>>, vector<16xf32>,
          %parallel_loop3A_374 = arith.addf %parallel_loop3A_370, %parallel_loop3A_373 : vector<16xf32>
          %parallel_loop3A_375 = arith.constant 2.000000e-01 : f32
          %parallel_loop3A_376 = vector.broadcast %parallel_loop3A_375 : f32 to vector<16xf32>
          %parallel_loop3A_377 = arith.mulf %parallel_loop3A_376, %parallel_loop3A_374 : vector<16xf32>
          %parallel_loop3A_378 = arith.maximumf %parallel_loop3A_374, %parallel_loop3A_377 : vector<16xf32>
          %parallel_loop3A_379 = arith.mulf %parallel_loop3A_378, %get3A_56 : vector<16xf32>
          %parallel_loop3A_380 = arith.addf %parallel_loop3A_366, %parallel_loop3A_379 : vector<16xf32>
          %parallel_loop3A_381 = arith.index_cast %parallel_loop3A_314 : i32 to index
          %parallel_loop3A_382 = arith.constant 48 : index
          %parallel_loop3A_383 = tpu.vector_load %arg14[%parallel_loop3A_381, %parallel_loop3A_382] {strides = array<i32>} : memref<40x128xf32, #tpu.memory_space<vmem>>, vector<16xf32>,
          %parallel_loop3A_384 = arith.addf %parallel_loop3A_326, %parallel_loop3A_383 : vector<16xf32>
          %parallel_loop3A_385 = arith.index_cast %parallel_loop3A_314 : i32 to index
          %parallel_loop3A_386 = arith.constant 48 : index
          %parallel_loop3A_387 = tpu.vector_load %arg16[%parallel_loop3A_385, %parallel_loop3A_386] {strides = array<i32>} : memref<40x128xf32, #tpu.memory_space<vmem>>, vector<16xf32>,
          %parallel_loop3A_388 = arith.addf %parallel_loop3A_384, %parallel_loop3A_387 : vector<16xf32>
          %parallel_loop3A_389 = arith.constant 2.000000e-01 : f32
          %parallel_loop3A_390 = vector.broadcast %parallel_loop3A_389 : f32 to vector<16xf32>
          %parallel_loop3A_391 = arith.mulf %parallel_loop3A_390, %parallel_loop3A_388 : vector<16xf32>
          %parallel_loop3A_392 = arith.maximumf %parallel_loop3A_388, %parallel_loop3A_391 : vector<16xf32>
          %parallel_loop3A_393 = arith.mulf %parallel_loop3A_392, %get3A_58 : vector<16xf32>
          %parallel_loop3A_394 = arith.addf %parallel_loop3A_380, %parallel_loop3A_393 : vector<16xf32>
          %parallel_loop3A_395 = arith.index_cast %parallel_loop3A_314 : i32 to index
          %parallel_loop3A_396 = arith.constant 64 : index
          %parallel_loop3A_397 = tpu.vector_load %arg14[%parallel_loop3A_395, %parallel_loop3A_396] {strides = array<i32>} : memref<40x128xf32, #tpu.memory_space<vmem>>, vector<16xf32>,
          %parallel_loop3A_398 = arith.addf %parallel_loop3A_329, %parallel_loop3A_397 : vector<16xf32>
          %parallel_loop3A_399 = arith.index_cast %parallel_loop3A_314 : i32 to index
          %parallel_loop3A_400 = arith.constant 64 : index
          %parallel_loop3A_401 = tpu.vector_load %arg16[%parallel_loop3A_399, %parallel_loop3A_400] {strides = array<i32>} : memref<40x128xf32, #tpu.memory_space<vmem>>, vector<16xf32>,
          %parallel_loop3A_402 = arith.addf %parallel_loop3A_398, %parallel_loop3A_401 : vector<16xf32>
          %parallel_loop3A_403 = arith.constant 2.000000e-01 : f32
          %parallel_loop3A_404 = vector.broadcast %parallel_loop3A_403 : f32 to vector<16xf32>
          %parallel_loop3A_405 = arith.mulf %parallel_loop3A_404, %parallel_loop3A_402 : vector<16xf32>
          %parallel_loop3A_406 = arith.maximumf %parallel_loop3A_402, %parallel_loop3A_405 : vector<16xf32>
          %parallel_loop3A_407 = arith.mulf %parallel_loop3A_406, %get3A_60 : vector<16xf32>
          %parallel_loop3A_408 = arith.addf %parallel_loop3A_394, %parallel_loop3A_407 : vector<16xf32>
          %parallel_loop3A_409 = arith.index_cast %parallel_loop3A_314 : i32 to index
          %parallel_loop3A_410 = arith.constant 80 : index
          %parallel_loop3A_411 = tpu.vector_load %arg14[%parallel_loop3A_409, %parallel_loop3A_410] {strides = array<i32>} : memref<40x128xf32, #tpu.memory_space<vmem>>, vector<16xf32>,
          %parallel_loop3A_412 = arith.addf %parallel_loop3A_332, %parallel_loop3A_411 : vector<16xf32>
          %parallel_loop3A_413 = arith.index_cast %parallel_loop3A_314 : i32 to index
          %parallel_loop3A_414 = arith.constant 80 : index
          %parallel_loop3A_415 = tpu.vector_load %arg16[%parallel_loop3A_413, %parallel_loop3A_414] {strides = array<i32>} : memref<40x128xf32, #tpu.memory_space<vmem>>, vector<16xf32>,
          %parallel_loop3A_416 = arith.addf %parallel_loop3A_412, %parallel_loop3A_415 : vector<16xf32>
          %parallel_loop3A_417 = arith.constant 2.000000e-01 : f32
          %parallel_loop3A_418 = vector.broadcast %parallel_loop3A_417 : f32 to vector<16xf32>
          %parallel_loop3A_419 = arith.mulf %parallel_loop3A_418, %parallel_loop3A_416 : vector<16xf32>
          %parallel_loop3A_420 = arith.maximumf %parallel_loop3A_416, %parallel_loop3A_419 : vector<16xf32>
          %parallel_loop3A_421 = arith.mulf %parallel_loop3A_420, %get3A_62 : vector<16xf32>
          %parallel_loop3A_422 = arith.addf %parallel_loop3A_408, %parallel_loop3A_421 : vector<16xf32>
          %parallel_loop3A_423 = arith.index_cast %parallel_loop3A_314 : i32 to index
          %parallel_loop3A_424 = arith.constant 96 : index
          %parallel_loop3A_425 = tpu.vector_load %arg14[%parallel_loop3A_423, %parallel_loop3A_424] {strides = array<i32>} : memref<40x128xf32, #tpu.memory_space<vmem>>, vector<16xf32>,
          %parallel_loop3A_426 = arith.addf %parallel_loop3A_335, %parallel_loop3A_425 : vector<16xf32>
          %parallel_loop3A_427 = arith.index_cast %parallel_loop3A_314 : i32 to index
          %parallel_loop3A_428 = arith.constant 96 : index
          %parallel_loop3A_429 = tpu.vector_load %arg16[%parallel_loop3A_427, %parallel_loop3A_428] {strides = array<i32>} : memref<40x128xf32, #tpu.memory_space<vmem>>, vector<16xf32>,
          %parallel_loop3A_430 = arith.addf %parallel_loop3A_426, %parallel_loop3A_429 : vector<16xf32>
          %parallel_loop3A_431 = arith.constant 2.000000e-01 : f32
          %parallel_loop3A_432 = vector.broadcast %parallel_loop3A_431 : f32 to vector<16xf32>
          %parallel_loop3A_433 = arith.mulf %parallel_loop3A_432, %parallel_loop3A_430 : vector<16xf32>
          %parallel_loop3A_434 = arith.maximumf %parallel_loop3A_430, %parallel_loop3A_433 : vector<16xf32>
          %parallel_loop3A_435 = arith.mulf %parallel_loop3A_434, %get3A_64 : vector<16xf32>
          %parallel_loop3A_436 = arith.addf %parallel_loop3A_422, %parallel_loop3A_435 : vector<16xf32>
          %parallel_loop3A_437 = arith.index_cast %parallel_loop3A_314 : i32 to index
          %parallel_loop3A_438 = arith.constant 112 : index
          %parallel_loop3A_439 = tpu.vector_load %arg14[%parallel_loop3A_437, %parallel_loop3A_438] {strides = array<i32>} : memref<40x128xf32, #tpu.memory_space<vmem>>, vector<16xf32>,
          %parallel_loop3A_440 = arith.addf %parallel_loop3A_338, %parallel_loop3A_439 : vector<16xf32>
          %parallel_loop3A_441 = arith.index_cast %parallel_loop3A_314 : i32 to index
          %parallel_loop3A_442 = arith.constant 112 : index
          %parallel_loop3A_443 = tpu.vector_load %arg16[%parallel_loop3A_441, %parallel_loop3A_442] {strides = array<i32>} : memref<40x128xf32, #tpu.memory_space<vmem>>, vector<16xf32>,
          %parallel_loop3A_444 = arith.addf %parallel_loop3A_440, %parallel_loop3A_443 : vector<16xf32>
          %parallel_loop3A_445 = arith.constant 2.000000e-01 : f32
          %parallel_loop3A_446 = vector.broadcast %parallel_loop3A_445 : f32 to vector<16xf32>
          %parallel_loop3A_447 = arith.mulf %parallel_loop3A_446, %parallel_loop3A_444 : vector<16xf32>
          %parallel_loop3A_448 = arith.maximumf %parallel_loop3A_444, %parallel_loop3A_447 : vector<16xf32>
          %parallel_loop3A_449 = arith.mulf %parallel_loop3A_448, %get3A_66 : vector<16xf32>
          %parallel_loop3A_450 = arith.addf %parallel_loop3A_436, %parallel_loop3A_449 : vector<16xf32>
          %parallel_loop3A_451 = arith.constant true
          %parallel_loop3A_452 = vector.broadcast %parallel_loop3A_451 : i1 to vector<16xi1>
          %parallel_loop3A_453 = tpu.scan <sum>, %parallel_loop3A_450 masked %parallel_loop3A_452 : vector<16xf32>, vector<16xi1> -> vector<16xf32>
          %parallel_loop3A_454 = vector.extract %parallel_loop3A_453[15] : f32 from vector<16xf32>
          %parallel_loop3A_455 = vector.broadcast %parallel_loop3A_454 : f32 to vector<16xf32>
          %parallel_loop3A_456 = math.exp %parallel_loop3A_455 : vector<16xf32>
          %parallel_loop3A_457 = arith.mulf %parallel_loop3A_317, %parallel_loop3A_456 : vector<16xf32>
          %parallel_loop3A_458 = arith.index_cast %parallel_loop3A_314 : i32 to index
          %parallel_loop3A_459 = arith.constant 0 : index
          %parallel_loop3A_460 = tpu.vector_load %arg12[%parallel_loop3A_458, %parallel_loop3A_459] {strides = array<i32>} : memref<40x128xf32, #tpu.memory_space<vmem>>, vector<16xf32>,
          tpu.vector_store %arg12[%parallel_loop3A_458, %parallel_loop3A_459], %parallel_loop3A_457 {strides = array<i32>} : memref<40x128xf32, #tpu.memory_space<vmem>>, vector<16xf32>,
          %parallel_loop3A_461 = arith.mulf %parallel_loop3A_320, %parallel_loop3A_456 : vector<16xf32>
          %parallel_loop3A_462 = arith.index_cast %parallel_loop3A_314 : i32 to index
          %parallel_loop3A_463 = arith.constant 16 : index
          %parallel_loop3A_464 = tpu.vector_load %arg12[%parallel_loop3A_462, %parallel_loop3A_463] {strides = array<i32>} : memref<40x128xf32, #tpu.memory_space<vmem>>, vector<16xf32>,
          tpu.vector_store %arg12[%parallel_loop3A_462, %parallel_loop3A_463], %parallel_loop3A_461 {strides = array<i32>} : memref<40x128xf32, #tpu.memory_space<vmem>>, vector<16xf32>,
          %parallel_loop3A_465 = arith.mulf %parallel_loop3A_323, %parallel_loop3A_456 : vector<16xf32>
          %parallel_loop3A_466 = arith.index_cast %parallel_loop3A_314 : i32 to index
          %parallel_loop3A_467 = arith.constant 32 : index
          %parallel_loop3A_468 = tpu.vector_load %arg12[%parallel_loop3A_466, %parallel_loop3A_467] {strides = array<i32>} : memref<40x128xf32, #tpu.memory_space<vmem>>, vector<16xf32>,
          tpu.vector_store %arg12[%parallel_loop3A_466, %parallel_loop3A_467], %parallel_loop3A_465 {strides = array<i32>} : memref<40x128xf32, #tpu.memory_space<vmem>>, vector<16xf32>,
          %parallel_loop3A_469 = arith.mulf %parallel_loop3A_326, %parallel_loop3A_456 : vector<16xf32>
          %parallel_loop3A_470 = arith.index_cast %parallel_loop3A_314 : i32 to index
          %parallel_loop3A_471 = arith.constant 48 : index
          %parallel_loop3A_472 = tpu.vector_load %arg12[%parallel_loop3A_470, %parallel_loop3A_471] {strides = array<i32>} : memref<40x128xf32, #tpu.memory_space<vmem>>, vector<16xf32>,
          tpu.vector_store %arg12[%parallel_loop3A_470, %parallel_loop3A_471], %parallel_loop3A_469 {strides = array<i32>} : memref<40x128xf32, #tpu.memory_space<vmem>>, vector<16xf32>,
          %parallel_loop3A_473 = arith.mulf %parallel_loop3A_329, %parallel_loop3A_456 : vector<16xf32>
          %parallel_loop3A_474 = arith.index_cast %parallel_loop3A_314 : i32 to index
          %parallel_loop3A_475 = arith.constant 64 : index
          %parallel_loop3A_476 = tpu.vector_load %arg12[%parallel_loop3A_474, %parallel_loop3A_475] {strides = array<i32>} : memref<40x128xf32, #tpu.memory_space<vmem>>, vector<16xf32>,
          tpu.vector_store %arg12[%parallel_loop3A_474, %parallel_loop3A_475], %parallel_loop3A_473 {strides = array<i32>} : memref<40x128xf32, #tpu.memory_space<vmem>>, vector<16xf32>,
          %parallel_loop3A_477 = arith.mulf %parallel_loop3A_332, %parallel_loop3A_456 : vector<16xf32>
          %parallel_loop3A_478 = arith.index_cast %parallel_loop3A_314 : i32 to index
          %parallel_loop3A_479 = arith.constant 80 : index
          %parallel_loop3A_480 = tpu.vector_load %arg12[%parallel_loop3A_478, %parallel_loop3A_479] {strides = array<i32>} : memref<40x128xf32, #tpu.memory_space<vmem>>, vector<16xf32>,
          tpu.vector_store %arg12[%parallel_loop3A_478, %parallel_loop3A_479], %parallel_loop3A_477 {strides = array<i32>} : memref<40x128xf32, #tpu.memory_space<vmem>>, vector<16xf32>,
          %parallel_loop3A_481 = arith.mulf %parallel_loop3A_335, %parallel_loop3A_456 : vector<16xf32>
          %parallel_loop3A_482 = arith.index_cast %parallel_loop3A_314 : i32 to index
          %parallel_loop3A_483 = arith.constant 96 : index
          %parallel_loop3A_484 = tpu.vector_load %arg12[%parallel_loop3A_482, %parallel_loop3A_483] {strides = array<i32>} : memref<40x128xf32, #tpu.memory_space<vmem>>, vector<16xf32>,
          tpu.vector_store %arg12[%parallel_loop3A_482, %parallel_loop3A_483], %parallel_loop3A_481 {strides = array<i32>} : memref<40x128xf32, #tpu.memory_space<vmem>>, vector<16xf32>,
          %parallel_loop3A_485 = arith.mulf %parallel_loop3A_338, %parallel_loop3A_456 : vector<16xf32>
          %parallel_loop3A_486 = arith.index_cast %parallel_loop3A_314 : i32 to index
          %parallel_loop3A_487 = arith.constant 112 : index
          %parallel_loop3A_488 = tpu.vector_load %arg12[%parallel_loop3A_486, %parallel_loop3A_487] {strides = array<i32>} : memref<40x128xf32, #tpu.memory_space<vmem>>, vector<16xf32>,
          tpu.vector_store %arg12[%parallel_loop3A_486, %parallel_loop3A_487], %parallel_loop3A_485 {strides = array<i32>} : memref<40x128xf32, #tpu.memory_space<vmem>>, vector<16xf32>,
          %parallel_loop3A_489 = arith.constant 16 : i32
          %parallel_loop3A_490 = arith.muli %parallel_loop3A_314, %parallel_loop3A_489 : i32
          %parallel_loop3A_491 = arith.index_cast %parallel_loop3A_490 : i32 to index
          %parallel_loop3A_492 = tpu.vector_load %arg18[%parallel_loop3A_491] {strides = array<i32>} : memref<768xf32, #tpu.memory_space<vmem>>, vector<16xf32>,
          tpu.vector_store %arg18[%parallel_loop3A_491], %parallel_loop3A_456 {strides = array<i32>} : memref<768xf32, #tpu.memory_space<vmem>>, vector<16xf32>,
        } {sc.loop_unroll_factor = 4 : i64, sc.parallel_access}
        %broadcast_in_dim3A_200 = vector.broadcast %mul3A_147 : i32 to vector<16xi32>
        %add3A_201 = arith.constant 0 : i32
        %add3A_202 = vector.broadcast %add3A_201 : i32 to vector<16xi32>
        %add3A_203 = arith.addi %add3A_202, %iota3A : vector<16xi32>
        %gather3A = tpu.vector_load_idx %arg11[%broadcast_in_dim3A_200, %add3A_203] : memref<11x40xi32, #tpu.memory_space<vmem>>[vector<16xi32>, vector<16xi32>], vector<16xi32>,
        %add3A_204 = arith.constant 0 : i32
        %add3A_205 = vector.broadcast %add3A_204 : i32 to vector<16xi32>
        %add3A_206 = arith.addi %add3A_205, %iota3A : vector<16xi32>
        %mul3A_207 = arith.constant 16 : i32
        %mul3A_208 = vector.broadcast %mul3A_207 : i32 to vector<16xi32>
        %mul3A_209 = arith.muli %add3A_206, %mul3A_208 : vector<16xi32>
        %gather3A_210 = tpu.vector_load_idx %arg18[%mul3A_209] : memref<768xf32, #tpu.memory_space<vmem>>[vector<16xi32>], vector<16xf32>,
        tpu.vector_store_idx %arg19[%gather3A], %gather3A_210 {add = true} : memref<10000xf32, #tpu.memory_space<vmem>>[vector<16xi32>], vector<16xf32>,
        %add3A_211 = arith.constant 16 : i32
        %add3A_212 = vector.broadcast %add3A_211 : i32 to vector<16xi32>
        %add3A_213 = arith.addi %add3A_212, %iota3A : vector<16xi32>
        %gather3A_214 = tpu.vector_load_idx %arg11[%broadcast_in_dim3A_200, %add3A_213] : memref<11x40xi32, #tpu.memory_space<vmem>>[vector<16xi32>, vector<16xi32>], vector<16xi32>,
        %add3A_215 = arith.constant 16 : i32
        %add3A_216 = vector.broadcast %add3A_215 : i32 to vector<16xi32>
        %add3A_217 = arith.addi %add3A_216, %iota3A : vector<16xi32>
        %mul3A_218 = arith.constant 16 : i32
        %mul3A_219 = vector.broadcast %mul3A_218 : i32 to vector<16xi32>
        %mul3A_220 = arith.muli %add3A_217, %mul3A_219 : vector<16xi32>
        %gather3A_221 = tpu.vector_load_idx %arg18[%mul3A_220] : memref<768xf32, #tpu.memory_space<vmem>>[vector<16xi32>], vector<16xf32>,
        tpu.vector_store_idx %arg19[%gather3A_214], %gather3A_221 {add = true} : memref<10000xf32, #tpu.memory_space<vmem>>[vector<16xi32>], vector<16xf32>,
        %add3A_222 = arith.constant 32 : i32
        %add3A_223 = vector.broadcast %add3A_222 : i32 to vector<16xi32>
        %add3A_224 = arith.addi %add3A_223, %iota3A : vector<16xi32>
        %gather3A_225 = tpu.vector_load_idx %arg11[%broadcast_in_dim3A_200, %add3A_224] masked %lt3A_68 : memref<11x40xi32, #tpu.memory_space<vmem>>[vector<16xi32>, vector<16xi32>], vector<16xi32>, vector<16xi1>
        %add3A_226 = arith.constant 32 : i32
        %add3A_227 = vector.broadcast %add3A_226 : i32 to vector<16xi32>
        %add3A_228 = arith.addi %add3A_227, %iota3A : vector<16xi32>
        %mul3A_229 = arith.constant 16 : i32
        %mul3A_230 = vector.broadcast %mul3A_229 : i32 to vector<16xi32>
        %mul3A_231 = arith.muli %add3A_228, %mul3A_230 : vector<16xi32>
        %gather3A_232 = tpu.vector_load_idx %arg18[%mul3A_231] masked %lt3A_68 : memref<768xf32, #tpu.memory_space<vmem>>[vector<16xi32>], vector<16xf32>, vector<16xi1>
        tpu.vector_store_idx %arg19[%gather3A_225], %gather3A_232 masked %lt3A_68 {add = true} : memref<10000xf32, #tpu.memory_space<vmem>>[vector<16xi32>], vector<16xf32>, vector<16xi1>
        %dma_start3A_233 = arith.constant 0 : i32
        %dma_start3A_234 = tpu.memref_slice %arg11[%mul3A_147, %dma_start3A_233] : memref<11x40xi32, #tpu.memory_space<vmem>> -> memref<1x40xi32, #tpu.memory_space<vmem>>
        %dma_start3A_235 = tpu.memref_squeeze %dma_start3A_234 : memref<1x40xi32, #tpu.memory_space<vmem>> -> memref<40xi32, #tpu.memory_space<vmem>>
        %dma_start3A_236 = arith.constant 0 : i32
        %dma_start3A_237 = arith.constant 0 : i32
        %dma_start3A_238 = tpu.memref_slice %arg21[%dma_start3A_236, %dma_start3A_237] : memref<10000x128xf32, #tpu.memory_space<vmem_shared>> -> memref<10000x128xf32, #tpu.memory_space<vmem_shared>>
        tpu.enqueue_indirect_dma source(%arg12 : memref<40x128xf32, #tpu.memory_space<vmem>>) target(%dma_start3A_238 : memref<10000x128xf32, #tpu.memory_space<vmem_shared>>) offsets(%dma_start3A_235 : memref<40xi32, #tpu.memory_space<vmem>>) semaphore(%arg28 : memref<!tpu.dma_semaphore, #tpu.memory_space<semaphore_mem>>) {add = true}
        %add3A_239 = arith.constant 1 : i32
        %add3A_240 = arith.addi %mul3A_147, %add3A_239 : i32
        %mul3A_241 = arith.constant 400 : i32
        %mul3A_242 = arith.muli %scan3A_129, %mul3A_241 : i32
        %add3A_243 = arith.addi %mul3A_2, %mul3A_242 : i32
        %mul3A_244 = arith.constant 40 : i32
        %mul3A_245 = arith.muli %add3A_240, %mul3A_244 : i32
        %add3A_246 = arith.addi %add3A_243, %mul3A_245 : i32
        %dma_wait3A_247 = arith.constant 0 : i32
        %dma_wait3A_248 = tpu.memref_slice %arg10[%add3A_240, %dma_wait3A_247] : memref<11x40xi32, #tpu.memory_space<vmem>> -> memref<1x40xi32, #tpu.memory_space<vmem>>
        %dma_wait3A_249 = tpu.memref_squeeze %dma_wait3A_248 : memref<1x40xi32, #tpu.memory_space<vmem>> -> memref<40xi32, #tpu.memory_space<vmem>>
        %dma_wait3A_250 = arith.constant 0 : i32
        %dma_wait3A_251 = arith.constant 0 : i32
        %dma_wait3A_252 = tpu.memref_slice %arg2[%dma_wait3A_250, %dma_wait3A_251] : memref<10000x128xf32, #tpu.memory_space<hbm>> -> memref<10000x128xf32, #tpu.memory_space<hbm>>
        tpu.wait_indirect_dma semaphore(%arg23 : memref<!tpu.dma_semaphore, #tpu.memory_space<semaphore_mem>>) src(%dma_wait3A_252 : memref<10000x128xf32, #tpu.memory_space<hbm>>) dst(%arg13 : memref<40x128xf32, #tpu.memory_space<vmem>>)
        %dma_wait3A_253 = arith.constant 0 : i32
        %dma_wait3A_254 = tpu.memref_slice %arg11[%add3A_240, %dma_wait3A_253] : memref<11x40xi32, #tpu.memory_space<vmem>> -> memref<1x40xi32, #tpu.memory_space<vmem>>
        %dma_wait3A_255 = tpu.memref_squeeze %dma_wait3A_254 : memref<1x40xi32, #tpu.memory_space<vmem>> -> memref<40xi32, #tpu.memory_space<vmem>>
        %dma_wait3A_256 = arith.constant 0 : i32
        %dma_wait3A_257 = arith.constant 0 : i32
        %dma_wait3A_258 = tpu.memref_slice %arg3[%dma_wait3A_256, %dma_wait3A_257] : memref<10000x128xf32, #tpu.memory_space<hbm>> -> memref<10000x128xf32, #tpu.memory_space<hbm>>
        tpu.wait_indirect_dma semaphore(%arg25 : memref<!tpu.dma_semaphore, #tpu.memory_space<semaphore_mem>>) src(%dma_wait3A_258 : memref<10000x128xf32, #tpu.memory_space<hbm>>) dst(%arg15 : memref<40x128xf32, #tpu.memory_space<vmem>>)
        %dma_wait3A_259 = arith.constant 0 : i32
        %dma_wait3A_260 = tpu.memref_slice %arg4[%add3A_246, %dma_wait3A_259] : memref<320000x128xf32, #tpu.memory_space<hbm>> -> memref<40x128xf32, #tpu.memory_space<hbm>>
        %dma_wait3A_261 = arith.constant 0 : i32
        %dma_wait3A_262 = tpu.memref_slice %arg4[%add3A_246, %dma_wait3A_261] : memref<320000x128xf32, #tpu.memory_space<hbm>> -> memref<40x128xf32, #tpu.memory_space<hbm>>
        tpu.wait_dma2 semaphore(%arg27 : memref<!tpu.dma_semaphore, #tpu.memory_space<semaphore_mem>>) src(%dma_wait3A_262 : memref<40x128xf32, #tpu.memory_space<hbm>>) dst(%arg17 : memref<40x128xf32, #tpu.memory_space<vmem>>)
        %lt3A_263 = arith.constant 4 : i32
        %lt3A_264 = arith.cmpi slt, %scan3A_144, %lt3A_263 : i32
        %convert_element_type3A_265 = arith.extui %lt3A_264 : i1 to i32
        %cond3A_266 = arith.constant 0 : i32
        %cond3A_267 = arith.cmpi ne, %convert_element_type3A_265, %cond3A_266 : i32
        scf.if %cond3A_267 {
          %dma_wait3A_314 = arith.constant 0 : i32
          %dma_wait3A_315 = arith.constant 0 : i32
          %dma_wait3A_316 = tpu.memref_slice %arg11[%dma_wait3A_314, %dma_wait3A_315] : memref<11x40xi32, #tpu.memory_space<vmem>> -> memref<1x40xi32, #tpu.memory_space<vmem>>
          %dma_wait3A_317 = tpu.memref_squeeze %dma_wait3A_316 : memref<1x40xi32, #tpu.memory_space<vmem>> -> memref<40xi32, #tpu.memory_space<vmem>>
          %dma_wait3A_318 = arith.constant 0 : i32
          %dma_wait3A_319 = arith.constant 0 : i32
          %dma_wait3A_320 = tpu.memref_slice %arg21[%dma_wait3A_318, %dma_wait3A_319] : memref<10000x128xf32, #tpu.memory_space<vmem_shared>> -> memref<10000x128xf32, #tpu.memory_space<vmem_shared>>
          tpu.wait_indirect_dma semaphore(%arg28 : memref<!tpu.dma_semaphore, #tpu.memory_space<semaphore_mem>>) src(%arg12 : memref<40x128xf32, #tpu.memory_space<vmem>>) dst(%dma_wait3A_320 : memref<10000x128xf32, #tpu.memory_space<vmem_shared>>)
          %add3A_321 = arith.constant 2 : i32
          %add3A_322 = arith.addi %mul3A_147, %add3A_321 : i32
          %mul3A_323 = arith.constant 400 : i32
          %mul3A_324 = arith.muli %scan3A_129, %mul3A_323 : i32
          %add3A_325 = arith.addi %mul3A_2, %mul3A_324 : i32
          %mul3A_326 = arith.constant 40 : i32
          %mul3A_327 = arith.muli %add3A_322, %mul3A_326 : i32
          %add3A_328 = arith.addi %add3A_325, %mul3A_327 : i32
          %dma_start3A_329 = arith.constant 0 : i32
          %dma_start3A_330 = tpu.memref_slice %arg10[%add3A_322, %dma_start3A_329] : memref<11x40xi32, #tpu.memory_space<vmem>> -> memref<1x40xi32, #tpu.memory_space<vmem>>
          %dma_start3A_331 = tpu.memref_squeeze %dma_start3A_330 : memref<1x40xi32, #tpu.memory_space<vmem>> -> memref<40xi32, #tpu.memory_space<vmem>>
          %dma_start3A_332 = arith.constant 0 : i32
          %dma_start3A_333 = arith.constant 0 : i32
          %dma_start3A_334 = tpu.memref_slice %arg2[%dma_start3A_332, %dma_start3A_333] : memref<10000x128xf32, #tpu.memory_space<hbm>> -> memref<10000x128xf32, #tpu.memory_space<hbm>>
          tpu.enqueue_indirect_dma source(%dma_start3A_334 : memref<10000x128xf32, #tpu.memory_space<hbm>>) target(%arg12 : memref<40x128xf32, #tpu.memory_space<vmem>>) offsets(%dma_start3A_331 : memref<40xi32, #tpu.memory_space<vmem>>) semaphore(%arg22 : memref<!tpu.dma_semaphore, #tpu.memory_space<semaphore_mem>>)
          %dma_start3A_335 = arith.constant 0 : i32
          %dma_start3A_336 = tpu.memref_slice %arg11[%add3A_322, %dma_start3A_335] : memref<11x40xi32, #tpu.memory_space<vmem>> -> memref<1x40xi32, #tpu.memory_space<vmem>>
          %dma_start3A_337 = tpu.memref_squeeze %dma_start3A_336 : memref<1x40xi32, #tpu.memory_space<vmem>> -> memref<40xi32, #tpu.memory_space<vmem>>
          %dma_start3A_338 = arith.constant 0 : i32
          %dma_start3A_339 = arith.constant 0 : i32
          %dma_start3A_340 = tpu.memref_slice %arg3[%dma_start3A_338, %dma_start3A_339] : memref<10000x128xf32, #tpu.memory_space<hbm>> -> memref<10000x128xf32, #tpu.memory_space<hbm>>
          tpu.enqueue_indirect_dma source(%dma_start3A_340 : memref<10000x128xf32, #tpu.memory_space<hbm>>) target(%arg14 : memref<40x128xf32, #tpu.memory_space<vmem>>) offsets(%dma_start3A_337 : memref<40xi32, #tpu.memory_space<vmem>>) semaphore(%arg24 : memref<!tpu.dma_semaphore, #tpu.memory_space<semaphore_mem>>)
          %dma_start3A_341 = arith.constant 0 : i32
          %dma_start3A_342 = tpu.memref_slice %arg4[%add3A_328, %dma_start3A_341] : memref<320000x128xf32, #tpu.memory_space<hbm>> -> memref<40x128xf32, #tpu.memory_space<hbm>>
          %dma_start3A_343 = arith.constant 0 : i32
          %dma_start3A_344 = tpu.memref_slice %arg4[%add3A_328, %dma_start3A_343] : memref<320000x128xf32, #tpu.memory_space<hbm>> -> memref<40x128xf32, #tpu.memory_space<hbm>>
          tpu.enqueue_dma source(%dma_start3A_344 : memref<40x128xf32, #tpu.memory_space<hbm>>) target(%arg16 : memref<40x128xf32, #tpu.memory_space<vmem>>) target_semaphore(%arg26 : memref<!tpu.dma_semaphore, #tpu.memory_space<semaphore_mem>>)
        } else {
        }
        %add3A_268 = arith.constant 1 : i32
        %add3A_269 = arith.addi %mul3A_147, %add3A_268 : i32
        %parallel_loop3A_270 = arith.constant 0 : i32
        %parallel_loop3A_271 = arith.constant 40 : i32
        %parallel_loop3A_272 = arith.constant 1 : i32
        scf.for %parallel_loop3A_314 = %parallel_loop3A_270 to %parallel_loop3A_271 step %parallel_loop3A_272  : i32 {
          %parallel_loop3A_315 = arith.index_cast %parallel_loop3A_314 : i32 to index
          %parallel_loop3A_316 = arith.constant 0 : index
          %parallel_loop3A_317 = tpu.vector_load %arg13[%parallel_loop3A_315, %parallel_loop3A_316] {strides = array<i32>} : memref<40x128xf32, #tpu.memory_space<vmem>>, vector<16xf32>,
          %parallel_loop3A_318 = arith.index_cast %parallel_loop3A_314 : i32 to index
          %parallel_loop3A_319 = arith.constant 16 : index
          %parallel_loop3A_320 = tpu.vector_load %arg13[%parallel_loop3A_318, %parallel_loop3A_319] {strides = array<i32>} : memref<40x128xf32, #tpu.memory_space<vmem>>, vector<16xf32>,
          %parallel_loop3A_321 = arith.index_cast %parallel_loop3A_314 : i32 to index
          %parallel_loop3A_322 = arith.constant 32 : index
          %parallel_loop3A_323 = tpu.vector_load %arg13[%parallel_loop3A_321, %parallel_loop3A_322] {strides = array<i32>} : memref<40x128xf32, #tpu.memory_space<vmem>>, vector<16xf32>,
          %parallel_loop3A_324 = arith.index_cast %parallel_loop3A_314 : i32 to index
          %parallel_loop3A_325 = arith.constant 48 : index
          %parallel_loop3A_326 = tpu.vector_load %arg13[%parallel_loop3A_324, %parallel_loop3A_325] {strides = array<i32>} : memref<40x128xf32, #tpu.memory_space<vmem>>, vector<16xf32>,
          %parallel_loop3A_327 = arith.index_cast %parallel_loop3A_314 : i32 to index
          %parallel_loop3A_328 = arith.constant 64 : index
          %parallel_loop3A_329 = tpu.vector_load %arg13[%parallel_loop3A_327, %parallel_loop3A_328] {strides = array<i32>} : memref<40x128xf32, #tpu.memory_space<vmem>>, vector<16xf32>,
          %parallel_loop3A_330 = arith.index_cast %parallel_loop3A_314 : i32 to index
          %parallel_loop3A_331 = arith.constant 80 : index
          %parallel_loop3A_332 = tpu.vector_load %arg13[%parallel_loop3A_330, %parallel_loop3A_331] {strides = array<i32>} : memref<40x128xf32, #tpu.memory_space<vmem>>, vector<16xf32>,
          %parallel_loop3A_333 = arith.index_cast %parallel_loop3A_314 : i32 to index
          %parallel_loop3A_334 = arith.constant 96 : index
          %parallel_loop3A_335 = tpu.vector_load %arg13[%parallel_loop3A_333, %parallel_loop3A_334] {strides = array<i32>} : memref<40x128xf32, #tpu.memory_space<vmem>>, vector<16xf32>,
          %parallel_loop3A_336 = arith.index_cast %parallel_loop3A_314 : i32 to index
          %parallel_loop3A_337 = arith.constant 112 : index
          %parallel_loop3A_338 = tpu.vector_load %arg13[%parallel_loop3A_336, %parallel_loop3A_337] {strides = array<i32>} : memref<40x128xf32, #tpu.memory_space<vmem>>, vector<16xf32>,
          %parallel_loop3A_339 = arith.index_cast %parallel_loop3A_314 : i32 to index
          %parallel_loop3A_340 = arith.constant 0 : index
          %parallel_loop3A_341 = tpu.vector_load %arg15[%parallel_loop3A_339, %parallel_loop3A_340] {strides = array<i32>} : memref<40x128xf32, #tpu.memory_space<vmem>>, vector<16xf32>,
          %parallel_loop3A_342 = arith.addf %parallel_loop3A_317, %parallel_loop3A_341 : vector<16xf32>
          %parallel_loop3A_343 = arith.index_cast %parallel_loop3A_314 : i32 to index
          %parallel_loop3A_344 = arith.constant 0 : index
          %parallel_loop3A_345 = tpu.vector_load %arg17[%parallel_loop3A_343, %parallel_loop3A_344] {strides = array<i32>} : memref<40x128xf32, #tpu.memory_space<vmem>>, vector<16xf32>,
          %parallel_loop3A_346 = arith.addf %parallel_loop3A_342, %parallel_loop3A_345 : vector<16xf32>
          %parallel_loop3A_347 = arith.constant 2.000000e-01 : f32
          %parallel_loop3A_348 = vector.broadcast %parallel_loop3A_347 : f32 to vector<16xf32>
          %parallel_loop3A_349 = arith.mulf %parallel_loop3A_348, %parallel_loop3A_346 : vector<16xf32>
          %parallel_loop3A_350 = arith.maximumf %parallel_loop3A_346, %parallel_loop3A_349 : vector<16xf32>
          %parallel_loop3A_351 = arith.mulf %parallel_loop3A_350, %get3A_52 : vector<16xf32>
          %parallel_loop3A_352 = arith.addf %broadcast_in_dim3A_5, %parallel_loop3A_351 : vector<16xf32>
          %parallel_loop3A_353 = arith.index_cast %parallel_loop3A_314 : i32 to index
          %parallel_loop3A_354 = arith.constant 16 : index
          %parallel_loop3A_355 = tpu.vector_load %arg15[%parallel_loop3A_353, %parallel_loop3A_354] {strides = array<i32>} : memref<40x128xf32, #tpu.memory_space<vmem>>, vector<16xf32>,
          %parallel_loop3A_356 = arith.addf %parallel_loop3A_320, %parallel_loop3A_355 : vector<16xf32>
          %parallel_loop3A_357 = arith.index_cast %parallel_loop3A_314 : i32 to index
          %parallel_loop3A_358 = arith.constant 16 : index
          %parallel_loop3A_359 = tpu.vector_load %arg17[%parallel_loop3A_357, %parallel_loop3A_358] {strides = array<i32>} : memref<40x128xf32, #tpu.memory_space<vmem>>, vector<16xf32>,
          %parallel_loop3A_360 = arith.addf %parallel_loop3A_356, %parallel_loop3A_359 : vector<16xf32>
          %parallel_loop3A_361 = arith.constant 2.000000e-01 : f32
          %parallel_loop3A_362 = vector.broadcast %parallel_loop3A_361 : f32 to vector<16xf32>
          %parallel_loop3A_363 = arith.mulf %parallel_loop3A_362, %parallel_loop3A_360 : vector<16xf32>
          %parallel_loop3A_364 = arith.maximumf %parallel_loop3A_360, %parallel_loop3A_363 : vector<16xf32>
          %parallel_loop3A_365 = arith.mulf %parallel_loop3A_364, %get3A_54 : vector<16xf32>
          %parallel_loop3A_366 = arith.addf %parallel_loop3A_352, %parallel_loop3A_365 : vector<16xf32>
          %parallel_loop3A_367 = arith.index_cast %parallel_loop3A_314 : i32 to index
          %parallel_loop3A_368 = arith.constant 32 : index
          %parallel_loop3A_369 = tpu.vector_load %arg15[%parallel_loop3A_367, %parallel_loop3A_368] {strides = array<i32>} : memref<40x128xf32, #tpu.memory_space<vmem>>, vector<16xf32>,
          %parallel_loop3A_370 = arith.addf %parallel_loop3A_323, %parallel_loop3A_369 : vector<16xf32>
          %parallel_loop3A_371 = arith.index_cast %parallel_loop3A_314 : i32 to index
          %parallel_loop3A_372 = arith.constant 32 : index
          %parallel_loop3A_373 = tpu.vector_load %arg17[%parallel_loop3A_371, %parallel_loop3A_372] {strides = array<i32>} : memref<40x128xf32, #tpu.memory_space<vmem>>, vector<16xf32>,
          %parallel_loop3A_374 = arith.addf %parallel_loop3A_370, %parallel_loop3A_373 : vector<16xf32>
          %parallel_loop3A_375 = arith.constant 2.000000e-01 : f32
          %parallel_loop3A_376 = vector.broadcast %parallel_loop3A_375 : f32 to vector<16xf32>
          %parallel_loop3A_377 = arith.mulf %parallel_loop3A_376, %parallel_loop3A_374 : vector<16xf32>
          %parallel_loop3A_378 = arith.maximumf %parallel_loop3A_374, %parallel_loop3A_377 : vector<16xf32>
          %parallel_loop3A_379 = arith.mulf %parallel_loop3A_378, %get3A_56 : vector<16xf32>
          %parallel_loop3A_380 = arith.addf %parallel_loop3A_366, %parallel_loop3A_379 : vector<16xf32>
          %parallel_loop3A_381 = arith.index_cast %parallel_loop3A_314 : i32 to index
          %parallel_loop3A_382 = arith.constant 48 : index
          %parallel_loop3A_383 = tpu.vector_load %arg15[%parallel_loop3A_381, %parallel_loop3A_382] {strides = array<i32>} : memref<40x128xf32, #tpu.memory_space<vmem>>, vector<16xf32>,
          %parallel_loop3A_384 = arith.addf %parallel_loop3A_326, %parallel_loop3A_383 : vector<16xf32>
          %parallel_loop3A_385 = arith.index_cast %parallel_loop3A_314 : i32 to index
          %parallel_loop3A_386 = arith.constant 48 : index
          %parallel_loop3A_387 = tpu.vector_load %arg17[%parallel_loop3A_385, %parallel_loop3A_386] {strides = array<i32>} : memref<40x128xf32, #tpu.memory_space<vmem>>, vector<16xf32>,
          %parallel_loop3A_388 = arith.addf %parallel_loop3A_384, %parallel_loop3A_387 : vector<16xf32>
          %parallel_loop3A_389 = arith.constant 2.000000e-01 : f32
          %parallel_loop3A_390 = vector.broadcast %parallel_loop3A_389 : f32 to vector<16xf32>
          %parallel_loop3A_391 = arith.mulf %parallel_loop3A_390, %parallel_loop3A_388 : vector<16xf32>
          %parallel_loop3A_392 = arith.maximumf %parallel_loop3A_388, %parallel_loop3A_391 : vector<16xf32>
          %parallel_loop3A_393 = arith.mulf %parallel_loop3A_392, %get3A_58 : vector<16xf32>
          %parallel_loop3A_394 = arith.addf %parallel_loop3A_380, %parallel_loop3A_393 : vector<16xf32>
          %parallel_loop3A_395 = arith.index_cast %parallel_loop3A_314 : i32 to index
          %parallel_loop3A_396 = arith.constant 64 : index
          %parallel_loop3A_397 = tpu.vector_load %arg15[%parallel_loop3A_395, %parallel_loop3A_396] {strides = array<i32>} : memref<40x128xf32, #tpu.memory_space<vmem>>, vector<16xf32>,
          %parallel_loop3A_398 = arith.addf %parallel_loop3A_329, %parallel_loop3A_397 : vector<16xf32>
          %parallel_loop3A_399 = arith.index_cast %parallel_loop3A_314 : i32 to index
          %parallel_loop3A_400 = arith.constant 64 : index
          %parallel_loop3A_401 = tpu.vector_load %arg17[%parallel_loop3A_399, %parallel_loop3A_400] {strides = array<i32>} : memref<40x128xf32, #tpu.memory_space<vmem>>, vector<16xf32>,
          %parallel_loop3A_402 = arith.addf %parallel_loop3A_398, %parallel_loop3A_401 : vector<16xf32>
          %parallel_loop3A_403 = arith.constant 2.000000e-01 : f32
          %parallel_loop3A_404 = vector.broadcast %parallel_loop3A_403 : f32 to vector<16xf32>
          %parallel_loop3A_405 = arith.mulf %parallel_loop3A_404, %parallel_loop3A_402 : vector<16xf32>
          %parallel_loop3A_406 = arith.maximumf %parallel_loop3A_402, %parallel_loop3A_405 : vector<16xf32>
          %parallel_loop3A_407 = arith.mulf %parallel_loop3A_406, %get3A_60 : vector<16xf32>
          %parallel_loop3A_408 = arith.addf %parallel_loop3A_394, %parallel_loop3A_407 : vector<16xf32>
          %parallel_loop3A_409 = arith.index_cast %parallel_loop3A_314 : i32 to index
          %parallel_loop3A_410 = arith.constant 80 : index
          %parallel_loop3A_411 = tpu.vector_load %arg15[%parallel_loop3A_409, %parallel_loop3A_410] {strides = array<i32>} : memref<40x128xf32, #tpu.memory_space<vmem>>, vector<16xf32>,
          %parallel_loop3A_412 = arith.addf %parallel_loop3A_332, %parallel_loop3A_411 : vector<16xf32>
          %parallel_loop3A_413 = arith.index_cast %parallel_loop3A_314 : i32 to index
          %parallel_loop3A_414 = arith.constant 80 : index
          %parallel_loop3A_415 = tpu.vector_load %arg17[%parallel_loop3A_413, %parallel_loop3A_414] {strides = array<i32>} : memref<40x128xf32, #tpu.memory_space<vmem>>, vector<16xf32>,
          %parallel_loop3A_416 = arith.addf %parallel_loop3A_412, %parallel_loop3A_415 : vector<16xf32>
          %parallel_loop3A_417 = arith.constant 2.000000e-01 : f32
          %parallel_loop3A_418 = vector.broadcast %parallel_loop3A_417 : f32 to vector<16xf32>
          %parallel_loop3A_419 = arith.mulf %parallel_loop3A_418, %parallel_loop3A_416 : vector<16xf32>
          %parallel_loop3A_420 = arith.maximumf %parallel_loop3A_416, %parallel_loop3A_419 : vector<16xf32>
          %parallel_loop3A_421 = arith.mulf %parallel_loop3A_420, %get3A_62 : vector<16xf32>
          %parallel_loop3A_422 = arith.addf %parallel_loop3A_408, %parallel_loop3A_421 : vector<16xf32>
          %parallel_loop3A_423 = arith.index_cast %parallel_loop3A_314 : i32 to index
          %parallel_loop3A_424 = arith.constant 96 : index
          %parallel_loop3A_425 = tpu.vector_load %arg15[%parallel_loop3A_423, %parallel_loop3A_424] {strides = array<i32>} : memref<40x128xf32, #tpu.memory_space<vmem>>, vector<16xf32>,
          %parallel_loop3A_426 = arith.addf %parallel_loop3A_335, %parallel_loop3A_425 : vector<16xf32>
          %parallel_loop3A_427 = arith.index_cast %parallel_loop3A_314 : i32 to index
          %parallel_loop3A_428 = arith.constant 96 : index
          %parallel_loop3A_429 = tpu.vector_load %arg17[%parallel_loop3A_427, %parallel_loop3A_428] {strides = array<i32>} : memref<40x128xf32, #tpu.memory_space<vmem>>, vector<16xf32>,
          %parallel_loop3A_430 = arith.addf %parallel_loop3A_426, %parallel_loop3A_429 : vector<16xf32>
          %parallel_loop3A_431 = arith.constant 2.000000e-01 : f32
          %parallel_loop3A_432 = vector.broadcast %parallel_loop3A_431 : f32 to vector<16xf32>
          %parallel_loop3A_433 = arith.mulf %parallel_loop3A_432, %parallel_loop3A_430 : vector<16xf32>
          %parallel_loop3A_434 = arith.maximumf %parallel_loop3A_430, %parallel_loop3A_433 : vector<16xf32>
          %parallel_loop3A_435 = arith.mulf %parallel_loop3A_434, %get3A_64 : vector<16xf32>
          %parallel_loop3A_436 = arith.addf %parallel_loop3A_422, %parallel_loop3A_435 : vector<16xf32>
          %parallel_loop3A_437 = arith.index_cast %parallel_loop3A_314 : i32 to index
          %parallel_loop3A_438 = arith.constant 112 : index
          %parallel_loop3A_439 = tpu.vector_load %arg15[%parallel_loop3A_437, %parallel_loop3A_438] {strides = array<i32>} : memref<40x128xf32, #tpu.memory_space<vmem>>, vector<16xf32>,
          %parallel_loop3A_440 = arith.addf %parallel_loop3A_338, %parallel_loop3A_439 : vector<16xf32>
          %parallel_loop3A_441 = arith.index_cast %parallel_loop3A_314 : i32 to index
          %parallel_loop3A_442 = arith.constant 112 : index
          %parallel_loop3A_443 = tpu.vector_load %arg17[%parallel_loop3A_441, %parallel_loop3A_442] {strides = array<i32>} : memref<40x128xf32, #tpu.memory_space<vmem>>, vector<16xf32>,
          %parallel_loop3A_444 = arith.addf %parallel_loop3A_440, %parallel_loop3A_443 : vector<16xf32>
          %parallel_loop3A_445 = arith.constant 2.000000e-01 : f32
          %parallel_loop3A_446 = vector.broadcast %parallel_loop3A_445 : f32 to vector<16xf32>
          %parallel_loop3A_447 = arith.mulf %parallel_loop3A_446, %parallel_loop3A_444 : vector<16xf32>
          %parallel_loop3A_448 = arith.maximumf %parallel_loop3A_444, %parallel_loop3A_447 : vector<16xf32>
          %parallel_loop3A_449 = arith.mulf %parallel_loop3A_448, %get3A_66 : vector<16xf32>
          %parallel_loop3A_450 = arith.addf %parallel_loop3A_436, %parallel_loop3A_449 : vector<16xf32>
          %parallel_loop3A_451 = arith.constant true
          %parallel_loop3A_452 = vector.broadcast %parallel_loop3A_451 : i1 to vector<16xi1>
          %parallel_loop3A_453 = tpu.scan <sum>, %parallel_loop3A_450 masked %parallel_loop3A_452 : vector<16xf32>, vector<16xi1> -> vector<16xf32>
          %parallel_loop3A_454 = vector.extract %parallel_loop3A_453[15] : f32 from vector<16xf32>
          %parallel_loop3A_455 = vector.broadcast %parallel_loop3A_454 : f32 to vector<16xf32>
          %parallel_loop3A_456 = math.exp %parallel_loop3A_455 : vector<16xf32>
          %parallel_loop3A_457 = arith.mulf %parallel_loop3A_317, %parallel_loop3A_456 : vector<16xf32>
          %parallel_loop3A_458 = arith.index_cast %parallel_loop3A_314 : i32 to index
          %parallel_loop3A_459 = arith.constant 0 : index
          %parallel_loop3A_460 = tpu.vector_load %arg13[%parallel_loop3A_458, %parallel_loop3A_459] {strides = array<i32>} : memref<40x128xf32, #tpu.memory_space<vmem>>, vector<16xf32>,
          tpu.vector_store %arg13[%parallel_loop3A_458, %parallel_loop3A_459], %parallel_loop3A_457 {strides = array<i32>} : memref<40x128xf32, #tpu.memory_space<vmem>>, vector<16xf32>,
          %parallel_loop3A_461 = arith.mulf %parallel_loop3A_320, %parallel_loop3A_456 : vector<16xf32>
          %parallel_loop3A_462 = arith.index_cast %parallel_loop3A_314 : i32 to index
          %parallel_loop3A_463 = arith.constant 16 : index
          %parallel_loop3A_464 = tpu.vector_load %arg13[%parallel_loop3A_462, %parallel_loop3A_463] {strides = array<i32>} : memref<40x128xf32, #tpu.memory_space<vmem>>, vector<16xf32>,
          tpu.vector_store %arg13[%parallel_loop3A_462, %parallel_loop3A_463], %parallel_loop3A_461 {strides = array<i32>} : memref<40x128xf32, #tpu.memory_space<vmem>>, vector<16xf32>,
          %parallel_loop3A_465 = arith.mulf %parallel_loop3A_323, %parallel_loop3A_456 : vector<16xf32>
          %parallel_loop3A_466 = arith.index_cast %parallel_loop3A_314 : i32 to index
          %parallel_loop3A_467 = arith.constant 32 : index
          %parallel_loop3A_468 = tpu.vector_load %arg13[%parallel_loop3A_466, %parallel_loop3A_467] {strides = array<i32>} : memref<40x128xf32, #tpu.memory_space<vmem>>, vector<16xf32>,
          tpu.vector_store %arg13[%parallel_loop3A_466, %parallel_loop3A_467], %parallel_loop3A_465 {strides = array<i32>} : memref<40x128xf32, #tpu.memory_space<vmem>>, vector<16xf32>,
          %parallel_loop3A_469 = arith.mulf %parallel_loop3A_326, %parallel_loop3A_456 : vector<16xf32>
          %parallel_loop3A_470 = arith.index_cast %parallel_loop3A_314 : i32 to index
          %parallel_loop3A_471 = arith.constant 48 : index
          %parallel_loop3A_472 = tpu.vector_load %arg13[%parallel_loop3A_470, %parallel_loop3A_471] {strides = array<i32>} : memref<40x128xf32, #tpu.memory_space<vmem>>, vector<16xf32>,
          tpu.vector_store %arg13[%parallel_loop3A_470, %parallel_loop3A_471], %parallel_loop3A_469 {strides = array<i32>} : memref<40x128xf32, #tpu.memory_space<vmem>>, vector<16xf32>,
          %parallel_loop3A_473 = arith.mulf %parallel_loop3A_329, %parallel_loop3A_456 : vector<16xf32>
          %parallel_loop3A_474 = arith.index_cast %parallel_loop3A_314 : i32 to index
          %parallel_loop3A_475 = arith.constant 64 : index
          %parallel_loop3A_476 = tpu.vector_load %arg13[%parallel_loop3A_474, %parallel_loop3A_475] {strides = array<i32>} : memref<40x128xf32, #tpu.memory_space<vmem>>, vector<16xf32>,
          tpu.vector_store %arg13[%parallel_loop3A_474, %parallel_loop3A_475], %parallel_loop3A_473 {strides = array<i32>} : memref<40x128xf32, #tpu.memory_space<vmem>>, vector<16xf32>,
          %parallel_loop3A_477 = arith.mulf %parallel_loop3A_332, %parallel_loop3A_456 : vector<16xf32>
          %parallel_loop3A_478 = arith.index_cast %parallel_loop3A_314 : i32 to index
          %parallel_loop3A_479 = arith.constant 80 : index
          %parallel_loop3A_480 = tpu.vector_load %arg13[%parallel_loop3A_478, %parallel_loop3A_479] {strides = array<i32>} : memref<40x128xf32, #tpu.memory_space<vmem>>, vector<16xf32>,
          tpu.vector_store %arg13[%parallel_loop3A_478, %parallel_loop3A_479], %parallel_loop3A_477 {strides = array<i32>} : memref<40x128xf32, #tpu.memory_space<vmem>>, vector<16xf32>,
          %parallel_loop3A_481 = arith.mulf %parallel_loop3A_335, %parallel_loop3A_456 : vector<16xf32>
          %parallel_loop3A_482 = arith.index_cast %parallel_loop3A_314 : i32 to index
          %parallel_loop3A_483 = arith.constant 96 : index
          %parallel_loop3A_484 = tpu.vector_load %arg13[%parallel_loop3A_482, %parallel_loop3A_483] {strides = array<i32>} : memref<40x128xf32, #tpu.memory_space<vmem>>, vector<16xf32>,
          tpu.vector_store %arg13[%parallel_loop3A_482, %parallel_loop3A_483], %parallel_loop3A_481 {strides = array<i32>} : memref<40x128xf32, #tpu.memory_space<vmem>>, vector<16xf32>,
          %parallel_loop3A_485 = arith.mulf %parallel_loop3A_338, %parallel_loop3A_456 : vector<16xf32>
          %parallel_loop3A_486 = arith.index_cast %parallel_loop3A_314 : i32 to index
          %parallel_loop3A_487 = arith.constant 112 : index
          %parallel_loop3A_488 = tpu.vector_load %arg13[%parallel_loop3A_486, %parallel_loop3A_487] {strides = array<i32>} : memref<40x128xf32, #tpu.memory_space<vmem>>, vector<16xf32>,
          tpu.vector_store %arg13[%parallel_loop3A_486, %parallel_loop3A_487], %parallel_loop3A_485 {strides = array<i32>} : memref<40x128xf32, #tpu.memory_space<vmem>>, vector<16xf32>,
          %parallel_loop3A_489 = arith.constant 16 : i32
          %parallel_loop3A_490 = arith.muli %parallel_loop3A_314, %parallel_loop3A_489 : i32
          %parallel_loop3A_491 = arith.index_cast %parallel_loop3A_490 : i32 to index
          %parallel_loop3A_492 = tpu.vector_load %arg18[%parallel_loop3A_491] {strides = array<i32>} : memref<768xf32, #tpu.memory_space<vmem>>, vector<16xf32>,
          tpu.vector_store %arg18[%parallel_loop3A_491], %parallel_loop3A_456 {strides = array<i32>} : memref<768xf32, #tpu.memory_space<vmem>>, vector<16xf32>,
        } {sc.loop_unroll_factor = 4 : i64, sc.parallel_access}
        %broadcast_in_dim3A_273 = vector.broadcast %add3A_269 : i32 to vector<16xi32>
        %add3A_274 = arith.constant 0 : i32
        %add3A_275 = vector.broadcast %add3A_274 : i32 to vector<16xi32>
        %add3A_276 = arith.addi %add3A_275, %iota3A : vector<16xi32>
        %gather3A_277 = tpu.vector_load_idx %arg11[%broadcast_in_dim3A_273, %add3A_276] : memref<11x40xi32, #tpu.memory_space<vmem>>[vector<16xi32>, vector<16xi32>], vector<16xi32>,
        %add3A_278 = arith.constant 0 : i32
        %add3A_279 = vector.broadcast %add3A_278 : i32 to vector<16xi32>
        %add3A_280 = arith.addi %add3A_279, %iota3A : vector<16xi32>
        %mul3A_281 = arith.constant 16 : i32
        %mul3A_282 = vector.broadcast %mul3A_281 : i32 to vector<16xi32>
        %mul3A_283 = arith.muli %add3A_280, %mul3A_282 : vector<16xi32>
        %gather3A_284 = tpu.vector_load_idx %arg18[%mul3A_283] : memref<768xf32, #tpu.memory_space<vmem>>[vector<16xi32>], vector<16xf32>,
        tpu.vector_store_idx %arg19[%gather3A_277], %gather3A_284 {add = true} : memref<10000xf32, #tpu.memory_space<vmem>>[vector<16xi32>], vector<16xf32>,
        %add3A_285 = arith.constant 16 : i32
        %add3A_286 = vector.broadcast %add3A_285 : i32 to vector<16xi32>
        %add3A_287 = arith.addi %add3A_286, %iota3A : vector<16xi32>
        %gather3A_288 = tpu.vector_load_idx %arg11[%broadcast_in_dim3A_273, %add3A_287] : memref<11x40xi32, #tpu.memory_space<vmem>>[vector<16xi32>, vector<16xi32>], vector<16xi32>,
        %add3A_289 = arith.constant 16 : i32
        %add3A_290 = vector.broadcast %add3A_289 : i32 to vector<16xi32>
        %add3A_291 = arith.addi %add3A_290, %iota3A : vector<16xi32>
        %mul3A_292 = arith.constant 16 : i32
        %mul3A_293 = vector.broadcast %mul3A_292 : i32 to vector<16xi32>
        %mul3A_294 = arith.muli %add3A_291, %mul3A_293 : vector<16xi32>
        %gather3A_295 = tpu.vector_load_idx %arg18[%mul3A_294] : memref<768xf32, #tpu.memory_space<vmem>>[vector<16xi32>], vector<16xf32>,
        tpu.vector_store_idx %arg19[%gather3A_288], %gather3A_295 {add = true} : memref<10000xf32, #tpu.memory_space<vmem>>[vector<16xi32>], vector<16xf32>,
        %add3A_296 = arith.constant 32 : i32
        %add3A_297 = vector.broadcast %add3A_296 : i32 to vector<16xi32>
        %add3A_298 = arith.addi %add3A_297, %iota3A : vector<16xi32>
        %gather3A_299 = tpu.vector_load_idx %arg11[%broadcast_in_dim3A_273, %add3A_298] masked %lt3A_68 : memref<11x40xi32, #tpu.memory_space<vmem>>[vector<16xi32>, vector<16xi32>], vector<16xi32>, vector<16xi1>
        %add3A_300 = arith.constant 32 : i32
        %add3A_301 = vector.broadcast %add3A_300 : i32 to vector<16xi32>
        %add3A_302 = arith.addi %add3A_301, %iota3A : vector<16xi32>
        %mul3A_303 = arith.constant 16 : i32
        %mul3A_304 = vector.broadcast %mul3A_303 : i32 to vector<16xi32>
        %mul3A_305 = arith.muli %add3A_302, %mul3A_304 : vector<16xi32>
        %gather3A_306 = tpu.vector_load_idx %arg18[%mul3A_305] masked %lt3A_68 : memref<768xf32, #tpu.memory_space<vmem>>[vector<16xi32>], vector<16xf32>, vector<16xi1>
        tpu.vector_store_idx %arg19[%gather3A_299], %gather3A_306 masked %lt3A_68 {add = true} : memref<10000xf32, #tpu.memory_space<vmem>>[vector<16xi32>], vector<16xf32>, vector<16xi1>
        %dma_start3A_307 = arith.constant 0 : i32
        %dma_start3A_308 = tpu.memref_slice %arg11[%add3A_269, %dma_start3A_307] : memref<11x40xi32, #tpu.memory_space<vmem>> -> memref<1x40xi32, #tpu.memory_space<vmem>>
        %dma_start3A_309 = tpu.memref_squeeze %dma_start3A_308 : memref<1x40xi32, #tpu.memory_space<vmem>> -> memref<40xi32, #tpu.memory_space<vmem>>
        %dma_start3A_310 = arith.constant 0 : i32
        %dma_start3A_311 = arith.constant 0 : i32
        %dma_start3A_312 = tpu.memref_slice %arg21[%dma_start3A_310, %dma_start3A_311] : memref<10000x128xf32, #tpu.memory_space<vmem_shared>> -> memref<10000x128xf32, #tpu.memory_space<vmem_shared>>
        tpu.enqueue_indirect_dma source(%arg13 : memref<40x128xf32, #tpu.memory_space<vmem>>) target(%dma_start3A_312 : memref<10000x128xf32, #tpu.memory_space<vmem_shared>>) offsets(%dma_start3A_309 : memref<40xi32, #tpu.memory_space<vmem>>) semaphore(%arg29 : memref<!tpu.dma_semaphore, #tpu.memory_space<semaphore_mem>>) {add = true}
        %scan3A_313 = arith.constant 0 : i32
        scf.yield %scan3A_313 : i32
      }
      %scan3A_137 = arith.constant 5 : i32
      %add3A_138 = arith.constant 1 : i32
      %add3A_139 = arith.addi %scan3A_129, %add3A_138 : i32
      %lt3A_140 = arith.constant 25 : i32
      %lt3A_141 = arith.cmpi slt, %add3A_139, %lt3A_140 : i32
      %convert_element_type3A = arith.extui %lt3A_141 : i1 to i32
      %cond3A = arith.constant 0 : i32
      %cond3A_142 = arith.cmpi ne, %convert_element_type3A, %cond3A : i32
      scf.if %cond3A_142 {
        %dma_wait3A_144 = arith.constant 0 : i32
        %dma_wait3A_145 = arith.constant 0 : i32
        %dma_wait3A_146 = tpu.memref_slice %arg11[%dma_wait3A_144, %dma_wait3A_145] : memref<11x40xi32, #tpu.memory_space<vmem>> -> memref<1x40xi32, #tpu.memory_space<vmem>>
        %dma_wait3A_147 = tpu.memref_squeeze %dma_wait3A_146 : memref<1x40xi32, #tpu.memory_space<vmem>> -> memref<40xi32, #tpu.memory_space<vmem>>
        %dma_wait3A_148 = arith.constant 0 : i32
        %dma_wait3A_149 = arith.constant 0 : i32
        %dma_wait3A_150 = tpu.memref_slice %arg21[%dma_wait3A_148, %dma_wait3A_149] : memref<10000x128xf32, #tpu.memory_space<vmem_shared>> -> memref<10000x128xf32, #tpu.memory_space<vmem_shared>>
        tpu.wait_indirect_dma semaphore(%arg28 : memref<!tpu.dma_semaphore, #tpu.memory_space<semaphore_mem>>) src(%arg12 : memref<40x128xf32, #tpu.memory_space<vmem>>) dst(%dma_wait3A_150 : memref<10000x128xf32, #tpu.memory_space<vmem_shared>>)
        %dma_wait3A_151 = arith.constant 0 : i32
        %dma_wait3A_152 = arith.constant 0 : i32
        %dma_wait3A_153 = tpu.memref_slice %arg11[%dma_wait3A_151, %dma_wait3A_152] : memref<11x40xi32, #tpu.memory_space<vmem>> -> memref<1x40xi32, #tpu.memory_space<vmem>>
        %dma_wait3A_154 = tpu.memref_squeeze %dma_wait3A_153 : memref<1x40xi32, #tpu.memory_space<vmem>> -> memref<40xi32, #tpu.memory_space<vmem>>
        %dma_wait3A_155 = arith.constant 0 : i32
        %dma_wait3A_156 = arith.constant 0 : i32
        %dma_wait3A_157 = tpu.memref_slice %arg21[%dma_wait3A_155, %dma_wait3A_156] : memref<10000x128xf32, #tpu.memory_space<vmem_shared>> -> memref<10000x128xf32, #tpu.memory_space<vmem_shared>>
        tpu.wait_indirect_dma semaphore(%arg29 : memref<!tpu.dma_semaphore, #tpu.memory_space<semaphore_mem>>) src(%arg13 : memref<40x128xf32, #tpu.memory_space<vmem>>) dst(%dma_wait3A_157 : memref<10000x128xf32, #tpu.memory_space<vmem_shared>>)
        %add3A_158 = arith.constant 1 : i32
        %add3A_159 = arith.addi %scan3A_129, %add3A_158 : i32
        %mul3A_160 = arith.constant 25 : i32
        %mul3A_161 = arith.muli %add3A, %mul3A_160 : i32
        %add3A_162 = arith.addi %mul3A_161, %add3A_159 : i32
        "tpu.region"() ({
          %run_scoped3A = tpu.sem_alloc : memref<!tpu.dma_semaphore, #tpu.memory_space<semaphore_mem>>
          %dma_start3A_188 = arith.constant 0 : i32
          %dma_start3A_189 = arith.constant 0 : i32
          %dma_start3A_190 = tpu.memref_slice %arg10[%dma_start3A_188, %dma_start3A_189] : memref<11x40xi32, #tpu.memory_space<vmem>> -> memref<10x40xi32, #tpu.memory_space<vmem>>
          %dma_start3A_191 = arith.constant 0 : i32
          %dma_start3A_192 = arith.constant 0 : i32
          %dma_start3A_193 = tpu.memref_slice %arg5[%add3A_162, %dma_start3A_191, %dma_start3A_192] : memref<800x10x40xi32, #tpu.memory_space<hbm>> -> memref<1x10x40xi32, #tpu.memory_space<hbm>>
          %dma_start3A_194 = tpu.memref_squeeze %dma_start3A_193 : memref<1x10x40xi32, #tpu.memory_space<hbm>> -> memref<10x40xi32, #tpu.memory_space<hbm>>
          %dma_start3A_195 = arith.constant 0 : i32
          %dma_start3A_196 = arith.constant 0 : i32
          %dma_start3A_197 = tpu.memref_slice %arg10[%dma_start3A_195, %dma_start3A_196] : memref<11x40xi32, #tpu.memory_space<vmem>> -> memref<10x40xi32, #tpu.memory_space<vmem>>
          %dma_start3A_198 = arith.constant 0 : i32
          %dma_start3A_199 = arith.constant 0 : i32
          %dma_start3A_200 = tpu.memref_slice %arg5[%add3A_162, %dma_start3A_198, %dma_start3A_199] : memref<800x10x40xi32, #tpu.memory_space<hbm>> -> memref<1x10x40xi32, #tpu.memory_space<hbm>>
          %dma_start3A_201 = tpu.memref_squeeze %dma_start3A_200 : memref<1x10x40xi32, #tpu.memory_space<hbm>> -> memref<10x40xi32, #tpu.memory_space<hbm>>
          tpu.enqueue_dma source(%dma_start3A_201 : memref<10x40xi32, #tpu.memory_space<hbm>>) target(%dma_start3A_197 : memref<10x40xi32, #tpu.memory_space<vmem>>) target_semaphore(%run_scoped3A : memref<!tpu.dma_semaphore, #tpu.memory_space<semaphore_mem>>)
          %dma_wait3A_202 = arith.constant 0 : i32
          %dma_wait3A_203 = arith.constant 0 : i32
          %dma_wait3A_204 = tpu.memref_slice %arg10[%dma_wait3A_202, %dma_wait3A_203] : memref<11x40xi32, #tpu.memory_space<vmem>> -> memref<10x40xi32, #tpu.memory_space<vmem>>
          %dma_wait3A_205 = arith.constant 0 : i32
          %dma_wait3A_206 = arith.constant 0 : i32
          %dma_wait3A_207 = tpu.memref_slice %arg5[%add3A_162, %dma_wait3A_205, %dma_wait3A_206] : memref<800x10x40xi32, #tpu.memory_space<hbm>> -> memref<1x10x40xi32, #tpu.memory_space<hbm>>
          %dma_wait3A_208 = tpu.memref_squeeze %dma_wait3A_207 : memref<1x10x40xi32, #tpu.memory_space<hbm>> -> memref<10x40xi32, #tpu.memory_space<hbm>>
          %dma_wait3A_209 = arith.constant 0 : i32
          %dma_wait3A_210 = arith.constant 0 : i32
          %dma_wait3A_211 = tpu.memref_slice %arg10[%dma_wait3A_209, %dma_wait3A_210] : memref<11x40xi32, #tpu.memory_space<vmem>> -> memref<10x40xi32, #tpu.memory_space<vmem>>
          %dma_wait3A_212 = arith.constant 0 : i32
          %dma_wait3A_213 = arith.constant 0 : i32
          %dma_wait3A_214 = tpu.memref_slice %arg5[%add3A_162, %dma_wait3A_212, %dma_wait3A_213] : memref<800x10x40xi32, #tpu.memory_space<hbm>> -> memref<1x10x40xi32, #tpu.memory_space<hbm>>
          %dma_wait3A_215 = tpu.memref_squeeze %dma_wait3A_214 : memref<1x10x40xi32, #tpu.memory_space<hbm>> -> memref<10x40xi32, #tpu.memory_space<hbm>>
          tpu.wait_dma2 semaphore(%run_scoped3A : memref<!tpu.dma_semaphore, #tpu.memory_space<semaphore_mem>>) src(%dma_wait3A_215 : memref<10x40xi32, #tpu.memory_space<hbm>>) dst(%dma_wait3A_211 : memref<10x40xi32, #tpu.memory_space<vmem>>)
          tpu.yield
        }) : () -> ()
        "tpu.region"() ({
          %run_scoped3A = tpu.sem_alloc : memref<!tpu.dma_semaphore, #tpu.memory_space<semaphore_mem>>
          %dma_start3A_188 = arith.constant 0 : i32
          %dma_start3A_189 = arith.constant 0 : i32
          %dma_start3A_190 = tpu.memref_slice %arg11[%dma_start3A_188, %dma_start3A_189] : memref<11x40xi32, #tpu.memory_space<vmem>> -> memref<10x40xi32, #tpu.memory_space<vmem>>
          %dma_start3A_191 = arith.constant 0 : i32
          %dma_start3A_192 = arith.constant 0 : i32
          %dma_start3A_193 = tpu.memref_slice %arg6[%add3A_162, %dma_start3A_191, %dma_start3A_192] : memref<800x10x40xi32, #tpu.memory_space<hbm>> -> memref<1x10x40xi32, #tpu.memory_space<hbm>>
          %dma_start3A_194 = tpu.memref_squeeze %dma_start3A_193 : memref<1x10x40xi32, #tpu.memory_space<hbm>> -> memref<10x40xi32, #tpu.memory_space<hbm>>
          %dma_start3A_195 = arith.constant 0 : i32
          %dma_start3A_196 = arith.constant 0 : i32
          %dma_start3A_197 = tpu.memref_slice %arg11[%dma_start3A_195, %dma_start3A_196] : memref<11x40xi32, #tpu.memory_space<vmem>> -> memref<10x40xi32, #tpu.memory_space<vmem>>
          %dma_start3A_198 = arith.constant 0 : i32
          %dma_start3A_199 = arith.constant 0 : i32
          %dma_start3A_200 = tpu.memref_slice %arg6[%add3A_162, %dma_start3A_198, %dma_start3A_199] : memref<800x10x40xi32, #tpu.memory_space<hbm>> -> memref<1x10x40xi32, #tpu.memory_space<hbm>>
          %dma_start3A_201 = tpu.memref_squeeze %dma_start3A_200 : memref<1x10x40xi32, #tpu.memory_space<hbm>> -> memref<10x40xi32, #tpu.memory_space<hbm>>
          tpu.enqueue_dma source(%dma_start3A_201 : memref<10x40xi32, #tpu.memory_space<hbm>>) target(%dma_start3A_197 : memref<10x40xi32, #tpu.memory_space<vmem>>) target_semaphore(%run_scoped3A : memref<!tpu.dma_semaphore, #tpu.memory_space<semaphore_mem>>)
          %dma_wait3A_202 = arith.constant 0 : i32
          %dma_wait3A_203 = arith.constant 0 : i32
          %dma_wait3A_204 = tpu.memref_slice %arg11[%dma_wait3A_202, %dma_wait3A_203] : memref<11x40xi32, #tpu.memory_space<vmem>> -> memref<10x40xi32, #tpu.memory_space<vmem>>
          %dma_wait3A_205 = arith.constant 0 : i32
          %dma_wait3A_206 = arith.constant 0 : i32
          %dma_wait3A_207 = tpu.memref_slice %arg6[%add3A_162, %dma_wait3A_205, %dma_wait3A_206] : memref<800x10x40xi32, #tpu.memory_space<hbm>> -> memref<1x10x40xi32, #tpu.memory_space<hbm>>
          %dma_wait3A_208 = tpu.memref_squeeze %dma_wait3A_207 : memref<1x10x40xi32, #tpu.memory_space<hbm>> -> memref<10x40xi32, #tpu.memory_space<hbm>>
          %dma_wait3A_209 = arith.constant 0 : i32
          %dma_wait3A_210 = arith.constant 0 : i32
          %dma_wait3A_211 = tpu.memref_slice %arg11[%dma_wait3A_209, %dma_wait3A_210] : memref<11x40xi32, #tpu.memory_space<vmem>> -> memref<10x40xi32, #tpu.memory_space<vmem>>
          %dma_wait3A_212 = arith.constant 0 : i32
          %dma_wait3A_213 = arith.constant 0 : i32
          %dma_wait3A_214 = tpu.memref_slice %arg6[%add3A_162, %dma_wait3A_212, %dma_wait3A_213] : memref<800x10x40xi32, #tpu.memory_space<hbm>> -> memref<1x10x40xi32, #tpu.memory_space<hbm>>
          %dma_wait3A_215 = tpu.memref_squeeze %dma_wait3A_214 : memref<1x10x40xi32, #tpu.memory_space<hbm>> -> memref<10x40xi32, #tpu.memory_space<hbm>>
          tpu.wait_dma2 semaphore(%run_scoped3A : memref<!tpu.dma_semaphore, #tpu.memory_space<semaphore_mem>>) src(%dma_wait3A_215 : memref<10x40xi32, #tpu.memory_space<hbm>>) dst(%dma_wait3A_211 : memref<10x40xi32, #tpu.memory_space<vmem>>)
          tpu.yield
        }) : () -> ()
        %add3A_163 = arith.constant 1 : i32
        %add3A_164 = arith.addi %scan3A_129, %add3A_163 : i32
        %mul3A_165 = arith.constant 400 : i32
        %mul3A_166 = arith.muli %add3A_164, %mul3A_165 : i32
        %add3A_167 = arith.addi %mul3A_2, %mul3A_166 : i32
        %add3A_168 = arith.constant 0 : i32
        %add3A_169 = arith.addi %add3A_167, %add3A_168 : i32
        %dma_start3A_170 = arith.constant 0 : i32
        %dma_start3A_171 = arith.constant 0 : i32
        %dma_start3A_172 = tpu.memref_slice %arg10[%dma_start3A_170, %dma_start3A_171] : memref<11x40xi32, #tpu.memory_space<vmem>> -> memref<1x40xi32, #tpu.memory_space<vmem>>
        %dma_start3A_173 = tpu.memref_squeeze %dma_start3A_172 : memref<1x40xi32, #tpu.memory_space<vmem>> -> memref<40xi32, #tpu.memory_space<vmem>>
        %dma_start3A_174 = arith.constant 0 : i32
        %dma_start3A_175 = arith.constant 0 : i32
        %dma_start3A_176 = tpu.memref_slice %arg2[%dma_start3A_174, %dma_start3A_175] : memref<10000x128xf32, #tpu.memory_space<hbm>> -> memref<10000x128xf32, #tpu.memory_space<hbm>>
        tpu.enqueue_indirect_dma source(%dma_start3A_176 : memref<10000x128xf32, #tpu.memory_space<hbm>>) target(%arg12 : memref<40x128xf32, #tpu.memory_space<vmem>>) offsets(%dma_start3A_173 : memref<40xi32, #tpu.memory_space<vmem>>) semaphore(%arg22 : memref<!tpu.dma_semaphore, #tpu.memory_space<semaphore_mem>>)
        %dma_start3A_177 = arith.constant 0 : i32
        %dma_start3A_178 = arith.constant 0 : i32
        %dma_start3A_179 = tpu.memref_slice %arg11[%dma_start3A_177, %dma_start3A_178] : memref<11x40xi32, #tpu.memory_space<vmem>> -> memref<1x40xi32, #tpu.memory_space<vmem>>
        %dma_start3A_180 = tpu.memref_squeeze %dma_start3A_179 : memref<1x40xi32, #tpu.memory_space<vmem>> -> memref<40xi32, #tpu.memory_space<vmem>>
        %dma_start3A_181 = arith.constant 0 : i32
        %dma_start3A_182 = arith.constant 0 : i32
        %dma_start3A_183 = tpu.memref_slice %arg3[%dma_start3A_181, %dma_start3A_182] : memref<10000x128xf32, #tpu.memory_space<hbm>> -> memref<10000x128xf32, #tpu.memory_space<hbm>>
        tpu.enqueue_indirect_dma source(%dma_start3A_183 : memref<10000x128xf32, #tpu.memory_space<hbm>>) target(%arg14 : memref<40x128xf32, #tpu.memory_space<vmem>>) offsets(%dma_start3A_180 : memref<40xi32, #tpu.memory_space<vmem>>) semaphore(%arg24 : memref<!tpu.dma_semaphore, #tpu.memory_space<semaphore_mem>>)
        %dma_start3A_184 = arith.constant 0 : i32
        %dma_start3A_185 = tpu.memref_slice %arg4[%add3A_169, %dma_start3A_184] : memref<320000x128xf32, #tpu.memory_space<hbm>> -> memref<40x128xf32, #tpu.memory_space<hbm>>
        %dma_start3A_186 = arith.constant 0 : i32
        %dma_start3A_187 = tpu.memref_slice %arg4[%add3A_169, %dma_start3A_186] : memref<320000x128xf32, #tpu.memory_space<hbm>> -> memref<40x128xf32, #tpu.memory_space<hbm>>
        tpu.enqueue_dma source(%dma_start3A_187 : memref<40x128xf32, #tpu.memory_space<hbm>>) target(%arg16 : memref<40x128xf32, #tpu.memory_space<vmem>>) target_semaphore(%arg26 : memref<!tpu.dma_semaphore, #tpu.memory_space<semaphore_mem>>)
      } else {
      }
      %scan3A_143 = arith.constant 0 : i32
      scf.yield %scan3A_143 : i32
    }
    %scan3A_100 = arith.constant 25 : i32
    %dma_wait3A = arith.constant 0 : i32
    %dma_wait3A_101 = arith.constant 0 : i32
    %dma_wait3A_102 = tpu.memref_slice %arg11[%dma_wait3A, %dma_wait3A_101] : memref<11x40xi32, #tpu.memory_space<vmem>> -> memref<1x40xi32, #tpu.memory_space<vmem>>
    %dma_wait3A_103 = tpu.memref_squeeze %dma_wait3A_102 : memref<1x40xi32, #tpu.memory_space<vmem>> -> memref<40xi32, #tpu.memory_space<vmem>>
    %dma_wait3A_104 = arith.constant 0 : i32
    %dma_wait3A_105 = arith.constant 0 : i32
    %dma_wait3A_106 = tpu.memref_slice %arg21[%dma_wait3A_104, %dma_wait3A_105] : memref<10000x128xf32, #tpu.memory_space<vmem_shared>> -> memref<10000x128xf32, #tpu.memory_space<vmem_shared>>
    tpu.wait_indirect_dma semaphore(%arg28 : memref<!tpu.dma_semaphore, #tpu.memory_space<semaphore_mem>>) src(%arg12 : memref<40x128xf32, #tpu.memory_space<vmem>>) dst(%dma_wait3A_106 : memref<10000x128xf32, #tpu.memory_space<vmem_shared>>)
    %dma_wait3A_107 = arith.constant 0 : i32
    %dma_wait3A_108 = arith.constant 0 : i32
    %dma_wait3A_109 = tpu.memref_slice %arg11[%dma_wait3A_107, %dma_wait3A_108] : memref<11x40xi32, #tpu.memory_space<vmem>> -> memref<1x40xi32, #tpu.memory_space<vmem>>
    %dma_wait3A_110 = tpu.memref_squeeze %dma_wait3A_109 : memref<1x40xi32, #tpu.memory_space<vmem>> -> memref<40xi32, #tpu.memory_space<vmem>>
    %dma_wait3A_111 = arith.constant 0 : i32
    %dma_wait3A_112 = arith.constant 0 : i32
    %dma_wait3A_113 = tpu.memref_slice %arg21[%dma_wait3A_111, %dma_wait3A_112] : memref<10000x128xf32, #tpu.memory_space<vmem_shared>> -> memref<10000x128xf32, #tpu.memory_space<vmem_shared>>
    tpu.wait_indirect_dma semaphore(%arg29 : memref<!tpu.dma_semaphore, #tpu.memory_space<semaphore_mem>>) src(%arg13 : memref<40x128xf32, #tpu.memory_space<vmem>>) dst(%dma_wait3A_113 : memref<10000x128xf32, #tpu.memory_space<vmem_shared>>)
    %mul3A_114 = arith.constant 10000 : i32
    %mul3A_115 = arith.muli %add3A, %mul3A_114 : i32
    "tpu.region"() ({
      %run_scoped3A = tpu.sem_alloc : memref<!tpu.dma_semaphore, #tpu.memory_space<semaphore_mem>>
      %dma_start3A_129 = tpu.memref_slice %arg9[%mul3A_115] : memref<320000xf32, #tpu.memory_space<hbm>> -> memref<10000xf32, #tpu.memory_space<hbm>>
      %dma_start3A_130 = tpu.memref_slice %arg9[%mul3A_115] : memref<320000xf32, #tpu.memory_space<hbm>> -> memref<10000xf32, #tpu.memory_space<hbm>>
      tpu.enqueue_dma source(%arg19 : memref<10000xf32, #tpu.memory_space<vmem>>) target(%dma_start3A_130 : memref<10000xf32, #tpu.memory_space<hbm>>) target_semaphore(%run_scoped3A : memref<!tpu.dma_semaphore, #tpu.memory_space<semaphore_mem>>)
      %dma_wait3A_131 = tpu.memref_slice %arg9[%mul3A_115] : memref<320000xf32, #tpu.memory_space<hbm>> -> memref<10000xf32, #tpu.memory_space<hbm>>
      %dma_wait3A_132 = tpu.memref_slice %arg9[%mul3A_115] : memref<320000xf32, #tpu.memory_space<hbm>> -> memref<10000xf32, #tpu.memory_space<hbm>>
      tpu.wait_dma2 semaphore(%run_scoped3A : memref<!tpu.dma_semaphore, #tpu.memory_space<semaphore_mem>>) src(%arg19 : memref<10000xf32, #tpu.memory_space<vmem>>) dst(%dma_wait3A_132 : memref<10000xf32, #tpu.memory_space<hbm>>)
      tpu.yield
    }) : () -> ()
    %barrier3A_116 = arith.constant 0 : index
    tpu.barrier barrier_id(%barrier3A_116)
    %while3A_117 = arith.constant 0 : i32
    %while3A_118 = arith.constant 0 : i32
    %while3A_119 = arith.subi %select_n3A, %while3A_117 : i32
    %while3A_120 = arith.addi %while3A_117, %while3A_119 : i32
    %while3A_121 = arith.constant 1 : i32
    %while3A_122 = arith.divsi %while3A_119, %while3A_121 : i32
    %while3A_123 = arith.muli %while3A_122, %while3A_121 : i32
    %while3A_124 = arith.addi %while3A_117, %while3A_123 : i32
    %while3A_125 = arith.constant 1 : i32
    %while3A_126 = scf.for %while3A_129 = %while3A_117 to %while3A_124 step %while3A_125 iter_args(%while3A_130 = %while3A_118) -> (i32)  : i32 {
      %mul3A_131 = arith.constant 16 : i32
      %mul3A_132 = arith.muli %while3A_129, %mul3A_131 : i32
      %add3A_133 = arith.addi %arg1, %mul3A_132 : i32
      %mul3A_134 = arith.constant 40 : i32
      %mul3A_135 = arith.muli %add3A_133, %mul3A_134 : i32
      %mul3A_136 = arith.constant 40 : i32
      %mul3A_137 = arith.muli %add3A_133, %mul3A_136 : i32
      "tpu.region"() ({
        %run_scoped3A = tpu.sem_alloc : memref<!tpu.dma_semaphore, #tpu.memory_space<semaphore_mem>>
        %dma_start3A_139 = arith.constant 0 : i32
        %dma_start3A_140 = tpu.memref_slice %arg8[%arg0, %mul3A_137, %dma_start3A_139] : memref<2x10000x128xf32, #tpu.memory_space<hbm>> -> memref<1x40x128xf32, #tpu.memory_space<hbm>>
        %dma_start3A_141 = tpu.memref_squeeze %dma_start3A_140 : memref<1x40x128xf32, #tpu.memory_space<hbm>> -> memref<40x128xf32, #tpu.memory_space<hbm>>
        %dma_start3A_142 = arith.constant 0 : i32
        %dma_start3A_143 = tpu.memref_slice %arg21[%mul3A_135, %dma_start3A_142] : memref<10000x128xf32, #tpu.memory_space<vmem_shared>> -> memref<40x128xf32, #tpu.memory_space<vmem_shared>>
        tpu.enqueue_dma source(%dma_start3A_143 : memref<40x128xf32, #tpu.memory_space<vmem_shared>>) target(%dma_start3A_141 : memref<40x128xf32, #tpu.memory_space<hbm>>) target_semaphore(%run_scoped3A : memref<!tpu.dma_semaphore, #tpu.memory_space<semaphore_mem>>)
        %dma_wait3A_144 = arith.constant 0 : i32
        %dma_wait3A_145 = tpu.memref_slice %arg8[%arg0, %mul3A_137, %dma_wait3A_144] : memref<2x10000x128xf32, #tpu.memory_space<hbm>> -> memref<1x40x128xf32, #tpu.memory_space<hbm>>
        %dma_wait3A_146 = tpu.memref_squeeze %dma_wait3A_145 : memref<1x40x128xf32, #tpu.memory_space<hbm>> -> memref<40x128xf32, #tpu.memory_space<hbm>>
        %dma_wait3A_147 = arith.constant 0 : i32
        %dma_wait3A_148 = tpu.memref_slice %arg21[%mul3A_135, %dma_wait3A_147] : memref<10000x128xf32, #tpu.memory_space<vmem_shared>> -> memref<40x128xf32, #tpu.memory_space<vmem_shared>>
        tpu.wait_dma2 semaphore(%run_scoped3A : memref<!tpu.dma_semaphore, #tpu.memory_space<semaphore_mem>>) src(%dma_wait3A_148 : memref<40x128xf32, #tpu.memory_space<vmem_shared>>) dst(%dma_wait3A_146 : memref<40x128xf32, #tpu.memory_space<hbm>>)
        tpu.yield
      }) : () -> ()
      %while3A_138 = arith.constant 0 : i32
      scf.yield %while3A_138 : i32
    }
    %while3A_127 = arith.constant 1 : i32
    %while3A_128 = scf.for %while3A_129 = %while3A_124 to %while3A_120 step %while3A_127 iter_args(%while3A_130 = %while3A_126) -> (i32)  : i32 {
      %mul3A_131 = arith.constant 16 : i32
      %mul3A_132 = arith.muli %while3A_129, %mul3A_131 : i32
      %add3A_133 = arith.addi %arg1, %mul3A_132 : i32
      %mul3A_134 = arith.constant 40 : i32
      %mul3A_135 = arith.muli %add3A_133, %mul3A_134 : i32
      %mul3A_136 = arith.constant 40 : i32
      %mul3A_137 = arith.muli %add3A_133, %mul3A_136 : i32
      "tpu.region"() ({
        %run_scoped3A = tpu.sem_alloc : memref<!tpu.dma_semaphore, #tpu.memory_space<semaphore_mem>>
        %dma_start3A_139 = arith.constant 0 : i32
        %dma_start3A_140 = tpu.memref_slice %arg8[%arg0, %mul3A_137, %dma_start3A_139] : memref<2x10000x128xf32, #tpu.memory_space<hbm>> -> memref<1x40x128xf32, #tpu.memory_space<hbm>>
        %dma_start3A_141 = tpu.memref_squeeze %dma_start3A_140 : memref<1x40x128xf32, #tpu.memory_space<hbm>> -> memref<40x128xf32, #tpu.memory_space<hbm>>
        %dma_start3A_142 = arith.constant 0 : i32
        %dma_start3A_143 = tpu.memref_slice %arg21[%mul3A_135, %dma_start3A_142] : memref<10000x128xf32, #tpu.memory_space<vmem_shared>> -> memref<40x128xf32, #tpu.memory_space<vmem_shared>>
        tpu.enqueue_dma source(%dma_start3A_143 : memref<40x128xf32, #tpu.memory_space<vmem_shared>>) target(%dma_start3A_141 : memref<40x128xf32, #tpu.memory_space<hbm>>) target_semaphore(%run_scoped3A : memref<!tpu.dma_semaphore, #tpu.memory_space<semaphore_mem>>)
        %dma_wait3A_144 = arith.constant 0 : i32
        %dma_wait3A_145 = tpu.memref_slice %arg8[%arg0, %mul3A_137, %dma_wait3A_144] : memref<2x10000x128xf32, #tpu.memory_space<hbm>> -> memref<1x40x128xf32, #tpu.memory_space<hbm>>
        %dma_wait3A_146 = tpu.memref_squeeze %dma_wait3A_145 : memref<1x40x128xf32, #tpu.memory_space<hbm>> -> memref<40x128xf32, #tpu.memory_space<hbm>>
        %dma_wait3A_147 = arith.constant 0 : i32
        %dma_wait3A_148 = tpu.memref_slice %arg21[%mul3A_135, %dma_wait3A_147] : memref<10000x128xf32, #tpu.memory_space<vmem_shared>> -> memref<40x128xf32, #tpu.memory_space<vmem_shared>>
        tpu.wait_dma2 semaphore(%run_scoped3A : memref<!tpu.dma_semaphore, #tpu.memory_space<semaphore_mem>>) src(%dma_wait3A_148 : memref<40x128xf32, #tpu.memory_space<vmem_shared>>) dst(%dma_wait3A_146 : memref<40x128xf32, #tpu.memory_space<hbm>>)
        tpu.yield
      }) : () -> ()
      %while3A_138 = arith.constant 0 : i32
      scf.yield %while3A_138 : i32
    }
    return
  }
}

module attributes {stable_mosaic.version = 14 : i64} {
  func.func @_g_body(%arg0: i32, %arg1: memref<4000x16xf32, #tpu.memory_space<vmem>>, %arg2: memref<16x128xf32, #tpu.memory_space<vmem>>, %arg3: memref<4000x128xf32, #tpu.memory_space<vmem>>, %arg4: memref<8x128xf32, #tpu.memory_space<vmem>>) attributes {dimension_semantics = [#tpu.dimension_semantics<arbitrary>], iteration_bounds = array<i64: 80>, scalar_prefetch = 0 : i64, scratch_operands = 0 : i64, tpu.core_type = #tpu.core_type<tc>, window_params = [{transform_indices = @transform_0, window_bounds = array<i64: 4000, 16>}, {pipeline_mode = #tpu.pipeline_mode<synchronous>, transform_indices = @transform_1, window_bounds = array<i64: 16, 128>}, {transform_indices = @transform_2, window_bounds = array<i64: 4000, 128>}, {pipeline_mode = #tpu.pipeline_mode<synchronous>, transform_indices = @transform_3, window_bounds = array<i64: 8, 128>}]} {
    %get3A = arith.constant 0 : index
    %get3A_0 = arith.constant 0 : index
    %get3A_1 = vector.load %arg1[%get3A, %get3A_0] : memref<4000x16xf32, #tpu.memory_space<vmem>>, vector<4000x16xf32>
    %get3A_2 = arith.constant 0 : index
    %get3A_3 = arith.constant 0 : index
    %get3A_4 = vector.load %arg2[%get3A_2, %get3A_3] : memref<16x128xf32, #tpu.memory_space<vmem>>, vector<16x128xf32>
    %dot_general3A = arith.constant dense<0.000000e+00> : vector<4000x128xf32>
    %dot_general3A_5 = tpu.matmul %get3A_1, %get3A_4, %dot_general3A {dimension_numbers = #tpu.dot_dimension_numbers<[1], [0], [0], [1], [0, 0, 1, 1], [], []>, transpose_lhs_hint = false} : vector<4000x16xf32>, vector<16x128xf32>, vector<4000x128xf32> -> vector<4000x128xf32>
    %swap3A = arith.constant 0 : index
    %swap3A_6 = arith.constant 0 : index
    %swap3A_7 = vector.load %arg3[%swap3A, %swap3A_6] : memref<4000x128xf32, #tpu.memory_space<vmem>>, vector<4000x128xf32>
    tpu.vector_store %arg3[%swap3A, %swap3A_6], %dot_general3A_5 {strides = array<i32>} : memref<4000x128xf32, #tpu.memory_space<vmem>>, vector<4000x128xf32>,
    %eq3A = arith.constant 0 : i32
    %eq3A_8 = arith.cmpi eq, %arg0, %eq3A : i32
    %convert_element_type3A = arith.extui %eq3A_8 : i1 to i32
    %cond3A = arith.constant 0 : i32
    %cond3A_9 = arith.cmpi ne, %convert_element_type3A, %cond3A : i32
    scf.if %cond3A_9 {
      %broadcast_in_dim3A = arith.constant 0.000000e+00 : f32
      %broadcast_in_dim3A_17 = vector.broadcast %broadcast_in_dim3A : f32 to vector<8x128xf32>
      %swap3A_18 = arith.constant 0 : index
      %swap3A_19 = arith.constant 0 : index
      %swap3A_20 = vector.load %arg4[%swap3A_18, %swap3A_19] : memref<8x128xf32, #tpu.memory_space<vmem>>, vector<8x128xf32>
      tpu.vector_store %arg4[%swap3A_18, %swap3A_19], %broadcast_in_dim3A_17 {strides = array<i32>} : memref<8x128xf32, #tpu.memory_space<vmem>>, vector<8x128xf32>,
    } else {
    }
    %get3A_10 = arith.constant 0 : index
    %get3A_11 = arith.constant 0 : index
    %get3A_12 = vector.load %arg4[%get3A_10, %get3A_11] : memref<8x128xf32, #tpu.memory_space<vmem>>, vector<8x128xf32>
    %reshape3A = vector.shape_cast %dot_general3A_5 : vector<4000x128xf32> to vector<500x8x128xf32>
    %reduce_sum3A = arith.constant dense<0.000000e+00> : vector<8x128xf32>
    %reduce_sum3A_13 = vector.multi_reduction <add>, %reshape3A, %reduce_sum3A [0] : vector<500x8x128xf32> to vector<8x128xf32>
    %add3A = arith.addf %get3A_12, %reduce_sum3A_13 : vector<8x128xf32>
    %swap3A_14 = arith.constant 0 : index
    %swap3A_15 = arith.constant 0 : index
    %swap3A_16 = vector.load %arg4[%swap3A_14, %swap3A_15] : memref<8x128xf32, #tpu.memory_space<vmem>>, vector<8x128xf32>
    tpu.vector_store %arg4[%swap3A_14, %swap3A_15], %add3A {strides = array<i32>} : memref<8x128xf32, #tpu.memory_space<vmem>>, vector<8x128xf32>,
    return
  }
  func.func @transform_0(%arg0: i32) -> (i32, i32) {
    %c0_i32 = arith.constant 0 : i32
    %c0_i32_0 = arith.constant 0 : i32
    return %arg0, %c0_i32 : i32, i32
  }
  func.func @transform_1(%arg0: i32) -> (i32, i32) {
    %c0_i32 = arith.constant 0 : i32
    %c0_i32_0 = arith.constant 0 : i32
    %c0_i32_1 = arith.constant 0 : i32
    return %c0_i32, %c0_i32_0 : i32, i32
  }
  func.func @transform_2(%arg0: i32) -> (i32, i32) {
    %c0_i32 = arith.constant 0 : i32
    %c0_i32_0 = arith.constant 0 : i32
    return %arg0, %c0_i32 : i32, i32
  }
  func.func @transform_3(%arg0: i32) -> (i32, i32) {
    %c0_i32 = arith.constant 0 : i32
    %c0_i32_0 = arith.constant 0 : i32
    %c0_i32_1 = arith.constant 0 : i32
    return %c0_i32, %c0_i32_0 : i32, i32
  }
}

module attributes {stable_mosaic.version = 14 : i64} {
  func.func @_prep_body(%arg0: i32, %arg1: memref<2048x128xf32, #tpu.memory_space<vmem>>, %arg2: memref<128x128xf32, #tpu.memory_space<vmem>>, %arg3: memref<1x128xf32, #tpu.memory_space<vmem>>, %arg4: memref<128x128xf32, #tpu.memory_space<vmem>>, %arg5: memref<1x128xf32, #tpu.memory_space<vmem>>, %arg6: memref<2048x128xf32, #tpu.memory_space<vmem>>, %arg7: memref<2048x128xf32, #tpu.memory_space<vmem>>) attributes {dimension_semantics = [#tpu.dimension_semantics<arbitrary>], iteration_bounds = array<i64: 5>, scalar_prefetch = 0 : i64, scratch_operands = 0 : i64, tpu.core_type = #tpu.core_type<tc>, window_params = [{transform_indices = @transform_0, window_bounds = array<i64: 2048, 128>}, {pipeline_mode = #tpu.pipeline_mode<synchronous>, transform_indices = @transform_1, window_bounds = array<i64: 128, 128>}, {pipeline_mode = #tpu.pipeline_mode<synchronous>, transform_indices = @transform_2, window_bounds = array<i64: 1, 128>}, {pipeline_mode = #tpu.pipeline_mode<synchronous>, transform_indices = @transform_3, window_bounds = array<i64: 128, 128>}, {pipeline_mode = #tpu.pipeline_mode<synchronous>, transform_indices = @transform_4, window_bounds = array<i64: 1, 128>}, {transform_indices = @transform_5, window_bounds = array<i64: 2048, 128>}, {transform_indices = @transform_6, window_bounds = array<i64: 2048, 128>}]} {
    %get3A = arith.constant 0 : index
    %get3A_0 = arith.constant 0 : index
    %get3A_1 = vector.load %arg1[%get3A, %get3A_0] : memref<2048x128xf32, #tpu.memory_space<vmem>>, vector<2048x128xf32>
    %get3A_2 = arith.constant 0 : index
    %get3A_3 = arith.constant 0 : index
    %get3A_4 = vector.load %arg2[%get3A_2, %get3A_3] : memref<128x128xf32, #tpu.memory_space<vmem>>, vector<128x128xf32>
    %dot_general3A = arith.constant dense<0.000000e+00> : vector<2048x128xf32>
    %dot_general3A_5 = tpu.matmul %get3A_1, %get3A_4, %dot_general3A {dimension_numbers = #tpu.dot_dimension_numbers<[1], [0], [0], [1], [0, 0, 1, 1], [], []>, transpose_lhs_hint = false} : vector<2048x128xf32>, vector<128x128xf32>, vector<2048x128xf32> -> vector<2048x128xf32>
    %get3A_6 = arith.constant 0 : index
    %get3A_7 = arith.constant 0 : index
    %get3A_8 = vector.load %arg3[%get3A_6, %get3A_7] : memref<1x128xf32, #tpu.memory_space<vmem>>, vector<1x128xf32>
    %add3A = vector.broadcast %get3A_8 : vector<1x128xf32> to vector<2048x128xf32>
    %add3A_9 = arith.addf %dot_general3A_5, %add3A : vector<2048x128xf32>
    %swap3A = arith.constant 0 : index
    %swap3A_10 = arith.constant 0 : index
    %swap3A_11 = vector.load %arg6[%swap3A, %swap3A_10] : memref<2048x128xf32, #tpu.memory_space<vmem>>, vector<2048x128xf32>
    tpu.vector_store %arg6[%swap3A, %swap3A_10], %add3A_9 {strides = array<i32>} : memref<2048x128xf32, #tpu.memory_space<vmem>>, vector<2048x128xf32>,
    %get3A_12 = arith.constant 0 : index
    %get3A_13 = arith.constant 0 : index
    %get3A_14 = vector.load %arg4[%get3A_12, %get3A_13] : memref<128x128xf32, #tpu.memory_space<vmem>>, vector<128x128xf32>
    %dot_general3A_15 = arith.constant dense<0.000000e+00> : vector<2048x128xf32>
    %dot_general3A_16 = tpu.matmul %get3A_1, %get3A_14, %dot_general3A_15 {dimension_numbers = #tpu.dot_dimension_numbers<[1], [0], [0], [1], [0, 0, 1, 1], [], []>, transpose_lhs_hint = false} : vector<2048x128xf32>, vector<128x128xf32>, vector<2048x128xf32> -> vector<2048x128xf32>
    %get3A_17 = arith.constant 0 : index
    %get3A_18 = arith.constant 0 : index
    %get3A_19 = vector.load %arg5[%get3A_17, %get3A_18] : memref<1x128xf32, #tpu.memory_space<vmem>>, vector<1x128xf32>
    %add3A_20 = vector.broadcast %get3A_19 : vector<1x128xf32> to vector<2048x128xf32>
    %add3A_21 = arith.addf %dot_general3A_16, %add3A_20 : vector<2048x128xf32>
    %swap3A_22 = arith.constant 0 : index
    %swap3A_23 = arith.constant 0 : index
    %swap3A_24 = vector.load %arg7[%swap3A_22, %swap3A_23] : memref<2048x128xf32, #tpu.memory_space<vmem>>, vector<2048x128xf32>
    tpu.vector_store %arg7[%swap3A_22, %swap3A_23], %add3A_21 {strides = array<i32>} : memref<2048x128xf32, #tpu.memory_space<vmem>>, vector<2048x128xf32>,
    return
  }
  func.func @transform_0(%arg0: i32) -> (i32, i32) {
    %c0_i32 = arith.constant 0 : i32
    %c0_i32_0 = arith.constant 0 : i32
    return %arg0, %c0_i32 : i32, i32
  }
  func.func @transform_1(%arg0: i32) -> (i32, i32) {
    %c0_i32 = arith.constant 0 : i32
    %c0_i32_0 = arith.constant 0 : i32
    %c0_i32_1 = arith.constant 0 : i32
    return %c0_i32, %c0_i32_0 : i32, i32
  }
  func.func @transform_2(%arg0: i32) -> (i32, i32) {
    %c0_i32 = arith.constant 0 : i32
    %c0_i32_0 = arith.constant 0 : i32
    %c0_i32_1 = arith.constant 0 : i32
    return %c0_i32, %c0_i32_0 : i32, i32
  }
  func.func @transform_3(%arg0: i32) -> (i32, i32) {
    %c0_i32 = arith.constant 0 : i32
    %c0_i32_0 = arith.constant 0 : i32
    %c0_i32_1 = arith.constant 0 : i32
    return %c0_i32, %c0_i32_0 : i32, i32
  }
  func.func @transform_4(%arg0: i32) -> (i32, i32) {
    %c0_i32 = arith.constant 0 : i32
    %c0_i32_0 = arith.constant 0 : i32
    %c0_i32_1 = arith.constant 0 : i32
    return %c0_i32, %c0_i32_0 : i32, i32
  }
  func.func @transform_5(%arg0: i32) -> (i32, i32) {
    %c0_i32 = arith.constant 0 : i32
    %c0_i32_0 = arith.constant 0 : i32
    return %arg0, %c0_i32 : i32, i32
  }
  func.func @transform_6(%arg0: i32) -> (i32, i32) {
    %c0_i32 = arith.constant 0 : i32
    %c0_i32_0 = arith.constant 0 : i32
    return %arg0, %c0_i32 : i32, i32
  }
}

module attributes {stable_mosaic.version = 14 : i64} {
  func.func @_combine_prep_body(%arg0: i32, %arg1: memref<2x2048x128xf32, #tpu.memory_space<vmem>>, %arg2: memref<32x2048xf32, #tpu.memory_space<vmem>>, %arg3: memref<2048x128xf32, #tpu.memory_space<vmem>>, %arg4: memref<2048x128xf32, #tpu.memory_space<vmem>>, %arg5: memref<8x128xf32, #tpu.memory_space<vmem>>, %arg6: memref<1x128xf32, #tpu.memory_space<vmem>>, %arg7: memref<1x128xf32, #tpu.memory_space<vmem>>, %arg8: memref<128x128xf32, #tpu.memory_space<vmem>>, %arg9: memref<1x128xf32, #tpu.memory_space<vmem>>, %arg10: memref<128x128xf32, #tpu.memory_space<vmem>>, %arg11: memref<1x128xf32, #tpu.memory_space<vmem>>, %arg12: memref<2048x128xf32, #tpu.memory_space<vmem>>, %arg13: memref<2048x128xf32, #tpu.memory_space<vmem>>) attributes {dimension_semantics = [#tpu.dimension_semantics<arbitrary>], iteration_bounds = array<i64: 5>, scalar_prefetch = 0 : i64, scratch_operands = 0 : i64, tpu.core_type = #tpu.core_type<tc>, window_params = [{transform_indices = @transform_0, window_bounds = array<i64: 2, 2048, 128>}, {transform_indices = @transform_1, window_bounds = array<i64: 32, 2048>}, {transform_indices = @transform_2, window_bounds = array<i64: 2048, 128>}, {transform_indices = @transform_3, window_bounds = array<i64: 2048, 128>}, {pipeline_mode = #tpu.pipeline_mode<synchronous>, transform_indices = @transform_4, window_bounds = array<i64: 8, 128>}, {pipeline_mode = #tpu.pipeline_mode<synchronous>, transform_indices = @transform_5, window_bounds = array<i64: 1, 128>}, {pipeline_mode = #tpu.pipeline_mode<synchronous>, transform_indices = @transform_6, window_bounds = array<i64: 1, 128>}, {pipeline_mode = #tpu.pipeline_mode<synchronous>, transform_indices = @transform_7, window_bounds = array<i64: 128, 128>}, {pipeline_mode = #tpu.pipeline_mode<synchronous>, transform_indices = @transform_8, window_bounds = array<i64: 1, 128>}, {pipeline_mode = #tpu.pipeline_mode<synchronous>, transform_indices = @transform_9, window_bounds = array<i64: 128, 128>}, {pipeline_mode = #tpu.pipeline_mode<synchronous>, transform_indices = @transform_10, window_bounds = array<i64: 1, 128>}, {transform_indices = @transform_11, window_bounds = array<i64: 2048, 128>}, {transform_indices = @transform_12, window_bounds = array<i64: 2048, 128>}]} {
    %get3A = arith.constant 0 : index
    %get3A_0 = arith.constant 0 : index
    %get3A_1 = arith.constant 0 : index
    %get3A_2 = vector.load %arg1[%get3A, %get3A_0, %get3A_1] : memref<2x2048x128xf32, #tpu.memory_space<vmem>>, vector<1x2048x128xf32>
    %get3A_3 = vector.shape_cast %get3A_2 : vector<1x2048x128xf32> to vector<2048x128xf32>
    %get3A_4 = arith.constant 1 : index
    %get3A_5 = arith.constant 0 : index
    %get3A_6 = arith.constant 0 : index
    %get3A_7 = vector.load %arg1[%get3A_4, %get3A_5, %get3A_6] : memref<2x2048x128xf32, #tpu.memory_space<vmem>>, vector<1x2048x128xf32>
    %get3A_8 = vector.shape_cast %get3A_7 : vector<1x2048x128xf32> to vector<2048x128xf32>
    %add3A = arith.addf %get3A_3, %get3A_8 : vector<2048x128xf32>
    %get3A_9 = arith.constant 0 : index
    %get3A_10 = arith.constant 0 : index
    %get3A_11 = vector.load %arg3[%get3A_9, %get3A_10] : memref<2048x128xf32, #tpu.memory_space<vmem>>, vector<2048x128xf32>
    %get3A_12 = arith.constant 0 : index
    %get3A_13 = arith.constant 0 : index
    %get3A_14 = vector.load %arg4[%get3A_12, %get3A_13] : memref<2048x128xf32, #tpu.memory_space<vmem>>, vector<2048x128xf32>
    %get3A_15 = arith.constant 0 : index
    %get3A_16 = arith.constant 0 : index
    %get3A_17 = vector.load %arg2[%get3A_15, %get3A_16] : memref<32x2048xf32, #tpu.memory_space<vmem>>, vector<32x2048xf32>
    %broadcast_in_dim3A = arith.constant 1.000000e+00 : f32
    %broadcast_in_dim3A_18 = vector.broadcast %broadcast_in_dim3A : f32 to vector<32x1xf32>
    %dot_general3A = arith.constant dense<0.000000e+00> : vector<2048x1xf32>
    %dot_general3A_19 = tpu.matmul %get3A_17, %broadcast_in_dim3A_18, %dot_general3A {dimension_numbers = #tpu.dot_dimension_numbers<[0], [0], [1], [1], [0, 1, 1, 1], [], []>, transpose_lhs_hint = false} : vector<32x2048xf32>, vector<32x1xf32>, vector<2048x1xf32> -> vector<2048x1xf32>
    %get3A_20 = arith.constant 0 : index
    %get3A_21 = arith.constant 0 : index
    %get3A_22 = vector.load %arg5[%get3A_20, %get3A_21] : memref<8x128xf32, #tpu.memory_space<vmem>>, vector<8x128xf32>
    %reduce_sum3A = arith.constant dense<0.000000e+00> : vector<128xf32>
    %reduce_sum3A_23 = vector.multi_reduction <add>, %get3A_22, %reduce_sum3A [0] : vector<8x128xf32> to vector<128xf32>
    %broadcast_in_dim3A_24 = vector.shape_cast %reduce_sum3A_23 : vector<128xf32> to vector<1x128xf32>
    %mul3A = arith.constant 3.125000e-06 : f32
    %mul3A_25 = vector.broadcast %mul3A : f32 to vector<1x128xf32>
    %mul3A_26 = arith.mulf %broadcast_in_dim3A_24, %mul3A_25 : vector<1x128xf32>
    %add3A_27 = arith.addf %get3A_11, %get3A_14 : vector<2048x128xf32>
    %add3A_28 = vector.broadcast %mul3A_26 : vector<1x128xf32> to vector<2048x128xf32>
    %add3A_29 = arith.addf %add3A_27, %add3A_28 : vector<2048x128xf32>
    %mul3A_30 = arith.constant 2.000000e-01 : f32
    %mul3A_31 = vector.broadcast %mul3A_30 : f32 to vector<2048x128xf32>
    %mul3A_32 = arith.mulf %mul3A_31, %add3A_29 : vector<2048x128xf32>
    %max3A = arith.maximumf %add3A_29, %mul3A_32 : vector<2048x128xf32>
    %get3A_33 = arith.constant 0 : index
    %get3A_34 = arith.constant 0 : index
    %get3A_35 = vector.load %arg6[%get3A_33, %get3A_34] : memref<1x128xf32, #tpu.memory_space<vmem>>, vector<1x128xf32>
    %mul3A_36 = vector.broadcast %get3A_35 : vector<1x128xf32> to vector<2048x128xf32>
    %mul3A_37 = arith.mulf %max3A, %mul3A_36 : vector<2048x128xf32>
    %reduce_sum3A_38 = arith.constant dense<0.000000e+00> : vector<2048xf32>
    %reduce_sum3A_39 = vector.multi_reduction <add>, %mul3A_37, %reduce_sum3A_38 [1] : vector<2048x128xf32> to vector<2048xf32>
    %broadcast_in_dim3A_40 = vector.shape_cast %reduce_sum3A_39 : vector<2048xf32> to vector<2048x1xf32>
    %exp3A = math.exp %broadcast_in_dim3A_40 : vector<2048x1xf32>
    %add3A_41 = arith.addf %dot_general3A_19, %exp3A : vector<2048x1xf32>
    %add3A_42 = arith.constant 1.000000e-16 : f32
    %add3A_43 = vector.broadcast %add3A_42 : f32 to vector<2048x1xf32>
    %add3A_44 = arith.addf %add3A_41, %add3A_43 : vector<2048x1xf32>
    %mul3A_45 = vector.broadcast %exp3A : vector<2048x1xf32> to vector<2048x128xf32>
    %mul3A_46 = arith.mulf %mul3A_45, %get3A_11 : vector<2048x128xf32>
    %add3A_47 = arith.addf %add3A, %mul3A_46 : vector<2048x128xf32>
    %div3A = vector.broadcast %add3A_44 : vector<2048x1xf32> to vector<2048x128xf32>
    %div3A_48 = arith.divf %add3A_47, %div3A : vector<2048x128xf32>
    %get3A_49 = arith.constant 0 : index
    %get3A_50 = arith.constant 0 : index
    %get3A_51 = vector.load %arg7[%get3A_49, %get3A_50] : memref<1x128xf32, #tpu.memory_space<vmem>>, vector<1x128xf32>
    %add3A_52 = vector.broadcast %get3A_51 : vector<1x128xf32> to vector<2048x128xf32>
    %add3A_53 = arith.addf %div3A_48, %add3A_52 : vector<2048x128xf32>
    %max3A_54 = arith.constant 0.000000e+00 : f32
    %max3A_55 = vector.broadcast %max3A_54 : f32 to vector<2048x128xf32>
    %max3A_56 = arith.maximumf %add3A_53, %max3A_55 : vector<2048x128xf32>
    %get3A_57 = arith.constant 0 : index
    %get3A_58 = arith.constant 0 : index
    %get3A_59 = vector.load %arg8[%get3A_57, %get3A_58] : memref<128x128xf32, #tpu.memory_space<vmem>>, vector<128x128xf32>
    %dot_general3A_60 = arith.constant dense<0.000000e+00> : vector<2048x128xf32>
    %dot_general3A_61 = tpu.matmul %max3A_56, %get3A_59, %dot_general3A_60 {dimension_numbers = #tpu.dot_dimension_numbers<[1], [0], [0], [1], [0, 0, 1, 1], [], []>, transpose_lhs_hint = false} : vector<2048x128xf32>, vector<128x128xf32>, vector<2048x128xf32> -> vector<2048x128xf32>
    %get3A_62 = arith.constant 0 : index
    %get3A_63 = arith.constant 0 : index
    %get3A_64 = vector.load %arg9[%get3A_62, %get3A_63] : memref<1x128xf32, #tpu.memory_space<vmem>>, vector<1x128xf32>
    %add3A_65 = vector.broadcast %get3A_64 : vector<1x128xf32> to vector<2048x128xf32>
    %add3A_66 = arith.addf %dot_general3A_61, %add3A_65 : vector<2048x128xf32>
    %swap3A = arith.constant 0 : index
    %swap3A_67 = arith.constant 0 : index
    %swap3A_68 = vector.load %arg12[%swap3A, %swap3A_67] : memref<2048x128xf32, #tpu.memory_space<vmem>>, vector<2048x128xf32>
    tpu.vector_store %arg12[%swap3A, %swap3A_67], %add3A_66 {strides = array<i32>} : memref<2048x128xf32, #tpu.memory_space<vmem>>, vector<2048x128xf32>,
    %get3A_69 = arith.constant 0 : index
    %get3A_70 = arith.constant 0 : index
    %get3A_71 = vector.load %arg10[%get3A_69, %get3A_70] : memref<128x128xf32, #tpu.memory_space<vmem>>, vector<128x128xf32>
    %dot_general3A_72 = arith.constant dense<0.000000e+00> : vector<2048x128xf32>
    %dot_general3A_73 = tpu.matmul %max3A_56, %get3A_71, %dot_general3A_72 {dimension_numbers = #tpu.dot_dimension_numbers<[1], [0], [0], [1], [0, 0, 1, 1], [], []>, transpose_lhs_hint = false} : vector<2048x128xf32>, vector<128x128xf32>, vector<2048x128xf32> -> vector<2048x128xf32>
    %get3A_74 = arith.constant 0 : index
    %get3A_75 = arith.constant 0 : index
    %get3A_76 = vector.load %arg11[%get3A_74, %get3A_75] : memref<1x128xf32, #tpu.memory_space<vmem>>, vector<1x128xf32>
    %add3A_77 = vector.broadcast %get3A_76 : vector<1x128xf32> to vector<2048x128xf32>
    %add3A_78 = arith.addf %dot_general3A_73, %add3A_77 : vector<2048x128xf32>
    %swap3A_79 = arith.constant 0 : index
    %swap3A_80 = arith.constant 0 : index
    %swap3A_81 = vector.load %arg13[%swap3A_79, %swap3A_80] : memref<2048x128xf32, #tpu.memory_space<vmem>>, vector<2048x128xf32>
    tpu.vector_store %arg13[%swap3A_79, %swap3A_80], %add3A_78 {strides = array<i32>} : memref<2048x128xf32, #tpu.memory_space<vmem>>, vector<2048x128xf32>,
    return
  }
  func.func @transform_0(%arg0: i32) -> (i32, i32, i32) {
    %c0_i32 = arith.constant 0 : i32
    %c0_i32_0 = arith.constant 0 : i32
    %c0_i32_1 = arith.constant 0 : i32
    return %c0_i32, %arg0, %c0_i32_0 : i32, i32, i32
  }
  func.func @transform_1(%arg0: i32) -> (i32, i32) {
    %c0_i32 = arith.constant 0 : i32
    %c0_i32_0 = arith.constant 0 : i32
    return %c0_i32, %arg0 : i32, i32
  }
  func.func @transform_2(%arg0: i32) -> (i32, i32) {
    %c0_i32 = arith.constant 0 : i32
    %c0_i32_0 = arith.constant 0 : i32
    return %arg0, %c0_i32 : i32, i32
  }
  func.func @transform_3(%arg0: i32) -> (i32, i32) {
    %c0_i32 = arith.constant 0 : i32
    %c0_i32_0 = arith.constant 0 : i32
    return %arg0, %c0_i32 : i32, i32
  }
  func.func @transform_4(%arg0: i32) -> (i32, i32) {
    %c0_i32 = arith.constant 0 : i32
    %c0_i32_0 = arith.constant 0 : i32
    %c0_i32_1 = arith.constant 0 : i32
    return %c0_i32, %c0_i32_0 : i32, i32
  }
  func.func @transform_5(%arg0: i32) -> (i32, i32) {
    %c0_i32 = arith.constant 0 : i32
    %c0_i32_0 = arith.constant 0 : i32
    %c0_i32_1 = arith.constant 0 : i32
    return %c0_i32, %c0_i32_0 : i32, i32
  }
  func.func @transform_6(%arg0: i32) -> (i32, i32) {
    %c0_i32 = arith.constant 0 : i32
    %c0_i32_0 = arith.constant 0 : i32
    %c0_i32_1 = arith.constant 0 : i32
    return %c0_i32, %c0_i32_0 : i32, i32
  }
  func.func @transform_7(%arg0: i32) -> (i32, i32) {
    %c0_i32 = arith.constant 0 : i32
    %c0_i32_0 = arith.constant 0 : i32
    %c0_i32_1 = arith.constant 0 : i32
    return %c0_i32, %c0_i32_0 : i32, i32
  }
  func.func @transform_8(%arg0: i32) -> (i32, i32) {
    %c0_i32 = arith.constant 0 : i32
    %c0_i32_0 = arith.constant 0 : i32
    %c0_i32_1 = arith.constant 0 : i32
    return %c0_i32, %c0_i32_0 : i32, i32
  }
  func.func @transform_9(%arg0: i32) -> (i32, i32) {
    %c0_i32 = arith.constant 0 : i32
    %c0_i32_0 = arith.constant 0 : i32
    %c0_i32_1 = arith.constant 0 : i32
    return %c0_i32, %c0_i32_0 : i32, i32
  }
  func.func @transform_10(%arg0: i32) -> (i32, i32) {
    %c0_i32 = arith.constant 0 : i32
    %c0_i32_0 = arith.constant 0 : i32
    %c0_i32_1 = arith.constant 0 : i32
    return %c0_i32, %c0_i32_0 : i32, i32
  }
  func.func @transform_11(%arg0: i32) -> (i32, i32) {
    %c0_i32 = arith.constant 0 : i32
    %c0_i32_0 = arith.constant 0 : i32
    return %arg0, %c0_i32 : i32, i32
  }
  func.func @transform_12(%arg0: i32) -> (i32, i32) {
    %c0_i32 = arith.constant 0 : i32
    %c0_i32_0 = arith.constant 0 : i32
    return %arg0, %c0_i32 : i32, i32
  }
}

module attributes {stable_mosaic.version = 14 : i64} {
  func.func @_combine_body(%arg0: i32, %arg1: memref<2x2048x128xf32, #tpu.memory_space<vmem>>, %arg2: memref<32x2048xf32, #tpu.memory_space<vmem>>, %arg3: memref<2048x128xf32, #tpu.memory_space<vmem>>, %arg4: memref<2048x128xf32, #tpu.memory_space<vmem>>, %arg5: memref<8x128xf32, #tpu.memory_space<vmem>>, %arg6: memref<1x128xf32, #tpu.memory_space<vmem>>, %arg7: memref<1x128xf32, #tpu.memory_space<vmem>>, %arg8: memref<2048x128xf32, #tpu.memory_space<vmem>>) attributes {dimension_semantics = [#tpu.dimension_semantics<arbitrary>], iteration_bounds = array<i64: 5>, scalar_prefetch = 0 : i64, scratch_operands = 0 : i64, tpu.core_type = #tpu.core_type<tc>, window_params = [{transform_indices = @transform_0, window_bounds = array<i64: 2, 2048, 128>}, {transform_indices = @transform_1, window_bounds = array<i64: 32, 2048>}, {transform_indices = @transform_2, window_bounds = array<i64: 2048, 128>}, {transform_indices = @transform_3, window_bounds = array<i64: 2048, 128>}, {pipeline_mode = #tpu.pipeline_mode<synchronous>, transform_indices = @transform_4, window_bounds = array<i64: 8, 128>}, {pipeline_mode = #tpu.pipeline_mode<synchronous>, transform_indices = @transform_5, window_bounds = array<i64: 1, 128>}, {pipeline_mode = #tpu.pipeline_mode<synchronous>, transform_indices = @transform_6, window_bounds = array<i64: 1, 128>}, {transform_indices = @transform_7, window_bounds = array<i64: 2048, 128>}]} {
    %get3A = arith.constant 0 : index
    %get3A_0 = arith.constant 0 : index
    %get3A_1 = arith.constant 0 : index
    %get3A_2 = vector.load %arg1[%get3A, %get3A_0, %get3A_1] : memref<2x2048x128xf32, #tpu.memory_space<vmem>>, vector<1x2048x128xf32>
    %get3A_3 = vector.shape_cast %get3A_2 : vector<1x2048x128xf32> to vector<2048x128xf32>
    %get3A_4 = arith.constant 1 : index
    %get3A_5 = arith.constant 0 : index
    %get3A_6 = arith.constant 0 : index
    %get3A_7 = vector.load %arg1[%get3A_4, %get3A_5, %get3A_6] : memref<2x2048x128xf32, #tpu.memory_space<vmem>>, vector<1x2048x128xf32>
    %get3A_8 = vector.shape_cast %get3A_7 : vector<1x2048x128xf32> to vector<2048x128xf32>
    %add3A = arith.addf %get3A_3, %get3A_8 : vector<2048x128xf32>
    %get3A_9 = arith.constant 0 : index
    %get3A_10 = arith.constant 0 : index
    %get3A_11 = vector.load %arg3[%get3A_9, %get3A_10] : memref<2048x128xf32, #tpu.memory_space<vmem>>, vector<2048x128xf32>
    %get3A_12 = arith.constant 0 : index
    %get3A_13 = arith.constant 0 : index
    %get3A_14 = vector.load %arg4[%get3A_12, %get3A_13] : memref<2048x128xf32, #tpu.memory_space<vmem>>, vector<2048x128xf32>
    %get3A_15 = arith.constant 0 : index
    %get3A_16 = arith.constant 0 : index
    %get3A_17 = vector.load %arg2[%get3A_15, %get3A_16] : memref<32x2048xf32, #tpu.memory_space<vmem>>, vector<32x2048xf32>
    %broadcast_in_dim3A = arith.constant 1.000000e+00 : f32
    %broadcast_in_dim3A_18 = vector.broadcast %broadcast_in_dim3A : f32 to vector<32x1xf32>
    %dot_general3A = arith.constant dense<0.000000e+00> : vector<2048x1xf32>
    %dot_general3A_19 = tpu.matmul %get3A_17, %broadcast_in_dim3A_18, %dot_general3A {dimension_numbers = #tpu.dot_dimension_numbers<[0], [0], [1], [1], [0, 1, 1, 1], [], []>, transpose_lhs_hint = false} : vector<32x2048xf32>, vector<32x1xf32>, vector<2048x1xf32> -> vector<2048x1xf32>
    %get3A_20 = arith.constant 0 : index
    %get3A_21 = arith.constant 0 : index
    %get3A_22 = vector.load %arg5[%get3A_20, %get3A_21] : memref<8x128xf32, #tpu.memory_space<vmem>>, vector<8x128xf32>
    %reduce_sum3A = arith.constant dense<0.000000e+00> : vector<128xf32>
    %reduce_sum3A_23 = vector.multi_reduction <add>, %get3A_22, %reduce_sum3A [0] : vector<8x128xf32> to vector<128xf32>
    %broadcast_in_dim3A_24 = vector.shape_cast %reduce_sum3A_23 : vector<128xf32> to vector<1x128xf32>
    %mul3A = arith.constant 3.125000e-06 : f32
    %mul3A_25 = vector.broadcast %mul3A : f32 to vector<1x128xf32>
    %mul3A_26 = arith.mulf %broadcast_in_dim3A_24, %mul3A_25 : vector<1x128xf32>
    %add3A_27 = arith.addf %get3A_11, %get3A_14 : vector<2048x128xf32>
    %add3A_28 = vector.broadcast %mul3A_26 : vector<1x128xf32> to vector<2048x128xf32>
    %add3A_29 = arith.addf %add3A_27, %add3A_28 : vector<2048x128xf32>
    %mul3A_30 = arith.constant 2.000000e-01 : f32
    %mul3A_31 = vector.broadcast %mul3A_30 : f32 to vector<2048x128xf32>
    %mul3A_32 = arith.mulf %mul3A_31, %add3A_29 : vector<2048x128xf32>
    %max3A = arith.maximumf %add3A_29, %mul3A_32 : vector<2048x128xf32>
    %get3A_33 = arith.constant 0 : index
    %get3A_34 = arith.constant 0 : index
    %get3A_35 = vector.load %arg6[%get3A_33, %get3A_34] : memref<1x128xf32, #tpu.memory_space<vmem>>, vector<1x128xf32>
    %mul3A_36 = vector.broadcast %get3A_35 : vector<1x128xf32> to vector<2048x128xf32>
    %mul3A_37 = arith.mulf %max3A, %mul3A_36 : vector<2048x128xf32>
    %reduce_sum3A_38 = arith.constant dense<0.000000e+00> : vector<2048xf32>
    %reduce_sum3A_39 = vector.multi_reduction <add>, %mul3A_37, %reduce_sum3A_38 [1] : vector<2048x128xf32> to vector<2048xf32>
    %broadcast_in_dim3A_40 = vector.shape_cast %reduce_sum3A_39 : vector<2048xf32> to vector<2048x1xf32>
    %exp3A = math.exp %broadcast_in_dim3A_40 : vector<2048x1xf32>
    %add3A_41 = arith.addf %dot_general3A_19, %exp3A : vector<2048x1xf32>
    %add3A_42 = arith.constant 1.000000e-16 : f32
    %add3A_43 = vector.broadcast %add3A_42 : f32 to vector<2048x1xf32>
    %add3A_44 = arith.addf %add3A_41, %add3A_43 : vector<2048x1xf32>
    %mul3A_45 = vector.broadcast %exp3A : vector<2048x1xf32> to vector<2048x128xf32>
    %mul3A_46 = arith.mulf %mul3A_45, %get3A_11 : vector<2048x128xf32>
    %add3A_47 = arith.addf %add3A, %mul3A_46 : vector<2048x128xf32>
    %div3A = vector.broadcast %add3A_44 : vector<2048x1xf32> to vector<2048x128xf32>
    %div3A_48 = arith.divf %add3A_47, %div3A : vector<2048x128xf32>
    %get3A_49 = arith.constant 0 : index
    %get3A_50 = arith.constant 0 : index
    %get3A_51 = vector.load %arg7[%get3A_49, %get3A_50] : memref<1x128xf32, #tpu.memory_space<vmem>>, vector<1x128xf32>
    %add3A_52 = vector.broadcast %get3A_51 : vector<1x128xf32> to vector<2048x128xf32>
    %add3A_53 = arith.addf %div3A_48, %add3A_52 : vector<2048x128xf32>
    %max3A_54 = arith.constant 0.000000e+00 : f32
    %max3A_55 = vector.broadcast %max3A_54 : f32 to vector<2048x128xf32>
    %max3A_56 = arith.maximumf %add3A_53, %max3A_55 : vector<2048x128xf32>
    %swap3A = arith.constant 0 : index
    %swap3A_57 = arith.constant 0 : index
    %swap3A_58 = vector.load %arg8[%swap3A, %swap3A_57] : memref<2048x128xf32, #tpu.memory_space<vmem>>, vector<2048x128xf32>
    tpu.vector_store %arg8[%swap3A, %swap3A_57], %max3A_56 {strides = array<i32>} : memref<2048x128xf32, #tpu.memory_space<vmem>>, vector<2048x128xf32>,
    return
  }
  func.func @transform_0(%arg0: i32) -> (i32, i32, i32) {
    %c0_i32 = arith.constant 0 : i32
    %c0_i32_0 = arith.constant 0 : i32
    %c0_i32_1 = arith.constant 0 : i32
    return %c0_i32, %arg0, %c0_i32_0 : i32, i32, i32
  }
  func.func @transform_1(%arg0: i32) -> (i32, i32) {
    %c0_i32 = arith.constant 0 : i32
    %c0_i32_0 = arith.constant 0 : i32
    return %c0_i32, %arg0 : i32, i32
  }
  func.func @transform_2(%arg0: i32) -> (i32, i32) {
    %c0_i32 = arith.constant 0 : i32
    %c0_i32_0 = arith.constant 0 : i32
    return %arg0, %c0_i32 : i32, i32
  }
  func.func @transform_3(%arg0: i32) -> (i32, i32) {
    %c0_i32 = arith.constant 0 : i32
    %c0_i32_0 = arith.constant 0 : i32
    return %arg0, %c0_i32 : i32, i32
  }
  func.func @transform_4(%arg0: i32) -> (i32, i32) {
    %c0_i32 = arith.constant 0 : i32
    %c0_i32_0 = arith.constant 0 : i32
    %c0_i32_1 = arith.constant 0 : i32
    return %c0_i32, %c0_i32_0 : i32, i32
  }
  func.func @transform_5(%arg0: i32) -> (i32, i32) {
    %c0_i32 = arith.constant 0 : i32
    %c0_i32_0 = arith.constant 0 : i32
    %c0_i32_1 = arith.constant 0 : i32
    return %c0_i32, %c0_i32_0 : i32, i32
  }
  func.func @transform_6(%arg0: i32) -> (i32, i32) {
    %c0_i32 = arith.constant 0 : i32
    %c0_i32_0 = arith.constant 0 : i32
    %c0_i32_1 = arith.constant 0 : i32
    return %c0_i32, %c0_i32_0 : i32, i32
  }
  func.func @transform_7(%arg0: i32) -> (i32, i32) {
    %c0_i32 = arith.constant 0 : i32
    %c0_i32_0 = arith.constant 0 : i32
    return %arg0, %c0_i32 : i32, i32
  }
}

</mosaic_0001>

<sc_bundles>
// kernel: kernel.12.cloned.1.call-start
scs
__scs_entry_jumppad:
0x0: {  	(pc) =	sbr.rel $0x88, $3  }
0x1: {  	(tag) =	ssettag $0x0;
	lr =	simm.s32 $0x1  }
0x2: {  	[smem:$0x3F90] =	sst lr;
	_ =	strace $0xD0000000  }
0x3: {  	_ = 	snop  }
0x4: {  	_ = 	snop  }
0x5: {  	_ = 	snop  }
0x6: {  	_ = 	snop  }
0x7: {  	_ = 	snop  }
__scs_overlays_trampoline_lowered:
0x8: {  	[smem:$0x3F9F] =	sst s0  }
0x9: {  	[smem:$0x3FA0] =	sst s1  }
0xa: {  	[smem:$0x3FA1] =	sst s2  }
0xb: {  	[smem:$0x3FA2] =	sst s3  }
0xc: {  	[smem:$0x3FA3] =	sst s4  }
0xd: {  	[smem:$0x3FA4] =	sst s5  }
0xe: {  	[smem:$0x3FA5] =	sst s6  }
0xf: {  	[smem:$0x3FA6] =	sst s7  }
0x10: {  	[smem:$0x3FA7] =	sst s8  }
0x11: {  	[smem:$0x3FA8] =	sst s9;
	s0 =	simm.s32 @!p0 $0x0  }
0x12: {  	s1 =	sld [smem:$0x3F8E];
	s0 =	simm.s32 @p0 $0x1  }
0x13: {  	[smem:$0x3FA9] =	sst s0;
	s0 =	simm.s32 @!p1 $0x0  }
0x14: {  	s2 =	sld [smem:$0x3F8D];
	s0 =	simm.s32 @p1 $0x1  }
0x15: {  	[smem:$0x3FAA] =	sst s0;
	s0 =	simm.s32 @!p2 $0x0  }
0x16: {  	s3 =	sld [smem:$0x3FDB];
	s0 =	simm.s32 @p2 $0x1  }
0x17: {  	s4 =	simm.s32 $0x1BF5;
	[smem:$0x3FAC] =	sst s0  }
0x18: {  	s0 =	sld [smem:$0x3F8F];
	_ =	swait.ge [sflag:s4], $0x0  }
0x19: {  	s7 =	sld [smem:$0x3F90]  }
0x1a: {  	s8 =	sadd.s32 $0xFFFFE003, lr  }
0x1b: {  	s9 =	sadd.s32 $0xFFFFFEF7, lr;
	s5 =	simm.s32 $0xFFFFFFFF;
	p2 =	slt.u32 s8, $0xFFFFF086  }
0x1c: {  	p1 =	slt.u32 s9, $0xF7A;
	s5 =	simm.s32 @!p2 $0x0  }
0x1d: {  	s5 =	simm.s32 @p1 $0x1;
	p0 =	seq.s32 s7, s2  }
0x1e: {  	s7 =	smul.u32 @!p0 $0xF7A, s2;
	p2 =	seq.s32 @!p0 s5, $0x0  }
0x1f: {  	s9 =	smul.u32 $0xF7A, s1;
	s8 =	simm.s32 @!p0 $0x1BF5;
	p2 =	por !p2, p0  }
0x20: {  	[sflag:s8] =	ssyncset.s32 @!p0 $0xFFFFF086;
	s6 =	sadd.s32 @!p0 s3, s7;
	s7 =	simm.s32 @!p0 $0x108  }
0x21: {  	s3 =	sadd.s32 s3, s9;
	s6 =	sadd.s32 @!p0 $0x88, s6;
	s7 =	simm.s32 @p2 $0x1082  }
0x22: {  	[simem:s7], [sflag:s8] =	dma.local @!p0 [hbm:s6], $0xF7A  }
0x23: {  	s9 =	sor.u32 $0xD0000000, s2;
	s6 =	simm.s32 $0x108;
	_ =	swait.ge @!p0 [sflag:s8], $0x0  }
0x24: {  	s3 =	sadd.s32 $0x88, s3;
	s6 =	simm.s32 @!p1 $0x1082;
	[sflag:s4] =	ssyncset.s32 $0xFFFFF086  }
0x25: {  	[simem:s6], [sflag:s4] =	dma.local [hbm:s3], $0xF7A  }
0x26: {  	[smem:$0x3F90] =	sst s1;
	(tag) =	ssettag s2;
	_ =	strace s9  }
0x27: {  	s1 =	sld [smem:$0x3FA0]  }
0x28: {  	s2 =	sld [smem:$0x3FA1]  }
0x29: {  	s4 =	sld [smem:$0x3FA3]  }
0x2a: {  	p0 =	seq.s32 s5, $0x0;
	s5 =	sld [smem:$0x3FA4]  }
0x2b: {  	s6 =	sld [smem:$0x3FA5]  }
0x2c: {  	s7 =	sld [smem:$0x3FA6]  }
0x2d: {  	s3 =	simm.s32 $0x108;
	s8 =	sld [smem:$0x3FA7]  }
0x2e: {  	s3 =	simm.s32 @!p0 $0x1082;
	s9 =	sld [smem:$0x3FA8]  }
0x2f: {  	lr =	sadd.s32 s0, s3;
	s0 =	sld [smem:$0x3F9F]  }
0x30: {  	s3 =	sld [smem:$0x3FA2]  }
0x31: {  	[smem:$0x3FAB] =	sst s10  }
0x32: {  	s10 =	sld [smem:$0x3FA9];
	_ =	sdelay $0x3  }
0x33: {  	p0 =	seq.s32 s10, $0x1;
	s10 =	sld [smem:$0x3FAB];
	_ =	sdelay $0x3  }
0x34: {  	[smem:$0x3FAB] =	sst s10  }
0x35: {  	s10 =	sld [smem:$0x3FAA];
	_ =	sdelay $0x3  }
0x36: {  	p1 =	seq.s32 s10, $0x1;
	s10 =	sld [smem:$0x3FAB];
	_ =	sdelay $0x3  }
0x37: {  	[smem:$0x3FAB] =	sst s10  }
0x38: {  	s10 =	sld [smem:$0x3FAC]  }
0x39: {  	_ = 	snop;
	(pc) =	sbr.ind lr, $3  }
0x3a: {  	_ = 	snop  }
0x3b: {  	_ = 	snop  }
0x3c: {  	p2 =	seq.s32 s10, $0x1;
	s10 =	sld [smem:$0x3FAB]  }
0x3d: {  	_ =	shalt  }
0x3e: {  	_ =	shalt  }
0x3f: {  	_ =	shalt  }
0x40: {  	_ =	shalt  }
0x41: {  	_ =	shalt  }
0x42: {  	_ =	shalt  }
0x43: {  	_ =	shalt  }
0x44: {  	_ =	shalt  }
0x45: {  	_ =	shalt  }
0x46: {  	_ =	shalt  }
0x47: {  	_ =	shalt  }
0x48: {  	_ =	shalt  }
0x49: {  	_ =	shalt  }
0x4a: {  	_ =	shalt  }
0x4b: {  	_ =	shalt  }
0x4c: {  	_ =	shalt  }
0x4d: {  	_ =	shalt  }
0x4e: {  	_ =	shalt  }
0x4f: {  	_ =	shalt  }
0x50: {  	_ =	shalt  }
0x51: {  	_ =	shalt  }
0x52: {  	_ =	shalt  }
0x53: {  	_ =	shalt  }
0x54: {  	_ =	shalt  }
0x55: {  	_ =	shalt  }
0x56: {  	_ =	shalt  }
0x57: {  	_ =	shalt  }
0x58: {  	_ =	shalt  }
0x59: {  	_ =	shalt  }
0x5a: {  	_ =	shalt  }
0x5b: {  	_ =	shalt  }
0x5c: {  	_ =	shalt  }
0x5d: {  	_ =	shalt  }
0x5e: {  	_ =	shalt  }
0x5f: {  	_ =	shalt  }
0x60: {  	_ =	shalt  }
0x61: {  	_ =	shalt  }
0x62: {  	_ =	shalt  }
0x63: {  	_ =	shalt  }
0x64: {  	_ =	shalt  }
0x65: {  	_ =	shalt  }
0x66: {  	_ =	shalt  }
0x67: {  	_ =	shalt  }
0x68: {  	_ =	shalt  }
0x69: {  	_ =	shalt  }
0x6a: {  	_ =	shalt  }
0x6b: {  	_ =	shalt  }
0x6c: {  	_ =	shalt  }
0x6d: {  	_ =	shalt  }
0x6e: {  	_ =	shalt  }
0x6f: {  	_ =	shalt  }
0x70: {  	_ =	shalt  }
0x71: {  	_ =	shalt  }
0x72: {  	_ =	shalt  }
0x73: {  	_ =	shalt  }
0x74: {  	_ =	shalt  }
0x75: {  	_ =	shalt  }
0x76: {  	_ =	shalt  }
0x77: {  	_ =	shalt  }
0x78: {  	_ =	shalt  }
0x79: {  	_ =	shalt  }
0x7a: {  	_ =	shalt  }
0x7b: {  	_ =	shalt  }
0x7c: {  	_ =	shalt  }
0x7d: {  	_ =	shalt  }
0x7e: {  	_ =	shalt  }
0x7f: {  	_ =	shalt  }
0x80: {  	_ =	shalt  }
0x81: {  	_ =	shalt  }
0x82: {  	_ =	shalt  }
0x83: {  	_ =	shalt  }
0x84: {  	_ =	shalt  }
0x85: {  	_ =	shalt  }
0x86: {  	_ =	shalt  }
0x87: {  	_ =	shalt  }
.Lfunc_end0:
.L_simem_size_0:
called_computation.1_lowered:
.L_overlay_start_0:
0x88: {  	s2 =	sld [smem:$0x3FD9]  }
0x89: {  	s3 =	sld [smem:$0x3FFE];
	_ =	sdelay $0x1  }
0x8a: {  	s1 =	srdreg.scid  }
0x8b: {  	s0 =	sand.u32 $0x1, s1  }
0x8c: {  	s17 =	sshll.u32 s0, $0xA;
	s2 =	sadd.s32 s3, s2  }
0x8d: {  	s2 =	sadd.s32 s2, s17  }
0x8e: {  	[smem:$0x3FB7] =	sst s2  }
0x8f: {  	_ = 	snop  }
0x90: {  	s2 =	sld [smem:$0x3FBA]  }
0x91: {  	s18 =	sld [smem:$0x3FD0];
	(tm) =	ssettm $0x1  }
0x92: {  	s4 =	sld [smem:$0x3FFB];
	_ =	sdelay $0x3  }
0x93: {  	_ =	strace s4  }
0x94: {  	s4 =	sld [smem:$0x3FFC];
	_ =	sdelay $0x3  }
0x95: {  	_ =	strace s4  }
0x96: {  	s4 =	sld [smem:$0x3FFD];
	_ =	sdelay $0x3  }
0x97: {  	_ =	strace s4  }
0x98: {  	_ =	strace $0x8FFFFFFF  }
0x99: {  	s19 =	sld [smem:$0x3FDB];
	_ =	sdelay $0x1  }
0x9a: {  	s5 =	simm.s32 $_scs_section_size  }
0x9b: {  	s6 =	simm.s32 $_size__tile_overlayer_lowered;
	s7 =	simm.s32 $_tile_overlayer_lowered  }
0x9c: {  	s22 =	simm.s32 $0x1BFF;
	s21 =	sshll.u32 s7, $0x1;
	s4 =	sadd.s32 s5, s19  }
0x9d: {  	s8 =	simm.s32 $0x0;
	s20 =	sshll.u32 s6, $0x1;
	s6 =	sadd.s32 s21, s4  }
0x9e: {  	[timem:s8], [sflag:s22] =	dma.local [hbm:s6], s20  }
0x9f: {  	_ =	swait.ge [sflag:s22], s20  }
0xa0: {  	s5 =	ssub.s32 $0x0, s20;
	[sflag:s22] =	ssyncset.done $0x0  }
0xa1: {  	[sflag:s22] =	ssyncadd.s32 s5;
	_ =	sdelay $0x1  }
0xa2: {  	s23 =	simm.s32 $0x1B8B  }
0xa3: {  	_ =	swait.ge [sflag:s23], $0x1  }
0xa4: {  	[sflag:s23] =	ssyncset.done $0x0  }
0xa5: {  	s25 =	simm.s32 $0x1B8E;
	s24 =	sld [smem:$0x3FFE];
	[sflag:s23] =	ssyncadd.s32 $0xFFFFFFFF  }
0xa6: {  	s26 =	simm.s32 $execute0_lowered;
	[smem:$0x3FD2] =	sst s25  }
0xa7: {  	s6 =	sshll.u32 s26, $0x1;
	_ =	strace $0x80000049;
	[dreg:$0x1] =	wrdreg $0xFFFFFFFF  }
0xa8: {  	s28 =	simm.s32 $_size_execute0_lowered;
	s4 =	sadd.s32 s4, s6;
	[dreg:$0x0] =	wrdreg $0x0  }
0xa9: {  	s6 =	sshll.u32 s28, $0x1;
	[dreg:$0x2] =	wrdreg s4  }
0xaa: {  	[dreg:$0x3] =	wrdreg s6  }
0xab: {  	[dreg:$0x4] =	wrdreg $0xC0  }
0xac: {  	_ =	task [dreg:s8], $0x5FFFF  }
0xad: {  	[dreg:$0x1] =	wrdreg $0xFFFFFFFF  }
0xae: {  	[dreg:$0x0] =	wrdreg $0x60  }
0xaf: {  	[dreg:$0x2] =	wrdreg s18  }
0xb0: {  	[dreg:$0x3] =	wrdreg s24  }
0xb1: {  	[dreg:$0x4] =	wrdreg s2  }
0xb2: {  	[dreg:$0x5] =	wrdreg $0xB3000  }
0xb3: {  	[dreg:$0x6] =	wrdreg $0x9  }
0xb4: {  	_ =	task.clear_ibuf [dreg:s8], $0x7FFFF;
	_ =	strace $0x90000049  }
0xb5: {  	s29 =	simm.s32 $0x9;
	_ =	strace $0x8000004B  }
0xb6: {  	_ =	swait.ge [sflag:s29], $0x1  }
0xb7: {  	[sflag:s29] =	ssyncadd.s32 $0xFFFFFFFF  }
0xb8: {  	_ =	strace $0x9000004B  }
0xb9: {  	_ =	sfence  }
0xba: {  	s30 =	sld [smem:$0x0];
	_ =	sdelay $0x2  }
0xbb: {  	s31 =	sshll.u32 s1, $0xD;
	s1 =	sshrl.u32 s1, $0x2  }
0xbc: {  	s3 =	sand.u32 $0x4000, s31;
	s1 =	sadd.s32 s1, s30  }
0xbd: {  	s0 =	sor.u32 s3, s0;
	s1 =	sshll.u32 s1, $0x11  }
0xbe: {  	s0 =	sor.u32 s1, s0  }
0xbf: {  	s0 =	sadd.s32 $0x8F2B, s0  }
0xc0: {  	[sflag:s0] =	ssyncadd.remote.s32 $0x1  }
0xc1: {  	_ =	sfence.sel $0xFFFF  }
0xc2: {  	[dreg:$0x0] =	wrdreg $0xFFFFFFFF;
	(pc) =	sbr.abs _section_cstart, $3  }
0xc3: {  	[dreg:$0x1] =	wrdreg $0xFFFFFFFF  }
0xc4: {  	_ =	task.clear_ibuf [dreg:s8], $0x2FFFF;
	_ =	strace $0x9FFFFFFF  }
0xc5: {  	(tm) =	ssettm $0x7FFFFFFF  }
tec
execute0_lowered:
.L_overlay_start_1:
0x0: {  	(tag) =	ssettag $0x1  }
0x1: {  	s1 =	rddreg [dreg:$0x0]  }
0x2: {  	s0 =	rddreg [dreg:$0x1]  }
0x3: {  	s3 =	rddreg [dreg:$0x3];
	s2 =	srdreg.scid;
	s5 =	simm.s32 $0x0  }
0x4: {  	s12 =	stileid.u32;
	s28 =	simm.s32 $0x1;
	s29 =	simm.s32 $0x3  }
0x5: {  	s30 =	simm.s32 $0x5;
	s31 =	simm.s32 $0x2400;
	s2 =	sand.u32 $0x1, s2  }
0x6: {  	[smem:$0x7FF] =	sst s5;
	s19 =	smul.u32 $0x1400, s12;
	s6 =	sshll.u32 s12, $0x1  }
0x7: {  	s8 =	sadd.s32 $0xAAD000, s0;
	s13 =	sadd.s32 $0x4E7C00, s0;
	s22 =	smul.u32 $0x5000, s12  }
0x8: {  	s15 =	sadd.s32 $0x519C00, s0;
	s4 =	smul.u32 $0x138800, s2;
	s7 =	sor.u32 s2, s6  }
0x9: {  	s10 =	ssub.s32 $0x109, s12;
	_ =	strace $0x8000004A;
	s14 =	smul.u32 $0x2710, s7  }
0xa: {  	s6 =	sadd.s32 $0x5E00, s0;
	s2 =	ssub.s32 $0x2, s2;
	s21 =	smul.u32 $0x1900, s7  }
0xb: {  	s16 =	sshrl.u32 s10, $0x4;
	[dreg:$0x6] =	wrdreg s13;
	s11 =	smul.u32 $0x27100, s7  }
0xc: {  	[dreg:$0x7] =	wrdreg s15;
	s9 =	sshrl.u32 s2, $0x1;
	s7 =	smul.u32 $0x19, s7  }
0xd: {  	s25 =	sshrl.u32 s22, $0x2;
	s22 =	simm.s32 $0x8800;
	[dreg:$0x8] =	wrdreg s16  }
0xe: {  	s4 =	sadd.s32 s19, s4;
	s2 =	ssub.s32 s2, s9;
	s12 =	sadd.s32 s25, s3  }
0xf: {  	s25 =	simm.s32 $0x8B00;
	s4 =	sshrl.u32 s4, $0x3;
	[dreg:$0x9] =	wrdreg s7  }
0x10: {  	s20 =	sshrl.u32 s14, $0x3;
	s23 =	sadd.s32 s13, s21;
	[dreg:$0x5] =	wrdreg s14  }
0x11: {  	s5 =	sadd.s32 s15, s21;
	s24 =	sadd.s32 s8, s11;
	[dreg:$0xf] =	wrdreg s12  }
0x12: {  	s2 =	smax.u32 s2, $0x1;
	s21 =	simm.s32 $0x9;
	[dreg:$0xa] =	wrdreg s23  }
0x13: {  	s13 =	simm.s32 $0x6;
	s7 =	simm.s32 $0x0;
	[dreg:$0xb] =	wrdreg s5  }
0x14: {  	s4 =	sadd.s32 s4, s0;
	s0 =	sadd.s32 s20, s0;
	[dreg:$0xc] =	wrdreg s24  }
0x15: {  	[dreg:$0xe] =	wrdreg s2;
	s20 =	simm.s32 $0x1000;
	s23 =	simm.s32 $0x800  }
0x16: {  	s24 =	simm.s32 $0x28;
	s2 =	simm.s32 $0x7400;
	s0 =	sadd.s32 $0x2D000, s0  }
0x17: {  	s26 =	sadd.s32 $0x36E00, s4;
	s4 =	simm.s32 $0x4;
	[dreg:$0xd] =	wrdreg s0  }
0x18: {  	v0 =	vimm.f32 $0.0e+00;
	[dreg:$0x10] =	wrdreg s26;
	s0 =	simm.s32 $0x4C00;
	s26 =	simm.s32 $0x2  }
.LBB2_1:
0x19: {  	[dreg:$0x11] =	wrdreg s7;
	s5 =	simm.s32 $0x0  }
.LBB2_2:
0x1a: {  	p0 =	sne.s32 s5, $0x9C00  }
.Ltmp0:
0x1b: {  	_ = 	snop;
	(pc) =	sbr.rel @p0 .LBB2_2-.Ltmp0, $3  }
0x1c: {  	_ =	sdelay $0x1  }
0x1d: {  	s7 =	sshra.s32 s5, $0x2  }
0x1e: {  	s5 =	sadd.s32 $0x40, s5;
	[tilespmem:s7+$0x8B00] =	vst v0  }
0x1f: {  	s5 =	simm.s32 $0x0;
	s7 =	simm.s32 $0x200  }
.LBB2_4:
0x20: {  	p0 =	sne.s32 s7, $0x4E00;
	[tilespmem:s5+$0x1070] =	vst v0  }
0x21: {  	[tilespmem:s5+$0x1000] =	vst v0  }
0x22: {  	[tilespmem:s5+$0x1010] =	vst v0  }
.Ltmp1:
0x23: {  	[tilespmem:s5+$0x1020] =	vst v0;
	(pc) =	sbr.rel @p0 .LBB2_4-.Ltmp1, $4  }
0x24: {  	[tilespmem:s5+$0x1030] =	vst v0  }
0x25: {  	[tilespmem:s5+$0x1040] =	vst v0  }
0x26: {  	[tilespmem:s5+$0x1050] =	vst v0  }
0x27: {  	[tilespmem:s5+$0x1060] =	vst v0;
	s5 =	sshra.s32 s7, $0x2;
	s7 =	sadd.s32 $0x200, s7  }
0x28: {  	[tilespmem:s5+$0x1070] =	vst v0  }
0x29: {  	[tilespmem:s5+$0x1000] =	vst v0  }
0x2a: {  	[tilespmem:s5+$0x1010] =	vst v0  }
0x2b: {  	[tilespmem:s5+$0x1020] =	vst v0  }
0x2c: {  	[tilespmem:s5+$0x1030] =	vst v0  }
0x2d: {  	[tilespmem:s5+$0x1040] =	vst v0;
	p0 =	sne.s32 s16, $0x1  }
.Ltmp2:
0x2e: {  	[tilespmem:s5+$0x1050] =	vst v0;
	(pc) =	sbr.rel @!p0 .LBB2_7-.Ltmp2, $4  }
0x2f: {  	[tilespmem:s5+$0x1060] =	vst v0  }
0x30: {  	[spmem:s12] =	stream.linear.scatter [tilespmem:s20], [sflag:$0x9], $0x1400, $0x38;
	[tilespmem:$0x1EB80] =	vst v63  }
0x31: {  	_ =	swait.ge [sflag:s21], $0x1400  }
0x32: {  	s5 =	sadd.s32 $0xFFFFFFFF, s16;
	s7 =	smov.u32 s12;
	[sflag:s21] =	ssyncset.done $0x0  }
.LBB2_6:
0x33: {  	p1 =	sne.s32 s5, $0x1;
	[sflag:s21] =	ssyncadd.s32 $0xFFFFEC00;
	s7 =	sadd.s32 $0x14000, s7  }
.Ltmp3:
0x34: {  	s5 =	sadd.s32 $0xFFFFFFFF, s5;
	(pc) =	sbr.rel @p1 .LBB2_6-.Ltmp3, $4  }
0x35: {  	_ = 	snop  }
0x36: {  	[spmem:s7] =	stream.linear.scatter [tilespmem:s20], [sflag:$0x9], $0x1400, $0x38;
	[tilespmem:$0x1EB80] =	vst v63  }
0x37: {  	_ =	swait.ge [sflag:s21], $0x1400  }
0x38: {  	[sflag:s21] =	ssyncset.done $0x0  }
.LBB2_7:
0x39: {  	[sflag:s21] =	ssyncadd.s32 $0xFFFFEC00  }
0x3a: {  	s12 =	simm.s32 $0x0;
	s7 =	simm.s32 $0xB280;
	s5 =	rddreg [dreg:$0x2]  }
0x3b: {  	[tilespmem:s7], [sflag:$0x9] =	stream.linear.gather [hbm4b:s5+s12], $0x80, $0x38;
	[tilespmem:$0x1EB80] =	vst v63  }
0x3c: {  	_ =	swait.ge [sflag:s21], $0x80  }
0x3d: {  	[sflag:s21] =	ssyncset.done $0x0  }
0x3e: {  	[sflag:s21] =	ssyncadd.s32 $0xFFFFFF80  }
0x3f: {  	v6 =	vld [tilespmem:$0xB280]  }
0x40: {  	v63 =	vld [tilespmem:$0xB290]  }
0x41: {  	v60 =	vld [tilespmem:$0xB2A0]  }
0x42: {  	v57 =	vld [tilespmem:$0xB2B0]  }
0x43: {  	v58 =	vld [tilespmem:$0xB2C0]  }
0x44: {  	v59 =	vld [tilespmem:$0xB2D0]  }
0x45: {  	v61 =	vld [tilespmem:$0xB2E0]  }
0x46: {  	v62 =	vld [tilespmem:$0xB2F0];
	[bflag:$0x0] =	sbarrier.arrive $0xFFFF  }
0x47: {  	s15 =	rddreg [dreg:$0xa]  }
0x48: {  	[tilespmem:s12], [sflag:$0x9] =	stream.linear.gather [hbm4b:s15+s12], $0x500, $0x38;
	[tilespmem:$0x1EB80] =	vst v63  }
0x49: {  	_ =	swait.ge [sflag:s21], $0x500  }
0x4a: {  	[sflag:s21] =	ssyncset.done $0x0  }
0x4b: {  	s16 =	rddreg [dreg:$0xb];
	[sflag:s21] =	ssyncadd.s32 $0xFFFFFB00  }
0x4c: {  	[tilespmem:s23], [sflag:$0x9] =	stream.linear.gather [hbm4b:s16+s12], $0x500, $0x38;
	[tilespmem:$0x1EB80] =	vst v63  }
0x4d: {  	_ =	swait.ge [sflag:s21], $0x500  }
0x4e: {  	[sflag:s21] =	ssyncset.done $0x0;
	[tilespmem:$0x1FFC0] =	vst v57  }
0x4f: {  	[tilespmem:$0x1FFD0] =	vst v59;
	[sflag:s21] =	ssyncadd.s32 $0xFFFFFB00  }
0x50: {  	[tilespmem:s20], [sflag:$0x1] =	stream.indirect.gather [hbm4b:s1+s24], $0x80, s12, s24, $0xb8;
	[tilespmem:$0x1EB80] =	vst v63  }
0x51: {  	s17 =	simm.s32 $0x3800;
	[tilespmem:$0x1FFE0] =	vst v61  }
0x52: {  	[tilespmem:s17], [sflag:$0x3] =	stream.indirect.gather [hbm4b:s6+s24], $0x80, s23, s24, $0xb8;
	[tilespmem:$0x1EB80] =	vst v63  }
0x53: {  	s19 =	simm.s32 $0x6000;
	s18 =	rddreg [dreg:$0xc];
	[tilespmem:$0x1FFF0] =	vst v62  }
0x54: {  	[tilespmem:s19], [sflag:$0x5] =	stream.linear.gather [hbm4b:s18+s12], $0x1400, $0x38;
	[tilespmem:$0x1EB80] =	vst v63  }
.LBB2_8:
0x55: {  	s5 =	smul.u32 $0x190, s12;
	_ =	sdelay $0x1  }
0x56: {  	[dreg:$0x12] =	wrdreg s12;
	s15 =	simm.s32 $0x0;
	s14 =	sadd.s32 s14, s5  }
.LBB2_9:
0x57: {  	_ =	swait.ge [sflag:s28], $0x1400  }
0x58: {  	[sflag:s28] =	ssyncset.done $0x0  }
0x59: {  	[sflag:s28] =	ssyncadd.s32 $0xFFFFEC00  }
0x5a: {  	_ =	swait.ge [sflag:s29], $0x1400  }
0x5b: {  	[sflag:s29] =	ssyncset.done $0x0  }
0x5c: {  	[sflag:s29] =	ssyncadd.s32 $0xFFFFEC00  }
0x5d: {  	_ =	swait.ge [sflag:s30], $0x1400  }
0x5e: {  	p1 =	seq.s32 s15, $0x0;
	s18 =	sshll.u32 s15, $0x1;
	[sflag:s30] =	ssyncset.done $0x0  }
0x5f: {  	s5 =	simm.s32 @!p1 $0x8;
	s7 =	sor.u32 $0x1, s18;
	[sflag:s30] =	ssyncadd.s32 $0xFFFFEC00  }
0x60: {  	s16 =	smul.u32 $0x28, s7;
	_ =	swait.ge @!p1 [sflag:s5], $0x1400  }
0x61: {  	[sflag:s5] =	ssyncset.done @!p1 $0x0  }
0x62: {  	s11 =	sshll.u32 s7, $0x7;
	[sflag:s5] =	ssyncadd.s32 @!p1 $0xFFFFEC00;
	s5 =	sadd.s32 s14, s16  }
0x63: {  	[tilespmem:s31], [sflag:$0x2] =	stream.indirect.gather [hbm4b:s1+s24], $0x80, s11, s24, $0xb8;
	[tilespmem:$0x1EB80] =	vst v63  }
0x64: {  	s19 =	sadd.s32 $0x800, s11;
	s5 =	sshll.u32 s5, $0x4  }
0x65: {  	[tilespmem:s0], [sflag:$0x4] =	stream.indirect.gather [hbm4b:s6+s24], $0x80, s19, s24, $0xb8;
	[tilespmem:$0x1EB80] =	vst v63  }
0x66: {  	s17 =	simm.s32 $0x0;
	s16 =	simm.s32 $0x1100;
	s5 =	sadd.s32 s8, s5  }
0x67: {  	[tilespmem:s2], [sflag:$0x6] =	stream.linear.gather [hbm4b:s5+s17], $0x1400, $0x38;
	[tilespmem:$0x1EB80] =	vst v63  }
0x68: {  	v34 =	vld [tilespmem:s16+$0xF0]  }
0x69: {  	v30 =	vld [tilespmem:s16+$0xE0]  }
0x6a: {  	v35 =	vld [tilespmem:s16+$0xD0]  }
0x6b: {  	v31 =	vld [tilespmem:s16+$0xC0]  }
0x6c: {  	v33 =	vld [tilespmem:s16+$0xB0]  }
0x6d: {  	v27 =	vld [tilespmem:s16+$0xA0]  }
0x6e: {  	v28 =	vld [tilespmem:s16+$0x90]  }
0x6f: {  	s9 =	simm.s32 $0x3900;
	v25 =	vld [tilespmem:s16+$0x80]  }
0x70: {  	s10 =	simm.s32 $0x6100;
	v10 =	vld [tilespmem:s9+$0x80]  }
0x71: {  	v11 =	vld [tilespmem:s10+$0x80]  }
0x72: {  	v12 =	vld [tilespmem:s9+$0x90]  }
0x73: {  	v13 =	vld [tilespmem:s10+$0x90]  }
0x74: {  	v14 =	vld [tilespmem:s9+$0xA0]  }
0x75: {  	v15 =	vld [tilespmem:s9+$0xB0]  }
0x76: {  	v16 =	vld [tilespmem:s10+$0xA0]  }
0x77: {  	v17 =	vld [tilespmem:s9+$0xC0]  }
0x78: {  	v18 =	vld [tilespmem:s10+$0xB0]  }
0x79: {  	v19 =	vld [tilespmem:s9+$0xD0]  }
0x7a: {  	v20 =	vld [tilespmem:s10+$0xC0]  }
0x7b: {  	v21 =	vld [tilespmem:s9+$0xE0]  }
0x7c: {  	v22 =	vld [tilespmem:s10+$0xD0]  }
0x7d: {  	v23 =	vld [tilespmem:s9+$0xF0]  }
0x7e: {  	v24 =	vld [tilespmem:s10+$0xE0]  }
0x7f: {  	v26 =	vld [tilespmem:s9+$0xFFFFFF00]  }
0x80: {  	v29 =	vld [tilespmem:s10+$0xF0]  }
0x81: {  	v32 =	vld [tilespmem:s9+$0xFFFFFF80];
	v10 =	vadd.f32 v10, v25  }
0x82: {  	v37 =	vld [tilespmem:s9+$0x0]  }
0x83: {  	v38 =	vld [tilespmem:s9+$0xFFFFFF10];
	v10 =	vadd.f32 v11, v10;
	v11 =	vadd.f32 v12, v28  }
0x84: {  	v1 =	vld [tilespmem:s10+$0x0]  }
0x85: {  	v39 =	vld [tilespmem:s9+$0x10];
	v14 =	vadd.f32 v14, v27;
	v12 =	vmul.f32 $2.000000030e-01, v10;
	v13 =	vadd.f32 v13, v11  }
0x86: {  	v40 =	vld [tilespmem:s10+$0xFFFFFF90];
	v15 =	vadd.f32 v15, v33  }
0x87: {  	v41 =	vld [tilespmem:s9+$0xFFFFFFA0];
	v16 =	vadd.f32 v16, v14;
	v12 =	vmax.f32 v10, v12;
	v36 =	vmul.f32 $2.000000030e-01, v13  }
0x88: {  	v42 =	vld [tilespmem:s10+$0x10];
	v17 =	vadd.f32 v17, v31;
	v12 =	vmul.f32 v12, v6  }
0x89: {  	v43 =	vld [tilespmem:s9+$0x20];
	v18 =	vadd.f32 v18, v15;
	v55 =	vmul.f32 $2.000000030e-01, v16;
	v13 =	vmax.f32 v13, v36  }
0x8a: {  	v2 =	vld [tilespmem:s10+$0xFFFFFF20];
	v19 =	vadd.f32 v19, v35;
	v12 =	vadd.f32 $0.0e+00, v12;
	v13 =	vmul.f32 v13, v63  }
0x8b: {  	v44 =	vld [tilespmem:s9+$0xFFFFFF30];
	v17 =	vadd.f32 v20, v17;
	v56 =	vmul.f32 $2.000000030e-01, v18;
	v16 =	vmax.f32 v16, v55  }
0x8c: {  	v45 =	vld [tilespmem:s10+$0xFFFFFFA0];
	v21 =	vadd.f32 v21, v30;
	v16 =	vmul.f32 v16, v60;
	v12 =	vadd.f32 v13, v12  }
0x8d: {  	v47 =	vld [tilespmem:s9+$0xFFFFFFB0];
	v19 =	vadd.f32 v22, v19;
	v0 =	vmul.f32 $2.000000030e-01, v17;
	v18 =	vmax.f32 v18, v56  }
0x8e: {  	v51 =	vld [tilespmem:s10+$0xFFFFFF30];
	v21 =	vadd.f32 v24, v21;
	v12 =	vadd.f32 v16, v12;
	v16 =	vmul.f32 v18, v57  }
0x8f: {  	v53 =	vld [tilespmem:s9+$0x40];
	v17 =	vmax.f32 v17, v0;
	v18 =	vadd.f32 v23, v34;
	v23 =	vmul.f32 $2.000000030e-01, v19  }
0x90: {  	v14 =	vld [tilespmem:s16+$0xFFFFFF00];
	v17 =	vmul.f32 v17, v58;
	v16 =	vadd.f32 v16, v12  }
0x91: {  	v10 =	vld [tilespmem:s16+$0x0];
	v19 =	vmax.f32 v19, v23;
	v23 =	vmul.f32 $2.000000030e-01, v21;
	v29 =	vadd.f32 v29, v18  }
0x92: {  	v15 =	vld [tilespmem:s16+$0xFFFFFF10];
	v16 =	vadd.f32 v17, v16;
	v17 =	vmul.f32 v19, v59  }
0x93: {  	v24 =	vld [tilespmem:s9+$0xFFFFFF90];
	v19 =	vmax.f32 v21, v23;
	v21 =	vmul.f32 $2.000000030e-01, v29  }
0x94: {  	v13 =	vld [tilespmem:s16+$0xFFFFFF90];
	v16 =	vadd.f32 v17, v16;
	v17 =	vmul.f32 v19, v61  }
0x95: {  	v20 =	vld [tilespmem:s10+$0xFFFFFF00];
	v19 =	vmax.f32 v29, v21  }
0x96: {  	v22 =	vld [tilespmem:s10+$0xFFFFFF80];
	v37 =	vadd.f32 v37, v10;
	v19 =	vmul.f32 v19, v62;
	v16 =	vadd.f32 v17, v16  }
0x97: {  	v11 =	vld [tilespmem:s16+$0xFFFFFF80]  }
0x98: {  	v36 =	vadd.f32 v1, v37;
	v37 =	vld [tilespmem:s10+$0x20];
	v19 =	vadd.f32 v19, v16  }
0x99: {  	v12 =	vld [tilespmem:s16+$0x10];
	v3 =	vadd.f32 v24, v13  }
0x9a: {  	v23 =	vld [tilespmem:s10+$0xFFFFFF10];
	(xrf2) =	vadd.scan.msk.f32 $0xffff, v19  }
0x9b: {  	v18 =	vld [tilespmem:s16+$0xFFFFFF20];
	v40 =	vadd.f32 v40, v3  }
0x9c: {  	v29 =	vld [tilespmem:s9+$0xFFFFFF20]  }
0x9d: {  	v38 =	vadd.f32 v38, v15;
	v21 =	vld [tilespmem:s16+$0xFFFFFF30];
	v56 =	vmul.f32 $2.000000030e-01, v40  }
0x9e: {  	v39 =	vadd.f32 v39, v12;
	v17 =	vld [tilespmem:s16+$0xFFFFFFA0]  }
0x9f: {  	v48 =	vmul.f32 $2.000000030e-01, v36;
	v3 =	vld [tilespmem:s10+$0x30];
	v23 =	vadd.f32 v23, v38;
	v40 =	vmax.f32 v40, v56  }
0xa0: {  	v38 =	vld [tilespmem:s9+$0x30];
	v39 =	vadd.f32 v42, v39;
	v40 =	vmul.f32 v40, v63;
	v19 =	vadd.f32 v26, v14  }
0xa1: {  	v16 =	vld [tilespmem:s16+$0x20];
	v29 =	vadd.f32 v29, v18;
	v50 =	vmul.f32 $2.000000030e-01, v23;
	v26 =	vadd.f32 v32, v11  }
0xa2: {  	v1 =	vmul.f32 $2.000000030e-01, v39;
	v44 =	vadd.f32 v44, v21;
	v32 =	vld [tilespmem:s9+$0xFFFFFFC0];
	v19 =	vadd.f32 v20, v19  }
0xa3: {  	v55 =	vmax.f32 v23, v50;
	v23 =	vld [tilespmem:s16+$0xFFFFFFC0];
	v41 =	vadd.f32 v41, v17;
	v22 =	vadd.f32 v22, v26  }
0xa4: {  	v29 =	vadd.f32 v2, v29;
	v39 =	vmax.f32 v39, v1;
	v1 =	vld [tilespmem:s10+$0xFFFFFFC0];
	v26 =	vmul.f32 $2.000000030e-01, v19;
	v24, _, _ =	vpop (xrf2)  }
0xa5: {  	v44 =	vadd.f32 v51, v44;
	v50 =	vld [tilespmem:s9+$0x50];
	v46 =	vmul.f32 $2.000000030e-01, v22;
	v49 =	vmul.f32 $1.442695020e+00, v24  }
0xa6: {  	v20 =	vld [tilespmem:s16+$0xFFFFFFB0];
	v2 =	vmul.f32 $2.000000030e-01, v29;
	v43 =	vadd.f32 v43, v16;
	v41 =	vadd.f32 v45, v41  }
0xa7: {  	v26 =	vmax.f32 v19, v26;
	v19 =	vld [tilespmem:s16+$0x30];
	v22 =	vmax.f32 v22, v46;
	v54 =	vbroadcast v49, $0xF  }
0xa8: {  	v37 =	vadd.f32 v37, v43;
	v43 =	vld [tilespmem:s9+$0xFFFFFF50];
	v46 =	vmul.f32 v55, v63;
	v22 =	vmul.f32 v22, v6  }
0xa9: {  	v55 =	vmax.f32 v29, v2;
	v29 =	vld [tilespmem:s16+$0xFFFFFF50];
	v26 =	vmul.f32 v26, v6;
	(erf) = vpow2.f32 v54  }
0xaa: {  	v39 =	vmul.f32 v39, v63;
	v52 =	vadd.f32 $0.0e+00, v22;
	v22 =	vmax.f32 v36, v48;
	v48 =	vld [tilespmem:s9+$0xFFFFFF40]  }
0xab: {  	v56 =	vmul.f32 $2.000000030e-01, v41;
	v26 =	vadd.f32 $0.0e+00, v26;
	v36 =	vld [tilespmem:s10+$0xFFFFFFB0];
	v22 =	vmul.f32 v22, v6  }
0xac: {  	v45 =	vmul.f32 v55, v60;
	v47 =	vadd.f32 v47, v20;
	v24 =	vld [tilespmem:s16+$0xFFFFFF40];
	v38 =	vadd.f32 v38, v19  }
0xad: {  	v41 =	vmax.f32 v41, v56;
	v26 =	vadd.f32 v46, v26;
	v0 =	vadd.f32 $0.0e+00, v22;
	v22 =	vld [tilespmem:s16+$0x40]  }
0xae: {  	v41 =	vmul.f32 v41, v60;
	v40 =	vadd.f32 v40, v52;
	v46 =	vld [tilespmem:s10+$0xFFFFFF40];
	v38 =	vadd.f32 v3, v38  }
0xaf: {  	v2 =	vld [tilespmem:s10+$0x40];
	v43 =	vadd.f32 v43, v29;
	v39 =	vadd.f32 v39, v0;
	v0 =	vmul.f32 $2.000000030e-01, v37  }
0xb0: {  	v52 =	vld [tilespmem:s10+$0xFFFFFFD0];
	v42 =	vadd.f32 v45, v26;
	v36 =	vadd.f32 v36, v47;
	v3 =	vmul.f32 $2.000000030e-01, v38  }
0xb1: {  	v26 =	vld [tilespmem:s16+$0xFFFFFFD0];
	v40 =	vadd.f32 v41, v40;
	v48 =	vadd.f32 v48, v24;
	v37 =	vmax.f32 v37, v0  }
0xb2: {  	v54 =	vld [tilespmem:s9+$0xFFFFFFD0];
	v47 =	vmul.f32 $2.000000030e-01, v36;
	v56 =	vadd.f32 v53, v22;
	v38 =	vmax.f32 v38, v3;
	v49 =	vpop (erf)  }
0xb3: {  	v46 =	vadd.f32 v46, v48;
	v48 =	vld [tilespmem:s9+$0xFFFFFF60];
	v45 =	vmul.f32 v49, v28;
	v28 =	vmul.f32 $2.000000030e-01, v44  }
0xb4: {  	v37 =	vmul.f32 v37, v60;
	v36 =	vmax.f32 v36, v47;
	v38 =	vmul.f32 v38, v57;
	v47 =	vld [tilespmem:s9+$0xFFFFFFE0]  }
0xb5: {  	v41 =	vadd.f32 v2, v56;
	v56 =	vld [tilespmem:s9+$0xFFFFFF70];
	v55 =	vmul.f32 v49, v27;
	v27 =	vmax.f32 v44, v28  }
0xb6: {  	v37 =	vadd.f32 v37, v39;
	v51 =	vmul.f32 v49, v25;
	v25 =	vld [tilespmem:s16+$0x50];
	v27 =	vmul.f32 v27, v57  }
0xb7: {  	v36 =	vmul.f32 v36, v57;
	v3 =	vmul.f32 $2.000000030e-01, v41;
	v28 =	vadd.f32 v32, v23;
	v44 =	vld [tilespmem:s10+$0xFFFFFF50]  }
0xb8: {  	v53 =	vmul.f32 v49, v33;
	v33 =	vld [tilespmem:s16+$0xFFFFFF70];
	v42 =	vadd.f32 v27, v42;
	v27 =	vmul.f32 $2.000000030e-01, v46  }
0xb9: {  	v36 =	vadd.f32 v36, v40;
	v40 =	vmax.f32 v41, v3;
	v32 =	vld [tilespmem:s16+$0xFFFFFF60];
	v0 =	vadd.f32 v1, v28  }
0xba: {  	v54 =	vadd.f32 v54, v26;
	v40 =	vmul.f32 v40, v58;
	v28 =	vld [tilespmem:s16+$0xFFFFFFE0];
	v46 =	vmax.f32 v46, v27  }
0xbb: {  	v37 =	vadd.f32 v38, v37;
	v1 =	vmul.f32 $2.000000030e-01, v0;
	v2 =	vmul.f32 v46, v58;
	v46 =	vld [tilespmem:s10+$0x50]  }
0xbc: {  	v35 =	vmul.f32 v49, v35;
	v34 =	vmul.f32 v49, v34;
	v27 =	vld [tilespmem:s16+$0x60];
	v43 =	vadd.f32 v44, v43  }
0xbd: {  	[tilespmem:s16+$0x80] =	vst v51;
	v51 =	vadd.f32 v40, v37;
	v39 =	vmax.f32 v0, v1;
	v1 =	vadd.f32 v52, v54;
	v52 =	vld [tilespmem:s10+$0xFFFFFF60]  }
0xbe: {  	v50 =	vadd.f32 v50, v25;
	v44 =	vld [tilespmem:s9+$0x60];
	v54 =	vmul.f32 v49, v31;
	v0 =	vmul.f32 $2.000000030e-01, v43  }
0xbf: {  	v40 =	vadd.f32 v48, v32;
	v31 =	vld [tilespmem:s16+$0xFFFFFFF0];
	v39 =	vmul.f32 v39, v58;
	v3 =	vmul.f32 $2.000000030e-01, v1  }
0xc0: {  	[tilespmem:s16+$0x90] =	vst v45;
	v38 =	vadd.f32 v2, v42;
	v2 =	vmax.f32 v43, v0;
	v43 =	vld [tilespmem:s10+$0xFFFFFFE0];
	v41 =	vadd.f32 v46, v50  }
0xc1: {  	[tilespmem:s16+$0xB0] =	vst v53;
	v53 =	vadd.f32 v47, v28;
	v0 =	vmul.f32 v49, v30;
	v30 =	vmax.f32 v1, v3;
	v1 =	vld [tilespmem:s9+$0xFFFFFFF0]  }
0xc2: {  	[tilespmem:s16+$0xA0] =	vst v55;
	v37 =	vld [tilespmem:s10+$0x60];
	v39 =	vadd.f32 v39, v36;
	v52 =	vadd.f32 v52, v40;
	v3 =	vmul.f32 $2.000000030e-01, v41  }
0xc3: {  	[tilespmem:s16+$0xD0] =	vst v35;
	v42 =	vld [tilespmem:s10+$0x70];
	v36 =	vmul.f32 v2, v59;
	v35 =	vadd.f32 v44, v27;
	v2 =	vmul.f32 v30, v59  }
0xc4: {  	[tilespmem:s16+$0xC0] =	vst v54;
	v30 =	vld [tilespmem:s16+$0x70];
	v40 =	vadd.f32 v56, v33;
	v54 =	vmul.f32 $2.000000030e-01, v52;
	v41 =	vmax.f32 v41, v3  }
0xc5: {  	[tilespmem:s16+$0xF0] =	vst v34;
	v46 =	vld [tilespmem:s10+$0xFFFFFFF0];
	v36 =	vadd.f32 v36, v38;
	v55 =	vmul.f32 v41, v59;
	v41 =	vadd.f32 v43, v53  }
0xc6: {  	s7 =	simm.s32 $0x8820;
	[tilespmem:s16+$0xE0] =	vst v0;
	v38 =	vadd.f32 v2, v39;
	v39 =	vld [tilespmem:s9+$0x70];
	v56 =	vmax.f32 v52, v54;
	v45 =	vadd.f32 v1, v31  }
0xc7: {  	s12 =	simm.s32 $0x8820;
	s17 =	simm.s32 $0x0;
	s5 =	simm.s32 $0x1300;
	[tilespmem:s7+$0x10] =	vst v49;
	v43 =	vld [tilespmem:s10+$0xFFFFFF70];
	v48 =	vmul.f32 v56, v61;
	v44 =	vadd.f32 v55, v51;
	v47 =	vmul.f32 $2.000000030e-01, v41  }
.LBB2_10:
0xc8: {  	v34 =	vld [tilespmem:s5+$0xF0]  }
0xc9: {  	v48 =	vadd.f32 v48, v36;
	v36 =	vld [tilespmem:s5+$0xD0]  }
0xca: {  	s9 =	sadd.s32 $0x200, s9;
	v54 =	vmax.f32 v41, v47;
	v41 =	vld [tilespmem:s5+$0x90]  }
0xcb: {  	s10 =	sadd.s32 $0x200, s10;
	v2 =	vld [tilespmem:s9+$0x80]  }
0xcc: {  	v3 =	vld [tilespmem:s10+$0x80]  }
0xcd: {  	v52 =	vld [tilespmem:s9+$0x90]  }
0xce: {  	v49 =	vadd.f32 v37, v35;
	v35 =	vld [tilespmem:s5+$0xE0];
	v43 =	vadd.f32 v43, v40  }
0xcf: {  	v37 =	vld [tilespmem:s5+$0xC0];
	v45 =	vadd.f32 v46, v45  }
0xd0: {  	v55 =	vadd.f32 v39, v30;
	v39 =	vld [tilespmem:s5+$0xB0];
	v0 =	vmul.f32 $2.000000030e-01, v43  }
0xd1: {  	v47 =	vmul.f32 v54, v61;
	v54 =	vld [tilespmem:s9+$0xB0];
	v1 =	vmul.f32 $2.000000030e-01, v45  }
0xd2: {  	v46 =	vmax.f32 v43, v0;
	v43 =	vld [tilespmem:s5+$0x80]  }
0xd3: {  	v56 =	vmul.f32 $2.000000030e-01, v49;
	v42 =	vadd.f32 v42, v55;
	v40 =	vld [tilespmem:s5+$0xA0];
	v45 =	vmax.f32 v45, v1  }
0xd4: {  	v38 =	vadd.f32 v47, v38;
	v55 =	vld [tilespmem:s10+$0xA0];
	v45 =	vmul.f32 v45, v62  }
0xd5: {  	v49 =	vmax.f32 v49, v56;
	v50 =	vmul.f32 $2.000000030e-01, v42;
	v56 =	vld [tilespmem:s9+$0xA0]  }
0xd6: {  	v49 =	vmul.f32 v49, v61;
	v46 =	vmul.f32 v46, v62;
	v38 =	vadd.f32 v45, v38;
	v45 =	vld [tilespmem:s10+$0x90]  }
0xd7: {  	v47 =	vld [tilespmem:s10+$0xC0];
	v42 =	vmax.f32 v42, v50;
	v53 =	vadd.f32 v2, v43  }
0xd8: {  	v44 =	vadd.f32 v49, v44;
	v42 =	vmul.f32 v42, v62;
	v46 =	vadd.f32 v46, v48;
	v2 =	vld [tilespmem:s9+$0xC0]  }
0xd9: {  	v1 =	vadd.f32 v52, v41;
	v52 =	vld [tilespmem:s10+$0xD0];
	v0 =	vadd.f32 v3, v53  }
0xda: {  	v42 =	vadd.f32 v42, v44;
	v44 =	vadd.f32 v56, v40;
	(xrf2) =	vadd.scan.msk.f32 $0xffff, v46;
	v3 =	vld [tilespmem:s10+$0xB0]  }
0xdb: {  	v46 =	vld [tilespmem:s9+$0xD0];
	v45 =	vadd.f32 v45, v1;
	v51 =	vmul.f32 $2.000000030e-01, v0  }
0xdc: {  	v50 =	vld [tilespmem:s10+$0xF0];
	v56 =	vadd.f32 v54, v39;
	v44 =	vadd.f32 v55, v44  }
0xdd: {  	(xrf2) =	vadd.scan.msk.f32 $0xffff, v38;
	v1 =	vld [tilespmem:s9+$0xE0];
	v48 =	vadd.f32 v2, v37;
	v38 =	vmax.f32 v0, v51;
	v0 =	vmul.f32 $2.000000030e-01, v45  }
0xde: {  	v54 =	vld [tilespmem:s10+$0xE0];
	v2 =	vmul.f32 $2.000000030e-01, v44;
	v38 =	vmul.f32 v38, v6  }
0xdf: {  	(xrf2) =	vadd.scan.msk.f32 $0xffff, v42;
	v42 =	vadd.f32 v3, v56;
	v3 =	vld [tilespmem:s9+$0xF0];
	v47 =	vadd.f32 v47, v48;
	v45 =	vmax.f32 v45, v0  }
0xe0: {  	v55 =	vld [tilespmem:s9+$0xFFFFFF00];
	v46 =	vadd.f32 v46, v36;
	v44 =	vmax.f32 v44, v2;
	v45 =	vmul.f32 v45, v63  }
0xe1: {  	v48 =	vld [tilespmem:s5+$0xFFFFFF80];
	v38 =	vadd.f32 $0.0e+00, v38;
	v0 =	vmul.f32 $2.000000030e-01, v42;
	v2 =	vmul.f32 $2.000000030e-01, v47  }
0xe2: {  	v46 =	vadd.f32 v52, v46;
	v52 =	vld [tilespmem:s9+$0xFFFFFF80];
	v44 =	vmul.f32 v44, v60;
	v1 =	vadd.f32 v1, v35  }
0xe3: {  	v8 =	vmovc v60;
	v60 =	vld [tilespmem:s5+$0xFFFFFF20];
	v38 =	vadd.f32 v45, v38;
	v42 =	vmax.f32 v42, v0;
	v47 =	vmax.f32 v47, v2  }
0xe4: {  	v53, _, _ =	vpop (xrf2);
	v42 =	vmul.f32 v42, v57;
	v49 =	vadd.f32 v3, v34;
	v3 =	vmul.f32 $2.000000030e-01, v46;
	v57 =	vld [tilespmem:s9+$0x0]  }
0xe5: {  	v45 =	vadd.f32 v54, v1;
	v0 =	vmul.f32 v47, v58;
	v47 =	vmul.f32 $1.442695020e+00, v53;
	v53 =	vld [tilespmem:s5+$0xFFFFFF00]  }
0xe6: {  	v9 =	vmov v58;
	v58 =	vld [tilespmem:s5+$0xFFFFFF10];
	v44 =	vadd.f32 v44, v38  }
0xe7: {  	v38 =	vld [tilespmem:s5+$0x0];
	v1 =	vmul.f32 $2.000000030e-01, v45;
	v46 =	vmax.f32 v46, v3  }
0xe8: {  	v56, _, _ =	vpop (xrf2);
	v49 =	vadd.f32 v50, v49;
	v50 =	vld [tilespmem:s5+$0xFFFFFF90];
	v47 =	vbroadcast v47, $0xF;
	v42 =	vadd.f32 v42, v44  }
0xe9: {  	v2 =	vmul.f32 v46, v59;
	v46 =	vmul.f32 $1.442695020e+00, v56;
	v56 =	vld [tilespmem:s10+$0xFFFFFF00]  }
0xea: {  	v54, _, _ =	vpop (xrf2);
	v45 =	vmax.f32 v45, v1;
	v59 =	vld [tilespmem:s9+$0xFFFFFF10];
	v3 =	vmul.f32 $2.000000030e-01, v49;
	v42 =	vadd.f32 v0, v42  }
0xeb: {  	v1 =	vmul.f32 $1.442695020e+00, v54;
	v44 =	vld [tilespmem:s5+$0x10];
	v0 =	vmul.f32 v45, v61  }
0xec: {  	v46 =	vbroadcast v46, $0xF;
	v49 =	vmax.f32 v49, v3;
	v3 =	vld [tilespmem:s10+$0xFFFFFF80];
	v42 =	vadd.f32 v2, v42  }
0xed: {  	(erf) = vpow2.f32 v47;
	v45 =	vbroadcast v1, $0xF;
	v1 =	vld [tilespmem:s9+$0x10];
	v2 =	vadd.f32 v55, v53  }
0xee: {  	v49 =	vmul.f32 v49, v62;
	(erf) = vpow2.f32 v46;
	v46 =	vld [tilespmem:s10+$0xFFFFFF10];
	v42 =	vadd.f32 v0, v42  }
0xef: {  	v52 =	vadd.f32 v52, v48;
	v51 =	vadd.f32 v56, v2;
	v56 =	vld [tilespmem:s10+$0x0]  }
0xf0: {  	v54 =	vadd.f32 v57, v38;
	v57 =	vld [tilespmem:s9+$0xFFFFFF90];
	v42 =	vadd.f32 v49, v42  }
0xf1: {  	v47 =	vadd.f32 v59, v58;
	v59 =	vld [tilespmem:s9+$0xFFFFFFA0];
	v0 =	vmul.f32 $2.000000030e-01, v51;
	v2 =	vadd.f32 v3, v52  }
0xf2: {  	v52 =	vld [tilespmem:s9+$0xFFFFFF20];
	(xrf2) =	vadd.scan.msk.f32 $0xffff, v42  }
0xf3: {  	v49 =	vld [tilespmem:s5+$0xFFFFFFA0];
	v47 =	vadd.f32 v46, v47;
	v3 =	vmax.f32 v51, v0;
	v55 =	vmul.f32 $2.000000030e-01, v2  }
0xf4: {  	(erf) = vpow2.f32 v45;
	v0 =	vld [tilespmem:s9+$0x20];
	v45 =	vmul.f32 v3, v6;
	v54 =	vadd.f32 v56, v54  }
0xf5: {  	v61 =	vmul.f32 $2.000000030e-01, v47;
	v42 =	vmax.f32 v2, v55;
	v55 =	vld [tilespmem:s10+$0xFFFFFF90]  }
0xf6: {  	v56 =	vadd.f32 $0.0e+00, v45;
	v3 =	vmul.f32 v42, v6;
	v42 =	vmul.f32 $2.000000030e-01, v54;
	v45 =	vld [tilespmem:s5+$0x20]  }
0xf7: {  	v51 =	vadd.f32 v57, v50;
	v62 =	vpop (erf);
	v47 =	vmax.f32 v47, v61;
	v61 =	vld [tilespmem:s10+$0xFFFFFF20]  }
0xf8: {  	v57 =	vadd.f32 v1, v44;
	v4 =	vmul.f32 v62, v15;
	v2 =	vmax.f32 v54, v42;
	v54 =	vld [tilespmem:s10+$0x10]  }
0xf9: {  	v7 =	vmovc v63;
	v52 =	vadd.f32 v52, v60;
	v63 =	vadd.f32 $0.0e+00, v3;
	v3 =	vmul.f32 v62, v14;
	v14 =	vmovc v53;
	v53 =	vld [tilespmem:s9+$0xFFFFFF30]  }
0xfa: {  	v1 =	vmul.f32 v2, v6;
	v2 =	vld [tilespmem:s5+$0xFFFFFF30];
	[tilespmem:s16+$0xFFFFFF10] =	vst v4;
	v4 =	vmul.f32 v62, v18;
	v55 =	vadd.f32 v55, v51  }
0xfb: {  	v47 =	vmul.f32 v47, v7;
	v18 =	vmov v60;
	v60 =	vld [tilespmem:s9+$0x30]  }
0xfc: {  	v15 =	vmov v58;
	[tilespmem:s16+$0xFFFFFF20] =	vst v4;
	v4 =	vadd.f32 v61, v52;
	v61 =	vld [tilespmem:$0x1FFE0];
	v58 =	vmul.f32 $2.000000030e-01, v55;
	v51, _, _ =	vpop (xrf2)  }
0xfd: {  	[tilespmem:s16+$0xFFFFFF00] =	vst v3;
	v3 =	vadd.f32 v54, v57;
	v54 =	vadd.f32 v47, v56;
	v56 =	vld [tilespmem:s9+$0xFFFFFFB0];
	v5 =	vmul.f32 $1.442695020e+00, v51  }
0xfe: {  	v52 =	vmul.f32 v62, v21;
	v47 =	vmax.f32 v55, v58;
	v55 =	vld [tilespmem:s10+$0xFFFFFFA0];
	v58 =	vmul.f32 $2.000000030e-01, v4  }
0xff: {  	v51 =	vld [tilespmem:s5+$0xFFFFFFB0];
	v21 =	vmov v2;
	v57 =	vmul.f32 $2.000000030e-01, v3;
	v5 =	vbroadcast v5, $0xF  }
0x100: {  	v46 =	vpop (erf);
	v59 =	vadd.f32 v59, v49;
	v2 =	vadd.f32 v53, v21;
	v53 =	vld [tilespmem:s10+$0x20];
	v4 =	vmax.f32 v4, v58  }
0x101: {  	v42 =	vpop (erf);
	[tilespmem:s16+$0xFFFFFF30] =	vst v52;
	v58 =	vld [tilespmem:s5+$0xFFFFFFC0];
	v3 =	vmax.f32 v3, v57;
	v57 =	vmul.f32 v62, v24;
	(erf) = vpow2.f32 v5  }
0x102: {  	v1 =	vadd.f32 $0.0e+00, v1;
	v24 =	vld [tilespmem:s5+$0xFFFFFF40];
	v3 =	vmul.f32 v3, v7  }
0x103: {  	v0 =	vadd.f32 v0, v45;
	v5 =	vmul.f32 v47, v7;
	v47 =	vld [tilespmem:s5+$0x30];
	v52 =	vadd.f32 v55, v59;
	[tilespmem:s16+$0xFFFFFF40] =	vst v57  }
0x104: {  	v32 =	vmul.f32 v62, v32;
	v55 =	vld [tilespmem:s10+$0xFFFFFF30];
	v1 =	vadd.f32 v3, v1  }
0x105: {  	v3 =	vmul.f32 v4, v8;
	v4 =	vld [tilespmem:s9+$0xFFFFFF40];
	v0 =	vadd.f32 v53, v0;
	v57 =	vmul.f32 $2.000000030e-01, v52  }
0x106: {  	v29 =	vmul.f32 v62, v29;
	[tilespmem:s16+$0xFFFFFF60] =	vst v32;
	v32 =	vmul.f32 v46, v11;
	v11 =	vmov v48;
	v48 =	vld [tilespmem:s5+$0x40]  }
0x107: {  	v3 =	vadd.f32 v3, v54;
	v54 =	vld [tilespmem:s9+$0xFFFFFFC0];
	v59 =	vmax.f32 v52, v57;
	v57 =	vmul.f32 $2.000000030e-01, v0  }
0x108: {  	v5 =	vadd.f32 v5, v63;
	[tilespmem:s16+$0xFFFFFF50] =	vst v29;
	v29 =	vmul.f32 v62, v33;
	v52 =	vld [tilespmem:s10+$0xFFFFFFB0]  }
0x109: {  	v33 =	vmul.f32 v59, v8;
	v2 =	vadd.f32 v55, v2;
	v0 =	vmax.f32 v0, v57;
	v57 =	vld [tilespmem:$0x1FFC0]  }
0x10a: {  	[tilespmem:s16+$0xFFFFFF70] =	vst v29;
	v55 =	vld [tilespmem:s10+$0x30];
	v0 =	vmul.f32 v0, v8;
	v59 =	vpop (erf)  }
0x10b: {  	[tilespmem:s16+$0xFFFFFF80] =	vst v32;
	v5 =	vadd.f32 v33, v5;
	v33 =	vld [tilespmem:s9+$0x40];
	v32 =	vmul.f32 $2.000000030e-01, v2;
	v29 =	vmul.f32 v59, v43  }
0x10c: {  	[tilespmem:s7+$0xFFFFFFE0] =	vst v62;
	v43 =	vmul.f32 v46, v13;
	v41 =	vmul.f32 v59, v41;
	v13 =	vmov v50;
	v50 =	vld [tilespmem:s10+$0xFFFFFFC0]  }
0x10d: {  	v40 =	vmul.f32 v59, v40;
	v0 =	vadd.f32 v0, v1;
	v1 =	vmul.f32 v59, v34;
	v34 =	vld [tilespmem:s9+$0xFFFFFFD0];
	[tilespmem:s5+$0x80] =	vst v29  }
0x10e: {  	v56 =	vadd.f32 v56, v51;
	v39 =	vmul.f32 v59, v39;
	v2 =	vmax.f32 v2, v32;
	v32 =	vld [tilespmem:s10+$0xFFFFFF40];
	[tilespmem:s5+$0x90] =	vst v41  }
0x10f: {  	v37 =	vmul.f32 v59, v37;
	v29 =	vld [tilespmem:s5+$0xFFFFFF50];
	[tilespmem:s5+$0xA0] =	vst v40  }
0x110: {  	v56 =	vadd.f32 v52, v56;
	v35 =	vmul.f32 v59, v35;
	v40 =	vld [tilespmem:s9+$0xFFFFFF50];
	[tilespmem:s5+$0xB0] =	vst v39  }
0x111: {  	v53 =	vadd.f32 v60, v47;
	v41 =	vadd.f32 v54, v58;
	v54 =	vmul.f32 v59, v36;
	v36 =	vld [tilespmem:s5+$0xFFFFFFD0];
	[tilespmem:s5+$0xC0] =	vst v37  }
0x112: {  	v52 =	vmul.f32 $2.000000030e-01, v56;
	v2 =	vmul.f32 v2, v57;
	[tilespmem:s5+$0xE0] =	vst v35;
	v37 =	vld [tilespmem:s10+$0x40]  }
0x113: {  	v31 =	vmul.f32 v46, v31;
	v4 =	vadd.f32 v4, v24;
	v39 =	vadd.f32 v55, v53;
	[tilespmem:s5+$0xF0] =	vst v1;
	v53 =	vld [tilespmem:s9+$0x50]  }
0x114: {  	v35 =	vmul.f32 v46, v20;
	[tilespmem:s16+$0xFFFFFF90] =	vst v43;
	v43 =	vld [tilespmem:s5+$0x60];
	v55 =	vmax.f32 v56, v52;
	v2 =	vadd.f32 v2, v3  }
0x115: {  	s7 =	sadd.s32 $0x40, s7;
	[tilespmem:s5+$0xD0] =	vst v54;
	v56 =	vmul.f32 $2.000000030e-01, v39;
	v52 =	vld [tilespmem:s5+$0x50];
	v3 =	vmul.f32 v55, v57;
	v4 =	vadd.f32 v32, v4  }
0x116: {  	v33 =	vadd.f32 v33, v48;
	v54 =	vmul.f32 v46, v23;
	[tilespmem:s7+$0x10] =	vst v59;
	v59 =	vld [tilespmem:$0x1FFD0];
	v55 =	vmul.f32 v46, v26  }
0x117: {  	[tilespmem:s16+$0xFFFFFFB0] =	vst v35;
	v32 =	vld [tilespmem:s5+$0xFFFFFF60];
	v3 =	vadd.f32 v3, v5;
	v5 =	vmax.f32 v39, v56;
	v56 =	vmul.f32 $2.000000030e-01, v4  }
0x118: {  	v1 =	vmul.f32 v46, v17;
	v20 =	vmov v51;
	v41 =	vadd.f32 v50, v41;
	[tilespmem:s16+$0xFFFFFFC0] =	vst v54;
	v39 =	vld [tilespmem:s10+$0xFFFFFF50]  }
0x119: {  	v51 =	vmul.f32 v46, v28;
	v50 =	vadd.f32 v37, v33;
	[tilespmem:s16+$0xFFFFFFD0] =	vst v55;
	v33 =	vld [tilespmem:s5+$0xFFFFFF70];
	v4 =	vmax.f32 v4, v56  }
0x11a: {  	v17 =	vmov v49;
	[tilespmem:s16+$0xFFFFFFA0] =	vst v1;
	v49 =	vmul.f32 $2.000000030e-01, v41;
	v28 =	vld [tilespmem:s5+$0xFFFFFFE0];
	v4 =	vmul.f32 v4, v9  }
0x11b: {  	v40 =	vadd.f32 v40, v29;
	v34 =	vadd.f32 v34, v36;
	v5 =	vmul.f32 v5, v57;
	v54 =	vld [tilespmem:s10+$0xFFFFFFD0]  }
0x11c: {  	v26 =	vmovc v36;
	v55 =	vld [tilespmem:s9+$0xFFFFFFE0];
	[tilespmem:s16+$0xFFFFFFE0] =	vst v51;
	v56 =	vmul.f32 $2.000000030e-01, v50;
	v2 =	vadd.f32 v4, v2;
	v4 =	vmax.f32 v41, v49  }
0x11d: {  	[tilespmem:s16+$0xFFFFFFF0] =	vst v31;
	v31 =	vmul.f32 v42, v12;
	v0 =	vadd.f32 v5, v0;
	v5 =	vld [tilespmem:s9+$0xFFFFFF60];
	v4 =	vmul.f32 v4, v9  }
0x11e: {  	v12 =	vmovc v44;
	v36 =	vadd.f32 v53, v52;
	v1 =	vmax.f32 v50, v56;
	v50 =	vld [tilespmem:s9+$0x60];
	v49 =	vmul.f32 v42, v10  }
0x11f: {  	v51 =	vmul.f32 v42, v19;
	[tilespmem:s12+$0xFFFFFFF0] =	vst v46;
	v39 =	vadd.f32 v39, v40;
	v3 =	vadd.f32 v4, v3;
	v4 =	vld [tilespmem:s10+$0x50]  }
0x120: {  	v37 =	vld [tilespmem:s9+$0xFFFFFF70];
	v56 =	vmul.f32 v42, v25;
	v25 =	vmovc v52;
	v52 =	vmul.f32 v42, v27;
	v10 =	vmov v38;
	[tilespmem:s16+$0x0] =	vst v49  }
0x121: {  	v34 =	vadd.f32 v54, v34;
	v38 =	vld [tilespmem:s10+$0xFFFFFF60];
	v44 =	vadd.f32 v55, v28;
	v55 =	vmul.f32 v42, v22;
	[tilespmem:s16+$0x10] =	vst v31  }
0x122: {  	v62 =	vld [tilespmem:$0x1FFF0];
	v1 =	vmul.f32 v1, v9;
	v40 =	vmul.f32 $2.000000030e-01, v39;
	[tilespmem:s16+$0x30] =	vst v51  }
0x123: {  	v19 =	vmovc v47;
	v5 =	vadd.f32 v5, v32;
	v54 =	vmul.f32 $2.000000030e-01, v34;
	v31 =	vmul.f32 v42, v16;
	v49 =	vld [tilespmem:s10+$0xFFFFFFE0];
	[tilespmem:s16+$0x40] =	vst v55  }
0x124: {  	v40 =	vmax.f32 v39, v40;
	[tilespmem:s16+$0x50] =	vst v56;
	v35 =	vadd.f32 v50, v43;
	v50 =	vld [tilespmem:s9+$0xFFFFFFF0];
	v4 =	vadd.f32 v4, v36  }
0x125: {  	s17 =	sadd.s32 $0x4, s17;
	v0 =	vadd.f32 v1, v0;
	v53 =	vmul.f32 v40, v59;
	v47 =	vmax.f32 v34, v54;
	[tilespmem:s16+$0x20] =	vst v31;
	v31 =	vld [tilespmem:s5+$0xFFFFFFF0]  }
0x126: {  	p1 =	slt.u32 s17, $0x24;
	v40 =	vadd.f32 v37, v33;
	v5 =	vadd.f32 v38, v5;
	v37 =	vld [tilespmem:s10+$0x60];
	v51 =	vmul.f32 $2.000000030e-01, v4  }
.Ltmp4:
0x127: {  	v1 =	vmul.f32 v47, v59;
	v39 =	vld [tilespmem:s9+$0x70];
	v36 =	vadd.f32 v53, v2;
	v53 =	vmul.f32 v42, v30;
	(pc) =	sbr.rel @p1 .LBB2_10-.Ltmp4, $4  }
0x128: {  	v63 =	vmovc v7;
	v60 =	vmovc v8;
	v23 =	vmov v58;
	v55 =	vmul.f32 $2.000000030e-01, v5;
	v30 =	vld [tilespmem:s5+$0x70];
	[tilespmem:s16+$0x60] =	vst v52;
	v54 =	vmax.f32 v4, v51  }
0x129: {  	v46 =	vld [tilespmem:s10+$0xFFFFFFF0];
	v38 =	vadd.f32 v1, v3;
	v41 =	vadd.f32 v49, v44;
	[tilespmem:s16+$0x70] =	vst v53;
	v1 =	vmul.f32 v54, v59  }
0x12a: {  	v27 =	vmovc v43;
	v16 =	vmov v45;
	v43 =	vld [tilespmem:s10+$0xFFFFFF70];
	v56 =	vmax.f32 v5, v55;
	v45 =	vadd.f32 v50, v31;
	[tilespmem:s12+$0x0] =	vst v42  }
0x12b: {  	v58 =	vmovc v9;
	v22 =	vmovc v48;
	s16 =	smov.u32 s5;
	v48 =	vmul.f32 v56, v61;
	v47 =	vmul.f32 $2.000000030e-01, v41;
	s5 =	sadd.s32 $0x200, s5;
	s12 =	smov.u32 s7;
	v42 =	vld [tilespmem:s10+$0x70];
	v44 =	vadd.f32 v1, v0  }
0x12c: {  	_ =	sdelay $0x2  }
0x12d: {  	v0 =	vadd.f32 v43, v40;
	_ =	sdelay $0x1  }
0x12e: {  	v1 =	vmul.f32 $2.000000030e-01, v0;
	_ =	sdelay $0x1  }
0x12f: {  	v0 =	vmax.f32 v0, v1  }
0x130: {  	v55 =	vadd.f32 v48, v36;
	v0 =	vmul.f32 v0, v62;
	_ =	sdelay $0x1  }
0x131: {  	v0 =	vadd.f32 v0, v55;
	_ =	sdelay $0x1  }
0x132: {  	v56 =	vadd.f32 v46, v45;
	(xrf2) =	vadd.scan.msk.f32 $0xffff, v0;
	_ =	sdelay $0x1  }
0x133: {  	v34 =	vmax.f32 v41, v47;
	v2 =	vmul.f32 $2.000000030e-01, v56  }
0x134: {  	v0 =	vmul.f32 v34, v61  }
0x135: {  	v1 =	vmax.f32 v56, v2  }
0x136: {  	v1 =	vmul.f32 v1, v62;
	v0 =	vadd.f32 v0, v38  }
0x137: {  	v35 =	vadd.f32 v37, v35  }
0x138: {  	v3 =	vadd.f32 v39, v30;
	v0 =	vadd.f32 v1, v0;
	_ =	sdelay $0x1  }
0x139: {  	v36 =	vmul.f32 $2.000000030e-01, v35;
	v3 =	vadd.f32 v42, v3;
	(xrf2) =	vadd.scan.msk.f32 $0xffff, v0  }
0x13a: {  	v37, _, _ =	vpop (xrf2)  }
0x13b: {  	v38 =	vmul.f32 $2.000000030e-01, v3;
	v1 =	vmax.f32 v35, v36;
	v0 =	vmul.f32 $1.442695020e+00, v37  }
0x13c: {  	v1 =	vmul.f32 v1, v61  }
0x13d: {  	v2 =	vmax.f32 v3, v38;
	v0 =	vbroadcast v0, $0xF  }
0x13e: {  	v2 =	vmul.f32 v2, v62;
	v1 =	vadd.f32 v1, v44  }
0x13f: {  	(erf) = vpow2.f32 v0  }
0x140: {  	v39 =	vadd.f32 v2, v1;
	_ =	sdelay $0x1  }
0x141: {  	(xrf2) =	vadd.scan.msk.f32 $0xffff, v39  }
0x142: {  	v40, _, _ =	vpop (xrf2)  }
0x143: {  	v0 =	vmul.f32 $1.442695020e+00, v40;
	_ =	sdelay $0x1  }
0x144: {  	v0 =	vbroadcast v0, $0xF;
	_ =	sdelay $0x1  }
0x145: {  	(erf) = vpow2.f32 v0;
	v41 =	vpop (erf)  }
0x146: {  	v42 =	vmul.f32 v41, v14  }
0x147: {  	v43 =	vmul.f32 v41, v15  }
0x148: {  	v44 =	vmul.f32 v41, v18;
	[tilespmem:s16+$0xFFFFFF00] =	vst v42  }
0x149: {  	v45, _, _ =	vpop (xrf2);
	v46 =	vmul.f32 v41, v21;
	[tilespmem:s16+$0xFFFFFF10] =	vst v43  }
0x14a: {  	v3 =	vmul.f32 $1.442695020e+00, v45;
	v47 =	vmul.f32 v41, v24;
	[tilespmem:s16+$0xFFFFFF20] =	vst v44  }
0x14b: {  	v48 =	vmul.f32 v41, v29;
	[tilespmem:s16+$0xFFFFFF30] =	vst v46  }
0x14c: {  	v3 =	vbroadcast v3, $0xF;
	v49 =	vmul.f32 v41, v32;
	[tilespmem:s16+$0xFFFFFF40] =	vst v47  }
0x14d: {  	v50 =	vmul.f32 v41, v33;
	[tilespmem:s16+$0xFFFFFF50] =	vst v48  }
0x14e: {  	(erf) = vpow2.f32 v3;
	[tilespmem:s16+$0xFFFFFF60] =	vst v49;
	v51 =	vpop (erf)  }
0x14f: {  	[tilespmem:s16+$0xFFFFFF70] =	vst v50;
	v52 =	vmul.f32 v51, v11  }
0x150: {  	[tilespmem:s7+$0xFFFFFFE0] =	vst v41;
	v53 =	vmul.f32 v51, v13  }
0x151: {  	v54 =	vmul.f32 v51, v17;
	[tilespmem:s16+$0xFFFFFF80] =	vst v52  }
0x152: {  	v55 =	vmul.f32 v51, v20;
	[tilespmem:s16+$0xFFFFFF90] =	vst v53  }
0x153: {  	v56 =	vmul.f32 v51, v23;
	[tilespmem:s16+$0xFFFFFFA0] =	vst v54  }
0x154: {  	v32 =	vmul.f32 v51, v26;
	[tilespmem:s16+$0xFFFFFFB0] =	vst v55  }
0x155: {  	v33 =	vmul.f32 v51, v28;
	[tilespmem:s16+$0xFFFFFFC0] =	vst v56  }
0x156: {  	v34 =	vmul.f32 v51, v31;
	[tilespmem:s16+$0xFFFFFFD0] =	vst v32  }
0x157: {  	[tilespmem:s16+$0xFFFFFFE0] =	vst v33;
	v35 =	vpop (erf)  }
0x158: {  	[tilespmem:s16+$0xFFFFFFF0] =	vst v34;
	v36 =	vmul.f32 v35, v10  }
0x159: {  	[tilespmem:s12+$0xFFFFFFF0] =	vst v51;
	v37 =	vmul.f32 v35, v12  }
0x15a: {  	v38 =	vmul.f32 v35, v16;
	[tilespmem:s16+$0x0] =	vst v36  }
0x15b: {  	v39 =	vmul.f32 v35, v19;
	[tilespmem:s16+$0x10] =	vst v37  }
0x15c: {  	v40 =	vmul.f32 v35, v22;
	[tilespmem:s16+$0x20] =	vst v38  }
0x15d: {  	s5 =	sshll.u32 s18, $0x7;
	v4 =	vlaneseq.u32;
	v41 =	vmul.f32 v35, v25;
	[tilespmem:s16+$0x30] =	vst v39  }
0x15e: {  	v43 =	vor.u32 s5, v4;
	v42 =	vmul.f32 v35, v27;
	[tilespmem:s16+$0x40] =	vst v40  }
0x15f: {  	v44 =	vmul.f32 v35, v30;
	[tilespmem:s16+$0x50] =	vst v41  }
0x160: {  	v5 =	vmul.u32 $0x10, v4;
	[tilespmem:s16+$0x60] =	vst v42  }
0x161: {  	[tilespmem:s16+$0x70] =	vst v44  }
0x162: {  	[tilespmem:s12+$0x0] =	vst v35  }
0x163: {  	v0 =	vld.idx.msk [tilespmem:v43+s23+$0x0], $0xffff;
	_ =	sdelay $0x2  }
0x164: {  	v45 =	vor.u32 $0x10, v4;
	v1 =	vld.idx.msk [tilespmem:v5+s22+$0x0], $0xffff  }
0x165: {  	v2 =	vor.u32 s5, v45;
	_ =	sdelay $0x2  }
0x166: {  	v46 =	vor.u32 $0x100, v5  }
0x167: {  	[tilespmem:v0+s25+$0x0] =	vst.idx.add.f32.msk $0xffff, v1  }
0x168: {  	v0 =	vld.idx.msk [tilespmem:v2+s23+$0x0], $0xffff;
	_ =	sdelay $0x2  }
0x169: {  	v47 =	vor.u32 $0x20, v4;
	v1 =	vld.idx.msk [tilespmem:v46+s22+$0x0], $0xffff  }
0x16a: {  	v2 =	vor.u32 s5, v47;
	_ =	sdelay $0x2  }
0x16b: {  	v48 =	vor.u32 $0x200, v5  }
0x16c: {  	[tilespmem:v0+s25+$0x0] =	vst.idx.add.f32.msk $0xffff, v1  }
0x16d: {  	v0 =	vld.idx.msk [tilespmem:v2+s23+$0x0], $0xff;
	_ =	sdelay $0x2  }
0x16e: {  	[tilespmem:$0x1FF70] =	vst v45;
	v1 =	vld.idx.msk [tilespmem:v48+s22+$0x0], $0xff  }
0x16f: {  	[tilespmem:$0x1FF80] =	vst v46  }
0x170: {  	[tilespmem:$0x1FF90] =	vst v47  }
0x171: {  	s17 =	sshll.u32 s15, $0x8;
	[tilespmem:$0x1FFA0] =	vst v5  }
0x172: {  	[tilespmem:$0x1FFB0] =	vst v48;
	s5 =	sand.u32 $0x3FFFFF00, s17  }
0x173: {  	s5 =	sadd.s32 $0x800, s5;
	[tilespmem:v0+s25+$0x0] =	vst.idx.add.f32.msk $0xff, v1  }
0x174: {  	[spmem:s3] =	stream.indirect.scatter.add.f32 [tilespmem:s20], [sflag:$0x7], $0x80, s5, s24, $0xb8;
	[tilespmem:$0x1EB80] =	vst v63  }
0x175: {  	_ =	swait.ge [sflag:s26], $0x1400  }
0x176: {  	[sflag:s26] =	ssyncset.done $0x0  }
0x177: {  	[sflag:s26] =	ssyncadd.s32 $0xFFFFEC00  }
0x178: {  	_ =	swait.ge [sflag:s4], $0x1400  }
0x179: {  	[sflag:s4] =	ssyncset.done $0x0  }
0x17a: {  	[sflag:s4] =	ssyncadd.s32 $0xFFFFEC00  }
0x17b: {  	_ =	swait.ge [sflag:s13], $0x1400  }
0x17c: {  	p1 =	seq.s32 s15, $0x4;
	[sflag:s13] =	ssyncset.done $0x0  }
0x17d: {  	s5 =	simm.s32 @!p1 $0x7;
	[sflag:s13] =	ssyncadd.s32 $0xFFFFEC00  }
0x17e: {  	_ =	swait.ge @!p1 [sflag:s5], $0x1400  }
0x17f: {  	[sflag:s5] =	ssyncset.done @!p1 $0x0  }
0x180: {  	s9 =	simm.s32 @!p1 $0x28;
	[sflag:s5] =	ssyncadd.s32 @!p1 $0xFFFFEC00;
	s5 =	sadd.s32 @!p1 $0x2, s18  }
0x181: {  	s10 =	simm.s32 @!p1 $0x1000;
	s7 =	sshll.u32 @!p1 s5, $0x7;
	s5 =	smul.u32 @!p1 $0x28, s5  }
0x182: {  	[tilespmem:s10], [sflag:$0x1] =	stream.indirect.gather @!p1 [hbm4b:s1+s9], $0x80, s7, s9, $0xb8;
	[tilespmem:$0x1EB80] =	vst v63  }
0x183: {  	s7 =	sadd.s32 @!p1 $0x800, s7;
	s10 =	simm.s32 @!p1 $0x3800;
	s5 =	sadd.s32 @!p1 s14, s5  }
0x184: {  	[tilespmem:s10], [sflag:$0x3] =	stream.indirect.gather @!p1 [hbm4b:s6+s9], $0x80, s7, s9, $0xb8;
	[tilespmem:$0x1EB80] =	vst v63  }
0x185: {  	s16 =	simm.s32 $0x2500;
	s5 =	sshll.u32 @!p1 s5, $0x4  }
0x186: {  	s7 =	simm.s32 @!p1 $0x0;
	s9 =	simm.s32 @!p1 $0x6000;
	s5 =	sadd.s32 @!p1 s8, s5  }
0x187: {  	[tilespmem:s9], [sflag:$0x5] =	stream.linear.gather @!p1 [hbm4b:s5+s7], $0x1400, $0x38;
	[tilespmem:$0x1EB80] =	vst v63  }
0x188: {  	v39 =	vld [tilespmem:s16+$0xF0]  }
0x189: {  	v35 =	vld [tilespmem:s16+$0xE0]  }
0x18a: {  	v40 =	vld [tilespmem:s16+$0xD0]  }
0x18b: {  	v36 =	vld [tilespmem:s16+$0xC0]  }
0x18c: {  	v38 =	vld [tilespmem:s16+$0xB0]  }
0x18d: {  	v32 =	vld [tilespmem:s16+$0xA0]  }
0x18e: {  	v33 =	vld [tilespmem:s16+$0x90]  }
0x18f: {  	s9 =	simm.s32 $0x4D00;
	v30 =	vld [tilespmem:s16+$0x80]  }
0x190: {  	s10 =	simm.s32 $0x7500;
	v49 =	vld [tilespmem:s9+$0x80]  }
0x191: {  	v50 =	vld [tilespmem:s10+$0x80]  }
0x192: {  	v51 =	vld [tilespmem:s9+$0x90]  }
0x193: {  	v52 =	vld [tilespmem:s10+$0x90]  }
0x194: {  	v4 =	vld [tilespmem:s9+$0xA0]  }
0x195: {  	v5 =	vld [tilespmem:s9+$0xB0]  }
0x196: {  	v15 =	vld [tilespmem:s10+$0xA0]  }
0x197: {  	v17 =	vld [tilespmem:s9+$0xC0]  }
0x198: {  	v18 =	vld [tilespmem:s10+$0xB0]  }
0x199: {  	v20 =	vld [tilespmem:s9+$0xD0]  }
0x19a: {  	v21 =	vld [tilespmem:s10+$0xC0]  }
0x19b: {  	v22 =	vld [tilespmem:s9+$0xE0]  }
0x19c: {  	v23 =	vld [tilespmem:s10+$0xD0]  }
0x19d: {  	v24 =	vld [tilespmem:s9+$0xF0]  }
0x19e: {  	v25 =	vld [tilespmem:s10+$0xE0];
	v0 =	vadd.f32 v49, v30  }
0x19f: {  	v54 =	vld [tilespmem:s9+$0xFFFFFF00]  }
0x1a0: {  	v26 =	vld [tilespmem:s10+$0xF0];
	v53 =	vadd.f32 v51, v33;
	v0 =	vadd.f32 v50, v0  }
0x1a1: {  	v16 =	vld [tilespmem:s16+$0xFFFFFF80]  }
0x1a2: {  	v27 =	vld [tilespmem:s9+$0x0];
	v45 =	vadd.f32 v4, v32;
	v1 =	vadd.f32 v52, v53;
	v19 =	vmul.f32 $2.000000030e-01, v0  }
0x1a3: {  	v29 =	vld [tilespmem:s10+$0xFFFFFF00];
	v4 =	vadd.f32 v5, v38  }
0x1a4: {  	v31 =	vld [tilespmem:s9+$0xFFFFFF10];
	v3 =	vadd.f32 v15, v45;
	v0 =	vmax.f32 v0, v19;
	v19 =	vmul.f32 $2.000000030e-01, v1  }
0x1a5: {  	v34 =	vld [tilespmem:s10+$0x0];
	v17 =	vadd.f32 v17, v36;
	v0 =	vmul.f32 v0, v6  }
0x1a6: {  	v37 =	vld [tilespmem:s9+$0x10];
	v4 =	vadd.f32 v18, v4;
	v28 =	vmul.f32 $2.000000030e-01, v3;
	v1 =	vmax.f32 v1, v19  }
0x1a7: {  	v56 =	vld [tilespmem:s10+$0x10];
	v17 =	vadd.f32 v21, v17;
	v0 =	vadd.f32 $0.0e+00, v0;
	v1 =	vmul.f32 v1, v63  }
0x1a8: {  	v42 =	vld [tilespmem:s9+$0x20];
	v18 =	vadd.f32 v20, v40;
	v3 =	vmax.f32 v3, v28;
	v28 =	vmul.f32 $2.000000030e-01, v4  }
0x1a9: {  	v44 =	vld [tilespmem:s9+$0xFFFFFF30];
	v21 =	vmul.f32 $2.000000030e-01, v17;
	v46 =	vmul.f32 v3, v60;
	v0 =	vadd.f32 v1, v0  }
0x1aa: {  	v43 =	vld [tilespmem:s10+$0x30];
	v47 =	vadd.f32 v22, v35;
	v22 =	vadd.f32 v23, v18;
	v4 =	vmax.f32 v4, v28  }
0x1ab: {  	v5 =	vld [tilespmem:s9+$0xFFFFFF80];
	v17 =	vmax.f32 v17, v21;
	v48 =	vmul.f32 v4, v57;
	v0 =	vadd.f32 v46, v0  }
0x1ac: {  	v15 =	vld [tilespmem:s16+$0x0];
	v21 =	vmul.f32 $2.000000030e-01, v22;
	v3 =	vadd.f32 v25, v47;
	v4 =	vadd.f32 v24, v39  }
0x1ad: {  	v20 =	vld [tilespmem:s16+$0xFFFFFF10];
	v49 =	vmul.f32 v17, v58;
	v0 =	vadd.f32 v48, v0  }
0x1ae: {  	v52 =	vld [tilespmem:s10+$0xFFFFFF10];
	v21 =	vmax.f32 v22, v21;
	v22 =	vmul.f32 $2.000000030e-01, v3;
	v4 =	vadd.f32 v26, v4  }
0x1af: {  	v53 =	vld [tilespmem:s9+$0xFFFFFF20];
	v50 =	vmul.f32 v21, v59;
	v0 =	vadd.f32 v49, v0  }
0x1b0: {  	v45 =	vld [tilespmem:s10+$0xFFFFFFA0];
	v3 =	vmax.f32 v3, v22;
	v21 =	vmul.f32 $2.000000030e-01, v4  }
0x1b1: {  	v18 =	vld [tilespmem:s16+$0xFFFFFF90];
	v51 =	vmul.f32 v3, v61;
	v0 =	vadd.f32 v50, v0  }
0x1b2: {  	v23 =	vld [tilespmem:s16+$0xFFFFFF20];
	v4 =	vmax.f32 v4, v21  }
0x1b3: {  	v17 =	vld [tilespmem:s16+$0x10];
	v55 =	vmul.f32 v4, v62;
	v0 =	vadd.f32 v51, v0  }
0x1b4: {  	v25 =	vld [tilespmem:s16+$0xFFFFFFB0]  }
0x1b5: {  	v19 =	vld [tilespmem:s16+$0xFFFFFF00];
	v0 =	vadd.f32 v55, v0  }
0x1b6: {  	v24 =	vld [tilespmem:s10+$0xFFFFFF80]  }
0x1b7: {  	v47 =	vld [tilespmem:s10+$0x20];
	(xrf2) =	vadd.scan.msk.f32 $0xffff, v0  }
0x1b8: {  	v28 =	vld [tilespmem:s9+$0xFFFFFF90]  }
0x1b9: {  	v5 =	vadd.f32 v5, v16;
	v22 =	vld [tilespmem:s16+$0xFFFFFFA0]  }
0x1ba: {  	v27 =	vadd.f32 v27, v15;
	v31 =	vadd.f32 v31, v20;
	v1 =	vld [tilespmem:s9+$0xFFFFFFA0]  }
0x1bb: {  	v26 =	vld [tilespmem:s16+$0xFFFFFF30];
	v2 =	vadd.f32 v54, v19;
	v5 =	vadd.f32 v24, v5  }
0x1bc: {  	v27 =	vadd.f32 v34, v27;
	v3 =	vadd.f32 v52, v31;
	v52 =	vld [tilespmem:s9+$0x40]  }
0x1bd: {  	v46 =	vld [tilespmem:s9+$0xFFFFFFB0];
	v2 =	vadd.f32 v29, v2;
	v29 =	vmul.f32 $2.000000030e-01, v5  }
0x1be: {  	v31 =	vmul.f32 $2.000000030e-01, v27;
	v54 =	vld [tilespmem:s10+$0xFFFFFF20]  }
0x1bf: {  	v41 =	vadd.f32 v53, v23;
	v37 =	vadd.f32 v37, v17;
	v21 =	vld [tilespmem:s16+$0x20]  }
0x1c0: {  	v28 =	vadd.f32 v28, v18;
	v27 =	vmax.f32 v27, v31;
	v4 =	vld [tilespmem:s10+$0xFFFFFF90];
	v1 =	vadd.f32 v1, v22  }
0x1c1: {  	v48 =	vld [tilespmem:s9+$0x30];
	v24 =	vmul.f32 $2.000000030e-01, v2;
	v49 =	vmul.f32 $2.000000030e-01, v3;
	v5 =	vmax.f32 v5, v29;
	v29, _, _ =	vpop (xrf2)  }
0x1c2: {  	v1 =	vadd.f32 v45, v1;
	v45 =	vadd.f32 v46, v25;
	v46 =	vld [tilespmem:s10+$0xFFFFFFC0];
	v55 =	vmul.f32 $1.442695020e+00, v29  }
0x1c3: {  	v44 =	vadd.f32 v44, v26;
	v34 =	vadd.f32 v54, v41;
	v2 =	vmax.f32 v2, v24;
	v24 =	vld [tilespmem:s16+$0x30]  }
0x1c4: {  	v50 =	vld [tilespmem:s10+$0xFFFFFF30];
	v3 =	vmax.f32 v3, v49;
	v2 =	vmul.f32 v2, v6;
	v31 =	vbroadcast v55, $0xF  }
0x1c5: {  	v5 =	vmul.f32 v5, v6;
	v49 =	vld [tilespmem:s10+$0xFFFFFFB0];
	v3 =	vmul.f32 v3, v63;
	v4 =	vadd.f32 v4, v28  }
0x1c6: {  	v42 =	vadd.f32 v42, v21;
	v51 =	vld [tilespmem:s9+$0xFFFFFF40];
	v2 =	vadd.f32 $0.0e+00, v2;
	(erf) = vpow2.f32 v31  }
0x1c7: {  	v5 =	vadd.f32 $0.0e+00, v5;
	v28 =	vld [tilespmem:s16+$0xFFFFFFC0];
	v0 =	vadd.f32 v56, v37;
	v31 =	vmul.f32 $2.000000030e-01, v4  }
0x1c8: {  	v27 =	vmul.f32 v27, v6;
	v42 =	vadd.f32 v47, v42;
	v2 =	vadd.f32 v3, v2;
	v29 =	vld [tilespmem:s16+$0xFFFFFF40]  }
0x1c9: {  	v47 =	vld [tilespmem:s9+$0xFFFFFF50];
	v54 =	vmax.f32 v4, v31;
	v4 =	vmul.f32 $2.000000030e-01, v0;
	v31 =	vmul.f32 $2.000000030e-01, v34  }
0x1ca: {  	v44 =	vadd.f32 v50, v44;
	v50 =	vld [tilespmem:s9+$0xFFFFFFD0];
	v56 =	vadd.f32 $0.0e+00, v27;
	v55 =	vmul.f32 $2.000000030e-01, v1  }
0x1cb: {  	v37 =	vld [tilespmem:s9+$0xFFFFFFC0];
	v3 =	vmul.f32 v54, v63;
	v0 =	vmax.f32 v0, v4;
	v4 =	vmax.f32 v34, v31  }
0x1cc: {  	v27 =	vld [tilespmem:s16+$0x40];
	v1 =	vmax.f32 v1, v55;
	v0 =	vmul.f32 v0, v63;
	v4 =	vmul.f32 v4, v60  }
0x1cd: {  	v1 =	vmul.f32 v1, v60;
	v51 =	vadd.f32 v51, v29;
	v34 =	vld [tilespmem:s16+$0xFFFFFF50];
	v3 =	vadd.f32 v3, v5  }
0x1ce: {  	v5 =	vld [tilespmem:s10+$0xFFFFFF40];
	v0 =	vadd.f32 v0, v56;
	v2 =	vadd.f32 v4, v2;
	v56 =	vmul.f32 $2.000000030e-01, v42  }
0x1cf: {  	v31 =	vld [tilespmem:s16+$0xFFFFFFD0];
	v4 =	vadd.f32 v48, v24;
	v1 =	vadd.f32 v1, v3;
	v53 =	vpop (erf)  }
0x1d0: {  	v3 =	vld [tilespmem:s10+$0x40];
	v41 =	vmax.f32 v42, v56;
	v42 =	vadd.f32 v49, v45;
	v48 =	vmul.f32 v53, v30  }
0x1d1: {  	v4 =	vadd.f32 v43, v4;
	v43 =	vld [tilespmem:s9+$0x50];
	v45 =	vmul.f32 v53, v33;
	v33 =	vmul.f32 $2.000000030e-01, v44  }
0x1d2: {  	v52 =	vadd.f32 v52, v27;
	v30 =	vld [tilespmem:s16+$0x50];
	v41 =	vmul.f32 v41, v60;
	v49 =	vmul.f32 $2.000000030e-01, v42  }
0x1d3: {  	v54 =	vmul.f32 v53, v32;
	v5 =	vadd.f32 v5, v51;
	v51 =	vld [tilespmem:s9+$0xFFFFFF60];
	v55 =	vmax.f32 v44, v33  }
0x1d4: {  	v32 =	vld [tilespmem:s16+$0xFFFFFFE0];
	v0 =	vadd.f32 v41, v0;
	v41 =	vmax.f32 v42, v49;
	v42 =	vmul.f32 $2.000000030e-01, v4  }
0x1d5: {  	v33 =	vadd.f32 v37, v28;
	v37 =	vld [tilespmem:s16+$0xFFFFFF60];
	v56 =	vmul.f32 v55, v57  }
0x1d6: {  	v44 =	vld [tilespmem:s10+$0xFFFFFF50];
	v3 =	vadd.f32 v3, v52;
	v52 =	vmul.f32 v53, v38;
	v4 =	vmax.f32 v4, v42  }
0x1d7: {  	v38 =	vld [tilespmem:s16+$0xFFFFFF70];
	v42 =	vadd.f32 v46, v33;
	v2 =	vadd.f32 v56, v2;
	v56 =	vmul.f32 $2.000000030e-01, v5  }
0x1d8: {  	v47 =	vadd.f32 v47, v34;
	v50 =	vadd.f32 v50, v31;
	v46 =	vld [tilespmem:s10+$0xFFFFFFD0];
	v4 =	vmul.f32 v4, v57  }
0x1d9: {  	[tilespmem:s16+$0x80] =	vst v48;
	v48 =	vld [tilespmem:s10+$0xFFFFFFE0];
	v41 =	vmul.f32 v41, v57;
	v55 =	vmul.f32 $2.000000030e-01, v42;
	v5 =	vmax.f32 v5, v56  }
0x1da: {  	v49 =	vld [tilespmem:s9+$0xFFFFFFE0];
	v56 =	vmul.f32 $2.000000030e-01, v3;
	v0 =	vadd.f32 v4, v0;
	v4 =	vmul.f32 v5, v58  }
0x1db: {  	v40 =	vmul.f32 v53, v40;
	v44 =	vadd.f32 v44, v47;
	v5 =	vmax.f32 v42, v55;
	v42 =	vld [tilespmem:s10+$0x50]  }
0x1dc: {  	v33 =	vld [tilespmem:s16+$0x60];
	v1 =	vadd.f32 v41, v1;
	v3 =	vmax.f32 v3, v56;
	v2 =	vadd.f32 v4, v2  }
0x1dd: {  	v4 =	vmul.f32 v5, v58;
	v5 =	vmul.f32 $2.000000030e-01, v44;
	v55 =	vadd.f32 v46, v50;
	v46 =	vld [tilespmem:s10+$0xFFFFFF60]  }
0x1de: {  	v39 =	vmul.f32 v53, v39;
	v43 =	vadd.f32 v43, v30;
	v47 =	vld [tilespmem:s9+$0x60];
	v3 =	vmul.f32 v3, v58  }
0x1df: {  	[tilespmem:s16+$0xA0] =	vst v54;
	v54 =	vld [tilespmem:s9+$0xFFFFFFF0];
	v50 =	vmul.f32 v53, v36;
	v1 =	vadd.f32 v4, v1;
	v5 =	vmax.f32 v44, v5  }
0x1e0: {  	[tilespmem:s16+$0x90] =	vst v45;
	v36 =	vld [tilespmem:s16+$0xFFFFFFF0];
	v56 =	vmul.f32 $2.000000030e-01, v55;
	v44 =	vadd.f32 v51, v37;
	v45 =	vadd.f32 v42, v43  }
0x1e1: {  	[tilespmem:s16+$0xD0] =	vst v40;
	v4 =	vld [tilespmem:s9+$0xFFFFFF70];
	v0 =	vadd.f32 v3, v0;
	v51 =	vmul.f32 v53, v35;
	v5 =	vmul.f32 v5, v59  }
0x1e2: {  	[tilespmem:s16+$0xB0] =	vst v52;
	v35 =	vld [tilespmem:s16+$0x70];
	v3 =	vmax.f32 v55, v56;
	v55 =	vadd.f32 v46, v44;
	v52 =	vmul.f32 $2.000000030e-01, v45  }
0x1e3: {  	[tilespmem:s16+$0xC0] =	vst v50;
	v50 =	vadd.f32 v49, v32;
	v40 =	vadd.f32 v47, v33;
	v47 =	vld [tilespmem:s10+$0x70];
	v3 =	vmul.f32 v3, v59  }
0x1e4: {  	v42 =	vld [tilespmem:s10+$0x60];
	v41 =	vadd.f32 v5, v2;
	v56 =	vmul.f32 $2.000000030e-01, v55;
	v52 =	vmax.f32 v45, v52  }
0x1e5: {  	[tilespmem:s16+$0xE0] =	vst v51;
	v51 =	vld [tilespmem:s10+$0xFFFFFFF0];
	v46 =	vadd.f32 v48, v50;
	v43 =	vadd.f32 v3, v1;
	v1 =	vmul.f32 v52, v59  }
0x1e6: {  	s7 =	simm.s32 $0x8820;
	[tilespmem:s16+$0xF0] =	vst v39;
	v44 =	vld [tilespmem:s9+$0x70];
	v50 =	vadd.f32 v54, v36;
	v45 =	vadd.f32 v4, v38;
	v2 =	vmax.f32 v55, v56  }
0x1e7: {  	s12 =	simm.s32 $0x8820;
	s17 =	simm.s32 $0x0;
	s5 =	simm.s32 $0x2700;
	v48 =	vld [tilespmem:s10+$0xFFFFFF70];
	[tilespmem:s7+$0x10] =	vst v53;
	v52 =	vmul.f32 $2.000000030e-01, v46;
	v53 =	vmul.f32 v2, v61;
	v49 =	vadd.f32 v1, v0  }
.LBB2_12:
0x1e8: {  	v39 =	vld [tilespmem:s5+$0xF0]  }
0x1e9: {  	v12 =	vld [tilespmem:s5+$0xFFFFFF30]  }
0x1ea: {  	v1 =	vadd.f32 v53, v41;
	v41 =	vld [tilespmem:s5+$0xD0]  }
0x1eb: {  	s9 =	sadd.s32 $0x200, s9;
	v2 =	vmax.f32 v46, v52;
	v46 =	vld [tilespmem:s5+$0x90]  }
0x1ec: {  	s10 =	sadd.s32 $0x200, s10;
	v53 =	vld [tilespmem:s9+$0x80]  }
0x1ed: {  	v54 =	vld [tilespmem:s10+$0x80];
	v0 =	vadd.f32 v42, v40  }
0x1ee: {  	v56 =	vld [tilespmem:s9+$0xB0];
	v4 =	vadd.f32 v48, v45  }
0x1ef: {  	v11 =	vld [tilespmem:s9+$0x20];
	v5 =	vmul.f32 $2.000000030e-01, v0;
	v50 =	vadd.f32 v51, v50  }
0x1f0: {  	v40 =	vld [tilespmem:s5+$0xE0];
	v48 =	vmul.f32 $2.000000030e-01, v4  }
0x1f1: {  	v42 =	vld [tilespmem:s5+$0xC0];
	v0 =	vmax.f32 v0, v5;
	v5 =	vmul.f32 $2.000000030e-01, v50  }
0x1f2: {  	v3 =	vadd.f32 v44, v35;
	v2 =	vmul.f32 v2, v61;
	v44 =	vld [tilespmem:s5+$0xB0];
	v4 =	vmax.f32 v4, v48  }
0x1f3: {  	v48 =	vld [tilespmem:s5+$0x80];
	v5 =	vmax.f32 v50, v5;
	v4 =	vmul.f32 v4, v62  }
0x1f4: {  	v3 =	vadd.f32 v47, v3;
	v45 =	vld [tilespmem:s5+$0xA0];
	v2 =	vadd.f32 v2, v43;
	v5 =	vmul.f32 v5, v62  }
0x1f5: {  	v1 =	vadd.f32 v4, v1;
	v4 =	vld [tilespmem:s9+$0x90]  }
0x1f6: {  	v52 =	vmul.f32 $2.000000030e-01, v3;
	v2 =	vadd.f32 v5, v2;
	v5 =	vld [tilespmem:s10+$0x90]  }
0x1f7: {  	v0 =	vmul.f32 v0, v61;
	(xrf2) =	vadd.scan.msk.f32 $0xffff, v1;
	v1 =	vld [tilespmem:s9+$0xA0]  }
0x1f8: {  	v43 =	vld [tilespmem:s10+$0xB0];
	v3 =	vmax.f32 v3, v52;
	v55 =	vadd.f32 v53, v48  }
0x1f9: {  	v0 =	vadd.f32 v0, v49;
	v3 =	vmul.f32 v3, v62;
	v49 =	vld [tilespmem:s10+$0xA0]  }
0x1fa: {  	v47 =	vld [tilespmem:s10+$0xC0];
	v52 =	vadd.f32 v54, v55;
	v53 =	vadd.f32 v4, v46  }
0x1fb: {  	v0 =	vadd.f32 v3, v0;
	v55 =	vadd.f32 v56, v44;
	v4 =	vld [tilespmem:s9+$0xC0]  }
0x1fc: {  	(xrf2) =	vadd.scan.msk.f32 $0xffff, v2;
	v54 =	vmul.f32 $2.000000030e-01, v52;
	v3 =	vadd.f32 v5, v53;
	v1 =	vadd.f32 v1, v45;
	v5 =	vld [tilespmem:s9+$0xD0]  }
0x1fd: {  	v51 =	vld [tilespmem:s10+$0xD0];
	(xrf2) =	vadd.scan.msk.f32 $0xffff, v0;
	v0 =	vadd.f32 v43, v55  }
0x1fe: {  	v43 =	vld [tilespmem:s9+$0xF0];
	v2 =	vmax.f32 v52, v54;
	v56 =	vmul.f32 $2.000000030e-01, v3;
	v1 =	vadd.f32 v49, v1  }
0x1ff: {  	v53 =	vld [tilespmem:s5+$0xFFFFFF80];
	v2 =	vmul.f32 v2, v6  }
0x200: {  	v49 =	vld [tilespmem:s9+$0xE0];
	v4 =	vadd.f32 v4, v42;
	v3 =	vmax.f32 v3, v56;
	v50 =	vmul.f32 $2.000000030e-01, v1  }
0x201: {  	v54 =	vld [tilespmem:s10+$0xE0];
	v2 =	vadd.f32 $0.0e+00, v2;
	v3 =	vmul.f32 v3, v63;
	v5 =	vadd.f32 v5, v41  }
0x202: {  	v56 =	vld [tilespmem:s9+$0xFFFFFF00];
	v4 =	vadd.f32 v47, v4;
	v1 =	vmax.f32 v1, v50;
	v50 =	vmul.f32 $2.000000030e-01, v0  }
0x203: {  	v47 =	vld [tilespmem:s10+$0xF0];
	v2 =	vadd.f32 v3, v2;
	v1 =	vmul.f32 v1, v60  }
0x204: {  	v55 =	vmul.f32 $2.000000030e-01, v4;
	v5 =	vadd.f32 v51, v5;
	v51 =	vld [tilespmem:s9+$0xFFFFFF80];
	v0 =	vmax.f32 v0, v50  }
0x205: {  	v63 =	vadd.f32 v49, v40;
	v50 =	vld [tilespmem:s9+$0xFFFFFF10];
	v1 =	vadd.f32 v1, v2;
	v0 =	vmul.f32 v0, v57  }
0x206: {  	v52, _, _ =	vpop (xrf2);
	v2 =	vadd.f32 v43, v39;
	v43 =	vld [tilespmem:s5+$0x0];
	v4 =	vmax.f32 v4, v55;
	v60 =	vmul.f32 $2.000000030e-01, v5  }
0x207: {  	v3 =	vadd.f32 v54, v63;
	v63 =	vmul.f32 v4, v58;
	v4 =	vmul.f32 $1.442695020e+00, v52;
	v52 =	vld [tilespmem:s5+$0xFFFFFF00]  }
0x208: {  	v57 =	vld [tilespmem:s9+$0x0];
	v0 =	vadd.f32 v0, v1  }
0x209: {  	v49, _, _ =	vpop (xrf2);
	v5 =	vmax.f32 v5, v60;
	v55 =	vmul.f32 $2.000000030e-01, v3;
	v2 =	vadd.f32 v47, v2;
	v47 =	vld [tilespmem:s10+$0xFFFFFF00]  }
0x20a: {  	v58 =	vld [tilespmem:s5+$0xFFFFFF10];
	v60 =	vmul.f32 v5, v59;
	v5 =	vmul.f32 $1.442695020e+00, v49;
	v0 =	vadd.f32 v63, v0  }
0x20b: {  	v4 =	vbroadcast v4, $0xF;
	v49 =	vld [tilespmem:s5+$0x10];
	v3 =	vmax.f32 v3, v55;
	v63 =	vmul.f32 $2.000000030e-01, v2  }
0x20c: {  	v55 =	vld [tilespmem:s5+$0xFFFFFF90];
	v0 =	vadd.f32 v60, v0;
	v60 =	vmul.f32 v3, v61;
	v61 =	vadd.f32 v56, v52  }
0x20d: {  	v5 =	vbroadcast v5, $0xF;
	(erf) = vpow2.f32 v4;
	v4 =	vld [tilespmem:s10+$0x0];
	v2 =	vmax.f32 v2, v63  }
0x20e: {  	v63 =	vld [tilespmem:s10+$0xFFFFFF80];
	v59 =	vmul.f32 v2, v62;
	v0 =	vadd.f32 v60, v0;
	v47 =	vadd.f32 v47, v61  }
0x20f: {  	v60 =	vld [tilespmem:s9+$0xFFFFFF90]  }
0x210: {  	v54, _, _ =	vpop (xrf2);
	v56 =	vld [tilespmem:s10+$0xFFFFFF90];
	(erf) = vpow2.f32 v5;
	v0 =	vadd.f32 v59, v0;
	v5 =	vmul.f32 $2.000000030e-01, v47  }
0x211: {  	v57 =	vadd.f32 v57, v43;
	v3 =	vmul.f32 $1.442695020e+00, v54;
	v61 =	vld [tilespmem:s9+$0x10]  }
0x212: {  	v51 =	vadd.f32 v51, v53;
	(xrf2) =	vadd.scan.msk.f32 $0xffff, v0;
	v5 =	vmax.f32 v47, v5;
	v47 =	vld [tilespmem:s10+$0xFFFFFF10]  }
0x213: {  	v1 =	vadd.f32 v50, v58;
	v54 =	vld [tilespmem:s5+$0xFFFFFFA0];
	v3 =	vbroadcast v3, $0xF;
	v4 =	vadd.f32 v4, v57  }
0x214: {  	v50 =	vld [tilespmem:s5+$0x20];
	v62 =	vadd.f32 v63, v51;
	v2 =	vadd.f32 v60, v55  }
0x215: {  	(erf) = vpow2.f32 v3;
	v59 =	vld [tilespmem:s9+$0xFFFFFFA0];
	v60 =	vmul.f32 $2.000000030e-01, v4  }
0x216: {  	v51 =	vld [tilespmem:s9+$0xFFFFFF20];
	v5 =	vmul.f32 v5, v6;
	v63 =	vmul.f32 $2.000000030e-01, v62;
	v2 =	vadd.f32 v56, v2  }
0x217: {  	v57 =	vadd.f32 v61, v49;
	v61 =	vpop (erf);
	v4 =	vmax.f32 v4, v60;
	v60 =	vld [tilespmem:s10+$0x10];
	v1 =	vadd.f32 v47, v1  }
0x218: {  	v0 =	vld [tilespmem:s5+$0xFFFFFF20];
	v13 =	vmul.f32 v61, v19;
	v19 =	vmov v52;
	v52 =	vmul.f32 $2.000000030e-01, v2  }
0x219: {  	v3 =	vmax.f32 v62, v63;
	v14 =	vmul.f32 v61, v20;
	v20 =	vmovc v58;
	v58 =	vld [tilespmem:s9+$0xFFFFFF30];
	v63 =	vmul.f32 $2.000000030e-01, v1  }
0x21a: {  	v52 =	vmax.f32 v2, v52;
	v2 =	vld [tilespmem:s10+$0xFFFFFFA0]  }
0x21b: {  	v5 =	vadd.f32 $0.0e+00, v5;
	v59 =	vadd.f32 v59, v54;
	v1 =	vmax.f32 v1, v63;
	v63 =	vld [tilespmem:s10+$0xFFFFFF20];
	[tilespmem:s16+$0xFFFFFF00] =	vst v13  }
0x21c: {  	v13 =	vadd.f32 v60, v57;
	[tilespmem:s16+$0xFFFFFF10] =	vst v14;
	v14 =	vmul.f32 v61, v23;
	v56, _, _ =	vpop (xrf2);
	v1 =	vmul.f32 v1, v7  }
0x21d: {  	v3 =	vmul.f32 v3, v6;
	v62 =	vadd.f32 v51, v0;
	v10 =	vmul.f32 $1.442695020e+00, v56  }
0x21e: {  	v23 =	vmovc v0;
	v56 =	vld [tilespmem:s5+$0xFFFFFFB0];
	v57 =	vmul.f32 $2.000000030e-01, v13;
	[tilespmem:s16+$0xFFFFFF20] =	vst v14;
	v14 =	vmul.f32 v61, v26;
	v0 =	vadd.f32 v1, v5  }
0x21f: {  	v26 =	vmovc v12;
	v5 =	vadd.f32 v11, v50;
	v11 =	vld [tilespmem:s9+$0xFFFFFFB0];
	v1 =	vmul.f32 v52, v7;
	v10 =	vbroadcast v10, $0xF  }
0x220: {  	v51 =	vpop (erf);
	v52 =	vld [tilespmem:s5+$0x30];
	v12 =	vadd.f32 v58, v26;
	v58 =	vmul.f32 v61, v29;
	v2 =	vadd.f32 v2, v59  }
0x221: {  	v3 =	vadd.f32 $0.0e+00, v3;
	v47 =	vpop (erf);
	v13 =	vmax.f32 v13, v57;
	v57 =	vld [tilespmem:s10+$0x20];
	[tilespmem:s16+$0xFFFFFF30] =	vst v14;
	(erf) = vpow2.f32 v10  }
0x222: {  	v4 =	vmul.f32 v4, v6;
	v29 =	vld [tilespmem:s5+$0xFFFFFF40];
	[tilespmem:s16+$0xFFFFFF40] =	vst v58;
	v58 =	vmul.f32 $2.000000030e-01, v2  }
0x223: {  	v1 =	vadd.f32 v1, v3;
	v3 =	vmul.f32 v13, v7;
	v13 =	vld [tilespmem:s9+$0x30];
	v10 =	vadd.f32 v63, v62  }
0x224: {  	v14 =	vmul.f32 v61, v34;
	v34 =	vmul.f32 v61, v37;
	v37 =	vld [tilespmem:s10+$0xFFFFFF30];
	v2 =	vmax.f32 v2, v58  }
0x225: {  	v62 =	vld [tilespmem:$0x1FFF0];
	v60 =	vmul.f32 $2.000000030e-01, v10;
	v2 =	vmul.f32 v2, v8  }
0x226: {  	v4 =	vadd.f32 $0.0e+00, v4;
	v5 =	vadd.f32 v57, v5;
	v57 =	vld [tilespmem:s9+$0xFFFFFFC0]  }
0x227: {  	v10 =	vmax.f32 v10, v60;
	v1 =	vadd.f32 v2, v1;
	v2 =	vld [tilespmem:s9+$0x40]  }
0x228: {  	v3 =	vadd.f32 v3, v4;
	v4 =	vmul.f32 v10, v8;
	v10 =	vld [tilespmem:s9+$0xFFFFFF40];
	[tilespmem:s16+$0xFFFFFF60] =	vst v34;
	v34 =	vmul.f32 v61, v38  }
0x229: {  	[tilespmem:s16+$0xFFFFFF50] =	vst v14;
	v14 =	vld [tilespmem:s5+$0xFFFFFFC0];
	v38 =	vmul.f32 v51, v16;
	v12 =	vadd.f32 v37, v12  }
0x22a: {  	v16 =	vmov v53;
	v58 =	vmul.f32 $2.000000030e-01, v5;
	v53 =	vld [tilespmem:s5+$0x40];
	[tilespmem:s16+$0xFFFFFF70] =	vst v34;
	v59 =	vpop (erf)  }
0x22b: {  	v0 =	vadd.f32 v4, v0;
	v4 =	vld [tilespmem:s10+$0xFFFFFFB0];
	[tilespmem:s16+$0xFFFFFF80] =	vst v38;
	v38 =	vmul.f32 $2.000000030e-01, v12;
	v34 =	vmul.f32 v59, v48  }
0x22c: {  	v5 =	vmax.f32 v5, v58;
	[tilespmem:s7+$0xFFFFFFE0] =	vst v61;
	v61 =	vld [tilespmem:$0x1FFE0];
	v46 =	vmul.f32 v59, v46  }
0x22d: {  	v5 =	vmul.f32 v5, v8;
	v12 =	vmax.f32 v12, v38;
	v38 =	vld [tilespmem:s10+$0xFFFFFF40];
	v45 =	vmul.f32 v59, v45;
	[tilespmem:s5+$0x80] =	vst v34  }
0x22e: {  	v11 =	vadd.f32 v11, v56;
	v48 =	vld [tilespmem:s10+$0x30];
	v42 =	vmul.f32 v59, v42;
	[tilespmem:s5+$0x90] =	vst v46  }
0x22f: {  	v3 =	vadd.f32 v5, v3;
	v5 =	vmul.f32 v59, v41;
	v40 =	vmul.f32 v59, v40;
	v41 =	vld [tilespmem:s10+$0xFFFFFFC0];
	[tilespmem:s5+$0xA0] =	vst v45  }
0x230: {  	v4 =	vadd.f32 v4, v11;
	v11 =	vmul.f32 v59, v44;
	v44 =	vadd.f32 v57, v14;
	v57 =	vld [tilespmem:$0x1FFC0];
	[tilespmem:s5+$0xC0] =	vst v42  }
0x231: {  	v34 =	vld [tilespmem:s5+$0xFFFFFF50];
	[tilespmem:s5+$0xD0] =	vst v5  }
0x232: {  	v13 =	vadd.f32 v13, v52;
	v45 =	vld [tilespmem:s9+$0xFFFFFF50];
	v5 =	vmul.f32 v59, v39;
	[tilespmem:s5+$0xE0] =	vst v40  }
0x233: {  	v37 =	vmul.f32 v51, v18;
	v18 =	vmov v55;
	v42 =	vld [tilespmem:s5+$0x50];
	v55 =	vmul.f32 $2.000000030e-01, v4;
	[tilespmem:s5+$0xB0] =	vst v11  }
0x234: {  	s7 =	sadd.s32 $0x40, s7;
	v39 =	vld [tilespmem:s5+$0x60];
	[tilespmem:s5+$0xF0] =	vst v5;
	v13 =	vadd.f32 v48, v13  }
0x235: {  	v10 =	vadd.f32 v10, v29;
	[tilespmem:s7+$0x10] =	vst v59;
	v59 =	vld [tilespmem:$0x1FFD0];
	v4 =	vmax.f32 v4, v55;
	v11 =	vmul.f32 v12, v57  }
0x236: {  	v12 =	vld [tilespmem:s5+$0xFFFFFFD0];
	v4 =	vmul.f32 v4, v57;
	v46 =	vmul.f32 $2.000000030e-01, v13  }
0x237: {  	v10 =	vadd.f32 v38, v10;
	v5 =	vmul.f32 v51, v22;
	v0 =	vadd.f32 v11, v0;
	v11 =	vld [tilespmem:s9+$0xFFFFFFD0]  }
0x238: {  	v38 =	vmul.f32 v51, v25;
	v1 =	vadd.f32 v4, v1;
	v4 =	vmax.f32 v13, v46;
	v13 =	vld [tilespmem:s10+$0x40];
	[tilespmem:s16+$0xFFFFFF90] =	vst v37  }
0x239: {  	v25 =	vmov v56;
	v56 =	vmul.f32 v51, v31;
	v48 =	vmul.f32 $2.000000030e-01, v10;
	v55 =	vld [tilespmem:s9+$0x50];
	[tilespmem:s16+$0xFFFFFFA0] =	vst v5  }
0x23a: {  	v41 =	vadd.f32 v41, v44;
	v5 =	vmul.f32 v51, v28;
	v46 =	vld [tilespmem:s10+$0xFFFFFF50];
	[tilespmem:s16+$0xFFFFFFB0] =	vst v38;
	v4 =	vmul.f32 v4, v57  }
0x23b: {  	v2 =	vadd.f32 v2, v53;
	v40 =	vadd.f32 v45, v34;
	v10 =	vmax.f32 v10, v48;
	v37 =	vld [tilespmem:s5+$0xFFFFFF60];
	[tilespmem:s16+$0xFFFFFFD0] =	vst v56  }
0x23c: {  	v48 =	vmul.f32 $2.000000030e-01, v41;
	v38 =	vld [tilespmem:s5+$0xFFFFFF70];
	[tilespmem:s16+$0xFFFFFFC0] =	vst v5;
	v3 =	vadd.f32 v4, v3;
	v4 =	vmul.f32 v10, v9  }
0x23d: {  	v5 =	vmul.f32 v51, v32;
	v32 =	vld [tilespmem:s5+$0xFFFFFFE0];
	v11 =	vadd.f32 v11, v12;
	v2 =	vadd.f32 v13, v2  }
0x23e: {  	v31 =	vmovc v12;
	v12 =	vmul.f32 v51, v36;
	v0 =	vadd.f32 v4, v0;
	v4 =	vmax.f32 v41, v48;
	v13 =	vld [tilespmem:s10+$0xFFFFFFD0]  }
0x23f: {  	v22 =	vmov v54;
	v36 =	vld [tilespmem:s9+$0xFFFFFFE0];
	[tilespmem:s16+$0xFFFFFFE0] =	vst v5;
	v5 =	vadd.f32 v46, v40;
	v4 =	vmul.f32 v4, v9  }
0x240: {  	v28 =	vmovc v14;
	v14 =	vadd.f32 v55, v42;
	v10 =	vld [tilespmem:s9+$0xFFFFFF60];
	v54 =	vmul.f32 $2.000000030e-01, v2;
	[tilespmem:s16+$0xFFFFFFF0] =	vst v12;
	v12 =	vmul.f32 v47, v15  }
0x241: {  	v55 =	vmul.f32 v47, v17;
	v56 =	vmul.f32 $2.000000030e-01, v5;
	v1 =	vadd.f32 v4, v1;
	v4 =	vld [tilespmem:s10+$0x50]  }
0x242: {  	v17 =	vmov v49;
	v48 =	vld [tilespmem:s9+$0x60];
	v2 =	vmax.f32 v2, v54;
	[tilespmem:s16+$0x0] =	vst v12;
	v12 =	vmul.f32 v47, v21  }
0x243: {  	v49 =	vld [tilespmem:s10+$0xFFFFFF60];
	[tilespmem:s12+$0xFFFFFFF0] =	vst v51;
	v5 =	vmax.f32 v5, v56;
	v11 =	vadd.f32 v13, v11;
	v13 =	vmul.f32 v47, v24  }
0x244: {  	v21 =	vmov v50;
	v54 =	vld [tilespmem:s10+$0xFFFFFFE0];
	v50 =	vmul.f32 v5, v59;
	[tilespmem:s16+$0x20] =	vst v12;
	v12 =	vmul.f32 v47, v27  }
0x245: {  	v63 =	vmovc v7;
	v10 =	vadd.f32 v10, v37;
	v5 =	vld [tilespmem:s9+$0xFFFFFF70];
	v51 =	vmul.f32 $2.000000030e-01, v11;
	[tilespmem:s16+$0x30] =	vst v13;
	v13 =	vmul.f32 v47, v30  }
0x246: {  	v2 =	vmul.f32 v2, v9;
	v46 =	vadd.f32 v36, v32;
	v36 =	vld [tilespmem:s5+$0xFFFFFFF0];
	v4 =	vadd.f32 v4, v14;
	[tilespmem:s16+$0x40] =	vst v12  }
0x247: {  	s17 =	sadd.s32 $0x4, s17;
	v60 =	vmovc v8;
	v24 =	vmov v52;
	v12 =	vmul.f32 v47, v33;
	v52 =	vmax.f32 v11, v51;
	v11 =	vld [tilespmem:s9+$0xFFFFFFF0];
	[tilespmem:s16+$0x50] =	vst v13  }
0x248: {  	p1 =	slt.u32 s17, $0x24;
	v58 =	vmovc v9;
	[tilespmem:s16+$0x10] =	vst v55;
	v10 =	vadd.f32 v49, v10;
	v13 =	vmul.f32 v47, v35;
	v14 =	vmul.f32 $2.000000030e-01, v4;
	v35 =	vld [tilespmem:s5+$0x70]  }
.Ltmp5:
0x249: {  	v40 =	vadd.f32 v48, v39;
	v41 =	vadd.f32 v50, v0;
	v30 =	vmovc v42;
	v0 =	vmul.f32 v52, v59;
	v42 =	vld [tilespmem:s10+$0x60];
	(pc) =	sbr.rel @p1 .LBB2_12-.Ltmp5, $4  }
0x24a: {  	v15 =	vmovc v43;
	v56 =	vmul.f32 $2.000000030e-01, v10;
	v46 =	vadd.f32 v54, v46;
	v44 =	vld [tilespmem:s9+$0x70];
	[tilespmem:s16+$0x60] =	vst v12;
	v55 =	vmax.f32 v4, v14  }
0x24b: {  	v48 =	vld [tilespmem:s10+$0xFFFFFF70];
	v2 =	vadd.f32 v2, v3;
	[tilespmem:s16+$0x70] =	vst v13;
	v43 =	vadd.f32 v0, v1;
	v0 =	vmul.f32 v55, v59  }
0x24c: {  	v27 =	vmovc v53;
	v51 =	vld [tilespmem:s10+$0xFFFFFFF0];
	v45 =	vadd.f32 v5, v38;
	v52 =	vmul.f32 $2.000000030e-01, v46;
	v1 =	vmax.f32 v10, v56;
	[tilespmem:s12+$0x0] =	vst v47  }
0x24d: {  	v33 =	vmovc v39;
	s16 =	smov.u32 s5;
	s5 =	sadd.s32 $0x200, s5;
	s12 =	smov.u32 s7;
	v53 =	vmul.f32 v1, v61;
	v47 =	vld [tilespmem:s10+$0x70];
	v50 =	vadd.f32 v11, v36;
	v49 =	vadd.f32 v0, v2  }
0x24e: {  	_ =	sdelay $0x1  }
0x24f: {  	v0 =	vadd.f32 v48, v45;
	_ =	sdelay $0x1  }
0x250: {  	v1 =	vmul.f32 $2.000000030e-01, v0;
	_ =	sdelay $0x1  }
0x251: {  	v0 =	vmax.f32 v0, v1  }
0x252: {  	v45 =	vadd.f32 v53, v41;
	v0 =	vmul.f32 v0, v62;
	_ =	sdelay $0x1  }
0x253: {  	v0 =	vadd.f32 v0, v45;
	_ =	sdelay $0x1  }
0x254: {  	v48 =	vadd.f32 v51, v50;
	(xrf2) =	vadd.scan.msk.f32 $0xffff, v0;
	_ =	sdelay $0x1  }
0x255: {  	v50 =	vmax.f32 v46, v52;
	v2 =	vmul.f32 $2.000000030e-01, v48  }
0x256: {  	v0 =	vmul.f32 v50, v61  }
0x257: {  	v1 =	vmax.f32 v48, v2  }
0x258: {  	v1 =	vmul.f32 v1, v62;
	v0 =	vadd.f32 v0, v43  }
0x259: {  	v3 =	vadd.f32 v44, v35  }
0x25a: {  	v51 =	vadd.f32 v42, v40;
	v0 =	vadd.f32 v1, v0;
	_ =	sdelay $0x1  }
0x25b: {  	v3 =	vadd.f32 v47, v3;
	v52 =	vmul.f32 $2.000000030e-01, v51;
	(xrf2) =	vadd.scan.msk.f32 $0xffff, v0  }
0x25c: {  	v53, _, _ =	vpop (xrf2)  }
0x25d: {  	v54 =	vmul.f32 $2.000000030e-01, v3;
	v1 =	vmax.f32 v51, v52;
	v0 =	vmul.f32 $1.442695020e+00, v53  }
0x25e: {  	v1 =	vmul.f32 v1, v61  }
0x25f: {  	v2 =	vmax.f32 v3, v54;
	v0 =	vbroadcast v0, $0xF  }
0x260: {  	v2 =	vmul.f32 v2, v62;
	v1 =	vadd.f32 v1, v49  }
0x261: {  	(erf) = vpow2.f32 v0  }
0x262: {  	v55 =	vadd.f32 v2, v1;
	_ =	sdelay $0x1  }
0x263: {  	(xrf2) =	vadd.scan.msk.f32 $0xffff, v55  }
0x264: {  	v56, _, _ =	vpop (xrf2)  }
0x265: {  	v0 =	vmul.f32 $1.442695020e+00, v56;
	_ =	sdelay $0x1  }
0x266: {  	v0 =	vbroadcast v0, $0xF;
	_ =	sdelay $0x1  }
0x267: {  	(erf) = vpow2.f32 v0;
	v9 =	vpop (erf)  }
0x268: {  	v10 =	vmul.f32 v9, v19  }
0x269: {  	v11 =	vmul.f32 v9, v20  }
0x26a: {  	v12 =	vmul.f32 v9, v23;
	[tilespmem:s16+$0xFFFFFF00] =	vst v10  }
0x26b: {  	v13, _, _ =	vpop (xrf2);
	v14 =	vmul.f32 v9, v26;
	[tilespmem:s16+$0xFFFFFF10] =	vst v11  }
0x26c: {  	v3 =	vmul.f32 $1.442695020e+00, v13;
	v19 =	vmul.f32 v9, v29;
	[tilespmem:s16+$0xFFFFFF20] =	vst v12  }
0x26d: {  	v20 =	vmul.f32 v9, v34;
	[tilespmem:s16+$0xFFFFFF30] =	vst v14  }
0x26e: {  	v3 =	vbroadcast v3, $0xF;
	v23 =	vmul.f32 v9, v37;
	[tilespmem:s16+$0xFFFFFF40] =	vst v19  }
0x26f: {  	v26 =	vmul.f32 v9, v38;
	[tilespmem:s16+$0xFFFFFF50] =	vst v20  }
0x270: {  	(erf) = vpow2.f32 v3;
	[tilespmem:s16+$0xFFFFFF60] =	vst v23;
	v29 =	vpop (erf)  }
0x271: {  	[tilespmem:s16+$0xFFFFFF70] =	vst v26;
	v34 =	vmul.f32 v29, v16  }
0x272: {  	[tilespmem:s7+$0xFFFFFFE0] =	vst v9;
	v37 =	vmul.f32 v29, v18  }
0x273: {  	v38 =	vmul.f32 v29, v22;
	[tilespmem:s16+$0xFFFFFF80] =	vst v34  }
0x274: {  	v39 =	vmul.f32 v29, v25;
	[tilespmem:s16+$0xFFFFFF90] =	vst v37  }
0x275: {  	v40 =	vmul.f32 v29, v28;
	[tilespmem:s16+$0xFFFFFFA0] =	vst v38  }
0x276: {  	v41 =	vmul.f32 v29, v31;
	[tilespmem:s16+$0xFFFFFFB0] =	vst v39  }
0x277: {  	v42 =	vmul.f32 v29, v32;
	[tilespmem:s16+$0xFFFFFFC0] =	vst v40  }
0x278: {  	v43 =	vmul.f32 v29, v36;
	[tilespmem:s16+$0xFFFFFFD0] =	vst v41  }
0x279: {  	[tilespmem:s16+$0xFFFFFFE0] =	vst v42;
	v44 =	vpop (erf)  }
0x27a: {  	[tilespmem:s16+$0xFFFFFFF0] =	vst v43;
	v45 =	vmul.f32 v44, v15  }
0x27b: {  	[tilespmem:s12+$0xFFFFFFF0] =	vst v29;
	v46 =	vmul.f32 v44, v17  }
0x27c: {  	v47 =	vmul.f32 v44, v21;
	[tilespmem:s16+$0x0] =	vst v45  }
0x27d: {  	v48 =	vmul.f32 v44, v24;
	[tilespmem:s16+$0x10] =	vst v46  }
0x27e: {  	v49 =	vmul.f32 v44, v27;
	[tilespmem:s16+$0x20] =	vst v47  }
0x27f: {  	v50 =	vmul.f32 v44, v30;
	[tilespmem:s16+$0x30] =	vst v48  }
0x280: {  	v51 =	vmul.f32 v44, v33;
	[tilespmem:s16+$0x40] =	vst v49  }
0x281: {  	v53 =	vmul.f32 v44, v35;
	[tilespmem:s16+$0x50] =	vst v50  }
0x282: {  	[tilespmem:s16+$0x60] =	vst v51  }
0x283: {  	[tilespmem:s16+$0x70] =	vst v53  }
0x284: {  	v52 =	vlaneseq.u32;
	[tilespmem:s12+$0x0] =	vst v44  }
0x285: {  	v3 =	vor.u32 s11, v52;
	v1 =	vld [tilespmem:$0x1FFA0];
	_ =	sdelay $0x3  }
0x286: {  	v2 =	vld [tilespmem:$0x1FF70]  }
0x287: {  	v0 =	vld.idx.msk [tilespmem:v3+s23+$0x0], $0xffff;
	_ =	sdelay $0x2  }
0x288: {  	v1 =	vld.idx.msk [tilespmem:v1+s22+$0x0], $0xffff  }
0x289: {  	v54 =	vld [tilespmem:$0x1FF80];
	v2 =	vor.u32 s11, v2;
	_ =	sdelay $0x2  }
0x28a: {  	v55 =	vld [tilespmem:$0x1FF90]  }
0x28b: {  	[tilespmem:v0+s25+$0x0] =	vst.idx.add.f32.msk $0xffff, v1  }
0x28c: {  	v0 =	vld.idx.msk [tilespmem:v2+s23+$0x0], $0xffff;
	_ =	sdelay $0x2  }
0x28d: {  	v1 =	vld.idx.msk [tilespmem:v54+s22+$0x0], $0xffff  }
0x28e: {  	v56 =	vld [tilespmem:$0x1FFB0];
	v2 =	vor.u32 s11, v55;
	_ =	sdelay $0x3  }
0x28f: {  	[tilespmem:v0+s25+$0x0] =	vst.idx.add.f32.msk $0xffff, v1  }
0x290: {  	v0 =	vld.idx.msk [tilespmem:v2+s23+$0x0], $0xff;
	_ =	sdelay $0x2  }
0x291: {  	s15 =	sadd.s32 $0x1, s15;
	v1 =	vld.idx.msk [tilespmem:v56+s22+$0x0], $0xff  }
0x292: {  	p1 =	sne.s32 s15, $0x5  }
.Ltmp6:
0x293: {  	_ = 	snop;
	(pc) =	sbr.rel @p1 .LBB2_9-.Ltmp6, $3  }
0x294: {  	_ =	sdelay $0x1  }
0x295: {  	[tilespmem:v0+s25+$0x0] =	vst.idx.add.f32.msk $0xff, v1  }
0x296: {  	[spmem:s3] =	stream.indirect.scatter.add.f32 [tilespmem:s31], [sflag:$0x8], $0x80, s19, s24, $0xb8;
	[tilespmem:$0x1EB80] =	vst v63  }
0x297: {  	s12 =	rddreg [dreg:$0x12]  }
0x298: {  	p1 =	seq.s32 s12, $0x18  }
0x299: {  	s5 =	simm.s32 @!p1 $0x7  }
0x29a: {  	_ =	swait.ge @!p1 [sflag:s5], $0x1400  }
0x29b: {  	s12 =	sadd.s32 @!p1 $0x1, s12;
	[sflag:s5] =	ssyncset.done @!p1 $0x0  }
0x29c: {  	s7 =	rddreg [dreg:$0x9];
	[sflag:s5] =	ssyncadd.s32 @!p1 $0xFFFFEC00;
	s5 =	simm.s32 @!p1 $0x8  }
0x29d: {  	s7 =	sadd.s32 @!p1 s7, s12;
	_ =	swait.ge @!p1 [sflag:s5], $0x1400  }
0x29e: {  	s7 =	sshll.u32 @!p1 s7, $0x8;
	[sflag:s5] =	ssyncset.done @!p1 $0x0  }
0x29f: {  	s7 =	sand.u32 @!p1 $0x1FFFFF00, s7;
	[sflag:s5] =	ssyncadd.s32 @!p1 $0xFFFFEC00;
	s5 =	rddreg [dreg:$0x6]  }
0x2a0: {  	s9 =	simm.s32 @!p1 $0x0;
	s5 =	sadd.s32 @!p1 s5, s7  }
0x2a1: {  	[tilespmem:s9], [sflag:$0x9] =	stream.linear.gather @!p1 [hbm4b:s5+s9], $0x500, $0x38;
	[tilespmem:$0x1EB80] =	vst v63  }
0x2a2: {  	s5 =	simm.s32 @!p1 $0x9  }
0x2a3: {  	_ =	swait.ge @!p1 [sflag:s5], $0x500  }
0x2a4: {  	[sflag:s5] =	ssyncset.done @!p1 $0x0;
	s10 =	rddreg [dreg:$0x7]  }
0x2a5: {  	[sflag:s5] =	ssyncadd.s32 @!p1 $0xFFFFFB00;
	s7 =	sadd.s32 @!p1 s10, s7;
	s10 =	simm.s32 @!p1 $0x800  }
0x2a6: {  	[tilespmem:s10], [sflag:$0x9] =	stream.linear.gather @!p1 [hbm4b:s7+s9], $0x500, $0x38;
	[tilespmem:$0x1EB80] =	vst v63  }
0x2a7: {  	_ =	swait.ge @!p1 [sflag:s5], $0x500  }
0x2a8: {  	[sflag:s5] =	ssyncset.done @!p1 $0x0  }
0x2a9: {  	s7 =	simm.s32 @!p1 $0x1000;
	[sflag:s5] =	ssyncadd.s32 @!p1 $0xFFFFFB00;
	s5 =	simm.s32 @!p1 $0x28  }
0x2aa: {  	[tilespmem:s7], [sflag:$0x1] =	stream.indirect.gather @!p1 [hbm4b:s1+s5], $0x80, s9, s5, $0xb8;
	[tilespmem:$0x1EB80] =	vst v63  }
0x2ab: {  	s11 =	smul.u32 @!p1 $0x190, s12;
	s14 =	rddreg [dreg:$0x5];
	s7 =	simm.s32 @!p1 $0x3800  }
0x2ac: {  	[tilespmem:s7], [sflag:$0x3] =	stream.indirect.gather @!p1 [hbm4b:s6+s5], $0x80, s10, s5, $0xb8;
	[tilespmem:$0x1EB80] =	vst v63  }
0x2ad: {  	s5 =	sadd.s32 @!p1 s14, s11  }
0x2ae: {  	s5 =	sshll.u32 @!p1 s5, $0x4  }
0x2af: {  	p2 =	sne.s32 @!p1 s12, $0x19;
	s7 =	simm.s32 @!p1 $0x6000;
	s5 =	sadd.s32 @!p1 s8, s5  }
0x2b0: {  	[tilespmem:s7], [sflag:$0x5] =	stream.linear.gather @!p1 [hbm4b:s5+s9], $0x1400, $0x38;
	[tilespmem:$0x1EB80] =	vst v63  }
0x2b1: {  	p1 =	por p1, !p2  }
.Ltmp7:
0x2b2: {  	_ = 	snop;
	(pc) =	sbr.rel @!p1 .LBB2_8-.Ltmp7, $1  }
0x2b3: {  	_ =	sdelay $0x3  }
0x2b4: {  	s5 =	simm.s32 $0x7  }
0x2b5: {  	_ =	swait.ge [sflag:s5], $0x1400  }
0x2b6: {  	[sflag:s5] =	ssyncset.done $0x0  }
0x2b7: {  	s16 =	simm.s32 $0x8;
	[sflag:s5] =	ssyncadd.s32 $0xFFFFEC00  }
0x2b8: {  	_ =	swait.ge [sflag:s16], $0x1400  }
0x2b9: {  	[sflag:s16] =	ssyncset.done $0x0  }
0x2ba: {  	s17 =	simm.s32 $0x0;
	s7 =	rddreg [dreg:$0xd];
	[sflag:s16] =	ssyncadd.s32 $0xFFFFEC00  }
0x2bb: {  	[hbm4b:s7+s17] =	stream.linear.scatter [tilespmem:s25], [sflag:$0x9], $0x2710, $0x38;
	[tilespmem:$0x1EB80] =	vst v63  }
0x2bc: {  	_ =	swait.ge [sflag:s21], $0x2710  }
0x2bd: {  	[sflag:s21] =	ssyncset.done $0x0  }
0x2be: {  	[sflag:s21] =	ssyncadd.s32 $0xFFFFD8F0  }
0x2bf: {  	s18 =	stileid.u32;
	[bflag:$0x0] =	sbarrier.arrive $0xFFFF  }
.Ltmp8:
0x2c0: {  	s5 =	sshll.u32 s18, $0x6;
	s12 =	rddreg [dreg:$0xf];
	(pc) =	sbr.rel @!p0 .LBB2_17-.Ltmp8, $4  }
0x2c1: {  	s5 =	sor.u32 $0x1C09, s5;
	s9 =	rddreg [dreg:$0x10];
	s19 =	sshrl.u32 s12, $0x3  }
0x2c2: {  	[hbm:s9], [sflag:s5] =	dma.local [spmem:s19], $0x280  }
0x2c3: {  	s10 =	smov.u32 s12;
	s16 =	rddreg [dreg:$0x8]  }
0x2c4: {  	s9 =	sadd.s32 $0x2800, s9;
	_ =	swait.ge [sflag:s21], $0x280;
	s7 =	sadd.s32 $0xFFFFFFFF, s16  }
.LBB2_16:
0x2c5: {  	[sflag:s21] =	ssyncset.done $0x0;
	s10 =	sadd.s32 $0x14000, s10;
	p0 =	sne.s32 s7, $0x1  }
.Ltmp9:
0x2c6: {  	s11 =	sshrl.u32 s10, $0x3;
	[sflag:s21] =	ssyncadd.s32 $0xFFFFFD80;
	(pc) =	sbr.rel @p0 .LBB2_16-.Ltmp9, $3  }
0x2c7: {  	[hbm:s9], [sflag:s5] =	dma.local [spmem:s11], $0x280  }
0x2c8: {  	s7 =	sadd.s32 $0xFFFFFFFF, s7;
	_ =	sdelay $0x1  }
0x2c9: {  	s9 =	sadd.s32 $0x2800, s9;
	_ =	swait.ge [sflag:s21], $0x280  }
.LBB2_17:
0x2ca: {  	s7 =	rddreg [dreg:$0x11]  }
0x2cb: {  	s5 =	rddreg [dreg:$0xe];
	s7 =	sadd.s32 $0x1, s7  }
0x2cc: {  	p0 =	sne.s32 s7, s5  }
.Ltmp10:
0x2cd: {  	_ = 	snop;
	(pc) =	sbr.rel @p0 .LBB2_1-.Ltmp10, $3  }
0x2ce: {  	_ =	sdelay $0x1  }
0x2cf: {  	[sflag:s21] =	ssyncset.done $0x0  }
0x2d0: {  	v0 =	vimm.f32 $0.0e+00;
	[sflag:s21] =	ssyncadd.s32 $0xFFFFFD80  }
0x2d1: {  	_ =	sfence.sel $0x180000  }
0x2d2: {  	[bflag:$0x0] =	sbarrier.arrive $0xFFFF  }
0x2d3: {  	_ =	strace $0x9000004A  }
0x2d4: {  	s0 =	stileid.u32;
	[bflag:$0x2] =	sbarrier.arrive $0xFFFF  }
0x2d5: {  	p0 =	sne.s32 s0, $0x0;
	s0 =	rddreg [dreg:$0x4]  }
0x2d6: {  	s0 =	sadd.s32 @!p0 $0x100000, s0  }
0x2d7: {  	[sflag:s0] =	ssyncadd.tile.s32 @!p0 $0x1;
	_ =	shalt  }
.Lfunc_end2:
_tile_overlayer_lowered:
.L_overlay_start_2:
0x2d8: {  	(tag) =	ssettag $0x2  }
0x2d9: {  	s0 =	rddreg [dreg:$0x0];
	s2 =	stileid.u32  }
0x2da: {  	s1 =	rddreg [dreg:$0x1];
	p0 =	sne.s32 s2, $0x0  }
0x2db: {  	s3 =	rddreg [dreg:$0x2];
	[bflag:$0x3] =	sbarrier.arrive $0xFFFF;
	s2 =	simm.s32 @!p0 $0x1C09  }
0x2dc: {  	[timem:s3], [sflag:s2] =	dma.local @!p0 [hbm:s0], s1  }
0x2dd: {  	s0 =	simm.s32 @!p0 $0x9  }
0x2de: {  	_ =	swait.ge @!p0 [sflag:s0], s1  }
0x2df: {  	s1 =	ssub.s32 @!p0 $0x0, s1;
	[sflag:s0] =	ssyncset.done @!p0 $0x0  }
0x2e0: {  	[sflag:s0] =	ssyncadd.s32 @!p0 s1  }
0x2e1: {  	[bflag:$0x3] =	sbarrier.arrive $0xFFFF  }
0x2e2: {  	_ =	shalt  }

// kernel: kernel.9.cloned.1.call-start
scs
__scs_entry_jumppad:
0x0: {  	(pc) =	sbr.rel $0x88, $3  }
0x1: {  	(tag) =	ssettag $0x0;
	lr =	simm.s32 $0x1  }
0x2: {  	[smem:$0x3F90] =	sst lr;
	_ =	strace $0xD0000000  }
0x3: {  	_ = 	snop  }
0x4: {  	_ = 	snop  }
0x5: {  	_ = 	snop  }
0x6: {  	_ = 	snop  }
0x7: {  	_ = 	snop  }
__scs_overlays_trampoline_lowered:
0x8: {  	[smem:$0x3F9F] =	sst s0  }
0x9: {  	[smem:$0x3FA0] =	sst s1  }
0xa: {  	[smem:$0x3FA1] =	sst s2  }
0xb: {  	[smem:$0x3FA2] =	sst s3  }
0xc: {  	[smem:$0x3FA3] =	sst s4  }
0xd: {  	[smem:$0x3FA4] =	sst s5  }
0xe: {  	[smem:$0x3FA5] =	sst s6  }
0xf: {  	[smem:$0x3FA6] =	sst s7  }
0x10: {  	[smem:$0x3FA7] =	sst s8  }
0x11: {  	[smem:$0x3FA8] =	sst s9;
	s0 =	simm.s32 @!p0 $0x0  }
0x12: {  	s1 =	sld [smem:$0x3F8E];
	s0 =	simm.s32 @p0 $0x1  }
0x13: {  	[smem:$0x3FA9] =	sst s0;
	s0 =	simm.s32 @!p1 $0x0  }
0x14: {  	s2 =	sld [smem:$0x3F8D];
	s0 =	simm.s32 @p1 $0x1  }
0x15: {  	[smem:$0x3FAA] =	sst s0;
	s0 =	simm.s32 @!p2 $0x0  }
0x16: {  	s3 =	sld [smem:$0x3FDB];
	s0 =	simm.s32 @p2 $0x1  }
0x17: {  	s4 =	simm.s32 $0x1BF5;
	[smem:$0x3FAC] =	sst s0  }
0x18: {  	s0 =	sld [smem:$0x3F8F];
	_ =	swait.ge [sflag:s4], $0x0  }
0x19: {  	s7 =	sld [smem:$0x3F90]  }
0x1a: {  	s8 =	sadd.s32 $0xFFFFE003, lr  }
0x1b: {  	s9 =	sadd.s32 $0xFFFFFEF7, lr;
	s5 =	simm.s32 $0xFFFFFFFF;
	p2 =	slt.u32 s8, $0xFFFFF086  }
0x1c: {  	p1 =	slt.u32 s9, $0xF7A;
	s5 =	simm.s32 @!p2 $0x0  }
0x1d: {  	s5 =	simm.s32 @p1 $0x1;
	p0 =	seq.s32 s7, s2  }
0x1e: {  	s7 =	smul.u32 @!p0 $0xF7A, s2;
	p2 =	seq.s32 @!p0 s5, $0x0  }
0x1f: {  	s9 =	smul.u32 $0xF7A, s1;
	s8 =	simm.s32 @!p0 $0x1BF5;
	p2 =	por !p2, p0  }
0x20: {  	[sflag:s8] =	ssyncset.s32 @!p0 $0xFFFFF086;
	s6 =	sadd.s32 @!p0 s3, s7;
	s7 =	simm.s32 @!p0 $0x108  }
0x21: {  	s3 =	sadd.s32 s3, s9;
	s6 =	sadd.s32 @!p0 $0x88, s6;
	s7 =	simm.s32 @p2 $0x1082  }
0x22: {  	[simem:s7], [sflag:s8] =	dma.local @!p0 [hbm:s6], $0xF7A  }
0x23: {  	s9 =	sor.u32 $0xD0000000, s2;
	s6 =	simm.s32 $0x108;
	_ =	swait.ge @!p0 [sflag:s8], $0x0  }
0x24: {  	s3 =	sadd.s32 $0x88, s3;
	s6 =	simm.s32 @!p1 $0x1082;
	[sflag:s4] =	ssyncset.s32 $0xFFFFF086  }
0x25: {  	[simem:s6], [sflag:s4] =	dma.local [hbm:s3], $0xF7A  }
0x26: {  	[smem:$0x3F90] =	sst s1;
	(tag) =	ssettag s2;
	_ =	strace s9  }
0x27: {  	s1 =	sld [smem:$0x3FA0]  }
0x28: {  	s2 =	sld [smem:$0x3FA1]  }
0x29: {  	s4 =	sld [smem:$0x3FA3]  }
0x2a: {  	p0 =	seq.s32 s5, $0x0;
	s5 =	sld [smem:$0x3FA4]  }
0x2b: {  	s6 =	sld [smem:$0x3FA5]  }
0x2c: {  	s7 =	sld [smem:$0x3FA6]  }
0x2d: {  	s3 =	simm.s32 $0x108;
	s8 =	sld [smem:$0x3FA7]  }
0x2e: {  	s3 =	simm.s32 @!p0 $0x1082;
	s9 =	sld [smem:$0x3FA8]  }
0x2f: {  	lr =	sadd.s32 s0, s3;
	s0 =	sld [smem:$0x3F9F]  }
0x30: {  	s3 =	sld [smem:$0x3FA2]  }
0x31: {  	[smem:$0x3FAB] =	sst s10  }
0x32: {  	s10 =	sld [smem:$0x3FA9];
	_ =	sdelay $0x3  }
0x33: {  	p0 =	seq.s32 s10, $0x1;
	s10 =	sld [smem:$0x3FAB];
	_ =	sdelay $0x3  }
0x34: {  	[smem:$0x3FAB] =	sst s10  }
0x35: {  	s10 =	sld [smem:$0x3FAA];
	_ =	sdelay $0x3  }
0x36: {  	p1 =	seq.s32 s10, $0x1;
	s10 =	sld [smem:$0x3FAB];
	_ =	sdelay $0x3  }
0x37: {  	[smem:$0x3FAB] =	sst s10  }
0x38: {  	s10 =	sld [smem:$0x3FAC]  }
0x39: {  	_ = 	snop;
	(pc) =	sbr.ind lr, $3  }
0x3a: {  	_ = 	snop  }
0x3b: {  	_ = 	snop  }
0x3c: {  	p2 =	seq.s32 s10, $0x1;
	s10 =	sld [smem:$0x3FAB]  }
0x3d: {  	_ =	shalt  }
0x3e: {  	_ =	shalt  }
0x3f: {  	_ =	shalt  }
0x40: {  	_ =	shalt  }
0x41: {  	_ =	shalt  }
0x42: {  	_ =	shalt  }
0x43: {  	_ =	shalt  }
0x44: {  	_ =	shalt  }
0x45: {  	_ =	shalt  }
0x46: {  	_ =	shalt  }
0x47: {  	_ =	shalt  }
0x48: {  	_ =	shalt  }
0x49: {  	_ =	shalt  }
0x4a: {  	_ =	shalt  }
0x4b: {  	_ =	shalt  }
0x4c: {  	_ =	shalt  }
0x4d: {  	_ =	shalt  }
0x4e: {  	_ =	shalt  }
0x4f: {  	_ =	shalt  }
0x50: {  	_ =	shalt  }
0x51: {  	_ =	shalt  }
0x52: {  	_ =	shalt  }
0x53: {  	_ =	shalt  }
0x54: {  	_ =	shalt  }
0x55: {  	_ =	shalt  }
0x56: {  	_ =	shalt  }
0x57: {  	_ =	shalt  }
0x58: {  	_ =	shalt  }
0x59: {  	_ =	shalt  }
0x5a: {  	_ =	shalt  }
0x5b: {  	_ =	shalt  }
0x5c: {  	_ =	shalt  }
0x5d: {  	_ =	shalt  }
0x5e: {  	_ =	shalt  }
0x5f: {  	_ =	shalt  }
0x60: {  	_ =	shalt  }
0x61: {  	_ =	shalt  }
0x62: {  	_ =	shalt  }
0x63: {  	_ =	shalt  }
0x64: {  	_ =	shalt  }
0x65: {  	_ =	shalt  }
0x66: {  	_ =	shalt  }
0x67: {  	_ =	shalt  }
0x68: {  	_ =	shalt  }
0x69: {  	_ =	shalt  }
0x6a: {  	_ =	shalt  }
0x6b: {  	_ =	shalt  }
0x6c: {  	_ =	shalt  }
0x6d: {  	_ =	shalt  }
0x6e: {  	_ =	shalt  }
0x6f: {  	_ =	shalt  }
0x70: {  	_ =	shalt  }
0x71: {  	_ =	shalt  }
0x72: {  	_ =	shalt  }
0x73: {  	_ =	shalt  }
0x74: {  	_ =	shalt  }
0x75: {  	_ =	shalt  }
0x76: {  	_ =	shalt  }
0x77: {  	_ =	shalt  }
0x78: {  	_ =	shalt  }
0x79: {  	_ =	shalt  }
0x7a: {  	_ =	shalt  }
0x7b: {  	_ =	shalt  }
0x7c: {  	_ =	shalt  }
0x7d: {  	_ =	shalt  }
0x7e: {  	_ =	shalt  }
0x7f: {  	_ =	shalt  }
0x80: {  	_ =	shalt  }
0x81: {  	_ =	shalt  }
0x82: {  	_ =	shalt  }
0x83: {  	_ =	shalt  }
0x84: {  	_ =	shalt  }
0x85: {  	_ =	shalt  }
0x86: {  	_ =	shalt  }
0x87: {  	_ =	shalt  }
.Lfunc_end0:
.L_simem_size_0:
called_computation_lowered:
.L_overlay_start_0:
0x88: {  	s2 =	sld [smem:$0x3FD9]  }
0x89: {  	s3 =	sld [smem:$0x3FFE];
	_ =	sdelay $0x1  }
0x8a: {  	s1 =	srdreg.scid  }
0x8b: {  	s0 =	sand.u32 $0x1, s1  }
0x8c: {  	s17 =	sshll.u32 s0, $0xA;
	s2 =	sadd.s32 s3, s2  }
0x8d: {  	s2 =	sadd.s32 s2, s17  }
0x8e: {  	[smem:$0x3FB7] =	sst s2  }
0x8f: {  	_ = 	snop  }
0x90: {  	s2 =	sld [smem:$0x3FC1]  }
0x91: {  	s18 =	sld [smem:$0x3FD0];
	(tm) =	ssettm $0x1  }
0x92: {  	s4 =	sld [smem:$0x3FFB];
	_ =	sdelay $0x3  }
0x93: {  	_ =	strace s4  }
0x94: {  	s4 =	sld [smem:$0x3FFC];
	_ =	sdelay $0x3  }
0x95: {  	_ =	strace s4  }
0x96: {  	s4 =	sld [smem:$0x3FFD];
	_ =	sdelay $0x3  }
0x97: {  	_ =	strace s4  }
0x98: {  	_ =	strace $0x8FFFFFFF  }
0x99: {  	s19 =	sld [smem:$0x3FDB];
	_ =	sdelay $0x1  }
0x9a: {  	s5 =	simm.s32 $_scs_section_size  }
0x9b: {  	s6 =	simm.s32 $_size__tile_overlayer_lowered;
	s7 =	simm.s32 $_tile_overlayer_lowered  }
0x9c: {  	s22 =	simm.s32 $0x1BFF;
	s21 =	sshll.u32 s7, $0x1;
	s4 =	sadd.s32 s5, s19  }
0x9d: {  	s8 =	simm.s32 $0x0;
	s20 =	sshll.u32 s6, $0x1;
	s6 =	sadd.s32 s21, s4  }
0x9e: {  	[timem:s8], [sflag:s22] =	dma.local [hbm:s6], s20  }
0x9f: {  	_ =	swait.ge [sflag:s22], s20  }
0xa0: {  	s5 =	ssub.s32 $0x0, s20;
	[sflag:s22] =	ssyncset.done $0x0  }
0xa1: {  	[sflag:s22] =	ssyncadd.s32 s5;
	_ =	sdelay $0x1  }
0xa2: {  	s23 =	simm.s32 $0x1B8B  }
0xa3: {  	_ =	swait.ge [sflag:s23], $0x1  }
0xa4: {  	[sflag:s23] =	ssyncset.done $0x0  }
0xa5: {  	s25 =	simm.s32 $0x1B8E;
	s24 =	sld [smem:$0x3FFE];
	[sflag:s23] =	ssyncadd.s32 $0xFFFFFFFF  }
0xa6: {  	s26 =	simm.s32 $execute0_lowered;
	[smem:$0x3FD2] =	sst s25  }
0xa7: {  	s6 =	sshll.u32 s26, $0x1;
	_ =	strace $0x80000046;
	[dreg:$0x1] =	wrdreg $0xFFFFFFFF  }
0xa8: {  	s28 =	simm.s32 $_size_execute0_lowered;
	s4 =	sadd.s32 s4, s6;
	[dreg:$0x0] =	wrdreg $0x0  }
0xa9: {  	s6 =	sshll.u32 s28, $0x1;
	[dreg:$0x2] =	wrdreg s4  }
0xaa: {  	[dreg:$0x3] =	wrdreg s6  }
0xab: {  	[dreg:$0x4] =	wrdreg $0xC0  }
0xac: {  	_ =	task [dreg:s8], $0x5FFFF  }
0xad: {  	[dreg:$0x1] =	wrdreg $0xFFFFFFFF  }
0xae: {  	[dreg:$0x0] =	wrdreg $0x60  }
0xaf: {  	[dreg:$0x2] =	wrdreg s18  }
0xb0: {  	[dreg:$0x3] =	wrdreg s24  }
0xb1: {  	[dreg:$0x4] =	wrdreg s2  }
0xb2: {  	[dreg:$0x5] =	wrdreg $0xB3000  }
0xb3: {  	[dreg:$0x6] =	wrdreg $0x9  }
0xb4: {  	_ =	task.clear_ibuf [dreg:s8], $0x7FFFF;
	_ =	strace $0x90000046  }
0xb5: {  	s29 =	simm.s32 $0x9;
	_ =	strace $0x80000048  }
0xb6: {  	_ =	swait.ge [sflag:s29], $0x1  }
0xb7: {  	[sflag:s29] =	ssyncadd.s32 $0xFFFFFFFF  }
0xb8: {  	_ =	strace $0x90000048  }
0xb9: {  	_ =	sfence  }
0xba: {  	s30 =	sld [smem:$0x0];
	_ =	sdelay $0x2  }
0xbb: {  	s31 =	sshll.u32 s1, $0xD;
	s1 =	sshrl.u32 s1, $0x2  }
0xbc: {  	s3 =	sand.u32 $0x4000, s31;
	s1 =	sadd.s32 s1, s30  }
0xbd: {  	s0 =	sor.u32 s3, s0;
	s1 =	sshll.u32 s1, $0x11  }
0xbe: {  	s0 =	sor.u32 s1, s0  }
0xbf: {  	s0 =	sadd.s32 $0x8F2B, s0  }
0xc0: {  	[sflag:s0] =	ssyncadd.remote.s32 $0x1  }
0xc1: {  	_ =	sfence.sel $0xFFFF  }
0xc2: {  	[dreg:$0x0] =	wrdreg $0xFFFFFFFF;
	(pc) =	sbr.abs _section_cstart, $3  }
0xc3: {  	[dreg:$0x1] =	wrdreg $0xFFFFFFFF  }
0xc4: {  	_ =	task.clear_ibuf [dreg:s8], $0x2FFFF;
	_ =	strace $0x9FFFFFFF  }
0xc5: {  	(tm) =	ssettm $0x7FFFFFFF  }
tec
execute0_lowered:
.L_overlay_start_1:
0x0: {  	(tag) =	ssettag $0x1  }
0x1: {  	s1 =	rddreg [dreg:$0x0]  }
0x2: {  	s0 =	rddreg [dreg:$0x1]  }
0x3: {  	s3 =	rddreg [dreg:$0x3];
	s2 =	srdreg.scid;
	s5 =	simm.s32 $0x0  }
0x4: {  	s12 =	stileid.u32;
	s28 =	simm.s32 $0x1;
	s29 =	simm.s32 $0x3  }
0x5: {  	s30 =	simm.s32 $0x5;
	s31 =	simm.s32 $0x2400;
	s2 =	sand.u32 $0x1, s2  }
0x6: {  	[smem:$0x7FF] =	sst s5;
	s19 =	smul.u32 $0x1400, s12;
	s8 =	sadd.s32 $0x54BC00, s0  }
0x7: {  	s6 =	sshll.u32 s12, $0x1;
	s13 =	sadd.s32 $0x4E7C00, s0;
	s22 =	smul.u32 $0x5000, s12  }
0x8: {  	s15 =	sadd.s32 $0x519C00, s0;
	s4 =	smul.u32 $0x138800, s2;
	s7 =	sor.u32 s2, s6  }
0x9: {  	s10 =	ssub.s32 $0x109, s12;
	_ =	strace $0x80000047;
	s14 =	smul.u32 $0x2710, s7  }
0xa: {  	s6 =	sadd.s32 $0xA2DE00, s0;
	s2 =	ssub.s32 $0x2, s2;
	s21 =	smul.u32 $0x1900, s7  }
0xb: {  	s16 =	sshrl.u32 s10, $0x4;
	[dreg:$0x6] =	wrdreg s13;
	s11 =	smul.u32 $0x27100, s7  }
0xc: {  	[dreg:$0x7] =	wrdreg s15;
	s9 =	sshrl.u32 s2, $0x1;
	s7 =	smul.u32 $0x19, s7  }
0xd: {  	s25 =	sshrl.u32 s22, $0x2;
	s22 =	simm.s32 $0x8800;
	[dreg:$0x8] =	wrdreg s16  }
0xe: {  	s4 =	sadd.s32 s19, s4;
	s2 =	ssub.s32 s2, s9;
	s12 =	sadd.s32 s25, s3  }
0xf: {  	s25 =	simm.s32 $0x8B00;
	s4 =	sshrl.u32 s4, $0x3;
	[dreg:$0x9] =	wrdreg s7  }
0x10: {  	s20 =	sshrl.u32 s14, $0x3;
	s23 =	sadd.s32 s13, s21;
	[dreg:$0x5] =	wrdreg s14  }
0x11: {  	s5 =	sadd.s32 s15, s21;
	s24 =	sadd.s32 s8, s11;
	[dreg:$0xf] =	wrdreg s12  }
0x12: {  	s2 =	smax.u32 s2, $0x1;
	s21 =	simm.s32 $0x9;
	[dreg:$0xa] =	wrdreg s23  }
0x13: {  	s13 =	simm.s32 $0x6;
	s7 =	simm.s32 $0x0;
	[dreg:$0xb] =	wrdreg s5  }
0x14: {  	s4 =	sadd.s32 s4, s0;
	s0 =	sadd.s32 s20, s0;
	[dreg:$0xc] =	wrdreg s24  }
0x15: {  	[dreg:$0xe] =	wrdreg s2;
	s20 =	simm.s32 $0x1000;
	s23 =	simm.s32 $0x800  }
0x16: {  	s24 =	simm.s32 $0x28;
	s2 =	simm.s32 $0x7400;
	s0 =	sadd.s32 $0xA55000, s0  }
0x17: {  	s26 =	sadd.s32 $0xA5EE00, s4;
	s4 =	simm.s32 $0x4;
	[dreg:$0xd] =	wrdreg s0  }
0x18: {  	v0 =	vimm.f32 $0.0e+00;
	[dreg:$0x10] =	wrdreg s26;
	s0 =	simm.s32 $0x4C00;
	s26 =	simm.s32 $0x2  }
.LBB2_1:
0x19: {  	[dreg:$0x11] =	wrdreg s7;
	s5 =	simm.s32 $0x0  }
.LBB2_2:
0x1a: {  	p0 =	sne.s32 s5, $0x9C00  }
.Ltmp0:
0x1b: {  	_ = 	snop;
	(pc) =	sbr.rel @p0 .LBB2_2-.Ltmp0, $3  }
0x1c: {  	_ =	sdelay $0x1  }
0x1d: {  	s7 =	sshra.s32 s5, $0x2  }
0x1e: {  	s5 =	sadd.s32 $0x40, s5;
	[tilespmem:s7+$0x8B00] =	vst v0  }
0x1f: {  	s5 =	simm.s32 $0x0;
	s7 =	simm.s32 $0x200  }
.LBB2_4:
0x20: {  	p0 =	sne.s32 s7, $0x4E00;
	[tilespmem:s5+$0x1070] =	vst v0  }
0x21: {  	[tilespmem:s5+$0x1000] =	vst v0  }
0x22: {  	[tilespmem:s5+$0x1010] =	vst v0  }
.Ltmp1:
0x23: {  	[tilespmem:s5+$0x1020] =	vst v0;
	(pc) =	sbr.rel @p0 .LBB2_4-.Ltmp1, $4  }
0x24: {  	[tilespmem:s5+$0x1030] =	vst v0  }
0x25: {  	[tilespmem:s5+$0x1040] =	vst v0  }
0x26: {  	[tilespmem:s5+$0x1050] =	vst v0  }
0x27: {  	[tilespmem:s5+$0x1060] =	vst v0;
	s5 =	sshra.s32 s7, $0x2;
	s7 =	sadd.s32 $0x200, s7  }
0x28: {  	[tilespmem:s5+$0x1070] =	vst v0  }
0x29: {  	[tilespmem:s5+$0x1000] =	vst v0  }
0x2a: {  	[tilespmem:s5+$0x1010] =	vst v0  }
0x2b: {  	[tilespmem:s5+$0x1020] =	vst v0  }
0x2c: {  	[tilespmem:s5+$0x1030] =	vst v0  }
0x2d: {  	[tilespmem:s5+$0x1040] =	vst v0;
	p0 =	sne.s32 s16, $0x1  }
.Ltmp2:
0x2e: {  	[tilespmem:s5+$0x1050] =	vst v0;
	(pc) =	sbr.rel @!p0 .LBB2_7-.Ltmp2, $4  }
0x2f: {  	[tilespmem:s5+$0x1060] =	vst v0  }
0x30: {  	[spmem:s12] =	stream.linear.scatter [tilespmem:s20], [sflag:$0x9], $0x1400, $0x38;
	[tilespmem:$0x1EB80] =	vst v63  }
0x31: {  	_ =	swait.ge [sflag:s21], $0x1400  }
0x32: {  	s5 =	sadd.s32 $0xFFFFFFFF, s16;
	s7 =	smov.u32 s12;
	[sflag:s21] =	ssyncset.done $0x0  }
.LBB2_6:
0x33: {  	p1 =	sne.s32 s5, $0x1;
	[sflag:s21] =	ssyncadd.s32 $0xFFFFEC00;
	s7 =	sadd.s32 $0x14000, s7  }
.Ltmp3:
0x34: {  	s5 =	sadd.s32 $0xFFFFFFFF, s5;
	(pc) =	sbr.rel @p1 .LBB2_6-.Ltmp3, $4  }
0x35: {  	_ = 	snop  }
0x36: {  	[spmem:s7] =	stream.linear.scatter [tilespmem:s20], [sflag:$0x9], $0x1400, $0x38;
	[tilespmem:$0x1EB80] =	vst v63  }
0x37: {  	_ =	swait.ge [sflag:s21], $0x1400  }
0x38: {  	[sflag:s21] =	ssyncset.done $0x0  }
.LBB2_7:
0x39: {  	[sflag:s21] =	ssyncadd.s32 $0xFFFFEC00  }
0x3a: {  	s12 =	simm.s32 $0x0;
	s7 =	simm.s32 $0xB280;
	s5 =	rddreg [dreg:$0x2]  }
0x3b: {  	[tilespmem:s7], [sflag:$0x9] =	stream.linear.gather [hbm4b:s5+s12], $0x80, $0x38;
	[tilespmem:$0x1EB80] =	vst v63  }
0x3c: {  	_ =	swait.ge [sflag:s21], $0x80  }
0x3d: {  	[sflag:s21] =	ssyncset.done $0x0  }
0x3e: {  	[sflag:s21] =	ssyncadd.s32 $0xFFFFFF80  }
0x3f: {  	v6 =	vld [tilespmem:$0xB280]  }
0x40: {  	v63 =	vld [tilespmem:$0xB290]  }
0x41: {  	v60 =	vld [tilespmem:$0xB2A0]  }
0x42: {  	v57 =	vld [tilespmem:$0xB2B0]  }
0x43: {  	v58 =	vld [tilespmem:$0xB2C0]  }
0x44: {  	v59 =	vld [tilespmem:$0xB2D0]  }
0x45: {  	v61 =	vld [tilespmem:$0xB2E0]  }
0x46: {  	v62 =	vld [tilespmem:$0xB2F0];
	[bflag:$0x0] =	sbarrier.arrive $0xFFFF  }
0x47: {  	s15 =	rddreg [dreg:$0xa]  }
0x48: {  	[tilespmem:s12], [sflag:$0x9] =	stream.linear.gather [hbm4b:s15+s12], $0x500, $0x38;
	[tilespmem:$0x1EB80] =	vst v63  }
0x49: {  	_ =	swait.ge [sflag:s21], $0x500  }
0x4a: {  	[sflag:s21] =	ssyncset.done $0x0  }
0x4b: {  	s16 =	rddreg [dreg:$0xb];
	[sflag:s21] =	ssyncadd.s32 $0xFFFFFB00  }
0x4c: {  	[tilespmem:s23], [sflag:$0x9] =	stream.linear.gather [hbm4b:s16+s12], $0x500, $0x38;
	[tilespmem:$0x1EB80] =	vst v63  }
0x4d: {  	_ =	swait.ge [sflag:s21], $0x500  }
0x4e: {  	[sflag:s21] =	ssyncset.done $0x0;
	[tilespmem:$0x1FFC0] =	vst v57  }
0x4f: {  	[tilespmem:$0x1FFD0] =	vst v59;
	[sflag:s21] =	ssyncadd.s32 $0xFFFFFB00  }
0x50: {  	[tilespmem:s20], [sflag:$0x1] =	stream.indirect.gather [hbm4b:s1+s24], $0x80, s12, s24, $0xb8;
	[tilespmem:$0x1EB80] =	vst v63  }
0x51: {  	s17 =	simm.s32 $0x3800;
	[tilespmem:$0x1FFE0] =	vst v61  }
0x52: {  	[tilespmem:s17], [sflag:$0x3] =	stream.indirect.gather [hbm4b:s6+s24], $0x80, s23, s24, $0xb8;
	[tilespmem:$0x1EB80] =	vst v63  }
0x53: {  	s19 =	simm.s32 $0x6000;
	s18 =	rddreg [dreg:$0xc];
	[tilespmem:$0x1FFF0] =	vst v62  }
0x54: {  	[tilespmem:s19], [sflag:$0x5] =	stream.linear.gather [hbm4b:s18+s12], $0x1400, $0x38;
	[tilespmem:$0x1EB80] =	vst v63  }
.LBB2_8:
0x55: {  	s5 =	smul.u32 $0x190, s12;
	_ =	sdelay $0x1  }
0x56: {  	[dreg:$0x12] =	wrdreg s12;
	s15 =	simm.s32 $0x0;
	s14 =	sadd.s32 s14, s5  }
.LBB2_9:
0x57: {  	_ =	swait.ge [sflag:s28], $0x1400  }
0x58: {  	[sflag:s28] =	ssyncset.done $0x0  }
0x59: {  	[sflag:s28] =	ssyncadd.s32 $0xFFFFEC00  }
0x5a: {  	_ =	swait.ge [sflag:s29], $0x1400  }
0x5b: {  	[sflag:s29] =	ssyncset.done $0x0  }
0x5c: {  	[sflag:s29] =	ssyncadd.s32 $0xFFFFEC00  }
0x5d: {  	_ =	swait.ge [sflag:s30], $0x1400  }
0x5e: {  	p1 =	seq.s32 s15, $0x0;
	s18 =	sshll.u32 s15, $0x1;
	[sflag:s30] =	ssyncset.done $0x0  }
0x5f: {  	s5 =	simm.s32 @!p1 $0x8;
	s7 =	sor.u32 $0x1, s18;
	[sflag:s30] =	ssyncadd.s32 $0xFFFFEC00  }
0x60: {  	s16 =	smul.u32 $0x28, s7;
	_ =	swait.ge @!p1 [sflag:s5], $0x1400  }
0x61: {  	[sflag:s5] =	ssyncset.done @!p1 $0x0  }
0x62: {  	s11 =	sshll.u32 s7, $0x7;
	[sflag:s5] =	ssyncadd.s32 @!p1 $0xFFFFEC00;
	s5 =	sadd.s32 s14, s16  }
0x63: {  	[tilespmem:s31], [sflag:$0x2] =	stream.indirect.gather [hbm4b:s1+s24], $0x80, s11, s24, $0xb8;
	[tilespmem:$0x1EB80] =	vst v63  }
0x64: {  	s19 =	sadd.s32 $0x800, s11;
	s5 =	sshll.u32 s5, $0x4  }
0x65: {  	[tilespmem:s0], [sflag:$0x4] =	stream.indirect.gather [hbm4b:s6+s24], $0x80, s19, s24, $0xb8;
	[tilespmem:$0x1EB80] =	vst v63  }
0x66: {  	s17 =	simm.s32 $0x0;
	s16 =	simm.s32 $0x1100;
	s5 =	sadd.s32 s8, s5  }
0x67: {  	[tilespmem:s2], [sflag:$0x6] =	stream.linear.gather [hbm4b:s5+s17], $0x1400, $0x38;
	[tilespmem:$0x1EB80] =	vst v63  }
0x68: {  	v34 =	vld [tilespmem:s16+$0xF0]  }
0x69: {  	v30 =	vld [tilespmem:s16+$0xE0]  }
0x6a: {  	v35 =	vld [tilespmem:s16+$0xD0]  }
0x6b: {  	v31 =	vld [tilespmem:s16+$0xC0]  }
0x6c: {  	v33 =	vld [tilespmem:s16+$0xB0]  }
0x6d: {  	v27 =	vld [tilespmem:s16+$0xA0]  }
0x6e: {  	v28 =	vld [tilespmem:s16+$0x90]  }
0x6f: {  	s9 =	simm.s32 $0x3900;
	v25 =	vld [tilespmem:s16+$0x80]  }
0x70: {  	s10 =	simm.s32 $0x6100;
	v10 =	vld [tilespmem:s9+$0x80]  }
0x71: {  	v11 =	vld [tilespmem:s10+$0x80]  }
0x72: {  	v12 =	vld [tilespmem:s9+$0x90]  }
0x73: {  	v13 =	vld [tilespmem:s10+$0x90]  }
0x74: {  	v14 =	vld [tilespmem:s9+$0xA0]  }
0x75: {  	v15 =	vld [tilespmem:s9+$0xB0]  }
0x76: {  	v16 =	vld [tilespmem:s10+$0xA0]  }
0x77: {  	v17 =	vld [tilespmem:s9+$0xC0]  }
0x78: {  	v18 =	vld [tilespmem:s10+$0xB0]  }
0x79: {  	v19 =	vld [tilespmem:s9+$0xD0]  }
0x7a: {  	v20 =	vld [tilespmem:s10+$0xC0]  }
0x7b: {  	v21 =	vld [tilespmem:s9+$0xE0]  }
0x7c: {  	v22 =	vld [tilespmem:s10+$0xD0]  }
0x7d: {  	v23 =	vld [tilespmem:s9+$0xF0]  }
0x7e: {  	v24 =	vld [tilespmem:s10+$0xE0]  }
0x7f: {  	v26 =	vld [tilespmem:s9+$0xFFFFFF00]  }
0x80: {  	v29 =	vld [tilespmem:s10+$0xF0]  }
0x81: {  	v32 =	vld [tilespmem:s9+$0xFFFFFF80];
	v10 =	vadd.f32 v10, v25  }
0x82: {  	v37 =	vld [tilespmem:s9+$0x0]  }
0x83: {  	v38 =	vld [tilespmem:s9+$0xFFFFFF10];
	v10 =	vadd.f32 v11, v10;
	v11 =	vadd.f32 v12, v28  }
0x84: {  	v1 =	vld [tilespmem:s10+$0x0]  }
0x85: {  	v39 =	vld [tilespmem:s9+$0x10];
	v14 =	vadd.f32 v14, v27;
	v12 =	vmul.f32 $2.000000030e-01, v10;
	v13 =	vadd.f32 v13, v11  }
0x86: {  	v40 =	vld [tilespmem:s10+$0xFFFFFF90];
	v15 =	vadd.f32 v15, v33  }
0x87: {  	v41 =	vld [tilespmem:s9+$0xFFFFFFA0];
	v16 =	vadd.f32 v16, v14;
	v12 =	vmax.f32 v10, v12;
	v36 =	vmul.f32 $2.000000030e-01, v13  }
0x88: {  	v42 =	vld [tilespmem:s10+$0x10];
	v17 =	vadd.f32 v17, v31;
	v12 =	vmul.f32 v12, v6  }
0x89: {  	v43 =	vld [tilespmem:s9+$0x20];
	v18 =	vadd.f32 v18, v15;
	v55 =	vmul.f32 $2.000000030e-01, v16;
	v13 =	vmax.f32 v13, v36  }
0x8a: {  	v2 =	vld [tilespmem:s10+$0xFFFFFF20];
	v19 =	vadd.f32 v19, v35;
	v12 =	vadd.f32 $0.0e+00, v12;
	v13 =	vmul.f32 v13, v63  }
0x8b: {  	v44 =	vld [tilespmem:s9+$0xFFFFFF30];
	v17 =	vadd.f32 v20, v17;
	v56 =	vmul.f32 $2.000000030e-01, v18;
	v16 =	vmax.f32 v16, v55  }
0x8c: {  	v45 =	vld [tilespmem:s10+$0xFFFFFFA0];
	v21 =	vadd.f32 v21, v30;
	v16 =	vmul.f32 v16, v60;
	v12 =	vadd.f32 v13, v12  }
0x8d: {  	v47 =	vld [tilespmem:s9+$0xFFFFFFB0];
	v19 =	vadd.f32 v22, v19;
	v0 =	vmul.f32 $2.000000030e-01, v17;
	v18 =	vmax.f32 v18, v56  }
0x8e: {  	v51 =	vld [tilespmem:s10+$0xFFFFFF30];
	v21 =	vadd.f32 v24, v21;
	v12 =	vadd.f32 v16, v12;
	v16 =	vmul.f32 v18, v57  }
0x8f: {  	v53 =	vld [tilespmem:s9+$0x40];
	v17 =	vmax.f32 v17, v0;
	v18 =	vadd.f32 v23, v34;
	v23 =	vmul.f32 $2.000000030e-01, v19  }
0x90: {  	v14 =	vld [tilespmem:s16+$0xFFFFFF00];
	v17 =	vmul.f32 v17, v58;
	v16 =	vadd.f32 v16, v12  }
0x91: {  	v10 =	vld [tilespmem:s16+$0x0];
	v19 =	vmax.f32 v19, v23;
	v23 =	vmul.f32 $2.000000030e-01, v21;
	v29 =	vadd.f32 v29, v18  }
0x92: {  	v15 =	vld [tilespmem:s16+$0xFFFFFF10];
	v16 =	vadd.f32 v17, v16;
	v17 =	vmul.f32 v19, v59  }
0x93: {  	v24 =	vld [tilespmem:s9+$0xFFFFFF90];
	v19 =	vmax.f32 v21, v23;
	v21 =	vmul.f32 $2.000000030e-01, v29  }
0x94: {  	v13 =	vld [tilespmem:s16+$0xFFFFFF90];
	v16 =	vadd.f32 v17, v16;
	v17 =	vmul.f32 v19, v61  }
0x95: {  	v20 =	vld [tilespmem:s10+$0xFFFFFF00];
	v19 =	vmax.f32 v29, v21  }
0x96: {  	v22 =	vld [tilespmem:s10+$0xFFFFFF80];
	v37 =	vadd.f32 v37, v10;
	v19 =	vmul.f32 v19, v62;
	v16 =	vadd.f32 v17, v16  }
0x97: {  	v11 =	vld [tilespmem:s16+$0xFFFFFF80]  }
0x98: {  	v36 =	vadd.f32 v1, v37;
	v37 =	vld [tilespmem:s10+$0x20];
	v19 =	vadd.f32 v19, v16  }
0x99: {  	v12 =	vld [tilespmem:s16+$0x10];
	v3 =	vadd.f32 v24, v13  }
0x9a: {  	v23 =	vld [tilespmem:s10+$0xFFFFFF10];
	(xrf2) =	vadd.scan.msk.f32 $0xffff, v19  }
0x9b: {  	v18 =	vld [tilespmem:s16+$0xFFFFFF20];
	v40 =	vadd.f32 v40, v3  }
0x9c: {  	v29 =	vld [tilespmem:s9+$0xFFFFFF20]  }
0x9d: {  	v38 =	vadd.f32 v38, v15;
	v21 =	vld [tilespmem:s16+$0xFFFFFF30];
	v56 =	vmul.f32 $2.000000030e-01, v40  }
0x9e: {  	v39 =	vadd.f32 v39, v12;
	v17 =	vld [tilespmem:s16+$0xFFFFFFA0]  }
0x9f: {  	v48 =	vmul.f32 $2.000000030e-01, v36;
	v3 =	vld [tilespmem:s10+$0x30];
	v23 =	vadd.f32 v23, v38;
	v40 =	vmax.f32 v40, v56  }
0xa0: {  	v38 =	vld [tilespmem:s9+$0x30];
	v39 =	vadd.f32 v42, v39;
	v40 =	vmul.f32 v40, v63;
	v19 =	vadd.f32 v26, v14  }
0xa1: {  	v16 =	vld [tilespmem:s16+$0x20];
	v29 =	vadd.f32 v29, v18;
	v50 =	vmul.f32 $2.000000030e-01, v23;
	v26 =	vadd.f32 v32, v11  }
0xa2: {  	v1 =	vmul.f32 $2.000000030e-01, v39;
	v44 =	vadd.f32 v44, v21;
	v32 =	vld [tilespmem:s9+$0xFFFFFFC0];
	v19 =	vadd.f32 v20, v19  }
0xa3: {  	v55 =	vmax.f32 v23, v50;
	v23 =	vld [tilespmem:s16+$0xFFFFFFC0];
	v41 =	vadd.f32 v41, v17;
	v22 =	vadd.f32 v22, v26  }
0xa4: {  	v29 =	vadd.f32 v2, v29;
	v39 =	vmax.f32 v39, v1;
	v1 =	vld [tilespmem:s10+$0xFFFFFFC0];
	v26 =	vmul.f32 $2.000000030e-01, v19;
	v24, _, _ =	vpop (xrf2)  }
0xa5: {  	v44 =	vadd.f32 v51, v44;
	v50 =	vld [tilespmem:s9+$0x50];
	v46 =	vmul.f32 $2.000000030e-01, v22;
	v49 =	vmul.f32 $1.442695020e+00, v24  }
0xa6: {  	v20 =	vld [tilespmem:s16+$0xFFFFFFB0];
	v2 =	vmul.f32 $2.000000030e-01, v29;
	v43 =	vadd.f32 v43, v16;
	v41 =	vadd.f32 v45, v41  }
0xa7: {  	v26 =	vmax.f32 v19, v26;
	v19 =	vld [tilespmem:s16+$0x30];
	v22 =	vmax.f32 v22, v46;
	v54 =	vbroadcast v49, $0xF  }
0xa8: {  	v37 =	vadd.f32 v37, v43;
	v43 =	vld [tilespmem:s9+$0xFFFFFF50];
	v46 =	vmul.f32 v55, v63;
	v22 =	vmul.f32 v22, v6  }
0xa9: {  	v55 =	vmax.f32 v29, v2;
	v29 =	vld [tilespmem:s16+$0xFFFFFF50];
	v26 =	vmul.f32 v26, v6;
	(erf) = vpow2.f32 v54  }
0xaa: {  	v39 =	vmul.f32 v39, v63;
	v52 =	vadd.f32 $0.0e+00, v22;
	v22 =	vmax.f32 v36, v48;
	v48 =	vld [tilespmem:s9+$0xFFFFFF40]  }
0xab: {  	v56 =	vmul.f32 $2.000000030e-01, v41;
	v26 =	vadd.f32 $0.0e+00, v26;
	v36 =	vld [tilespmem:s10+$0xFFFFFFB0];
	v22 =	vmul.f32 v22, v6  }
0xac: {  	v45 =	vmul.f32 v55, v60;
	v47 =	vadd.f32 v47, v20;
	v24 =	vld [tilespmem:s16+$0xFFFFFF40];
	v38 =	vadd.f32 v38, v19  }
0xad: {  	v41 =	vmax.f32 v41, v56;
	v26 =	vadd.f32 v46, v26;
	v0 =	vadd.f32 $0.0e+00, v22;
	v22 =	vld [tilespmem:s16+$0x40]  }
0xae: {  	v41 =	vmul.f32 v41, v60;
	v40 =	vadd.f32 v40, v52;
	v46 =	vld [tilespmem:s10+$0xFFFFFF40];
	v38 =	vadd.f32 v3, v38  }
0xaf: {  	v2 =	vld [tilespmem:s10+$0x40];
	v43 =	vadd.f32 v43, v29;
	v39 =	vadd.f32 v39, v0;
	v0 =	vmul.f32 $2.000000030e-01, v37  }
0xb0: {  	v52 =	vld [tilespmem:s10+$0xFFFFFFD0];
	v42 =	vadd.f32 v45, v26;
	v36 =	vadd.f32 v36, v47;
	v3 =	vmul.f32 $2.000000030e-01, v38  }
0xb1: {  	v26 =	vld [tilespmem:s16+$0xFFFFFFD0];
	v40 =	vadd.f32 v41, v40;
	v48 =	vadd.f32 v48, v24;
	v37 =	vmax.f32 v37, v0  }
0xb2: {  	v54 =	vld [tilespmem:s9+$0xFFFFFFD0];
	v47 =	vmul.f32 $2.000000030e-01, v36;
	v56 =	vadd.f32 v53, v22;
	v38 =	vmax.f32 v38, v3;
	v49 =	vpop (erf)  }
0xb3: {  	v46 =	vadd.f32 v46, v48;
	v48 =	vld [tilespmem:s9+$0xFFFFFF60];
	v45 =	vmul.f32 v49, v28;
	v28 =	vmul.f32 $2.000000030e-01, v44  }
0xb4: {  	v37 =	vmul.f32 v37, v60;
	v36 =	vmax.f32 v36, v47;
	v38 =	vmul.f32 v38, v57;
	v47 =	vld [tilespmem:s9+$0xFFFFFFE0]  }
0xb5: {  	v41 =	vadd.f32 v2, v56;
	v56 =	vld [tilespmem:s9+$0xFFFFFF70];
	v55 =	vmul.f32 v49, v27;
	v27 =	vmax.f32 v44, v28  }
0xb6: {  	v37 =	vadd.f32 v37, v39;
	v51 =	vmul.f32 v49, v25;
	v25 =	vld [tilespmem:s16+$0x50];
	v27 =	vmul.f32 v27, v57  }
0xb7: {  	v36 =	vmul.f32 v36, v57;
	v3 =	vmul.f32 $2.000000030e-01, v41;
	v28 =	vadd.f32 v32, v23;
	v44 =	vld [tilespmem:s10+$0xFFFFFF50]  }
0xb8: {  	v53 =	vmul.f32 v49, v33;
	v33 =	vld [tilespmem:s16+$0xFFFFFF70];
	v42 =	vadd.f32 v27, v42;
	v27 =	vmul.f32 $2.000000030e-01, v46  }
0xb9: {  	v36 =	vadd.f32 v36, v40;
	v40 =	vmax.f32 v41, v3;
	v32 =	vld [tilespmem:s16+$0xFFFFFF60];
	v0 =	vadd.f32 v1, v28  }
0xba: {  	v54 =	vadd.f32 v54, v26;
	v40 =	vmul.f32 v40, v58;
	v28 =	vld [tilespmem:s16+$0xFFFFFFE0];
	v46 =	vmax.f32 v46, v27  }
0xbb: {  	v37 =	vadd.f32 v38, v37;
	v1 =	vmul.f32 $2.000000030e-01, v0;
	v2 =	vmul.f32 v46, v58;
	v46 =	vld [tilespmem:s10+$0x50]  }
0xbc: {  	v35 =	vmul.f32 v49, v35;
	v34 =	vmul.f32 v49, v34;
	v27 =	vld [tilespmem:s16+$0x60];
	v43 =	vadd.f32 v44, v43  }
0xbd: {  	[tilespmem:s16+$0x80] =	vst v51;
	v51 =	vadd.f32 v40, v37;
	v39 =	vmax.f32 v0, v1;
	v1 =	vadd.f32 v52, v54;
	v52 =	vld [tilespmem:s10+$0xFFFFFF60]  }
0xbe: {  	v50 =	vadd.f32 v50, v25;
	v44 =	vld [tilespmem:s9+$0x60];
	v54 =	vmul.f32 v49, v31;
	v0 =	vmul.f32 $2.000000030e-01, v43  }
0xbf: {  	v40 =	vadd.f32 v48, v32;
	v31 =	vld [tilespmem:s16+$0xFFFFFFF0];
	v39 =	vmul.f32 v39, v58;
	v3 =	vmul.f32 $2.000000030e-01, v1  }
0xc0: {  	[tilespmem:s16+$0x90] =	vst v45;
	v38 =	vadd.f32 v2, v42;
	v2 =	vmax.f32 v43, v0;
	v43 =	vld [tilespmem:s10+$0xFFFFFFE0];
	v41 =	vadd.f32 v46, v50  }
0xc1: {  	[tilespmem:s16+$0xB0] =	vst v53;
	v53 =	vadd.f32 v47, v28;
	v0 =	vmul.f32 v49, v30;
	v30 =	vmax.f32 v1, v3;
	v1 =	vld [tilespmem:s9+$0xFFFFFFF0]  }
0xc2: {  	[tilespmem:s16+$0xA0] =	vst v55;
	v37 =	vld [tilespmem:s10+$0x60];
	v39 =	vadd.f32 v39, v36;
	v52 =	vadd.f32 v52, v40;
	v3 =	vmul.f32 $2.000000030e-01, v41  }
0xc3: {  	[tilespmem:s16+$0xD0] =	vst v35;
	v42 =	vld [tilespmem:s10+$0x70];
	v36 =	vmul.f32 v2, v59;
	v35 =	vadd.f32 v44, v27;
	v2 =	vmul.f32 v30, v59  }
0xc4: {  	[tilespmem:s16+$0xC0] =	vst v54;
	v30 =	vld [tilespmem:s16+$0x70];
	v40 =	vadd.f32 v56, v33;
	v54 =	vmul.f32 $2.000000030e-01, v52;
	v41 =	vmax.f32 v41, v3  }
0xc5: {  	[tilespmem:s16+$0xF0] =	vst v34;
	v46 =	vld [tilespmem:s10+$0xFFFFFFF0];
	v36 =	vadd.f32 v36, v38;
	v55 =	vmul.f32 v41, v59;
	v41 =	vadd.f32 v43, v53  }
0xc6: {  	s7 =	simm.s32 $0x8820;
	[tilespmem:s16+$0xE0] =	vst v0;
	v38 =	vadd.f32 v2, v39;
	v39 =	vld [tilespmem:s9+$0x70];
	v56 =	vmax.f32 v52, v54;
	v45 =	vadd.f32 v1, v31  }
0xc7: {  	s12 =	simm.s32 $0x8820;
	s17 =	simm.s32 $0x0;
	s5 =	simm.s32 $0x1300;
	[tilespmem:s7+$0x10] =	vst v49;
	v43 =	vld [tilespmem:s10+$0xFFFFFF70];
	v48 =	vmul.f32 v56, v61;
	v44 =	vadd.f32 v55, v51;
	v47 =	vmul.f32 $2.000000030e-01, v41  }
.LBB2_10:
0xc8: {  	v34 =	vld [tilespmem:s5+$0xF0]  }
0xc9: {  	v48 =	vadd.f32 v48, v36;
	v36 =	vld [tilespmem:s5+$0xD0]  }
0xca: {  	s9 =	sadd.s32 $0x200, s9;
	v54 =	vmax.f32 v41, v47;
	v41 =	vld [tilespmem:s5+$0x90]  }
0xcb: {  	s10 =	sadd.s32 $0x200, s10;
	v2 =	vld [tilespmem:s9+$0x80]  }
0xcc: {  	v3 =	vld [tilespmem:s10+$0x80]  }
0xcd: {  	v52 =	vld [tilespmem:s9+$0x90]  }
0xce: {  	v49 =	vadd.f32 v37, v35;
	v35 =	vld [tilespmem:s5+$0xE0];
	v43 =	vadd.f32 v43, v40  }
0xcf: {  	v37 =	vld [tilespmem:s5+$0xC0];
	v45 =	vadd.f32 v46, v45  }
0xd0: {  	v55 =	vadd.f32 v39, v30;
	v39 =	vld [tilespmem:s5+$0xB0];
	v0 =	vmul.f32 $2.000000030e-01, v43  }
0xd1: {  	v47 =	vmul.f32 v54, v61;
	v54 =	vld [tilespmem:s9+$0xB0];
	v1 =	vmul.f32 $2.000000030e-01, v45  }
0xd2: {  	v46 =	vmax.f32 v43, v0;
	v43 =	vld [tilespmem:s5+$0x80]  }
0xd3: {  	v56 =	vmul.f32 $2.000000030e-01, v49;
	v42 =	vadd.f32 v42, v55;
	v40 =	vld [tilespmem:s5+$0xA0];
	v45 =	vmax.f32 v45, v1  }
0xd4: {  	v38 =	vadd.f32 v47, v38;
	v55 =	vld [tilespmem:s10+$0xA0];
	v45 =	vmul.f32 v45, v62  }
0xd5: {  	v49 =	vmax.f32 v49, v56;
	v50 =	vmul.f32 $2.000000030e-01, v42;
	v56 =	vld [tilespmem:s9+$0xA0]  }
0xd6: {  	v49 =	vmul.f32 v49, v61;
	v46 =	vmul.f32 v46, v62;
	v38 =	vadd.f32 v45, v38;
	v45 =	vld [tilespmem:s10+$0x90]  }
0xd7: {  	v47 =	vld [tilespmem:s10+$0xC0];
	v42 =	vmax.f32 v42, v50;
	v53 =	vadd.f32 v2, v43  }
0xd8: {  	v44 =	vadd.f32 v49, v44;
	v42 =	vmul.f32 v42, v62;
	v46 =	vadd.f32 v46, v48;
	v2 =	vld [tilespmem:s9+$0xC0]  }
0xd9: {  	v1 =	vadd.f32 v52, v41;
	v52 =	vld [tilespmem:s10+$0xD0];
	v0 =	vadd.f32 v3, v53  }
0xda: {  	v42 =	vadd.f32 v42, v44;
	v44 =	vadd.f32 v56, v40;
	(xrf2) =	vadd.scan.msk.f32 $0xffff, v46;
	v3 =	vld [tilespmem:s10+$0xB0]  }
0xdb: {  	v46 =	vld [tilespmem:s9+$0xD0];
	v45 =	vadd.f32 v45, v1;
	v51 =	vmul.f32 $2.000000030e-01, v0  }
0xdc: {  	v50 =	vld [tilespmem:s10+$0xF0];
	v56 =	vadd.f32 v54, v39;
	v44 =	vadd.f32 v55, v44  }
0xdd: {  	(xrf2) =	vadd.scan.msk.f32 $0xffff, v38;
	v1 =	vld [tilespmem:s9+$0xE0];
	v48 =	vadd.f32 v2, v37;
	v38 =	vmax.f32 v0, v51;
	v0 =	vmul.f32 $2.000000030e-01, v45  }
0xde: {  	v54 =	vld [tilespmem:s10+$0xE0];
	v2 =	vmul.f32 $2.000000030e-01, v44;
	v38 =	vmul.f32 v38, v6  }
0xdf: {  	(xrf2) =	vadd.scan.msk.f32 $0xffff, v42;
	v42 =	vadd.f32 v3, v56;
	v3 =	vld [tilespmem:s9+$0xF0];
	v47 =	vadd.f32 v47, v48;
	v45 =	vmax.f32 v45, v0  }
0xe0: {  	v55 =	vld [tilespmem:s9+$0xFFFFFF00];
	v46 =	vadd.f32 v46, v36;
	v44 =	vmax.f32 v44, v2;
	v45 =	vmul.f32 v45, v63  }
0xe1: {  	v48 =	vld [tilespmem:s5+$0xFFFFFF80];
	v38 =	vadd.f32 $0.0e+00, v38;
	v0 =	vmul.f32 $2.000000030e-01, v42;
	v2 =	vmul.f32 $2.000000030e-01, v47  }
0xe2: {  	v46 =	vadd.f32 v52, v46;
	v52 =	vld [tilespmem:s9+$0xFFFFFF80];
	v44 =	vmul.f32 v44, v60;
	v1 =	vadd.f32 v1, v35  }
0xe3: {  	v8 =	vmovc v60;
	v60 =	vld [tilespmem:s5+$0xFFFFFF20];
	v38 =	vadd.f32 v45, v38;
	v42 =	vmax.f32 v42, v0;
	v47 =	vmax.f32 v47, v2  }
0xe4: {  	v53, _, _ =	vpop (xrf2);
	v42 =	vmul.f32 v42, v57;
	v49 =	vadd.f32 v3, v34;
	v3 =	vmul.f32 $2.000000030e-01, v46;
	v57 =	vld [tilespmem:s9+$0x0]  }
0xe5: {  	v45 =	vadd.f32 v54, v1;
	v0 =	vmul.f32 v47, v58;
	v47 =	vmul.f32 $1.442695020e+00, v53;
	v53 =	vld [tilespmem:s5+$0xFFFFFF00]  }
0xe6: {  	v9 =	vmov v58;
	v58 =	vld [tilespmem:s5+$0xFFFFFF10];
	v44 =	vadd.f32 v44, v38  }
0xe7: {  	v38 =	vld [tilespmem:s5+$0x0];
	v1 =	vmul.f32 $2.000000030e-01, v45;
	v46 =	vmax.f32 v46, v3  }
0xe8: {  	v56, _, _ =	vpop (xrf2);
	v49 =	vadd.f32 v50, v49;
	v50 =	vld [tilespmem:s5+$0xFFFFFF90];
	v47 =	vbroadcast v47, $0xF;
	v42 =	vadd.f32 v42, v44  }
0xe9: {  	v2 =	vmul.f32 v46, v59;
	v46 =	vmul.f32 $1.442695020e+00, v56;
	v56 =	vld [tilespmem:s10+$0xFFFFFF00]  }
0xea: {  	v54, _, _ =	vpop (xrf2);
	v45 =	vmax.f32 v45, v1;
	v59 =	vld [tilespmem:s9+$0xFFFFFF10];
	v3 =	vmul.f32 $2.000000030e-01, v49;
	v42 =	vadd.f32 v0, v42  }
0xeb: {  	v1 =	vmul.f32 $1.442695020e+00, v54;
	v44 =	vld [tilespmem:s5+$0x10];
	v0 =	vmul.f32 v45, v61  }
0xec: {  	v46 =	vbroadcast v46, $0xF;
	v49 =	vmax.f32 v49, v3;
	v3 =	vld [tilespmem:s10+$0xFFFFFF80];
	v42 =	vadd.f32 v2, v42  }
0xed: {  	(erf) = vpow2.f32 v47;
	v45 =	vbroadcast v1, $0xF;
	v1 =	vld [tilespmem:s9+$0x10];
	v2 =	vadd.f32 v55, v53  }
0xee: {  	v49 =	vmul.f32 v49, v62;
	(erf) = vpow2.f32 v46;
	v46 =	vld [tilespmem:s10+$0xFFFFFF10];
	v42 =	vadd.f32 v0, v42  }
0xef: {  	v52 =	vadd.f32 v52, v48;
	v51 =	vadd.f32 v56, v2;
	v56 =	vld [tilespmem:s10+$0x0]  }
0xf0: {  	v54 =	vadd.f32 v57, v38;
	v57 =	vld [tilespmem:s9+$0xFFFFFF90];
	v42 =	vadd.f32 v49, v42  }
0xf1: {  	v47 =	vadd.f32 v59, v58;
	v59 =	vld [tilespmem:s9+$0xFFFFFFA0];
	v0 =	vmul.f32 $2.000000030e-01, v51;
	v2 =	vadd.f32 v3, v52  }
0xf2: {  	v52 =	vld [tilespmem:s9+$0xFFFFFF20];
	(xrf2) =	vadd.scan.msk.f32 $0xffff, v42  }
0xf3: {  	v49 =	vld [tilespmem:s5+$0xFFFFFFA0];
	v47 =	vadd.f32 v46, v47;
	v3 =	vmax.f32 v51, v0;
	v55 =	vmul.f32 $2.000000030e-01, v2  }
0xf4: {  	(erf) = vpow2.f32 v45;
	v0 =	vld [tilespmem:s9+$0x20];
	v45 =	vmul.f32 v3, v6;
	v54 =	vadd.f32 v56, v54  }
0xf5: {  	v61 =	vmul.f32 $2.000000030e-01, v47;
	v42 =	vmax.f32 v2, v55;
	v55 =	vld [tilespmem:s10+$0xFFFFFF90]  }
0xf6: {  	v56 =	vadd.f32 $0.0e+00, v45;
	v3 =	vmul.f32 v42, v6;
	v42 =	vmul.f32 $2.000000030e-01, v54;
	v45 =	vld [tilespmem:s5+$0x20]  }
0xf7: {  	v51 =	vadd.f32 v57, v50;
	v62 =	vpop (erf);
	v47 =	vmax.f32 v47, v61;
	v61 =	vld [tilespmem:s10+$0xFFFFFF20]  }
0xf8: {  	v57 =	vadd.f32 v1, v44;
	v4 =	vmul.f32 v62, v15;
	v2 =	vmax.f32 v54, v42;
	v54 =	vld [tilespmem:s10+$0x10]  }
0xf9: {  	v7 =	vmovc v63;
	v52 =	vadd.f32 v52, v60;
	v63 =	vadd.f32 $0.0e+00, v3;
	v3 =	vmul.f32 v62, v14;
	v14 =	vmovc v53;
	v53 =	vld [tilespmem:s9+$0xFFFFFF30]  }
0xfa: {  	v1 =	vmul.f32 v2, v6;
	v2 =	vld [tilespmem:s5+$0xFFFFFF30];
	[tilespmem:s16+$0xFFFFFF10] =	vst v4;
	v4 =	vmul.f32 v62, v18;
	v55 =	vadd.f32 v55, v51  }
0xfb: {  	v47 =	vmul.f32 v47, v7;
	v18 =	vmov v60;
	v60 =	vld [tilespmem:s9+$0x30]  }
0xfc: {  	v15 =	vmov v58;
	[tilespmem:s16+$0xFFFFFF20] =	vst v4;
	v4 =	vadd.f32 v61, v52;
	v61 =	vld [tilespmem:$0x1FFE0];
	v58 =	vmul.f32 $2.000000030e-01, v55;
	v51, _, _ =	vpop (xrf2)  }
0xfd: {  	[tilespmem:s16+$0xFFFFFF00] =	vst v3;
	v3 =	vadd.f32 v54, v57;
	v54 =	vadd.f32 v47, v56;
	v56 =	vld [tilespmem:s9+$0xFFFFFFB0];
	v5 =	vmul.f32 $1.442695020e+00, v51  }
0xfe: {  	v52 =	vmul.f32 v62, v21;
	v47 =	vmax.f32 v55, v58;
	v55 =	vld [tilespmem:s10+$0xFFFFFFA0];
	v58 =	vmul.f32 $2.000000030e-01, v4  }
0xff: {  	v51 =	vld [tilespmem:s5+$0xFFFFFFB0];
	v21 =	vmov v2;
	v57 =	vmul.f32 $2.000000030e-01, v3;
	v5 =	vbroadcast v5, $0xF  }
0x100: {  	v46 =	vpop (erf);
	v59 =	vadd.f32 v59, v49;
	v2 =	vadd.f32 v53, v21;
	v53 =	vld [tilespmem:s10+$0x20];
	v4 =	vmax.f32 v4, v58  }
0x101: {  	v42 =	vpop (erf);
	[tilespmem:s16+$0xFFFFFF30] =	vst v52;
	v58 =	vld [tilespmem:s5+$0xFFFFFFC0];
	v3 =	vmax.f32 v3, v57;
	v57 =	vmul.f32 v62, v24;
	(erf) = vpow2.f32 v5  }
0x102: {  	v1 =	vadd.f32 $0.0e+00, v1;
	v24 =	vld [tilespmem:s5+$0xFFFFFF40];
	v3 =	vmul.f32 v3, v7  }
0x103: {  	v0 =	vadd.f32 v0, v45;
	v5 =	vmul.f32 v47, v7;
	v47 =	vld [tilespmem:s5+$0x30];
	v52 =	vadd.f32 v55, v59;
	[tilespmem:s16+$0xFFFFFF40] =	vst v57  }
0x104: {  	v32 =	vmul.f32 v62, v32;
	v55 =	vld [tilespmem:s10+$0xFFFFFF30];
	v1 =	vadd.f32 v3, v1  }
0x105: {  	v3 =	vmul.f32 v4, v8;
	v4 =	vld [tilespmem:s9+$0xFFFFFF40];
	v0 =	vadd.f32 v53, v0;
	v57 =	vmul.f32 $2.000000030e-01, v52  }
0x106: {  	v29 =	vmul.f32 v62, v29;
	[tilespmem:s16+$0xFFFFFF60] =	vst v32;
	v32 =	vmul.f32 v46, v11;
	v11 =	vmov v48;
	v48 =	vld [tilespmem:s5+$0x40]  }
0x107: {  	v3 =	vadd.f32 v3, v54;
	v54 =	vld [tilespmem:s9+$0xFFFFFFC0];
	v59 =	vmax.f32 v52, v57;
	v57 =	vmul.f32 $2.000000030e-01, v0  }
0x108: {  	v5 =	vadd.f32 v5, v63;
	[tilespmem:s16+$0xFFFFFF50] =	vst v29;
	v29 =	vmul.f32 v62, v33;
	v52 =	vld [tilespmem:s10+$0xFFFFFFB0]  }
0x109: {  	v33 =	vmul.f32 v59, v8;
	v2 =	vadd.f32 v55, v2;
	v0 =	vmax.f32 v0, v57;
	v57 =	vld [tilespmem:$0x1FFC0]  }
0x10a: {  	[tilespmem:s16+$0xFFFFFF70] =	vst v29;
	v55 =	vld [tilespmem:s10+$0x30];
	v0 =	vmul.f32 v0, v8;
	v59 =	vpop (erf)  }
0x10b: {  	[tilespmem:s16+$0xFFFFFF80] =	vst v32;
	v5 =	vadd.f32 v33, v5;
	v33 =	vld [tilespmem:s9+$0x40];
	v32 =	vmul.f32 $2.000000030e-01, v2;
	v29 =	vmul.f32 v59, v43  }
0x10c: {  	[tilespmem:s7+$0xFFFFFFE0] =	vst v62;
	v43 =	vmul.f32 v46, v13;
	v41 =	vmul.f32 v59, v41;
	v13 =	vmov v50;
	v50 =	vld [tilespmem:s10+$0xFFFFFFC0]  }
0x10d: {  	v40 =	vmul.f32 v59, v40;
	v0 =	vadd.f32 v0, v1;
	v1 =	vmul.f32 v59, v34;
	v34 =	vld [tilespmem:s9+$0xFFFFFFD0];
	[tilespmem:s5+$0x80] =	vst v29  }
0x10e: {  	v56 =	vadd.f32 v56, v51;
	v39 =	vmul.f32 v59, v39;
	v2 =	vmax.f32 v2, v32;
	v32 =	vld [tilespmem:s10+$0xFFFFFF40];
	[tilespmem:s5+$0x90] =	vst v41  }
0x10f: {  	v37 =	vmul.f32 v59, v37;
	v29 =	vld [tilespmem:s5+$0xFFFFFF50];
	[tilespmem:s5+$0xA0] =	vst v40  }
0x110: {  	v56 =	vadd.f32 v52, v56;
	v35 =	vmul.f32 v59, v35;
	v40 =	vld [tilespmem:s9+$0xFFFFFF50];
	[tilespmem:s5+$0xB0] =	vst v39  }
0x111: {  	v53 =	vadd.f32 v60, v47;
	v41 =	vadd.f32 v54, v58;
	v54 =	vmul.f32 v59, v36;
	v36 =	vld [tilespmem:s5+$0xFFFFFFD0];
	[tilespmem:s5+$0xC0] =	vst v37  }
0x112: {  	v52 =	vmul.f32 $2.000000030e-01, v56;
	v2 =	vmul.f32 v2, v57;
	[tilespmem:s5+$0xE0] =	vst v35;
	v37 =	vld [tilespmem:s10+$0x40]  }
0x113: {  	v31 =	vmul.f32 v46, v31;
	v4 =	vadd.f32 v4, v24;
	v39 =	vadd.f32 v55, v53;
	[tilespmem:s5+$0xF0] =	vst v1;
	v53 =	vld [tilespmem:s9+$0x50]  }
0x114: {  	v35 =	vmul.f32 v46, v20;
	[tilespmem:s16+$0xFFFFFF90] =	vst v43;
	v43 =	vld [tilespmem:s5+$0x60];
	v55 =	vmax.f32 v56, v52;
	v2 =	vadd.f32 v2, v3  }
0x115: {  	s7 =	sadd.s32 $0x40, s7;
	[tilespmem:s5+$0xD0] =	vst v54;
	v56 =	vmul.f32 $2.000000030e-01, v39;
	v52 =	vld [tilespmem:s5+$0x50];
	v3 =	vmul.f32 v55, v57;
	v4 =	vadd.f32 v32, v4  }
0x116: {  	v33 =	vadd.f32 v33, v48;
	v54 =	vmul.f32 v46, v23;
	[tilespmem:s7+$0x10] =	vst v59;
	v59 =	vld [tilespmem:$0x1FFD0];
	v55 =	vmul.f32 v46, v26  }
0x117: {  	[tilespmem:s16+$0xFFFFFFB0] =	vst v35;
	v32 =	vld [tilespmem:s5+$0xFFFFFF60];
	v3 =	vadd.f32 v3, v5;
	v5 =	vmax.f32 v39, v56;
	v56 =	vmul.f32 $2.000000030e-01, v4  }
0x118: {  	v1 =	vmul.f32 v46, v17;
	v20 =	vmov v51;
	v41 =	vadd.f32 v50, v41;
	[tilespmem:s16+$0xFFFFFFC0] =	vst v54;
	v39 =	vld [tilespmem:s10+$0xFFFFFF50]  }
0x119: {  	v51 =	vmul.f32 v46, v28;
	v50 =	vadd.f32 v37, v33;
	[tilespmem:s16+$0xFFFFFFD0] =	vst v55;
	v33 =	vld [tilespmem:s5+$0xFFFFFF70];
	v4 =	vmax.f32 v4, v56  }
0x11a: {  	v17 =	vmov v49;
	[tilespmem:s16+$0xFFFFFFA0] =	vst v1;
	v49 =	vmul.f32 $2.000000030e-01, v41;
	v28 =	vld [tilespmem:s5+$0xFFFFFFE0];
	v4 =	vmul.f32 v4, v9  }
0x11b: {  	v40 =	vadd.f32 v40, v29;
	v34 =	vadd.f32 v34, v36;
	v5 =	vmul.f32 v5, v57;
	v54 =	vld [tilespmem:s10+$0xFFFFFFD0]  }
0x11c: {  	v26 =	vmovc v36;
	v55 =	vld [tilespmem:s9+$0xFFFFFFE0];
	[tilespmem:s16+$0xFFFFFFE0] =	vst v51;
	v56 =	vmul.f32 $2.000000030e-01, v50;
	v2 =	vadd.f32 v4, v2;
	v4 =	vmax.f32 v41, v49  }
0x11d: {  	[tilespmem:s16+$0xFFFFFFF0] =	vst v31;
	v31 =	vmul.f32 v42, v12;
	v0 =	vadd.f32 v5, v0;
	v5 =	vld [tilespmem:s9+$0xFFFFFF60];
	v4 =	vmul.f32 v4, v9  }
0x11e: {  	v12 =	vmovc v44;
	v36 =	vadd.f32 v53, v52;
	v1 =	vmax.f32 v50, v56;
	v50 =	vld [tilespmem:s9+$0x60];
	v49 =	vmul.f32 v42, v10  }
0x11f: {  	v51 =	vmul.f32 v42, v19;
	[tilespmem:s12+$0xFFFFFFF0] =	vst v46;
	v39 =	vadd.f32 v39, v40;
	v3 =	vadd.f32 v4, v3;
	v4 =	vld [tilespmem:s10+$0x50]  }
0x120: {  	v37 =	vld [tilespmem:s9+$0xFFFFFF70];
	v56 =	vmul.f32 v42, v25;
	v25 =	vmovc v52;
	v52 =	vmul.f32 v42, v27;
	v10 =	vmov v38;
	[tilespmem:s16+$0x0] =	vst v49  }
0x121: {  	v34 =	vadd.f32 v54, v34;
	v38 =	vld [tilespmem:s10+$0xFFFFFF60];
	v44 =	vadd.f32 v55, v28;
	v55 =	vmul.f32 v42, v22;
	[tilespmem:s16+$0x10] =	vst v31  }
0x122: {  	v62 =	vld [tilespmem:$0x1FFF0];
	v1 =	vmul.f32 v1, v9;
	v40 =	vmul.f32 $2.000000030e-01, v39;
	[tilespmem:s16+$0x30] =	vst v51  }
0x123: {  	v19 =	vmovc v47;
	v5 =	vadd.f32 v5, v32;
	v54 =	vmul.f32 $2.000000030e-01, v34;
	v31 =	vmul.f32 v42, v16;
	v49 =	vld [tilespmem:s10+$0xFFFFFFE0];
	[tilespmem:s16+$0x40] =	vst v55  }
0x124: {  	v40 =	vmax.f32 v39, v40;
	[tilespmem:s16+$0x50] =	vst v56;
	v35 =	vadd.f32 v50, v43;
	v50 =	vld [tilespmem:s9+$0xFFFFFFF0];
	v4 =	vadd.f32 v4, v36  }
0x125: {  	s17 =	sadd.s32 $0x4, s17;
	v0 =	vadd.f32 v1, v0;
	v53 =	vmul.f32 v40, v59;
	v47 =	vmax.f32 v34, v54;
	[tilespmem:s16+$0x20] =	vst v31;
	v31 =	vld [tilespmem:s5+$0xFFFFFFF0]  }
0x126: {  	p1 =	slt.u32 s17, $0x24;
	v40 =	vadd.f32 v37, v33;
	v5 =	vadd.f32 v38, v5;
	v37 =	vld [tilespmem:s10+$0x60];
	v51 =	vmul.f32 $2.000000030e-01, v4  }
.Ltmp4:
0x127: {  	v1 =	vmul.f32 v47, v59;
	v39 =	vld [tilespmem:s9+$0x70];
	v36 =	vadd.f32 v53, v2;
	v53 =	vmul.f32 v42, v30;
	(pc) =	sbr.rel @p1 .LBB2_10-.Ltmp4, $4  }
0x128: {  	v63 =	vmovc v7;
	v60 =	vmovc v8;
	v23 =	vmov v58;
	v55 =	vmul.f32 $2.000000030e-01, v5;
	v30 =	vld [tilespmem:s5+$0x70];
	[tilespmem:s16+$0x60] =	vst v52;
	v54 =	vmax.f32 v4, v51  }
0x129: {  	v46 =	vld [tilespmem:s10+$0xFFFFFFF0];
	v38 =	vadd.f32 v1, v3;
	v41 =	vadd.f32 v49, v44;
	[tilespmem:s16+$0x70] =	vst v53;
	v1 =	vmul.f32 v54, v59  }
0x12a: {  	v27 =	vmovc v43;
	v16 =	vmov v45;
	v43 =	vld [tilespmem:s10+$0xFFFFFF70];
	v56 =	vmax.f32 v5, v55;
	v45 =	vadd.f32 v50, v31;
	[tilespmem:s12+$0x0] =	vst v42  }
0x12b: {  	v58 =	vmovc v9;
	v22 =	vmovc v48;
	s16 =	smov.u32 s5;
	v48 =	vmul.f32 v56, v61;
	v47 =	vmul.f32 $2.000000030e-01, v41;
	s5 =	sadd.s32 $0x200, s5;
	s12 =	smov.u32 s7;
	v42 =	vld [tilespmem:s10+$0x70];
	v44 =	vadd.f32 v1, v0  }
0x12c: {  	_ =	sdelay $0x2  }
0x12d: {  	v0 =	vadd.f32 v43, v40;
	_ =	sdelay $0x1  }
0x12e: {  	v1 =	vmul.f32 $2.000000030e-01, v0;
	_ =	sdelay $0x1  }
0x12f: {  	v0 =	vmax.f32 v0, v1  }
0x130: {  	v55 =	vadd.f32 v48, v36;
	v0 =	vmul.f32 v0, v62;
	_ =	sdelay $0x1  }
0x131: {  	v0 =	vadd.f32 v0, v55;
	_ =	sdelay $0x1  }
0x132: {  	v56 =	vadd.f32 v46, v45;
	(xrf2) =	vadd.scan.msk.f32 $0xffff, v0;
	_ =	sdelay $0x1  }
0x133: {  	v34 =	vmax.f32 v41, v47;
	v2 =	vmul.f32 $2.000000030e-01, v56  }
0x134: {  	v0 =	vmul.f32 v34, v61  }
0x135: {  	v1 =	vmax.f32 v56, v2  }
0x136: {  	v1 =	vmul.f32 v1, v62;
	v0 =	vadd.f32 v0, v38  }
0x137: {  	v35 =	vadd.f32 v37, v35  }
0x138: {  	v3 =	vadd.f32 v39, v30;
	v0 =	vadd.f32 v1, v0;
	_ =	sdelay $0x1  }
0x139: {  	v36 =	vmul.f32 $2.000000030e-01, v35;
	v3 =	vadd.f32 v42, v3;
	(xrf2) =	vadd.scan.msk.f32 $0xffff, v0  }
0x13a: {  	v37, _, _ =	vpop (xrf2)  }
0x13b: {  	v38 =	vmul.f32 $2.000000030e-01, v3;
	v1 =	vmax.f32 v35, v36;
	v0 =	vmul.f32 $1.442695020e+00, v37  }
0x13c: {  	v1 =	vmul.f32 v1, v61  }
0x13d: {  	v2 =	vmax.f32 v3, v38;
	v0 =	vbroadcast v0, $0xF  }
0x13e: {  	v2 =	vmul.f32 v2, v62;
	v1 =	vadd.f32 v1, v44  }
0x13f: {  	(erf) = vpow2.f32 v0  }
0x140: {  	v39 =	vadd.f32 v2, v1;
	_ =	sdelay $0x1  }
0x141: {  	(xrf2) =	vadd.scan.msk.f32 $0xffff, v39  }
0x142: {  	v40, _, _ =	vpop (xrf2)  }
0x143: {  	v0 =	vmul.f32 $1.442695020e+00, v40;
	_ =	sdelay $0x1  }
0x144: {  	v0 =	vbroadcast v0, $0xF;
	_ =	sdelay $0x1  }
0x145: {  	(erf) = vpow2.f32 v0;
	v41 =	vpop (erf)  }
0x146: {  	v42 =	vmul.f32 v41, v14  }
0x147: {  	v43 =	vmul.f32 v41, v15  }
0x148: {  	v44 =	vmul.f32 v41, v18;
	[tilespmem:s16+$0xFFFFFF00] =	vst v42  }
0x149: {  	v45, _, _ =	vpop (xrf2);
	v46 =	vmul.f32 v41, v21;
	[tilespmem:s16+$0xFFFFFF10] =	vst v43  }
0x14a: {  	v3 =	vmul.f32 $1.442695020e+00, v45;
	v47 =	vmul.f32 v41, v24;
	[tilespmem:s16+$0xFFFFFF20] =	vst v44  }
0x14b: {  	v48 =	vmul.f32 v41, v29;
	[tilespmem:s16+$0xFFFFFF30] =	vst v46  }
0x14c: {  	v3 =	vbroadcast v3, $0xF;
	v49 =	vmul.f32 v41, v32;
	[tilespmem:s16+$0xFFFFFF40] =	vst v47  }
0x14d: {  	v50 =	vmul.f32 v41, v33;
	[tilespmem:s16+$0xFFFFFF50] =	vst v48  }
0x14e: {  	(erf) = vpow2.f32 v3;
	[tilespmem:s16+$0xFFFFFF60] =	vst v49;
	v51 =	vpop (erf)  }
0x14f: {  	[tilespmem:s16+$0xFFFFFF70] =	vst v50;
	v52 =	vmul.f32 v51, v11  }
0x150: {  	[tilespmem:s7+$0xFFFFFFE0] =	vst v41;
	v53 =	vmul.f32 v51, v13  }
0x151: {  	v54 =	vmul.f32 v51, v17;
	[tilespmem:s16+$0xFFFFFF80] =	vst v52  }
0x152: {  	v55 =	vmul.f32 v51, v20;
	[tilespmem:s16+$0xFFFFFF90] =	vst v53  }
0x153: {  	v56 =	vmul.f32 v51, v23;
	[tilespmem:s16+$0xFFFFFFA0] =	vst v54  }
0x154: {  	v32 =	vmul.f32 v51, v26;
	[tilespmem:s16+$0xFFFFFFB0] =	vst v55  }
0x155: {  	v33 =	vmul.f32 v51, v28;
	[tilespmem:s16+$0xFFFFFFC0] =	vst v56  }
0x156: {  	v34 =	vmul.f32 v51, v31;
	[tilespmem:s16+$0xFFFFFFD0] =	vst v32  }
0x157: {  	[tilespmem:s16+$0xFFFFFFE0] =	vst v33;
	v35 =	vpop (erf)  }
0x158: {  	[tilespmem:s16+$0xFFFFFFF0] =	vst v34;
	v36 =	vmul.f32 v35, v10  }
0x159: {  	[tilespmem:s12+$0xFFFFFFF0] =	vst v51;
	v37 =	vmul.f32 v35, v12  }
0x15a: {  	v38 =	vmul.f32 v35, v16;
	[tilespmem:s16+$0x0] =	vst v36  }
0x15b: {  	v39 =	vmul.f32 v35, v19;
	[tilespmem:s16+$0x10] =	vst v37  }
0x15c: {  	v40 =	vmul.f32 v35, v22;
	[tilespmem:s16+$0x20] =	vst v38  }
0x15d: {  	s5 =	sshll.u32 s18, $0x7;
	v4 =	vlaneseq.u32;
	v41 =	vmul.f32 v35, v25;
	[tilespmem:s16+$0x30] =	vst v39  }
0x15e: {  	v43 =	vor.u32 s5, v4;
	v42 =	vmul.f32 v35, v27;
	[tilespmem:s16+$0x40] =	vst v40  }
0x15f: {  	v44 =	vmul.f32 v35, v30;
	[tilespmem:s16+$0x50] =	vst v41  }
0x160: {  	v5 =	vmul.u32 $0x10, v4;
	[tilespmem:s16+$0x60] =	vst v42  }
0x161: {  	[tilespmem:s16+$0x70] =	vst v44  }
0x162: {  	[tilespmem:s12+$0x0] =	vst v35  }
0x163: {  	v0 =	vld.idx.msk [tilespmem:v43+s23+$0x0], $0xffff;
	_ =	sdelay $0x2  }
0x164: {  	v45 =	vor.u32 $0x10, v4;
	v1 =	vld.idx.msk [tilespmem:v5+s22+$0x0], $0xffff  }
0x165: {  	v2 =	vor.u32 s5, v45;
	_ =	sdelay $0x2  }
0x166: {  	v46 =	vor.u32 $0x100, v5  }
0x167: {  	[tilespmem:v0+s25+$0x0] =	vst.idx.add.f32.msk $0xffff, v1  }
0x168: {  	v0 =	vld.idx.msk [tilespmem:v2+s23+$0x0], $0xffff;
	_ =	sdelay $0x2  }
0x169: {  	v47 =	vor.u32 $0x20, v4;
	v1 =	vld.idx.msk [tilespmem:v46+s22+$0x0], $0xffff  }
0x16a: {  	v2 =	vor.u32 s5, v47;
	_ =	sdelay $0x2  }
0x16b: {  	v48 =	vor.u32 $0x200, v5  }
0x16c: {  	[tilespmem:v0+s25+$0x0] =	vst.idx.add.f32.msk $0xffff, v1  }
0x16d: {  	v0 =	vld.idx.msk [tilespmem:v2+s23+$0x0], $0xff;
	_ =	sdelay $0x2  }
0x16e: {  	[tilespmem:$0x1FF70] =	vst v45;
	v1 =	vld.idx.msk [tilespmem:v48+s22+$0x0], $0xff  }
0x16f: {  	[tilespmem:$0x1FF80] =	vst v46  }
0x170: {  	[tilespmem:$0x1FF90] =	vst v47  }
0x171: {  	s17 =	sshll.u32 s15, $0x8;
	[tilespmem:$0x1FFA0] =	vst v5  }
0x172: {  	[tilespmem:$0x1FFB0] =	vst v48;
	s5 =	sand.u32 $0x3FFFFF00, s17  }
0x173: {  	s5 =	sadd.s32 $0x800, s5;
	[tilespmem:v0+s25+$0x0] =	vst.idx.add.f32.msk $0xff, v1  }
0x174: {  	[spmem:s3] =	stream.indirect.scatter.add.f32 [tilespmem:s20], [sflag:$0x7], $0x80, s5, s24, $0xb8;
	[tilespmem:$0x1EB80] =	vst v63  }
0x175: {  	_ =	swait.ge [sflag:s26], $0x1400  }
0x176: {  	[sflag:s26] =	ssyncset.done $0x0  }
0x177: {  	[sflag:s26] =	ssyncadd.s32 $0xFFFFEC00  }
0x178: {  	_ =	swait.ge [sflag:s4], $0x1400  }
0x179: {  	[sflag:s4] =	ssyncset.done $0x0  }
0x17a: {  	[sflag:s4] =	ssyncadd.s32 $0xFFFFEC00  }
0x17b: {  	_ =	swait.ge [sflag:s13], $0x1400  }
0x17c: {  	p1 =	seq.s32 s15, $0x4;
	[sflag:s13] =	ssyncset.done $0x0  }
0x17d: {  	s5 =	simm.s32 @!p1 $0x7;
	[sflag:s13] =	ssyncadd.s32 $0xFFFFEC00  }
0x17e: {  	_ =	swait.ge @!p1 [sflag:s5], $0x1400  }
0x17f: {  	[sflag:s5] =	ssyncset.done @!p1 $0x0  }
0x180: {  	s9 =	simm.s32 @!p1 $0x28;
	[sflag:s5] =	ssyncadd.s32 @!p1 $0xFFFFEC00;
	s5 =	sadd.s32 @!p1 $0x2, s18  }
0x181: {  	s10 =	simm.s32 @!p1 $0x1000;
	s7 =	sshll.u32 @!p1 s5, $0x7;
	s5 =	smul.u32 @!p1 $0x28, s5  }
0x182: {  	[tilespmem:s10], [sflag:$0x1] =	stream.indirect.gather @!p1 [hbm4b:s1+s9], $0x80, s7, s9, $0xb8;
	[tilespmem:$0x1EB80] =	vst v63  }
0x183: {  	s7 =	sadd.s32 @!p1 $0x800, s7;
	s10 =	simm.s32 @!p1 $0x3800;
	s5 =	sadd.s32 @!p1 s14, s5  }
0x184: {  	[tilespmem:s10], [sflag:$0x3] =	stream.indirect.gather @!p1 [hbm4b:s6+s9], $0x80, s7, s9, $0xb8;
	[tilespmem:$0x1EB80] =	vst v63  }
0x185: {  	s16 =	simm.s32 $0x2500;
	s5 =	sshll.u32 @!p1 s5, $0x4  }
0x186: {  	s7 =	simm.s32 @!p1 $0x0;
	s9 =	simm.s32 @!p1 $0x6000;
	s5 =	sadd.s32 @!p1 s8, s5  }
0x187: {  	[tilespmem:s9], [sflag:$0x5] =	stream.linear.gather @!p1 [hbm4b:s5+s7], $0x1400, $0x38;
	[tilespmem:$0x1EB80] =	vst v63  }
0x188: {  	v39 =	vld [tilespmem:s16+$0xF0]  }
0x189: {  	v35 =	vld [tilespmem:s16+$0xE0]  }
0x18a: {  	v40 =	vld [tilespmem:s16+$0xD0]  }
0x18b: {  	v36 =	vld [tilespmem:s16+$0xC0]  }
0x18c: {  	v38 =	vld [tilespmem:s16+$0xB0]  }
0x18d: {  	v32 =	vld [tilespmem:s16+$0xA0]  }
0x18e: {  	v33 =	vld [tilespmem:s16+$0x90]  }
0x18f: {  	s9 =	simm.s32 $0x4D00;
	v30 =	vld [tilespmem:s16+$0x80]  }
0x190: {  	s10 =	simm.s32 $0x7500;
	v49 =	vld [tilespmem:s9+$0x80]  }
0x191: {  	v50 =	vld [tilespmem:s10+$0x80]  }
0x192: {  	v51 =	vld [tilespmem:s9+$0x90]  }
0x193: {  	v52 =	vld [tilespmem:s10+$0x90]  }
0x194: {  	v4 =	vld [tilespmem:s9+$0xA0]  }
0x195: {  	v5 =	vld [tilespmem:s9+$0xB0]  }
0x196: {  	v15 =	vld [tilespmem:s10+$0xA0]  }
0x197: {  	v17 =	vld [tilespmem:s9+$0xC0]  }
0x198: {  	v18 =	vld [tilespmem:s10+$0xB0]  }
0x199: {  	v20 =	vld [tilespmem:s9+$0xD0]  }
0x19a: {  	v21 =	vld [tilespmem:s10+$0xC0]  }
0x19b: {  	v22 =	vld [tilespmem:s9+$0xE0]  }
0x19c: {  	v23 =	vld [tilespmem:s10+$0xD0]  }
0x19d: {  	v24 =	vld [tilespmem:s9+$0xF0]  }
0x19e: {  	v25 =	vld [tilespmem:s10+$0xE0];
	v0 =	vadd.f32 v49, v30  }
0x19f: {  	v54 =	vld [tilespmem:s9+$0xFFFFFF00]  }
0x1a0: {  	v26 =	vld [tilespmem:s10+$0xF0];
	v53 =	vadd.f32 v51, v33;
	v0 =	vadd.f32 v50, v0  }
0x1a1: {  	v16 =	vld [tilespmem:s16+$0xFFFFFF80]  }
0x1a2: {  	v27 =	vld [tilespmem:s9+$0x0];
	v45 =	vadd.f32 v4, v32;
	v1 =	vadd.f32 v52, v53;
	v19 =	vmul.f32 $2.000000030e-01, v0  }
0x1a3: {  	v29 =	vld [tilespmem:s10+$0xFFFFFF00];
	v4 =	vadd.f32 v5, v38  }
0x1a4: {  	v31 =	vld [tilespmem:s9+$0xFFFFFF10];
	v3 =	vadd.f32 v15, v45;
	v0 =	vmax.f32 v0, v19;
	v19 =	vmul.f32 $2.000000030e-01, v1  }
0x1a5: {  	v34 =	vld [tilespmem:s10+$0x0];
	v17 =	vadd.f32 v17, v36;
	v0 =	vmul.f32 v0, v6  }
0x1a6: {  	v37 =	vld [tilespmem:s9+$0x10];
	v4 =	vadd.f32 v18, v4;
	v28 =	vmul.f32 $2.000000030e-01, v3;
	v1 =	vmax.f32 v1, v19  }
0x1a7: {  	v56 =	vld [tilespmem:s10+$0x10];
	v17 =	vadd.f32 v21, v17;
	v0 =	vadd.f32 $0.0e+00, v0;
	v1 =	vmul.f32 v1, v63  }
0x1a8: {  	v42 =	vld [tilespmem:s9+$0x20];
	v18 =	vadd.f32 v20, v40;
	v3 =	vmax.f32 v3, v28;
	v28 =	vmul.f32 $2.000000030e-01, v4  }
0x1a9: {  	v44 =	vld [tilespmem:s9+$0xFFFFFF30];
	v21 =	vmul.f32 $2.000000030e-01, v17;
	v46 =	vmul.f32 v3, v60;
	v0 =	vadd.f32 v1, v0  }
0x1aa: {  	v43 =	vld [tilespmem:s10+$0x30];
	v47 =	vadd.f32 v22, v35;
	v22 =	vadd.f32 v23, v18;
	v4 =	vmax.f32 v4, v28  }
0x1ab: {  	v5 =	vld [tilespmem:s9+$0xFFFFFF80];
	v17 =	vmax.f32 v17, v21;
	v48 =	vmul.f32 v4, v57;
	v0 =	vadd.f32 v46, v0  }
0x1ac: {  	v15 =	vld [tilespmem:s16+$0x0];
	v21 =	vmul.f32 $2.000000030e-01, v22;
	v3 =	vadd.f32 v25, v47;
	v4 =	vadd.f32 v24, v39  }
0x1ad: {  	v20 =	vld [tilespmem:s16+$0xFFFFFF10];
	v49 =	vmul.f32 v17, v58;
	v0 =	vadd.f32 v48, v0  }
0x1ae: {  	v52 =	vld [tilespmem:s10+$0xFFFFFF10];
	v21 =	vmax.f32 v22, v21;
	v22 =	vmul.f32 $2.000000030e-01, v3;
	v4 =	vadd.f32 v26, v4  }
0x1af: {  	v53 =	vld [tilespmem:s9+$0xFFFFFF20];
	v50 =	vmul.f32 v21, v59;
	v0 =	vadd.f32 v49, v0  }
0x1b0: {  	v45 =	vld [tilespmem:s10+$0xFFFFFFA0];
	v3 =	vmax.f32 v3, v22;
	v21 =	vmul.f32 $2.000000030e-01, v4  }
0x1b1: {  	v18 =	vld [tilespmem:s16+$0xFFFFFF90];
	v51 =	vmul.f32 v3, v61;
	v0 =	vadd.f32 v50, v0  }
0x1b2: {  	v23 =	vld [tilespmem:s16+$0xFFFFFF20];
	v4 =	vmax.f32 v4, v21  }
0x1b3: {  	v17 =	vld [tilespmem:s16+$0x10];
	v55 =	vmul.f32 v4, v62;
	v0 =	vadd.f32 v51, v0  }
0x1b4: {  	v25 =	vld [tilespmem:s16+$0xFFFFFFB0]  }
0x1b5: {  	v19 =	vld [tilespmem:s16+$0xFFFFFF00];
	v0 =	vadd.f32 v55, v0  }
0x1b6: {  	v24 =	vld [tilespmem:s10+$0xFFFFFF80]  }
0x1b7: {  	v47 =	vld [tilespmem:s10+$0x20];
	(xrf2) =	vadd.scan.msk.f32 $0xffff, v0  }
0x1b8: {  	v28 =	vld [tilespmem:s9+$0xFFFFFF90]  }
0x1b9: {  	v5 =	vadd.f32 v5, v16;
	v22 =	vld [tilespmem:s16+$0xFFFFFFA0]  }
0x1ba: {  	v27 =	vadd.f32 v27, v15;
	v31 =	vadd.f32 v31, v20;
	v1 =	vld [tilespmem:s9+$0xFFFFFFA0]  }
0x1bb: {  	v26 =	vld [tilespmem:s16+$0xFFFFFF30];
	v2 =	vadd.f32 v54, v19;
	v5 =	vadd.f32 v24, v5  }
0x1bc: {  	v27 =	vadd.f32 v34, v27;
	v3 =	vadd.f32 v52, v31;
	v52 =	vld [tilespmem:s9+$0x40]  }
0x1bd: {  	v46 =	vld [tilespmem:s9+$0xFFFFFFB0];
	v2 =	vadd.f32 v29, v2;
	v29 =	vmul.f32 $2.000000030e-01, v5  }
0x1be: {  	v31 =	vmul.f32 $2.000000030e-01, v27;
	v54 =	vld [tilespmem:s10+$0xFFFFFF20]  }
0x1bf: {  	v41 =	vadd.f32 v53, v23;
	v37 =	vadd.f32 v37, v17;
	v21 =	vld [tilespmem:s16+$0x20]  }
0x1c0: {  	v28 =	vadd.f32 v28, v18;
	v27 =	vmax.f32 v27, v31;
	v4 =	vld [tilespmem:s10+$0xFFFFFF90];
	v1 =	vadd.f32 v1, v22  }
0x1c1: {  	v48 =	vld [tilespmem:s9+$0x30];
	v24 =	vmul.f32 $2.000000030e-01, v2;
	v49 =	vmul.f32 $2.000000030e-01, v3;
	v5 =	vmax.f32 v5, v29;
	v29, _, _ =	vpop (xrf2)  }
0x1c2: {  	v1 =	vadd.f32 v45, v1;
	v45 =	vadd.f32 v46, v25;
	v46 =	vld [tilespmem:s10+$0xFFFFFFC0];
	v55 =	vmul.f32 $1.442695020e+00, v29  }
0x1c3: {  	v44 =	vadd.f32 v44, v26;
	v34 =	vadd.f32 v54, v41;
	v2 =	vmax.f32 v2, v24;
	v24 =	vld [tilespmem:s16+$0x30]  }
0x1c4: {  	v50 =	vld [tilespmem:s10+$0xFFFFFF30];
	v3 =	vmax.f32 v3, v49;
	v2 =	vmul.f32 v2, v6;
	v31 =	vbroadcast v55, $0xF  }
0x1c5: {  	v5 =	vmul.f32 v5, v6;
	v49 =	vld [tilespmem:s10+$0xFFFFFFB0];
	v3 =	vmul.f32 v3, v63;
	v4 =	vadd.f32 v4, v28  }
0x1c6: {  	v42 =	vadd.f32 v42, v21;
	v51 =	vld [tilespmem:s9+$0xFFFFFF40];
	v2 =	vadd.f32 $0.0e+00, v2;
	(erf) = vpow2.f32 v31  }
0x1c7: {  	v5 =	vadd.f32 $0.0e+00, v5;
	v28 =	vld [tilespmem:s16+$0xFFFFFFC0];
	v0 =	vadd.f32 v56, v37;
	v31 =	vmul.f32 $2.000000030e-01, v4  }
0x1c8: {  	v27 =	vmul.f32 v27, v6;
	v42 =	vadd.f32 v47, v42;
	v2 =	vadd.f32 v3, v2;
	v29 =	vld [tilespmem:s16+$0xFFFFFF40]  }
0x1c9: {  	v47 =	vld [tilespmem:s9+$0xFFFFFF50];
	v54 =	vmax.f32 v4, v31;
	v4 =	vmul.f32 $2.000000030e-01, v0;
	v31 =	vmul.f32 $2.000000030e-01, v34  }
0x1ca: {  	v44 =	vadd.f32 v50, v44;
	v50 =	vld [tilespmem:s9+$0xFFFFFFD0];
	v56 =	vadd.f32 $0.0e+00, v27;
	v55 =	vmul.f32 $2.000000030e-01, v1  }
0x1cb: {  	v37 =	vld [tilespmem:s9+$0xFFFFFFC0];
	v3 =	vmul.f32 v54, v63;
	v0 =	vmax.f32 v0, v4;
	v4 =	vmax.f32 v34, v31  }
0x1cc: {  	v27 =	vld [tilespmem:s16+$0x40];
	v1 =	vmax.f32 v1, v55;
	v0 =	vmul.f32 v0, v63;
	v4 =	vmul.f32 v4, v60  }
0x1cd: {  	v1 =	vmul.f32 v1, v60;
	v51 =	vadd.f32 v51, v29;
	v34 =	vld [tilespmem:s16+$0xFFFFFF50];
	v3 =	vadd.f32 v3, v5  }
0x1ce: {  	v5 =	vld [tilespmem:s10+$0xFFFFFF40];
	v0 =	vadd.f32 v0, v56;
	v2 =	vadd.f32 v4, v2;
	v56 =	vmul.f32 $2.000000030e-01, v42  }
0x1cf: {  	v31 =	vld [tilespmem:s16+$0xFFFFFFD0];
	v4 =	vadd.f32 v48, v24;
	v1 =	vadd.f32 v1, v3;
	v53 =	vpop (erf)  }
0x1d0: {  	v3 =	vld [tilespmem:s10+$0x40];
	v41 =	vmax.f32 v42, v56;
	v42 =	vadd.f32 v49, v45;
	v48 =	vmul.f32 v53, v30  }
0x1d1: {  	v4 =	vadd.f32 v43, v4;
	v43 =	vld [tilespmem:s9+$0x50];
	v45 =	vmul.f32 v53, v33;
	v33 =	vmul.f32 $2.000000030e-01, v44  }
0x1d2: {  	v52 =	vadd.f32 v52, v27;
	v30 =	vld [tilespmem:s16+$0x50];
	v41 =	vmul.f32 v41, v60;
	v49 =	vmul.f32 $2.000000030e-01, v42  }
0x1d3: {  	v54 =	vmul.f32 v53, v32;
	v5 =	vadd.f32 v5, v51;
	v51 =	vld [tilespmem:s9+$0xFFFFFF60];
	v55 =	vmax.f32 v44, v33  }
0x1d4: {  	v32 =	vld [tilespmem:s16+$0xFFFFFFE0];
	v0 =	vadd.f32 v41, v0;
	v41 =	vmax.f32 v42, v49;
	v42 =	vmul.f32 $2.000000030e-01, v4  }
0x1d5: {  	v33 =	vadd.f32 v37, v28;
	v37 =	vld [tilespmem:s16+$0xFFFFFF60];
	v56 =	vmul.f32 v55, v57  }
0x1d6: {  	v44 =	vld [tilespmem:s10+$0xFFFFFF50];
	v3 =	vadd.f32 v3, v52;
	v52 =	vmul.f32 v53, v38;
	v4 =	vmax.f32 v4, v42  }
0x1d7: {  	v38 =	vld [tilespmem:s16+$0xFFFFFF70];
	v42 =	vadd.f32 v46, v33;
	v2 =	vadd.f32 v56, v2;
	v56 =	vmul.f32 $2.000000030e-01, v5  }
0x1d8: {  	v47 =	vadd.f32 v47, v34;
	v50 =	vadd.f32 v50, v31;
	v46 =	vld [tilespmem:s10+$0xFFFFFFD0];
	v4 =	vmul.f32 v4, v57  }
0x1d9: {  	[tilespmem:s16+$0x80] =	vst v48;
	v48 =	vld [tilespmem:s10+$0xFFFFFFE0];
	v41 =	vmul.f32 v41, v57;
	v55 =	vmul.f32 $2.000000030e-01, v42;
	v5 =	vmax.f32 v5, v56  }
0x1da: {  	v49 =	vld [tilespmem:s9+$0xFFFFFFE0];
	v56 =	vmul.f32 $2.000000030e-01, v3;
	v0 =	vadd.f32 v4, v0;
	v4 =	vmul.f32 v5, v58  }
0x1db: {  	v40 =	vmul.f32 v53, v40;
	v44 =	vadd.f32 v44, v47;
	v5 =	vmax.f32 v42, v55;
	v42 =	vld [tilespmem:s10+$0x50]  }
0x1dc: {  	v33 =	vld [tilespmem:s16+$0x60];
	v1 =	vadd.f32 v41, v1;
	v3 =	vmax.f32 v3, v56;
	v2 =	vadd.f32 v4, v2  }
0x1dd: {  	v4 =	vmul.f32 v5, v58;
	v5 =	vmul.f32 $2.000000030e-01, v44;
	v55 =	vadd.f32 v46, v50;
	v46 =	vld [tilespmem:s10+$0xFFFFFF60]  }
0x1de: {  	v39 =	vmul.f32 v53, v39;
	v43 =	vadd.f32 v43, v30;
	v47 =	vld [tilespmem:s9+$0x60];
	v3 =	vmul.f32 v3, v58  }
0x1df: {  	[tilespmem:s16+$0xA0] =	vst v54;
	v54 =	vld [tilespmem:s9+$0xFFFFFFF0];
	v50 =	vmul.f32 v53, v36;
	v1 =	vadd.f32 v4, v1;
	v5 =	vmax.f32 v44, v5  }
0x1e0: {  	[tilespmem:s16+$0x90] =	vst v45;
	v36 =	vld [tilespmem:s16+$0xFFFFFFF0];
	v56 =	vmul.f32 $2.000000030e-01, v55;
	v44 =	vadd.f32 v51, v37;
	v45 =	vadd.f32 v42, v43  }
0x1e1: {  	[tilespmem:s16+$0xD0] =	vst v40;
	v4 =	vld [tilespmem:s9+$0xFFFFFF70];
	v0 =	vadd.f32 v3, v0;
	v51 =	vmul.f32 v53, v35;
	v5 =	vmul.f32 v5, v59  }
0x1e2: {  	[tilespmem:s16+$0xB0] =	vst v52;
	v35 =	vld [tilespmem:s16+$0x70];
	v3 =	vmax.f32 v55, v56;
	v55 =	vadd.f32 v46, v44;
	v52 =	vmul.f32 $2.000000030e-01, v45  }
0x1e3: {  	[tilespmem:s16+$0xC0] =	vst v50;
	v50 =	vadd.f32 v49, v32;
	v40 =	vadd.f32 v47, v33;
	v47 =	vld [tilespmem:s10+$0x70];
	v3 =	vmul.f32 v3, v59  }
0x1e4: {  	v42 =	vld [tilespmem:s10+$0x60];
	v41 =	vadd.f32 v5, v2;
	v56 =	vmul.f32 $2.000000030e-01, v55;
	v52 =	vmax.f32 v45, v52  }
0x1e5: {  	[tilespmem:s16+$0xE0] =	vst v51;
	v51 =	vld [tilespmem:s10+$0xFFFFFFF0];
	v46 =	vadd.f32 v48, v50;
	v43 =	vadd.f32 v3, v1;
	v1 =	vmul.f32 v52, v59  }
0x1e6: {  	s7 =	simm.s32 $0x8820;
	[tilespmem:s16+$0xF0] =	vst v39;
	v44 =	vld [tilespmem:s9+$0x70];
	v50 =	vadd.f32 v54, v36;
	v45 =	vadd.f32 v4, v38;
	v2 =	vmax.f32 v55, v56  }
0x1e7: {  	s12 =	simm.s32 $0x8820;
	s17 =	simm.s32 $0x0;
	s5 =	simm.s32 $0x2700;
	v48 =	vld [tilespmem:s10+$0xFFFFFF70];
	[tilespmem:s7+$0x10] =	vst v53;
	v52 =	vmul.f32 $2.000000030e-01, v46;
	v53 =	vmul.f32 v2, v61;
	v49 =	vadd.f32 v1, v0  }
.LBB2_12:
0x1e8: {  	v39 =	vld [tilespmem:s5+$0xF0]  }
0x1e9: {  	v12 =	vld [tilespmem:s5+$0xFFFFFF30]  }
0x1ea: {  	v1 =	vadd.f32 v53, v41;
	v41 =	vld [tilespmem:s5+$0xD0]  }
0x1eb: {  	s9 =	sadd.s32 $0x200, s9;
	v2 =	vmax.f32 v46, v52;
	v46 =	vld [tilespmem:s5+$0x90]  }
0x1ec: {  	s10 =	sadd.s32 $0x200, s10;
	v53 =	vld [tilespmem:s9+$0x80]  }
0x1ed: {  	v54 =	vld [tilespmem:s10+$0x80];
	v0 =	vadd.f32 v42, v40  }
0x1ee: {  	v56 =	vld [tilespmem:s9+$0xB0];
	v4 =	vadd.f32 v48, v45  }
0x1ef: {  	v11 =	vld [tilespmem:s9+$0x20];
	v5 =	vmul.f32 $2.000000030e-01, v0;
	v50 =	vadd.f32 v51, v50  }
0x1f0: {  	v40 =	vld [tilespmem:s5+$0xE0];
	v48 =	vmul.f32 $2.000000030e-01, v4  }
0x1f1: {  	v42 =	vld [tilespmem:s5+$0xC0];
	v0 =	vmax.f32 v0, v5;
	v5 =	vmul.f32 $2.000000030e-01, v50  }
0x1f2: {  	v3 =	vadd.f32 v44, v35;
	v2 =	vmul.f32 v2, v61;
	v44 =	vld [tilespmem:s5+$0xB0];
	v4 =	vmax.f32 v4, v48  }
0x1f3: {  	v48 =	vld [tilespmem:s5+$0x80];
	v5 =	vmax.f32 v50, v5;
	v4 =	vmul.f32 v4, v62  }
0x1f4: {  	v3 =	vadd.f32 v47, v3;
	v45 =	vld [tilespmem:s5+$0xA0];
	v2 =	vadd.f32 v2, v43;
	v5 =	vmul.f32 v5, v62  }
0x1f5: {  	v1 =	vadd.f32 v4, v1;
	v4 =	vld [tilespmem:s9+$0x90]  }
0x1f6: {  	v52 =	vmul.f32 $2.000000030e-01, v3;
	v2 =	vadd.f32 v5, v2;
	v5 =	vld [tilespmem:s10+$0x90]  }
0x1f7: {  	v0 =	vmul.f32 v0, v61;
	(xrf2) =	vadd.scan.msk.f32 $0xffff, v1;
	v1 =	vld [tilespmem:s9+$0xA0]  }
0x1f8: {  	v43 =	vld [tilespmem:s10+$0xB0];
	v3 =	vmax.f32 v3, v52;
	v55 =	vadd.f32 v53, v48  }
0x1f9: {  	v0 =	vadd.f32 v0, v49;
	v3 =	vmul.f32 v3, v62;
	v49 =	vld [tilespmem:s10+$0xA0]  }
0x1fa: {  	v47 =	vld [tilespmem:s10+$0xC0];
	v52 =	vadd.f32 v54, v55;
	v53 =	vadd.f32 v4, v46  }
0x1fb: {  	v0 =	vadd.f32 v3, v0;
	v55 =	vadd.f32 v56, v44;
	v4 =	vld [tilespmem:s9+$0xC0]  }
0x1fc: {  	(xrf2) =	vadd.scan.msk.f32 $0xffff, v2;
	v54 =	vmul.f32 $2.000000030e-01, v52;
	v3 =	vadd.f32 v5, v53;
	v1 =	vadd.f32 v1, v45;
	v5 =	vld [tilespmem:s9+$0xD0]  }
0x1fd: {  	v51 =	vld [tilespmem:s10+$0xD0];
	(xrf2) =	vadd.scan.msk.f32 $0xffff, v0;
	v0 =	vadd.f32 v43, v55  }
0x1fe: {  	v43 =	vld [tilespmem:s9+$0xF0];
	v2 =	vmax.f32 v52, v54;
	v56 =	vmul.f32 $2.000000030e-01, v3;
	v1 =	vadd.f32 v49, v1  }
0x1ff: {  	v53 =	vld [tilespmem:s5+$0xFFFFFF80];
	v2 =	vmul.f32 v2, v6  }
0x200: {  	v49 =	vld [tilespmem:s9+$0xE0];
	v4 =	vadd.f32 v4, v42;
	v3 =	vmax.f32 v3, v56;
	v50 =	vmul.f32 $2.000000030e-01, v1  }
0x201: {  	v54 =	vld [tilespmem:s10+$0xE0];
	v2 =	vadd.f32 $0.0e+00, v2;
	v3 =	vmul.f32 v3, v63;
	v5 =	vadd.f32 v5, v41  }
0x202: {  	v56 =	vld [tilespmem:s9+$0xFFFFFF00];
	v4 =	vadd.f32 v47, v4;
	v1 =	vmax.f32 v1, v50;
	v50 =	vmul.f32 $2.000000030e-01, v0  }
0x203: {  	v47 =	vld [tilespmem:s10+$0xF0];
	v2 =	vadd.f32 v3, v2;
	v1 =	vmul.f32 v1, v60  }
0x204: {  	v55 =	vmul.f32 $2.000000030e-01, v4;
	v5 =	vadd.f32 v51, v5;
	v51 =	vld [tilespmem:s9+$0xFFFFFF80];
	v0 =	vmax.f32 v0, v50  }
0x205: {  	v63 =	vadd.f32 v49, v40;
	v50 =	vld [tilespmem:s9+$0xFFFFFF10];
	v1 =	vadd.f32 v1, v2;
	v0 =	vmul.f32 v0, v57  }
0x206: {  	v52, _, _ =	vpop (xrf2);
	v2 =	vadd.f32 v43, v39;
	v43 =	vld [tilespmem:s5+$0x0];
	v4 =	vmax.f32 v4, v55;
	v60 =	vmul.f32 $2.000000030e-01, v5  }
0x207: {  	v3 =	vadd.f32 v54, v63;
	v63 =	vmul.f32 v4, v58;
	v4 =	vmul.f32 $1.442695020e+00, v52;
	v52 =	vld [tilespmem:s5+$0xFFFFFF00]  }
0x208: {  	v57 =	vld [tilespmem:s9+$0x0];
	v0 =	vadd.f32 v0, v1  }
0x209: {  	v49, _, _ =	vpop (xrf2);
	v5 =	vmax.f32 v5, v60;
	v55 =	vmul.f32 $2.000000030e-01, v3;
	v2 =	vadd.f32 v47, v2;
	v47 =	vld [tilespmem:s10+$0xFFFFFF00]  }
0x20a: {  	v58 =	vld [tilespmem:s5+$0xFFFFFF10];
	v60 =	vmul.f32 v5, v59;
	v5 =	vmul.f32 $1.442695020e+00, v49;
	v0 =	vadd.f32 v63, v0  }
0x20b: {  	v4 =	vbroadcast v4, $0xF;
	v49 =	vld [tilespmem:s5+$0x10];
	v3 =	vmax.f32 v3, v55;
	v63 =	vmul.f32 $2.000000030e-01, v2  }
0x20c: {  	v55 =	vld [tilespmem:s5+$0xFFFFFF90];
	v0 =	vadd.f32 v60, v0;
	v60 =	vmul.f32 v3, v61;
	v61 =	vadd.f32 v56, v52  }
0x20d: {  	v5 =	vbroadcast v5, $0xF;
	(erf) = vpow2.f32 v4;
	v4 =	vld [tilespmem:s10+$0x0];
	v2 =	vmax.f32 v2, v63  }
0x20e: {  	v63 =	vld [tilespmem:s10+$0xFFFFFF80];
	v59 =	vmul.f32 v2, v62;
	v0 =	vadd.f32 v60, v0;
	v47 =	vadd.f32 v47, v61  }
0x20f: {  	v60 =	vld [tilespmem:s9+$0xFFFFFF90]  }
0x210: {  	v54, _, _ =	vpop (xrf2);
	v56 =	vld [tilespmem:s10+$0xFFFFFF90];
	(erf) = vpow2.f32 v5;
	v0 =	vadd.f32 v59, v0;
	v5 =	vmul.f32 $2.000000030e-01, v47  }
0x211: {  	v57 =	vadd.f32 v57, v43;
	v3 =	vmul.f32 $1.442695020e+00, v54;
	v61 =	vld [tilespmem:s9+$0x10]  }
0x212: {  	v51 =	vadd.f32 v51, v53;
	(xrf2) =	vadd.scan.msk.f32 $0xffff, v0;
	v5 =	vmax.f32 v47, v5;
	v47 =	vld [tilespmem:s10+$0xFFFFFF10]  }
0x213: {  	v1 =	vadd.f32 v50, v58;
	v54 =	vld [tilespmem:s5+$0xFFFFFFA0];
	v3 =	vbroadcast v3, $0xF;
	v4 =	vadd.f32 v4, v57  }
0x214: {  	v50 =	vld [tilespmem:s5+$0x20];
	v62 =	vadd.f32 v63, v51;
	v2 =	vadd.f32 v60, v55  }
0x215: {  	(erf) = vpow2.f32 v3;
	v59 =	vld [tilespmem:s9+$0xFFFFFFA0];
	v60 =	vmul.f32 $2.000000030e-01, v4  }
0x216: {  	v51 =	vld [tilespmem:s9+$0xFFFFFF20];
	v5 =	vmul.f32 v5, v6;
	v63 =	vmul.f32 $2.000000030e-01, v62;
	v2 =	vadd.f32 v56, v2  }
0x217: {  	v57 =	vadd.f32 v61, v49;
	v61 =	vpop (erf);
	v4 =	vmax.f32 v4, v60;
	v60 =	vld [tilespmem:s10+$0x10];
	v1 =	vadd.f32 v47, v1  }
0x218: {  	v0 =	vld [tilespmem:s5+$0xFFFFFF20];
	v13 =	vmul.f32 v61, v19;
	v19 =	vmov v52;
	v52 =	vmul.f32 $2.000000030e-01, v2  }
0x219: {  	v3 =	vmax.f32 v62, v63;
	v14 =	vmul.f32 v61, v20;
	v20 =	vmovc v58;
	v58 =	vld [tilespmem:s9+$0xFFFFFF30];
	v63 =	vmul.f32 $2.000000030e-01, v1  }
0x21a: {  	v52 =	vmax.f32 v2, v52;
	v2 =	vld [tilespmem:s10+$0xFFFFFFA0]  }
0x21b: {  	v5 =	vadd.f32 $0.0e+00, v5;
	v59 =	vadd.f32 v59, v54;
	v1 =	vmax.f32 v1, v63;
	v63 =	vld [tilespmem:s10+$0xFFFFFF20];
	[tilespmem:s16+$0xFFFFFF00] =	vst v13  }
0x21c: {  	v13 =	vadd.f32 v60, v57;
	[tilespmem:s16+$0xFFFFFF10] =	vst v14;
	v14 =	vmul.f32 v61, v23;
	v56, _, _ =	vpop (xrf2);
	v1 =	vmul.f32 v1, v7  }
0x21d: {  	v3 =	vmul.f32 v3, v6;
	v62 =	vadd.f32 v51, v0;
	v10 =	vmul.f32 $1.442695020e+00, v56  }
0x21e: {  	v23 =	vmovc v0;
	v56 =	vld [tilespmem:s5+$0xFFFFFFB0];
	v57 =	vmul.f32 $2.000000030e-01, v13;
	[tilespmem:s16+$0xFFFFFF20] =	vst v14;
	v14 =	vmul.f32 v61, v26;
	v0 =	vadd.f32 v1, v5  }
0x21f: {  	v26 =	vmovc v12;
	v5 =	vadd.f32 v11, v50;
	v11 =	vld [tilespmem:s9+$0xFFFFFFB0];
	v1 =	vmul.f32 v52, v7;
	v10 =	vbroadcast v10, $0xF  }
0x220: {  	v51 =	vpop (erf);
	v52 =	vld [tilespmem:s5+$0x30];
	v12 =	vadd.f32 v58, v26;
	v58 =	vmul.f32 v61, v29;
	v2 =	vadd.f32 v2, v59  }
0x221: {  	v3 =	vadd.f32 $0.0e+00, v3;
	v47 =	vpop (erf);
	v13 =	vmax.f32 v13, v57;
	v57 =	vld [tilespmem:s10+$0x20];
	[tilespmem:s16+$0xFFFFFF30] =	vst v14;
	(erf) = vpow2.f32 v10  }
0x222: {  	v4 =	vmul.f32 v4, v6;
	v29 =	vld [tilespmem:s5+$0xFFFFFF40];
	[tilespmem:s16+$0xFFFFFF40] =	vst v58;
	v58 =	vmul.f32 $2.000000030e-01, v2  }
0x223: {  	v1 =	vadd.f32 v1, v3;
	v3 =	vmul.f32 v13, v7;
	v13 =	vld [tilespmem:s9+$0x30];
	v10 =	vadd.f32 v63, v62  }
0x224: {  	v14 =	vmul.f32 v61, v34;
	v34 =	vmul.f32 v61, v37;
	v37 =	vld [tilespmem:s10+$0xFFFFFF30];
	v2 =	vmax.f32 v2, v58  }
0x225: {  	v62 =	vld [tilespmem:$0x1FFF0];
	v60 =	vmul.f32 $2.000000030e-01, v10;
	v2 =	vmul.f32 v2, v8  }
0x226: {  	v4 =	vadd.f32 $0.0e+00, v4;
	v5 =	vadd.f32 v57, v5;
	v57 =	vld [tilespmem:s9+$0xFFFFFFC0]  }
0x227: {  	v10 =	vmax.f32 v10, v60;
	v1 =	vadd.f32 v2, v1;
	v2 =	vld [tilespmem:s9+$0x40]  }
0x228: {  	v3 =	vadd.f32 v3, v4;
	v4 =	vmul.f32 v10, v8;
	v10 =	vld [tilespmem:s9+$0xFFFFFF40];
	[tilespmem:s16+$0xFFFFFF60] =	vst v34;
	v34 =	vmul.f32 v61, v38  }
0x229: {  	[tilespmem:s16+$0xFFFFFF50] =	vst v14;
	v14 =	vld [tilespmem:s5+$0xFFFFFFC0];
	v38 =	vmul.f32 v51, v16;
	v12 =	vadd.f32 v37, v12  }
0x22a: {  	v16 =	vmov v53;
	v58 =	vmul.f32 $2.000000030e-01, v5;
	v53 =	vld [tilespmem:s5+$0x40];
	[tilespmem:s16+$0xFFFFFF70] =	vst v34;
	v59 =	vpop (erf)  }
0x22b: {  	v0 =	vadd.f32 v4, v0;
	v4 =	vld [tilespmem:s10+$0xFFFFFFB0];
	[tilespmem:s16+$0xFFFFFF80] =	vst v38;
	v38 =	vmul.f32 $2.000000030e-01, v12;
	v34 =	vmul.f32 v59, v48  }
0x22c: {  	v5 =	vmax.f32 v5, v58;
	[tilespmem:s7+$0xFFFFFFE0] =	vst v61;
	v61 =	vld [tilespmem:$0x1FFE0];
	v46 =	vmul.f32 v59, v46  }
0x22d: {  	v5 =	vmul.f32 v5, v8;
	v12 =	vmax.f32 v12, v38;
	v38 =	vld [tilespmem:s10+$0xFFFFFF40];
	v45 =	vmul.f32 v59, v45;
	[tilespmem:s5+$0x80] =	vst v34  }
0x22e: {  	v11 =	vadd.f32 v11, v56;
	v48 =	vld [tilespmem:s10+$0x30];
	v42 =	vmul.f32 v59, v42;
	[tilespmem:s5+$0x90] =	vst v46  }
0x22f: {  	v3 =	vadd.f32 v5, v3;
	v5 =	vmul.f32 v59, v41;
	v40 =	vmul.f32 v59, v40;
	v41 =	vld [tilespmem:s10+$0xFFFFFFC0];
	[tilespmem:s5+$0xA0] =	vst v45  }
0x230: {  	v4 =	vadd.f32 v4, v11;
	v11 =	vmul.f32 v59, v44;
	v44 =	vadd.f32 v57, v14;
	v57 =	vld [tilespmem:$0x1FFC0];
	[tilespmem:s5+$0xC0] =	vst v42  }
0x231: {  	v34 =	vld [tilespmem:s5+$0xFFFFFF50];
	[tilespmem:s5+$0xD0] =	vst v5  }
0x232: {  	v13 =	vadd.f32 v13, v52;
	v45 =	vld [tilespmem:s9+$0xFFFFFF50];
	v5 =	vmul.f32 v59, v39;
	[tilespmem:s5+$0xE0] =	vst v40  }
0x233: {  	v37 =	vmul.f32 v51, v18;
	v18 =	vmov v55;
	v42 =	vld [tilespmem:s5+$0x50];
	v55 =	vmul.f32 $2.000000030e-01, v4;
	[tilespmem:s5+$0xB0] =	vst v11  }
0x234: {  	s7 =	sadd.s32 $0x40, s7;
	v39 =	vld [tilespmem:s5+$0x60];
	[tilespmem:s5+$0xF0] =	vst v5;
	v13 =	vadd.f32 v48, v13  }
0x235: {  	v10 =	vadd.f32 v10, v29;
	[tilespmem:s7+$0x10] =	vst v59;
	v59 =	vld [tilespmem:$0x1FFD0];
	v4 =	vmax.f32 v4, v55;
	v11 =	vmul.f32 v12, v57  }
0x236: {  	v12 =	vld [tilespmem:s5+$0xFFFFFFD0];
	v4 =	vmul.f32 v4, v57;
	v46 =	vmul.f32 $2.000000030e-01, v13  }
0x237: {  	v10 =	vadd.f32 v38, v10;
	v5 =	vmul.f32 v51, v22;
	v0 =	vadd.f32 v11, v0;
	v11 =	vld [tilespmem:s9+$0xFFFFFFD0]  }
0x238: {  	v38 =	vmul.f32 v51, v25;
	v1 =	vadd.f32 v4, v1;
	v4 =	vmax.f32 v13, v46;
	v13 =	vld [tilespmem:s10+$0x40];
	[tilespmem:s16+$0xFFFFFF90] =	vst v37  }
0x239: {  	v25 =	vmov v56;
	v56 =	vmul.f32 v51, v31;
	v48 =	vmul.f32 $2.000000030e-01, v10;
	v55 =	vld [tilespmem:s9+$0x50];
	[tilespmem:s16+$0xFFFFFFA0] =	vst v5  }
0x23a: {  	v41 =	vadd.f32 v41, v44;
	v5 =	vmul.f32 v51, v28;
	v46 =	vld [tilespmem:s10+$0xFFFFFF50];
	[tilespmem:s16+$0xFFFFFFB0] =	vst v38;
	v4 =	vmul.f32 v4, v57  }
0x23b: {  	v2 =	vadd.f32 v2, v53;
	v40 =	vadd.f32 v45, v34;
	v10 =	vmax.f32 v10, v48;
	v37 =	vld [tilespmem:s5+$0xFFFFFF60];
	[tilespmem:s16+$0xFFFFFFD0] =	vst v56  }
0x23c: {  	v48 =	vmul.f32 $2.000000030e-01, v41;
	v38 =	vld [tilespmem:s5+$0xFFFFFF70];
	[tilespmem:s16+$0xFFFFFFC0] =	vst v5;
	v3 =	vadd.f32 v4, v3;
	v4 =	vmul.f32 v10, v9  }
0x23d: {  	v5 =	vmul.f32 v51, v32;
	v32 =	vld [tilespmem:s5+$0xFFFFFFE0];
	v11 =	vadd.f32 v11, v12;
	v2 =	vadd.f32 v13, v2  }
0x23e: {  	v31 =	vmovc v12;
	v12 =	vmul.f32 v51, v36;
	v0 =	vadd.f32 v4, v0;
	v4 =	vmax.f32 v41, v48;
	v13 =	vld [tilespmem:s10+$0xFFFFFFD0]  }
0x23f: {  	v22 =	vmov v54;
	v36 =	vld [tilespmem:s9+$0xFFFFFFE0];
	[tilespmem:s16+$0xFFFFFFE0] =	vst v5;
	v5 =	vadd.f32 v46, v40;
	v4 =	vmul.f32 v4, v9  }
0x240: {  	v28 =	vmovc v14;
	v14 =	vadd.f32 v55, v42;
	v10 =	vld [tilespmem:s9+$0xFFFFFF60];
	v54 =	vmul.f32 $2.000000030e-01, v2;
	[tilespmem:s16+$0xFFFFFFF0] =	vst v12;
	v12 =	vmul.f32 v47, v15  }
0x241: {  	v55 =	vmul.f32 v47, v17;
	v56 =	vmul.f32 $2.000000030e-01, v5;
	v1 =	vadd.f32 v4, v1;
	v4 =	vld [tilespmem:s10+$0x50]  }
0x242: {  	v17 =	vmov v49;
	v48 =	vld [tilespmem:s9+$0x60];
	v2 =	vmax.f32 v2, v54;
	[tilespmem:s16+$0x0] =	vst v12;
	v12 =	vmul.f32 v47, v21  }
0x243: {  	v49 =	vld [tilespmem:s10+$0xFFFFFF60];
	[tilespmem:s12+$0xFFFFFFF0] =	vst v51;
	v5 =	vmax.f32 v5, v56;
	v11 =	vadd.f32 v13, v11;
	v13 =	vmul.f32 v47, v24  }
0x244: {  	v21 =	vmov v50;
	v54 =	vld [tilespmem:s10+$0xFFFFFFE0];
	v50 =	vmul.f32 v5, v59;
	[tilespmem:s16+$0x20] =	vst v12;
	v12 =	vmul.f32 v47, v27  }
0x245: {  	v63 =	vmovc v7;
	v10 =	vadd.f32 v10, v37;
	v5 =	vld [tilespmem:s9+$0xFFFFFF70];
	v51 =	vmul.f32 $2.000000030e-01, v11;
	[tilespmem:s16+$0x30] =	vst v13;
	v13 =	vmul.f32 v47, v30  }
0x246: {  	v2 =	vmul.f32 v2, v9;
	v46 =	vadd.f32 v36, v32;
	v36 =	vld [tilespmem:s5+$0xFFFFFFF0];
	v4 =	vadd.f32 v4, v14;
	[tilespmem:s16+$0x40] =	vst v12  }
0x247: {  	s17 =	sadd.s32 $0x4, s17;
	v60 =	vmovc v8;
	v24 =	vmov v52;
	v12 =	vmul.f32 v47, v33;
	v52 =	vmax.f32 v11, v51;
	v11 =	vld [tilespmem:s9+$0xFFFFFFF0];
	[tilespmem:s16+$0x50] =	vst v13  }
0x248: {  	p1 =	slt.u32 s17, $0x24;
	v58 =	vmovc v9;
	[tilespmem:s16+$0x10] =	vst v55;
	v10 =	vadd.f32 v49, v10;
	v13 =	vmul.f32 v47, v35;
	v14 =	vmul.f32 $2.000000030e-01, v4;
	v35 =	vld [tilespmem:s5+$0x70]  }
.Ltmp5:
0x249: {  	v40 =	vadd.f32 v48, v39;
	v41 =	vadd.f32 v50, v0;
	v30 =	vmovc v42;
	v0 =	vmul.f32 v52, v59;
	v42 =	vld [tilespmem:s10+$0x60];
	(pc) =	sbr.rel @p1 .LBB2_12-.Ltmp5, $4  }
0x24a: {  	v15 =	vmovc v43;
	v56 =	vmul.f32 $2.000000030e-01, v10;
	v46 =	vadd.f32 v54, v46;
	v44 =	vld [tilespmem:s9+$0x70];
	[tilespmem:s16+$0x60] =	vst v12;
	v55 =	vmax.f32 v4, v14  }
0x24b: {  	v48 =	vld [tilespmem:s10+$0xFFFFFF70];
	v2 =	vadd.f32 v2, v3;
	[tilespmem:s16+$0x70] =	vst v13;
	v43 =	vadd.f32 v0, v1;
	v0 =	vmul.f32 v55, v59  }
0x24c: {  	v27 =	vmovc v53;
	v51 =	vld [tilespmem:s10+$0xFFFFFFF0];
	v45 =	vadd.f32 v5, v38;
	v52 =	vmul.f32 $2.000000030e-01, v46;
	v1 =	vmax.f32 v10, v56;
	[tilespmem:s12+$0x0] =	vst v47  }
0x24d: {  	v33 =	vmovc v39;
	s16 =	smov.u32 s5;
	s5 =	sadd.s32 $0x200, s5;
	s12 =	smov.u32 s7;
	v53 =	vmul.f32 v1, v61;
	v47 =	vld [tilespmem:s10+$0x70];
	v50 =	vadd.f32 v11, v36;
	v49 =	vadd.f32 v0, v2  }
0x24e: {  	_ =	sdelay $0x1  }
0x24f: {  	v0 =	vadd.f32 v48, v45;
	_ =	sdelay $0x1  }
0x250: {  	v1 =	vmul.f32 $2.000000030e-01, v0;
	_ =	sdelay $0x1  }
0x251: {  	v0 =	vmax.f32 v0, v1  }
0x252: {  	v45 =	vadd.f32 v53, v41;
	v0 =	vmul.f32 v0, v62;
	_ =	sdelay $0x1  }
0x253: {  	v0 =	vadd.f32 v0, v45;
	_ =	sdelay $0x1  }
0x254: {  	v48 =	vadd.f32 v51, v50;
	(xrf2) =	vadd.scan.msk.f32 $0xffff, v0;
	_ =	sdelay $0x1  }
0x255: {  	v50 =	vmax.f32 v46, v52;
	v2 =	vmul.f32 $2.000000030e-01, v48  }
0x256: {  	v0 =	vmul.f32 v50, v61  }
0x257: {  	v1 =	vmax.f32 v48, v2  }
0x258: {  	v1 =	vmul.f32 v1, v62;
	v0 =	vadd.f32 v0, v43  }
0x259: {  	v3 =	vadd.f32 v44, v35  }
0x25a: {  	v51 =	vadd.f32 v42, v40;
	v0 =	vadd.f32 v1, v0;
	_ =	sdelay $0x1  }
0x25b: {  	v3 =	vadd.f32 v47, v3;
	v52 =	vmul.f32 $2.000000030e-01, v51;
	(xrf2) =	vadd.scan.msk.f32 $0xffff, v0  }
0x25c: {  	v53, _, _ =	vpop (xrf2)  }
0x25d: {  	v54 =	vmul.f32 $2.000000030e-01, v3;
	v1 =	vmax.f32 v51, v52;
	v0 =	vmul.f32 $1.442695020e+00, v53  }
0x25e: {  	v1 =	vmul.f32 v1, v61  }
0x25f: {  	v2 =	vmax.f32 v3, v54;
	v0 =	vbroadcast v0, $0xF  }
0x260: {  	v2 =	vmul.f32 v2, v62;
	v1 =	vadd.f32 v1, v49  }
0x261: {  	(erf) = vpow2.f32 v0  }
0x262: {  	v55 =	vadd.f32 v2, v1;
	_ =	sdelay $0x1  }
0x263: {  	(xrf2) =	vadd.scan.msk.f32 $0xffff, v55  }
0x264: {  	v56, _, _ =	vpop (xrf2)  }
0x265: {  	v0 =	vmul.f32 $1.442695020e+00, v56;
	_ =	sdelay $0x1  }
0x266: {  	v0 =	vbroadcast v0, $0xF;
	_ =	sdelay $0x1  }
0x267: {  	(erf) = vpow2.f32 v0;
	v9 =	vpop (erf)  }
0x268: {  	v10 =	vmul.f32 v9, v19  }
0x269: {  	v11 =	vmul.f32 v9, v20  }
0x26a: {  	v12 =	vmul.f32 v9, v23;
	[tilespmem:s16+$0xFFFFFF00] =	vst v10  }
0x26b: {  	v13, _, _ =	vpop (xrf2);
	v14 =	vmul.f32 v9, v26;
	[tilespmem:s16+$0xFFFFFF10] =	vst v11  }
0x26c: {  	v3 =	vmul.f32 $1.442695020e+00, v13;
	v19 =	vmul.f32 v9, v29;
	[tilespmem:s16+$0xFFFFFF20] =	vst v12  }
0x26d: {  	v20 =	vmul.f32 v9, v34;
	[tilespmem:s16+$0xFFFFFF30] =	vst v14  }
0x26e: {  	v3 =	vbroadcast v3, $0xF;
	v23 =	vmul.f32 v9, v37;
	[tilespmem:s16+$0xFFFFFF40] =	vst v19  }
0x26f: {  	v26 =	vmul.f32 v9, v38;
	[tilespmem:s16+$0xFFFFFF50] =	vst v20  }
0x270: {  	(erf) = vpow2.f32 v3;
	[tilespmem:s16+$0xFFFFFF60] =	vst v23;
	v29 =	vpop (erf)  }
0x271: {  	[tilespmem:s16+$0xFFFFFF70] =	vst v26;
	v34 =	vmul.f32 v29, v16  }
0x272: {  	[tilespmem:s7+$0xFFFFFFE0] =	vst v9;
	v37 =	vmul.f32 v29, v18  }
0x273: {  	v38 =	vmul.f32 v29, v22;
	[tilespmem:s16+$0xFFFFFF80] =	vst v34  }
0x274: {  	v39 =	vmul.f32 v29, v25;
	[tilespmem:s16+$0xFFFFFF90] =	vst v37  }
0x275: {  	v40 =	vmul.f32 v29, v28;
	[tilespmem:s16+$0xFFFFFFA0] =	vst v38  }
0x276: {  	v41 =	vmul.f32 v29, v31;
	[tilespmem:s16+$0xFFFFFFB0] =	vst v39  }
0x277: {  	v42 =	vmul.f32 v29, v32;
	[tilespmem:s16+$0xFFFFFFC0] =	vst v40  }
0x278: {  	v43 =	vmul.f32 v29, v36;
	[tilespmem:s16+$0xFFFFFFD0] =	vst v41  }
0x279: {  	[tilespmem:s16+$0xFFFFFFE0] =	vst v42;
	v44 =	vpop (erf)  }
0x27a: {  	[tilespmem:s16+$0xFFFFFFF0] =	vst v43;
	v45 =	vmul.f32 v44, v15  }
0x27b: {  	[tilespmem:s12+$0xFFFFFFF0] =	vst v29;
	v46 =	vmul.f32 v44, v17  }
0x27c: {  	v47 =	vmul.f32 v44, v21;
	[tilespmem:s16+$0x0] =	vst v45  }
0x27d: {  	v48 =	vmul.f32 v44, v24;
	[tilespmem:s16+$0x10] =	vst v46  }
0x27e: {  	v49 =	vmul.f32 v44, v27;
	[tilespmem:s16+$0x20] =	vst v47  }
0x27f: {  	v50 =	vmul.f32 v44, v30;
	[tilespmem:s16+$0x30] =	vst v48  }
0x280: {  	v51 =	vmul.f32 v44, v33;
	[tilespmem:s16+$0x40] =	vst v49  }
0x281: {  	v53 =	vmul.f32 v44, v35;
	[tilespmem:s16+$0x50] =	vst v50  }
0x282: {  	[tilespmem:s16+$0x60] =	vst v51  }
0x283: {  	[tilespmem:s16+$0x70] =	vst v53  }
0x284: {  	v52 =	vlaneseq.u32;
	[tilespmem:s12+$0x0] =	vst v44  }
0x285: {  	v3 =	vor.u32 s11, v52;
	v1 =	vld [tilespmem:$0x1FFA0];
	_ =	sdelay $0x3  }
0x286: {  	v2 =	vld [tilespmem:$0x1FF70]  }
0x287: {  	v0 =	vld.idx.msk [tilespmem:v3+s23+$0x0], $0xffff;
	_ =	sdelay $0x2  }
0x288: {  	v1 =	vld.idx.msk [tilespmem:v1+s22+$0x0], $0xffff  }
0x289: {  	v54 =	vld [tilespmem:$0x1FF80];
	v2 =	vor.u32 s11, v2;
	_ =	sdelay $0x2  }
0x28a: {  	v55 =	vld [tilespmem:$0x1FF90]  }
0x28b: {  	[tilespmem:v0+s25+$0x0] =	vst.idx.add.f32.msk $0xffff, v1  }
0x28c: {  	v0 =	vld.idx.msk [tilespmem:v2+s23+$0x0], $0xffff;
	_ =	sdelay $0x2  }
0x28d: {  	v1 =	vld.idx.msk [tilespmem:v54+s22+$0x0], $0xffff  }
0x28e: {  	v56 =	vld [tilespmem:$0x1FFB0];
	v2 =	vor.u32 s11, v55;
	_ =	sdelay $0x3  }
0x28f: {  	[tilespmem:v0+s25+$0x0] =	vst.idx.add.f32.msk $0xffff, v1  }
0x290: {  	v0 =	vld.idx.msk [tilespmem:v2+s23+$0x0], $0xff;
	_ =	sdelay $0x2  }
0x291: {  	s15 =	sadd.s32 $0x1, s15;
	v1 =	vld.idx.msk [tilespmem:v56+s22+$0x0], $0xff  }
0x292: {  	p1 =	sne.s32 s15, $0x5  }
.Ltmp6:
0x293: {  	_ = 	snop;
	(pc) =	sbr.rel @p1 .LBB2_9-.Ltmp6, $3  }
0x294: {  	_ =	sdelay $0x1  }
0x295: {  	[tilespmem:v0+s25+$0x0] =	vst.idx.add.f32.msk $0xff, v1  }
0x296: {  	[spmem:s3] =	stream.indirect.scatter.add.f32 [tilespmem:s31], [sflag:$0x8], $0x80, s19, s24, $0xb8;
	[tilespmem:$0x1EB80] =	vst v63  }
0x297: {  	s12 =	rddreg [dreg:$0x12]  }
0x298: {  	p1 =	seq.s32 s12, $0x18  }
0x299: {  	s5 =	simm.s32 @!p1 $0x7  }
0x29a: {  	_ =	swait.ge @!p1 [sflag:s5], $0x1400  }
0x29b: {  	s12 =	sadd.s32 @!p1 $0x1, s12;
	[sflag:s5] =	ssyncset.done @!p1 $0x0  }
0x29c: {  	s7 =	rddreg [dreg:$0x9];
	[sflag:s5] =	ssyncadd.s32 @!p1 $0xFFFFEC00;
	s5 =	simm.s32 @!p1 $0x8  }
0x29d: {  	s7 =	sadd.s32 @!p1 s7, s12;
	_ =	swait.ge @!p1 [sflag:s5], $0x1400  }
0x29e: {  	s7 =	sshll.u32 @!p1 s7, $0x8;
	[sflag:s5] =	ssyncset.done @!p1 $0x0  }
0x29f: {  	s7 =	sand.u32 @!p1 $0x1FFFFF00, s7;
	[sflag:s5] =	ssyncadd.s32 @!p1 $0xFFFFEC00;
	s5 =	rddreg [dreg:$0x6]  }
0x2a0: {  	s9 =	simm.s32 @!p1 $0x0;
	s5 =	sadd.s32 @!p1 s5, s7  }
0x2a1: {  	[tilespmem:s9], [sflag:$0x9] =	stream.linear.gather @!p1 [hbm4b:s5+s9], $0x500, $0x38;
	[tilespmem:$0x1EB80] =	vst v63  }
0x2a2: {  	s5 =	simm.s32 @!p1 $0x9  }
0x2a3: {  	_ =	swait.ge @!p1 [sflag:s5], $0x500  }
0x2a4: {  	[sflag:s5] =	ssyncset.done @!p1 $0x0;
	s10 =	rddreg [dreg:$0x7]  }
0x2a5: {  	[sflag:s5] =	ssyncadd.s32 @!p1 $0xFFFFFB00;
	s7 =	sadd.s32 @!p1 s10, s7;
	s10 =	simm.s32 @!p1 $0x800  }
0x2a6: {  	[tilespmem:s10], [sflag:$0x9] =	stream.linear.gather @!p1 [hbm4b:s7+s9], $0x500, $0x38;
	[tilespmem:$0x1EB80] =	vst v63  }
0x2a7: {  	_ =	swait.ge @!p1 [sflag:s5], $0x500  }
0x2a8: {  	[sflag:s5] =	ssyncset.done @!p1 $0x0  }
0x2a9: {  	s7 =	simm.s32 @!p1 $0x1000;
	[sflag:s5] =	ssyncadd.s32 @!p1 $0xFFFFFB00;
	s5 =	simm.s32 @!p1 $0x28  }
0x2aa: {  	[tilespmem:s7], [sflag:$0x1] =	stream.indirect.gather @!p1 [hbm4b:s1+s5], $0x80, s9, s5, $0xb8;
	[tilespmem:$0x1EB80] =	vst v63  }
0x2ab: {  	s11 =	smul.u32 @!p1 $0x190, s12;
	s14 =	rddreg [dreg:$0x5];
	s7 =	simm.s32 @!p1 $0x3800  }
0x2ac: {  	[tilespmem:s7], [sflag:$0x3] =	stream.indirect.gather @!p1 [hbm4b:s6+s5], $0x80, s10, s5, $0xb8;
	[tilespmem:$0x1EB80] =	vst v63  }
0x2ad: {  	s5 =	sadd.s32 @!p1 s14, s11  }
0x2ae: {  	s5 =	sshll.u32 @!p1 s5, $0x4  }
0x2af: {  	p2 =	sne.s32 @!p1 s12, $0x19;
	s7 =	simm.s32 @!p1 $0x6000;
	s5 =	sadd.s32 @!p1 s8, s5  }
0x2b0: {  	[tilespmem:s7], [sflag:$0x5] =	stream.linear.gather @!p1 [hbm4b:s5+s9], $0x1400, $0x38;
	[tilespmem:$0x1EB80] =	vst v63  }
0x2b1: {  	p1 =	por p1, !p2  }
.Ltmp7:
0x2b2: {  	_ = 	snop;
	(pc) =	sbr.rel @!p1 .LBB2_8-.Ltmp7, $1  }
0x2b3: {  	_ =	sdelay $0x3  }
0x2b4: {  	s5 =	simm.s32 $0x7  }
0x2b5: {  	_ =	swait.ge [sflag:s5], $0x1400  }
0x2b6: {  	[sflag:s5] =	ssyncset.done $0x0  }
0x2b7: {  	s16 =	simm.s32 $0x8;
	[sflag:s5] =	ssyncadd.s32 $0xFFFFEC00  }
0x2b8: {  	_ =	swait.ge [sflag:s16], $0x1400  }
0x2b9: {  	[sflag:s16] =	ssyncset.done $0x0  }
0x2ba: {  	s17 =	simm.s32 $0x0;
	s7 =	rddreg [dreg:$0xd];
	[sflag:s16] =	ssyncadd.s32 $0xFFFFEC00  }
0x2bb: {  	[hbm4b:s7+s17] =	stream.linear.scatter [tilespmem:s25], [sflag:$0x9], $0x2710, $0x38;
	[tilespmem:$0x1EB80] =	vst v63  }
0x2bc: {  	_ =	swait.ge [sflag:s21], $0x2710  }
0x2bd: {  	[sflag:s21] =	ssyncset.done $0x0  }
0x2be: {  	[sflag:s21] =	ssyncadd.s32 $0xFFFFD8F0  }
0x2bf: {  	s18 =	stileid.u32;
	[bflag:$0x0] =	sbarrier.arrive $0xFFFF  }
.Ltmp8:
0x2c0: {  	s5 =	sshll.u32 s18, $0x6;
	s12 =	rddreg [dreg:$0xf];
	(pc) =	sbr.rel @!p0 .LBB2_17-.Ltmp8, $4  }
0x2c1: {  	s5 =	sor.u32 $0x1C09, s5;
	s9 =	rddreg [dreg:$0x10];
	s19 =	sshrl.u32 s12, $0x3  }
0x2c2: {  	[hbm:s9], [sflag:s5] =	dma.local [spmem:s19], $0x280  }
0x2c3: {  	s10 =	smov.u32 s12;
	s16 =	rddreg [dreg:$0x8]  }
0x2c4: {  	s9 =	sadd.s32 $0x2800, s9;
	_ =	swait.ge [sflag:s21], $0x280;
	s7 =	sadd.s32 $0xFFFFFFFF, s16  }
.LBB2_16:
0x2c5: {  	[sflag:s21] =	ssyncset.done $0x0;
	s10 =	sadd.s32 $0x14000, s10;
	p0 =	sne.s32 s7, $0x1  }
.Ltmp9:
0x2c6: {  	s11 =	sshrl.u32 s10, $0x3;
	[sflag:s21] =	ssyncadd.s32 $0xFFFFFD80;
	(pc) =	sbr.rel @p0 .LBB2_16-.Ltmp9, $3  }
0x2c7: {  	[hbm:s9], [sflag:s5] =	dma.local [spmem:s11], $0x280  }
0x2c8: {  	s7 =	sadd.s32 $0xFFFFFFFF, s7;
	_ =	sdelay $0x1  }
0x2c9: {  	s9 =	sadd.s32 $0x2800, s9;
	_ =	swait.ge [sflag:s21], $0x280  }
.LBB2_17:
0x2ca: {  	s7 =	rddreg [dreg:$0x11]  }
0x2cb: {  	s5 =	rddreg [dreg:$0xe];
	s7 =	sadd.s32 $0x1, s7  }
0x2cc: {  	p0 =	sne.s32 s7, s5  }
.Ltmp10:
0x2cd: {  	_ = 	snop;
	(pc) =	sbr.rel @p0 .LBB2_1-.Ltmp10, $3  }
0x2ce: {  	_ =	sdelay $0x1  }
0x2cf: {  	[sflag:s21] =	ssyncset.done $0x0  }
0x2d0: {  	v0 =	vimm.f32 $0.0e+00;
	[sflag:s21] =	ssyncadd.s32 $0xFFFFFD80  }
0x2d1: {  	_ =	sfence.sel $0x180000  }
0x2d2: {  	[bflag:$0x0] =	sbarrier.arrive $0xFFFF  }
0x2d3: {  	_ =	strace $0x90000047  }
0x2d4: {  	s0 =	stileid.u32;
	[bflag:$0x2] =	sbarrier.arrive $0xFFFF  }
0x2d5: {  	p0 =	sne.s32 s0, $0x0;
	s0 =	rddreg [dreg:$0x4]  }
0x2d6: {  	s0 =	sadd.s32 @!p0 $0x100000, s0  }
0x2d7: {  	[sflag:s0] =	ssyncadd.tile.s32 @!p0 $0x1;
	_ =	shalt  }
.Lfunc_end2:
_tile_overlayer_lowered:
.L_overlay_start_2:
0x2d8: {  	(tag) =	ssettag $0x2  }
0x2d9: {  	s0 =	rddreg [dreg:$0x0];
	s2 =	stileid.u32  }
0x2da: {  	s1 =	rddreg [dreg:$0x1];
	p0 =	sne.s32 s2, $0x0  }
0x2db: {  	s3 =	rddreg [dreg:$0x2];
	[bflag:$0x3] =	sbarrier.arrive $0xFFFF;
	s2 =	simm.s32 @!p0 $0x1C09  }
0x2dc: {  	[timem:s3], [sflag:s2] =	dma.local @!p0 [hbm:s0], s1  }
0x2dd: {  	s0 =	simm.s32 @!p0 $0x9  }
0x2de: {  	_ =	swait.ge @!p0 [sflag:s0], s1  }
0x2df: {  	s1 =	ssub.s32 @!p0 $0x0, s1;
	[sflag:s0] =	ssyncset.done @!p0 $0x0  }
0x2e0: {  	[sflag:s0] =	ssyncadd.s32 @!p0 s1  }
0x2e1: {  	[bflag:$0x3] =	sbarrier.arrive $0xFFFF  }
0x2e2: {  	_ =	shalt  }

</sc_bundles>
